<compile_context>
chip_gen: v7x
topology: tpu7x:2x2x1
jax: 0.10.2.dev20260603
libtpu: 0.0.44.dev20260713+nightly
codegen_flags: <defaults>
</compile_context>

<pallas_src>
import functools

import jax
import jax.numpy as jnp
from jax import lax
from jax.experimental import pallas as pl
from jax.experimental.pallas import tpu as pltpu
from jax.experimental.pallas import tpu_sc as plsc

_L = 16
_G = 128


_NB = 8


def _make_sc_kernel(B, C, HW, KP):
    ng = (C * KP) // _G
    gpc = KP // _G
    nblk = ng // _NB
    mesh = plsc.VectorSubcoreMesh(core_axis_name="core", subcore_axis_name="sub")

    @functools.partial(
        pl.kernel,
        mesh=mesh,
        out_type=jax.ShapeDtypeStruct((B, _L), jnp.float32),
        scratch_types=[
            pltpu.VMEM((ng, _G), jnp.int32),
            pltpu.VMEM((C * KP,), jnp.float32),
            pltpu.VMEM((KP,), jnp.float32),
            pltpu.VMEM((2, _NB, _G), jnp.float32),
            pltpu.VMEM((_L,), jnp.float32),
            pltpu.SemaphoreType.DMA,
            pltpu.SemaphoreType.DMA,
        ],
    )
    def sc_kernel(outp_hbm, idx_hbm, mkf_hbm, tgt_hbm, out_hbm,
                  idx_v, tgt_v, mkf_v, pred_v, acc_v, sem0, sem1):
        ncore = lax.axis_size("core")
        b = lax.axis_index("sub") * ncore + lax.axis_index("core")

        pltpu.sync_copy(idx_hbm.at[b], idx_v)
        pltpu.sync_copy(mkf_hbm.at[b], mkf_v)
        pltpu.sync_copy(tgt_hbm.at[b], tgt_v)

        def fire(blk, buf, sem):
            for s in range(_NB):
                pltpu.async_copy(
                    outp_hbm.at[idx_v.at[blk * _NB + s]], pred_v.at[buf, s], sem)

        def consume(blk, buf, sem, acc):
            for s in range(_NB):
                pltpu.make_async_copy(
                    outp_hbm.at[idx_v.at[blk * _NB + s]], pred_v.at[buf, s],
                    sem).wait()
            for s in range(_NB):
                g = blk * _NB + s
                koff = (s % gpc) * _G
                for j in range(_G // _L):
                    mk = mkf_v[pl.ds(koff + j * _L, _L)]
                    tg = tgt_v[pl.ds(g * _G + j * _L, _L)]
                    pr = pred_v[buf, s, pl.ds(j * _L, _L)]
                    acc = acc + mk * jnp.abs(pr - tg)
            return acc

        fire(0, 0, sem0)

        def body(i, acc):
            blk0 = i * 2
            fire(blk0 + 1, 1, sem1)
            acc = consume(blk0, 0, sem0, acc)

            @pl.when(blk0 + 2 < nblk)
            def _():
                fire(blk0 + 2, 0, sem0)

            return consume(blk0 + 1, 1, sem1, acc)

        acc = lax.fori_loop(0, nblk // 2, body, jnp.zeros((_L,), jnp.float32))
        acc_v[...] = acc
        pltpu.sync_copy(acc_v, out_hbm.at[b])

    return sc_kernel


def kernel(output, mask, ind, target):
    B, C, H, W = output.shape
    K = ind.shape[1]
    HW = H * W
    KP = ((K + _G - 1) // _G) * _G

    outp = output.reshape(B * C * HW)

    ind_pad = jnp.zeros((B, KP), jnp.int32).at[:, :K].set(ind.astype(jnp.int32))
    base = (jnp.arange(B, dtype=jnp.int32)[:, None] * C
            + jnp.arange(C, dtype=jnp.int32)[None, :]) * HW
    abs_idx = (base[:, :, None] + ind_pad[:, None, :]).reshape(B, (C * KP) // _G, _G)
    mkf = jnp.zeros((B, KP), jnp.float32).at[:, :K].set(mask.astype(jnp.float32))
    tgt = (
        jnp.zeros((B, C, KP), jnp.float32)
        .at[:, :, :K].set(jnp.transpose(target, (0, 2, 1)))
        .reshape(B, C * KP)
    )

    partial = _make_sc_kernel(B, C, HW, KP)(outp, abs_idx, mkf, tgt)
    return jnp.sum(partial) / (B * K * C)

# --- scband reference (transcript-rebuilt; emitter-appended) ---
"""Pipeline reference for scband-l1-loss-429496730201 (READ-ONLY COPY).

The authoritative reference and input builder live on the scoring server;
editing this copy changes nothing except your own understanding.
"""

import jax, jax.numpy as jnp
import numpy as np


def setup_inputs(seed: int = 0) -> dict:
    key = jax.random.key(seed)
    k1, k2, k3, k4 = jax.random.split(key, 4)
    B, C, H, W = 32, 96, 128, 128
    K = 500
    output = jax.random.normal(k1, (B, C, H, W), dtype=jnp.float32)
    mask = jax.random.randint(k2, (B, K), 0, 2, dtype=jnp.int32)
    ind = jax.random.randint(k3, (B, K), 0, H * W, dtype=jnp.int64)
    target = jax.random.normal(k4, (B, K, C), dtype=jnp.float32)
    return {"output": output, "mask": mask, "ind": ind, "target": target}


def reference(output, mask, ind, target):
    # _transpose_and_gather_feat: [B, C, H, W] -> [B, H*W, C], gather along dim 1 at ind
    B, C, H, W = output.shape
    K = ind.shape[1]
    feat = jnp.transpose(output, (0, 2, 3, 1)).reshape(B, H * W, C)
    idx = jnp.broadcast_to(ind[:, :, None], (B, K, C))
    pred = jnp.take_along_axis(feat, idx, axis=1)  # [B, K, C]
    m = jnp.broadcast_to(mask[:, :, None].astype(jnp.float32), pred.shape)
    # F.l1_loss(pred*mask, target*mask, reduction='elementwise_mean') == mean abs diff
    loss = jnp.mean(jnp.abs(pred * m - target * m))
    return loss

if __name__ == "__main__":
    import jax
    _d = setup_inputs()
    print(jax.jit(kernel)(*tuple(_d.values())))

</pallas_src>

<mosaic_0001>
#map = affine_map<(d0, d1) -> (0)>
#map1 = affine_map<(d0, d1) -> (0, 0, 0)>
#map2 = affine_map<(d0, d1) -> (0, 0)>
module attributes {stable_mosaic.version = 14 : i64} {
  func.func @sc_kernel(%arg0: i32, %arg1: i32, %arg2: memref<50331648xf32, #tpu.memory_space<hbm>>, %arg3: memref<32x384x128xi32, #tpu.memory_space<hbm>>, %arg4: memref<32x512xf32, #tpu.memory_space<hbm>>, %arg5: memref<32x49152xf32, #tpu.memory_space<hbm>>, %arg6: memref<32x16xf32, #tpu.memory_space<hbm>>, %arg7: memref<384x128xi32, #tpu.memory_space<vmem>>, %arg8: memref<49152xf32, #tpu.memory_space<vmem>>, %arg9: memref<512xf32, #tpu.memory_space<vmem>>, %arg10: memref<2x8x128xf32, #tpu.memory_space<vmem>>, %arg11: memref<16xf32, #tpu.memory_space<vmem>>, %arg12: memref<!tpu.dma_semaphore, #tpu.memory_space<semaphore_mem>>, %arg13: memref<!tpu.dma_semaphore, #tpu.memory_space<semaphore_mem>>) attributes {dimension_semantics = [#tpu.dimension_semantics<core_parallel>, #tpu.dimension_semantics<subcore_parallel>], iteration_bounds = array<i64: 2, 16>, scalar_prefetch = 0 : i64, scratch_operands = 7 : i64, tpu.core_type = #tpu.core_type<sc_vector_subcore>, window_params = [{transform_indices = #map}, {transform_indices = #map1}, {transform_indices = #map2}, {transform_indices = #map2}, {transform_indices = #map2}]} {
    %mul3A = arith.constant 2 : i32
    %mul3A_0 = arith.muli %arg1, %mul3A : i32
    %add3A = arith.addi %mul3A_0, %arg0 : i32
    "tpu.region"() ({
      %run_scoped3A = tpu.sem_alloc : memref<!tpu.dma_semaphore, #tpu.memory_space<semaphore_mem>>
      %dma_start3A_97 = arith.constant 0 : i32
      %dma_start3A_98 = arith.constant 0 : i32
      %dma_start3A_99 = tpu.memref_slice %arg3[%add3A, %dma_start3A_97, %dma_start3A_98] : memref<32x384x128xi32, #tpu.memory_space<hbm>> -> memref<1x384x128xi32, #tpu.memory_space<hbm>>
      %dma_start3A_100 = tpu.memref_squeeze %dma_start3A_99 : memref<1x384x128xi32, #tpu.memory_space<hbm>> -> memref<384x128xi32, #tpu.memory_space<hbm>>
      %dma_start3A_101 = arith.constant 0 : i32
      %dma_start3A_102 = arith.constant 0 : i32
      %dma_start3A_103 = tpu.memref_slice %arg3[%add3A, %dma_start3A_101, %dma_start3A_102] : memref<32x384x128xi32, #tpu.memory_space<hbm>> -> memref<1x384x128xi32, #tpu.memory_space<hbm>>
      %dma_start3A_104 = tpu.memref_squeeze %dma_start3A_103 : memref<1x384x128xi32, #tpu.memory_space<hbm>> -> memref<384x128xi32, #tpu.memory_space<hbm>>
      tpu.enqueue_dma source(%dma_start3A_104 : memref<384x128xi32, #tpu.memory_space<hbm>>) target(%arg7 : memref<384x128xi32, #tpu.memory_space<vmem>>) target_semaphore(%run_scoped3A : memref<!tpu.dma_semaphore, #tpu.memory_space<semaphore_mem>>)
      %dma_wait3A = arith.constant 0 : i32
      %dma_wait3A_105 = arith.constant 0 : i32
      %dma_wait3A_106 = tpu.memref_slice %arg3[%add3A, %dma_wait3A, %dma_wait3A_105] : memref<32x384x128xi32, #tpu.memory_space<hbm>> -> memref<1x384x128xi32, #tpu.memory_space<hbm>>
      %dma_wait3A_107 = tpu.memref_squeeze %dma_wait3A_106 : memref<1x384x128xi32, #tpu.memory_space<hbm>> -> memref<384x128xi32, #tpu.memory_space<hbm>>
      %dma_wait3A_108 = arith.constant 0 : i32
      %dma_wait3A_109 = arith.constant 0 : i32
      %dma_wait3A_110 = tpu.memref_slice %arg3[%add3A, %dma_wait3A_108, %dma_wait3A_109] : memref<32x384x128xi32, #tpu.memory_space<hbm>> -> memref<1x384x128xi32, #tpu.memory_space<hbm>>
      %dma_wait3A_111 = tpu.memref_squeeze %dma_wait3A_110 : memref<1x384x128xi32, #tpu.memory_space<hbm>> -> memref<384x128xi32, #tpu.memory_space<hbm>>
      tpu.wait_dma2 semaphore(%run_scoped3A : memref<!tpu.dma_semaphore, #tpu.memory_space<semaphore_mem>>) src(%dma_wait3A_111 : memref<384x128xi32, #tpu.memory_space<hbm>>) dst(%arg7 : memref<384x128xi32, #tpu.memory_space<vmem>>)
      tpu.yield
    }) : () -> ()
    "tpu.region"() ({
      %run_scoped3A = tpu.sem_alloc : memref<!tpu.dma_semaphore, #tpu.memory_space<semaphore_mem>>
      %dma_start3A_97 = arith.constant 0 : i32
      %dma_start3A_98 = tpu.memref_slice %arg4[%add3A, %dma_start3A_97] : memref<32x512xf32, #tpu.memory_space<hbm>> -> memref<1x512xf32, #tpu.memory_space<hbm>>
      %dma_start3A_99 = tpu.memref_squeeze %dma_start3A_98 : memref<1x512xf32, #tpu.memory_space<hbm>> -> memref<512xf32, #tpu.memory_space<hbm>>
      %dma_start3A_100 = arith.constant 0 : i32
      %dma_start3A_101 = tpu.memref_slice %arg4[%add3A, %dma_start3A_100] : memref<32x512xf32, #tpu.memory_space<hbm>> -> memref<1x512xf32, #tpu.memory_space<hbm>>
      %dma_start3A_102 = tpu.memref_squeeze %dma_start3A_101 : memref<1x512xf32, #tpu.memory_space<hbm>> -> memref<512xf32, #tpu.memory_space<hbm>>
      tpu.enqueue_dma source(%dma_start3A_102 : memref<512xf32, #tpu.memory_space<hbm>>) target(%arg9 : memref<512xf32, #tpu.memory_space<vmem>>) target_semaphore(%run_scoped3A : memref<!tpu.dma_semaphore, #tpu.memory_space<semaphore_mem>>)
      %dma_wait3A = arith.constant 0 : i32
      %dma_wait3A_103 = tpu.memref_slice %arg4[%add3A, %dma_wait3A] : memref<32x512xf32, #tpu.memory_space<hbm>> -> memref<1x512xf32, #tpu.memory_space<hbm>>
      %dma_wait3A_104 = tpu.memref_squeeze %dma_wait3A_103 : memref<1x512xf32, #tpu.memory_space<hbm>> -> memref<512xf32, #tpu.memory_space<hbm>>
      %dma_wait3A_105 = arith.constant 0 : i32
      %dma_wait3A_106 = tpu.memref_slice %arg4[%add3A, %dma_wait3A_105] : memref<32x512xf32, #tpu.memory_space<hbm>> -> memref<1x512xf32, #tpu.memory_space<hbm>>
      %dma_wait3A_107 = tpu.memref_squeeze %dma_wait3A_106 : memref<1x512xf32, #tpu.memory_space<hbm>> -> memref<512xf32, #tpu.memory_space<hbm>>
      tpu.wait_dma2 semaphore(%run_scoped3A : memref<!tpu.dma_semaphore, #tpu.memory_space<semaphore_mem>>) src(%dma_wait3A_107 : memref<512xf32, #tpu.memory_space<hbm>>) dst(%arg9 : memref<512xf32, #tpu.memory_space<vmem>>)
      tpu.yield
    }) : () -> ()
    "tpu.region"() ({
      %run_scoped3A = tpu.sem_alloc : memref<!tpu.dma_semaphore, #tpu.memory_space<semaphore_mem>>
      %dma_start3A_97 = arith.constant 0 : i32
      %dma_start3A_98 = tpu.memref_slice %arg5[%add3A, %dma_start3A_97] : memref<32x49152xf32, #tpu.memory_space<hbm>> -> memref<1x49152xf32, #tpu.memory_space<hbm>>
      %dma_start3A_99 = tpu.memref_squeeze %dma_start3A_98 : memref<1x49152xf32, #tpu.memory_space<hbm>> -> memref<49152xf32, #tpu.memory_space<hbm>>
      %dma_start3A_100 = arith.constant 0 : i32
      %dma_start3A_101 = tpu.memref_slice %arg5[%add3A, %dma_start3A_100] : memref<32x49152xf32, #tpu.memory_space<hbm>> -> memref<1x49152xf32, #tpu.memory_space<hbm>>
      %dma_start3A_102 = tpu.memref_squeeze %dma_start3A_101 : memref<1x49152xf32, #tpu.memory_space<hbm>> -> memref<49152xf32, #tpu.memory_space<hbm>>
      tpu.enqueue_dma source(%dma_start3A_102 : memref<49152xf32, #tpu.memory_space<hbm>>) target(%arg8 : memref<49152xf32, #tpu.memory_space<vmem>>) target_semaphore(%run_scoped3A : memref<!tpu.dma_semaphore, #tpu.memory_space<semaphore_mem>>)
      %dma_wait3A = arith.constant 0 : i32
      %dma_wait3A_103 = tpu.memref_slice %arg5[%add3A, %dma_wait3A] : memref<32x49152xf32, #tpu.memory_space<hbm>> -> memref<1x49152xf32, #tpu.memory_space<hbm>>
      %dma_wait3A_104 = tpu.memref_squeeze %dma_wait3A_103 : memref<1x49152xf32, #tpu.memory_space<hbm>> -> memref<49152xf32, #tpu.memory_space<hbm>>
      %dma_wait3A_105 = arith.constant 0 : i32
      %dma_wait3A_106 = tpu.memref_slice %arg5[%add3A, %dma_wait3A_105] : memref<32x49152xf32, #tpu.memory_space<hbm>> -> memref<1x49152xf32, #tpu.memory_space<hbm>>
      %dma_wait3A_107 = tpu.memref_squeeze %dma_wait3A_106 : memref<1x49152xf32, #tpu.memory_space<hbm>> -> memref<49152xf32, #tpu.memory_space<hbm>>
      tpu.wait_dma2 semaphore(%run_scoped3A : memref<!tpu.dma_semaphore, #tpu.memory_space<semaphore_mem>>) src(%dma_wait3A_107 : memref<49152xf32, #tpu.memory_space<hbm>>) dst(%arg8 : memref<49152xf32, #tpu.memory_space<vmem>>)
      tpu.yield
    }) : () -> ()
    %dma_start3A = arith.constant 0 : i32
    %dma_start3A_1 = arith.constant 0 : i32
    %dma_start3A_2 = arith.constant 0 : i32
    %dma_start3A_3 = arith.constant 0 : i32
    %dma_start3A_4 = tpu.memref_slice %arg10[%dma_start3A_1, %dma_start3A_2, %dma_start3A_3] : memref<2x8x128xf32, #tpu.memory_space<vmem>> -> memref<1x1x128xf32, #tpu.memory_space<vmem>>
    %dma_start3A_5 = tpu.memref_squeeze %dma_start3A_4 : memref<1x1x128xf32, #tpu.memory_space<vmem>> -> memref<128xf32, #tpu.memory_space<vmem>>
    %dma_start3A_6 = arith.constant 0 : i32
    %dma_start3A_7 = tpu.memref_slice %arg7[%dma_start3A, %dma_start3A_6] : memref<384x128xi32, #tpu.memory_space<vmem>> -> memref<1x128xi32, #tpu.memory_space<vmem>>
    %dma_start3A_8 = tpu.memref_squeeze %dma_start3A_7 : memref<1x128xi32, #tpu.memory_space<vmem>> -> memref<128xi32, #tpu.memory_space<vmem>>
    %dma_start3A_9 = arith.constant 0 : i32
    %dma_start3A_10 = tpu.memref_slice %arg2[%dma_start3A_9] : memref<50331648xf32, #tpu.memory_space<hbm>> -> memref<50331648xf32, #tpu.memory_space<hbm>>
    tpu.enqueue_indirect_dma source(%dma_start3A_10 : memref<50331648xf32, #tpu.memory_space<hbm>>) target(%dma_start3A_5 : memref<128xf32, #tpu.memory_space<vmem>>) offsets(%dma_start3A_8 : memref<128xi32, #tpu.memory_space<vmem>>) semaphore(%arg12 : memref<!tpu.dma_semaphore, #tpu.memory_space<semaphore_mem>>)
    %dma_start3A_11 = arith.constant 1 : i32
    %dma_start3A_12 = arith.constant 0 : i32
    %dma_start3A_13 = arith.constant 1 : i32
    %dma_start3A_14 = arith.constant 0 : i32
    %dma_start3A_15 = tpu.memref_slice %arg10[%dma_start3A_12, %dma_start3A_13, %dma_start3A_14] : memref<2x8x128xf32, #tpu.memory_space<vmem>> -> memref<1x1x128xf32, #tpu.memory_space<vmem>>
    %dma_start3A_16 = tpu.memref_squeeze %dma_start3A_15 : memref<1x1x128xf32, #tpu.memory_space<vmem>> -> memref<128xf32, #tpu.memory_space<vmem>>
    %dma_start3A_17 = arith.constant 0 : i32
    %dma_start3A_18 = tpu.memref_slice %arg7[%dma_start3A_11, %dma_start3A_17] : memref<384x128xi32, #tpu.memory_space<vmem>> -> memref<1x128xi32, #tpu.memory_space<vmem>>
    %dma_start3A_19 = tpu.memref_squeeze %dma_start3A_18 : memref<1x128xi32, #tpu.memory_space<vmem>> -> memref<128xi32, #tpu.memory_space<vmem>>
    %dma_start3A_20 = arith.constant 0 : i32
    %dma_start3A_21 = tpu.memref_slice %arg2[%dma_start3A_20] : memref<50331648xf32, #tpu.memory_space<hbm>> -> memref<50331648xf32, #tpu.memory_space<hbm>>
    tpu.enqueue_indirect_dma source(%dma_start3A_21 : memref<50331648xf32, #tpu.memory_space<hbm>>) target(%dma_start3A_16 : memref<128xf32, #tpu.memory_space<vmem>>) offsets(%dma_start3A_19 : memref<128xi32, #tpu.memory_space<vmem>>) semaphore(%arg12 : memref<!tpu.dma_semaphore, #tpu.memory_space<semaphore_mem>>)
    %dma_start3A_22 = arith.constant 2 : i32
    %dma_start3A_23 = arith.constant 0 : i32
    %dma_start3A_24 = arith.constant 2 : i32
    %dma_start3A_25 = arith.constant 0 : i32
    %dma_start3A_26 = tpu.memref_slice %arg10[%dma_start3A_23, %dma_start3A_24, %dma_start3A_25] : memref<2x8x128xf32, #tpu.memory_space<vmem>> -> memref<1x1x128xf32, #tpu.memory_space<vmem>>
    %dma_start3A_27 = tpu.memref_squeeze %dma_start3A_26 : memref<1x1x128xf32, #tpu.memory_space<vmem>> -> memref<128xf32, #tpu.memory_space<vmem>>
    %dma_start3A_28 = arith.constant 0 : i32
    %dma_start3A_29 = tpu.memref_slice %arg7[%dma_start3A_22, %dma_start3A_28] : memref<384x128xi32, #tpu.memory_space<vmem>> -> memref<1x128xi32, #tpu.memory_space<vmem>>
    %dma_start3A_30 = tpu.memref_squeeze %dma_start3A_29 : memref<1x128xi32, #tpu.memory_space<vmem>> -> memref<128xi32, #tpu.memory_space<vmem>>
    %dma_start3A_31 = arith.constant 0 : i32
    %dma_start3A_32 = tpu.memref_slice %arg2[%dma_start3A_31] : memref<50331648xf32, #tpu.memory_space<hbm>> -> memref<50331648xf32, #tpu.memory_space<hbm>>
    tpu.enqueue_indirect_dma source(%dma_start3A_32 : memref<50331648xf32, #tpu.memory_space<hbm>>) target(%dma_start3A_27 : memref<128xf32, #tpu.memory_space<vmem>>) offsets(%dma_start3A_30 : memref<128xi32, #tpu.memory_space<vmem>>) semaphore(%arg12 : memref<!tpu.dma_semaphore, #tpu.memory_space<semaphore_mem>>)
    %dma_start3A_33 = arith.constant 3 : i32
    %dma_start3A_34 = arith.constant 0 : i32
    %dma_start3A_35 = arith.constant 3 : i32
    %dma_start3A_36 = arith.constant 0 : i32
    %dma_start3A_37 = tpu.memref_slice %arg10[%dma_start3A_34, %dma_start3A_35, %dma_start3A_36] : memref<2x8x128xf32, #tpu.memory_space<vmem>> -> memref<1x1x128xf32, #tpu.memory_space<vmem>>
    %dma_start3A_38 = tpu.memref_squeeze %dma_start3A_37 : memref<1x1x128xf32, #tpu.memory_space<vmem>> -> memref<128xf32, #tpu.memory_space<vmem>>
    %dma_start3A_39 = arith.constant 0 : i32
    %dma_start3A_40 = tpu.memref_slice %arg7[%dma_start3A_33, %dma_start3A_39] : memref<384x128xi32, #tpu.memory_space<vmem>> -> memref<1x128xi32, #tpu.memory_space<vmem>>
    %dma_start3A_41 = tpu.memref_squeeze %dma_start3A_40 : memref<1x128xi32, #tpu.memory_space<vmem>> -> memref<128xi32, #tpu.memory_space<vmem>>
    %dma_start3A_42 = arith.constant 0 : i32
    %dma_start3A_43 = tpu.memref_slice %arg2[%dma_start3A_42] : memref<50331648xf32, #tpu.memory_space<hbm>> -> memref<50331648xf32, #tpu.memory_space<hbm>>
    tpu.enqueue_indirect_dma source(%dma_start3A_43 : memref<50331648xf32, #tpu.memory_space<hbm>>) target(%dma_start3A_38 : memref<128xf32, #tpu.memory_space<vmem>>) offsets(%dma_start3A_41 : memref<128xi32, #tpu.memory_space<vmem>>) semaphore(%arg12 : memref<!tpu.dma_semaphore, #tpu.memory_space<semaphore_mem>>)
    %dma_start3A_44 = arith.constant 4 : i32
    %dma_start3A_45 = arith.constant 0 : i32
    %dma_start3A_46 = arith.constant 4 : i32
    %dma_start3A_47 = arith.constant 0 : i32
    %dma_start3A_48 = tpu.memref_slice %arg10[%dma_start3A_45, %dma_start3A_46, %dma_start3A_47] : memref<2x8x128xf32, #tpu.memory_space<vmem>> -> memref<1x1x128xf32, #tpu.memory_space<vmem>>
    %dma_start3A_49 = tpu.memref_squeeze %dma_start3A_48 : memref<1x1x128xf32, #tpu.memory_space<vmem>> -> memref<128xf32, #tpu.memory_space<vmem>>
    %dma_start3A_50 = arith.constant 0 : i32
    %dma_start3A_51 = tpu.memref_slice %arg7[%dma_start3A_44, %dma_start3A_50] : memref<384x128xi32, #tpu.memory_space<vmem>> -> memref<1x128xi32, #tpu.memory_space<vmem>>
    %dma_start3A_52 = tpu.memref_squeeze %dma_start3A_51 : memref<1x128xi32, #tpu.memory_space<vmem>> -> memref<128xi32, #tpu.memory_space<vmem>>
    %dma_start3A_53 = arith.constant 0 : i32
    %dma_start3A_54 = tpu.memref_slice %arg2[%dma_start3A_53] : memref<50331648xf32, #tpu.memory_space<hbm>> -> memref<50331648xf32, #tpu.memory_space<hbm>>
    tpu.enqueue_indirect_dma source(%dma_start3A_54 : memref<50331648xf32, #tpu.memory_space<hbm>>) target(%dma_start3A_49 : memref<128xf32, #tpu.memory_space<vmem>>) offsets(%dma_start3A_52 : memref<128xi32, #tpu.memory_space<vmem>>) semaphore(%arg12 : memref<!tpu.dma_semaphore, #tpu.memory_space<semaphore_mem>>)
    %dma_start3A_55 = arith.constant 5 : i32
    %dma_start3A_56 = arith.constant 0 : i32
    %dma_start3A_57 = arith.constant 5 : i32
    %dma_start3A_58 = arith.constant 0 : i32
    %dma_start3A_59 = tpu.memref_slice %arg10[%dma_start3A_56, %dma_start3A_57, %dma_start3A_58] : memref<2x8x128xf32, #tpu.memory_space<vmem>> -> memref<1x1x128xf32, #tpu.memory_space<vmem>>
    %dma_start3A_60 = tpu.memref_squeeze %dma_start3A_59 : memref<1x1x128xf32, #tpu.memory_space<vmem>> -> memref<128xf32, #tpu.memory_space<vmem>>
    %dma_start3A_61 = arith.constant 0 : i32
    %dma_start3A_62 = tpu.memref_slice %arg7[%dma_start3A_55, %dma_start3A_61] : memref<384x128xi32, #tpu.memory_space<vmem>> -> memref<1x128xi32, #tpu.memory_space<vmem>>
    %dma_start3A_63 = tpu.memref_squeeze %dma_start3A_62 : memref<1x128xi32, #tpu.memory_space<vmem>> -> memref<128xi32, #tpu.memory_space<vmem>>
    %dma_start3A_64 = arith.constant 0 : i32
    %dma_start3A_65 = tpu.memref_slice %arg2[%dma_start3A_64] : memref<50331648xf32, #tpu.memory_space<hbm>> -> memref<50331648xf32, #tpu.memory_space<hbm>>
    tpu.enqueue_indirect_dma source(%dma_start3A_65 : memref<50331648xf32, #tpu.memory_space<hbm>>) target(%dma_start3A_60 : memref<128xf32, #tpu.memory_space<vmem>>) offsets(%dma_start3A_63 : memref<128xi32, #tpu.memory_space<vmem>>) semaphore(%arg12 : memref<!tpu.dma_semaphore, #tpu.memory_space<semaphore_mem>>)
    %dma_start3A_66 = arith.constant 6 : i32
    %dma_start3A_67 = arith.constant 0 : i32
    %dma_start3A_68 = arith.constant 6 : i32
    %dma_start3A_69 = arith.constant 0 : i32
    %dma_start3A_70 = tpu.memref_slice %arg10[%dma_start3A_67, %dma_start3A_68, %dma_start3A_69] : memref<2x8x128xf32, #tpu.memory_space<vmem>> -> memref<1x1x128xf32, #tpu.memory_space<vmem>>
    %dma_start3A_71 = tpu.memref_squeeze %dma_start3A_70 : memref<1x1x128xf32, #tpu.memory_space<vmem>> -> memref<128xf32, #tpu.memory_space<vmem>>
    %dma_start3A_72 = arith.constant 0 : i32
    %dma_start3A_73 = tpu.memref_slice %arg7[%dma_start3A_66, %dma_start3A_72] : memref<384x128xi32, #tpu.memory_space<vmem>> -> memref<1x128xi32, #tpu.memory_space<vmem>>
    %dma_start3A_74 = tpu.memref_squeeze %dma_start3A_73 : memref<1x128xi32, #tpu.memory_space<vmem>> -> memref<128xi32, #tpu.memory_space<vmem>>
    %dma_start3A_75 = arith.constant 0 : i32
    %dma_start3A_76 = tpu.memref_slice %arg2[%dma_start3A_75] : memref<50331648xf32, #tpu.memory_space<hbm>> -> memref<50331648xf32, #tpu.memory_space<hbm>>
    tpu.enqueue_indirect_dma source(%dma_start3A_76 : memref<50331648xf32, #tpu.memory_space<hbm>>) target(%dma_start3A_71 : memref<128xf32, #tpu.memory_space<vmem>>) offsets(%dma_start3A_74 : memref<128xi32, #tpu.memory_space<vmem>>) semaphore(%arg12 : memref<!tpu.dma_semaphore, #tpu.memory_space<semaphore_mem>>)
    %dma_start3A_77 = arith.constant 7 : i32
    %dma_start3A_78 = arith.constant 0 : i32
    %dma_start3A_79 = arith.constant 7 : i32
    %dma_start3A_80 = arith.constant 0 : i32
    %dma_start3A_81 = tpu.memref_slice %arg10[%dma_start3A_78, %dma_start3A_79, %dma_start3A_80] : memref<2x8x128xf32, #tpu.memory_space<vmem>> -> memref<1x1x128xf32, #tpu.memory_space<vmem>>
    %dma_start3A_82 = tpu.memref_squeeze %dma_start3A_81 : memref<1x1x128xf32, #tpu.memory_space<vmem>> -> memref<128xf32, #tpu.memory_space<vmem>>
    %dma_start3A_83 = arith.constant 0 : i32
    %dma_start3A_84 = tpu.memref_slice %arg7[%dma_start3A_77, %dma_start3A_83] : memref<384x128xi32, #tpu.memory_space<vmem>> -> memref<1x128xi32, #tpu.memory_space<vmem>>
    %dma_start3A_85 = tpu.memref_squeeze %dma_start3A_84 : memref<1x128xi32, #tpu.memory_space<vmem>> -> memref<128xi32, #tpu.memory_space<vmem>>
    %dma_start3A_86 = arith.constant 0 : i32
    %dma_start3A_87 = tpu.memref_slice %arg2[%dma_start3A_86] : memref<50331648xf32, #tpu.memory_space<hbm>> -> memref<50331648xf32, #tpu.memory_space<hbm>>
    tpu.enqueue_indirect_dma source(%dma_start3A_87 : memref<50331648xf32, #tpu.memory_space<hbm>>) target(%dma_start3A_82 : memref<128xf32, #tpu.memory_space<vmem>>) offsets(%dma_start3A_85 : memref<128xi32, #tpu.memory_space<vmem>>) semaphore(%arg12 : memref<!tpu.dma_semaphore, #tpu.memory_space<semaphore_mem>>)
    %broadcast_in_dim3A = arith.constant 0.000000e+00 : f32
    %broadcast_in_dim3A_88 = vector.broadcast %broadcast_in_dim3A : f32 to vector<16xf32>
    %scan3A = arith.constant 0 : i32
    %scan3A_89 = arith.constant 24 : i32
    %scan3A_90 = arith.addi %scan3A, %scan3A_89 : i32
    %scan3A_91 = arith.constant 1 : i32
    %scan3A_92 = scf.for %scan3A_97 = %scan3A to %scan3A_90 step %scan3A_91 iter_args(%scan3A_98 = %broadcast_in_dim3A_88) -> (vector<16xf32>)  : i32 {
      %mul3A_99 = arith.constant 2 : i32
      %mul3A_100 = arith.muli %scan3A_97, %mul3A_99 : i32
      %add3A_101 = arith.constant 1 : i32
      %add3A_102 = arith.addi %mul3A_100, %add3A_101 : i32
      %mul3A_103 = arith.constant 8 : i32
      %mul3A_104 = arith.muli %add3A_102, %mul3A_103 : i32
      %add3A_105 = arith.constant 0 : i32
      %add3A_106 = arith.addi %mul3A_104, %add3A_105 : i32
      %dma_start3A_107 = arith.constant 1 : i32
      %dma_start3A_108 = arith.constant 0 : i32
      %dma_start3A_109 = arith.constant 0 : i32
      %dma_start3A_110 = tpu.memref_slice %arg10[%dma_start3A_107, %dma_start3A_108, %dma_start3A_109] : memref<2x8x128xf32, #tpu.memory_space<vmem>> -> memref<1x1x128xf32, #tpu.memory_space<vmem>>
      %dma_start3A_111 = tpu.memref_squeeze %dma_start3A_110 : memref<1x1x128xf32, #tpu.memory_space<vmem>> -> memref<128xf32, #tpu.memory_space<vmem>>
      %dma_start3A_112 = arith.constant 0 : i32
      %dma_start3A_113 = tpu.memref_slice %arg7[%add3A_106, %dma_start3A_112] : memref<384x128xi32, #tpu.memory_space<vmem>> -> memref<1x128xi32, #tpu.memory_space<vmem>>
      %dma_start3A_114 = tpu.memref_squeeze %dma_start3A_113 : memref<1x128xi32, #tpu.memory_space<vmem>> -> memref<128xi32, #tpu.memory_space<vmem>>
      %dma_start3A_115 = arith.constant 0 : i32
      %dma_start3A_116 = tpu.memref_slice %arg2[%dma_start3A_115] : memref<50331648xf32, #tpu.memory_space<hbm>> -> memref<50331648xf32, #tpu.memory_space<hbm>>
      tpu.enqueue_indirect_dma source(%dma_start3A_116 : memref<50331648xf32, #tpu.memory_space<hbm>>) target(%dma_start3A_111 : memref<128xf32, #tpu.memory_space<vmem>>) offsets(%dma_start3A_114 : memref<128xi32, #tpu.memory_space<vmem>>) semaphore(%arg13 : memref<!tpu.dma_semaphore, #tpu.memory_space<semaphore_mem>>)
      %mul3A_117 = arith.constant 8 : i32
      %mul3A_118 = arith.muli %add3A_102, %mul3A_117 : i32
      %add3A_119 = arith.constant 1 : i32
      %add3A_120 = arith.addi %mul3A_118, %add3A_119 : i32
      %dma_start3A_121 = arith.constant 1 : i32
      %dma_start3A_122 = arith.constant 1 : i32
      %dma_start3A_123 = arith.constant 0 : i32
      %dma_start3A_124 = tpu.memref_slice %arg10[%dma_start3A_121, %dma_start3A_122, %dma_start3A_123] : memref<2x8x128xf32, #tpu.memory_space<vmem>> -> memref<1x1x128xf32, #tpu.memory_space<vmem>>
      %dma_start3A_125 = tpu.memref_squeeze %dma_start3A_124 : memref<1x1x128xf32, #tpu.memory_space<vmem>> -> memref<128xf32, #tpu.memory_space<vmem>>
      %dma_start3A_126 = arith.constant 0 : i32
      %dma_start3A_127 = tpu.memref_slice %arg7[%add3A_120, %dma_start3A_126] : memref<384x128xi32, #tpu.memory_space<vmem>> -> memref<1x128xi32, #tpu.memory_space<vmem>>
      %dma_start3A_128 = tpu.memref_squeeze %dma_start3A_127 : memref<1x128xi32, #tpu.memory_space<vmem>> -> memref<128xi32, #tpu.memory_space<vmem>>
      %dma_start3A_129 = arith.constant 0 : i32
      %dma_start3A_130 = tpu.memref_slice %arg2[%dma_start3A_129] : memref<50331648xf32, #tpu.memory_space<hbm>> -> memref<50331648xf32, #tpu.memory_space<hbm>>
      tpu.enqueue_indirect_dma source(%dma_start3A_130 : memref<50331648xf32, #tpu.memory_space<hbm>>) target(%dma_start3A_125 : memref<128xf32, #tpu.memory_space<vmem>>) offsets(%dma_start3A_128 : memref<128xi32, #tpu.memory_space<vmem>>) semaphore(%arg13 : memref<!tpu.dma_semaphore, #tpu.memory_space<semaphore_mem>>)
      %mul3A_131 = arith.constant 8 : i32
      %mul3A_132 = arith.muli %add3A_102, %mul3A_131 : i32
      %add3A_133 = arith.constant 2 : i32
      %add3A_134 = arith.addi %mul3A_132, %add3A_133 : i32
      %dma_start3A_135 = arith.constant 1 : i32
      %dma_start3A_136 = arith.constant 2 : i32
      %dma_start3A_137 = arith.constant 0 : i32
      %dma_start3A_138 = tpu.memref_slice %arg10[%dma_start3A_135, %dma_start3A_136, %dma_start3A_137] : memref<2x8x128xf32, #tpu.memory_space<vmem>> -> memref<1x1x128xf32, #tpu.memory_space<vmem>>
      %dma_start3A_139 = tpu.memref_squeeze %dma_start3A_138 : memref<1x1x128xf32, #tpu.memory_space<vmem>> -> memref<128xf32, #tpu.memory_space<vmem>>
      %dma_start3A_140 = arith.constant 0 : i32
      %dma_start3A_141 = tpu.memref_slice %arg7[%add3A_134, %dma_start3A_140] : memref<384x128xi32, #tpu.memory_space<vmem>> -> memref<1x128xi32, #tpu.memory_space<vmem>>
      %dma_start3A_142 = tpu.memref_squeeze %dma_start3A_141 : memref<1x128xi32, #tpu.memory_space<vmem>> -> memref<128xi32, #tpu.memory_space<vmem>>
      %dma_start3A_143 = arith.constant 0 : i32
      %dma_start3A_144 = tpu.memref_slice %arg2[%dma_start3A_143] : memref<50331648xf32, #tpu.memory_space<hbm>> -> memref<50331648xf32, #tpu.memory_space<hbm>>
      tpu.enqueue_indirect_dma source(%dma_start3A_144 : memref<50331648xf32, #tpu.memory_space<hbm>>) target(%dma_start3A_139 : memref<128xf32, #tpu.memory_space<vmem>>) offsets(%dma_start3A_142 : memref<128xi32, #tpu.memory_space<vmem>>) semaphore(%arg13 : memref<!tpu.dma_semaphore, #tpu.memory_space<semaphore_mem>>)
      %mul3A_145 = arith.constant 8 : i32
      %mul3A_146 = arith.muli %add3A_102, %mul3A_145 : i32
      %add3A_147 = arith.constant 3 : i32
      %add3A_148 = arith.addi %mul3A_146, %add3A_147 : i32
      %dma_start3A_149 = arith.constant 1 : i32
      %dma_start3A_150 = arith.constant 3 : i32
      %dma_start3A_151 = arith.constant 0 : i32
      %dma_start3A_152 = tpu.memref_slice %arg10[%dma_start3A_149, %dma_start3A_150, %dma_start3A_151] : memref<2x8x128xf32, #tpu.memory_space<vmem>> -> memref<1x1x128xf32, #tpu.memory_space<vmem>>
      %dma_start3A_153 = tpu.memref_squeeze %dma_start3A_152 : memref<1x1x128xf32, #tpu.memory_space<vmem>> -> memref<128xf32, #tpu.memory_space<vmem>>
      %dma_start3A_154 = arith.constant 0 : i32
      %dma_start3A_155 = tpu.memref_slice %arg7[%add3A_148, %dma_start3A_154] : memref<384x128xi32, #tpu.memory_space<vmem>> -> memref<1x128xi32, #tpu.memory_space<vmem>>
      %dma_start3A_156 = tpu.memref_squeeze %dma_start3A_155 : memref<1x128xi32, #tpu.memory_space<vmem>> -> memref<128xi32, #tpu.memory_space<vmem>>
      %dma_start3A_157 = arith.constant 0 : i32
      %dma_start3A_158 = tpu.memref_slice %arg2[%dma_start3A_157] : memref<50331648xf32, #tpu.memory_space<hbm>> -> memref<50331648xf32, #tpu.memory_space<hbm>>
      tpu.enqueue_indirect_dma source(%dma_start3A_158 : memref<50331648xf32, #tpu.memory_space<hbm>>) target(%dma_start3A_153 : memref<128xf32, #tpu.memory_space<vmem>>) offsets(%dma_start3A_156 : memref<128xi32, #tpu.memory_space<vmem>>) semaphore(%arg13 : memref<!tpu.dma_semaphore, #tpu.memory_space<semaphore_mem>>)
      %mul3A_159 = arith.constant 8 : i32
      %mul3A_160 = arith.muli %add3A_102, %mul3A_159 : i32
      %add3A_161 = arith.constant 4 : i32
      %add3A_162 = arith.addi %mul3A_160, %add3A_161 : i32
      %dma_start3A_163 = arith.constant 1 : i32
      %dma_start3A_164 = arith.constant 4 : i32
      %dma_start3A_165 = arith.constant 0 : i32
      %dma_start3A_166 = tpu.memref_slice %arg10[%dma_start3A_163, %dma_start3A_164, %dma_start3A_165] : memref<2x8x128xf32, #tpu.memory_space<vmem>> -> memref<1x1x128xf32, #tpu.memory_space<vmem>>
      %dma_start3A_167 = tpu.memref_squeeze %dma_start3A_166 : memref<1x1x128xf32, #tpu.memory_space<vmem>> -> memref<128xf32, #tpu.memory_space<vmem>>
      %dma_start3A_168 = arith.constant 0 : i32
      %dma_start3A_169 = tpu.memref_slice %arg7[%add3A_162, %dma_start3A_168] : memref<384x128xi32, #tpu.memory_space<vmem>> -> memref<1x128xi32, #tpu.memory_space<vmem>>
      %dma_start3A_170 = tpu.memref_squeeze %dma_start3A_169 : memref<1x128xi32, #tpu.memory_space<vmem>> -> memref<128xi32, #tpu.memory_space<vmem>>
      %dma_start3A_171 = arith.constant 0 : i32
      %dma_start3A_172 = tpu.memref_slice %arg2[%dma_start3A_171] : memref<50331648xf32, #tpu.memory_space<hbm>> -> memref<50331648xf32, #tpu.memory_space<hbm>>
      tpu.enqueue_indirect_dma source(%dma_start3A_172 : memref<50331648xf32, #tpu.memory_space<hbm>>) target(%dma_start3A_167 : memref<128xf32, #tpu.memory_space<vmem>>) offsets(%dma_start3A_170 : memref<128xi32, #tpu.memory_space<vmem>>) semaphore(%arg13 : memref<!tpu.dma_semaphore, #tpu.memory_space<semaphore_mem>>)
      %mul3A_173 = arith.constant 8 : i32
      %mul3A_174 = arith.muli %add3A_102, %mul3A_173 : i32
      %add3A_175 = arith.constant 5 : i32
      %add3A_176 = arith.addi %mul3A_174, %add3A_175 : i32
      %dma_start3A_177 = arith.constant 1 : i32
      %dma_start3A_178 = arith.constant 5 : i32
      %dma_start3A_179 = arith.constant 0 : i32
      %dma_start3A_180 = tpu.memref_slice %arg10[%dma_start3A_177, %dma_start3A_178, %dma_start3A_179] : memref<2x8x128xf32, #tpu.memory_space<vmem>> -> memref<1x1x128xf32, #tpu.memory_space<vmem>>
      %dma_start3A_181 = tpu.memref_squeeze %dma_start3A_180 : memref<1x1x128xf32, #tpu.memory_space<vmem>> -> memref<128xf32, #tpu.memory_space<vmem>>
      %dma_start3A_182 = arith.constant 0 : i32
      %dma_start3A_183 = tpu.memref_slice %arg7[%add3A_176, %dma_start3A_182] : memref<384x128xi32, #tpu.memory_space<vmem>> -> memref<1x128xi32, #tpu.memory_space<vmem>>
      %dma_start3A_184 = tpu.memref_squeeze %dma_start3A_183 : memref<1x128xi32, #tpu.memory_space<vmem>> -> memref<128xi32, #tpu.memory_space<vmem>>
      %dma_start3A_185 = arith.constant 0 : i32
      %dma_start3A_186 = tpu.memref_slice %arg2[%dma_start3A_185] : memref<50331648xf32, #tpu.memory_space<hbm>> -> memref<50331648xf32, #tpu.memory_space<hbm>>
      tpu.enqueue_indirect_dma source(%dma_start3A_186 : memref<50331648xf32, #tpu.memory_space<hbm>>) target(%dma_start3A_181 : memref<128xf32, #tpu.memory_space<vmem>>) offsets(%dma_start3A_184 : memref<128xi32, #tpu.memory_space<vmem>>) semaphore(%arg13 : memref<!tpu.dma_semaphore, #tpu.memory_space<semaphore_mem>>)
      %mul3A_187 = arith.constant 8 : i32
      %mul3A_188 = arith.muli %add3A_102, %mul3A_187 : i32
      %add3A_189 = arith.constant 6 : i32
      %add3A_190 = arith.addi %mul3A_188, %add3A_189 : i32
      %dma_start3A_191 = arith.constant 1 : i32
      %dma_start3A_192 = arith.constant 6 : i32
      %dma_start3A_193 = arith.constant 0 : i32
      %dma_start3A_194 = tpu.memref_slice %arg10[%dma_start3A_191, %dma_start3A_192, %dma_start3A_193] : memref<2x8x128xf32, #tpu.memory_space<vmem>> -> memref<1x1x128xf32, #tpu.memory_space<vmem>>
      %dma_start3A_195 = tpu.memref_squeeze %dma_start3A_194 : memref<1x1x128xf32, #tpu.memory_space<vmem>> -> memref<128xf32, #tpu.memory_space<vmem>>
      %dma_start3A_196 = arith.constant 0 : i32
      %dma_start3A_197 = tpu.memref_slice %arg7[%add3A_190, %dma_start3A_196] : memref<384x128xi32, #tpu.memory_space<vmem>> -> memref<1x128xi32, #tpu.memory_space<vmem>>
      %dma_start3A_198 = tpu.memref_squeeze %dma_start3A_197 : memref<1x128xi32, #tpu.memory_space<vmem>> -> memref<128xi32, #tpu.memory_space<vmem>>
      %dma_start3A_199 = arith.constant 0 : i32
      %dma_start3A_200 = tpu.memref_slice %arg2[%dma_start3A_199] : memref<50331648xf32, #tpu.memory_space<hbm>> -> memref<50331648xf32, #tpu.memory_space<hbm>>
      tpu.enqueue_indirect_dma source(%dma_start3A_200 : memref<50331648xf32, #tpu.memory_space<hbm>>) target(%dma_start3A_195 : memref<128xf32, #tpu.memory_space<vmem>>) offsets(%dma_start3A_198 : memref<128xi32, #tpu.memory_space<vmem>>) semaphore(%arg13 : memref<!tpu.dma_semaphore, #tpu.memory_space<semaphore_mem>>)
      %mul3A_201 = arith.constant 8 : i32
      %mul3A_202 = arith.muli %add3A_102, %mul3A_201 : i32
      %add3A_203 = arith.constant 7 : i32
      %add3A_204 = arith.addi %mul3A_202, %add3A_203 : i32
      %dma_start3A_205 = arith.constant 1 : i32
      %dma_start3A_206 = arith.constant 7 : i32
      %dma_start3A_207 = arith.constant 0 : i32
      %dma_start3A_208 = tpu.memref_slice %arg10[%dma_start3A_205, %dma_start3A_206, %dma_start3A_207] : memref<2x8x128xf32, #tpu.memory_space<vmem>> -> memref<1x1x128xf32, #tpu.memory_space<vmem>>
      %dma_start3A_209 = tpu.memref_squeeze %dma_start3A_208 : memref<1x1x128xf32, #tpu.memory_space<vmem>> -> memref<128xf32, #tpu.memory_space<vmem>>
      %dma_start3A_210 = arith.constant 0 : i32
      %dma_start3A_211 = tpu.memref_slice %arg7[%add3A_204, %dma_start3A_210] : memref<384x128xi32, #tpu.memory_space<vmem>> -> memref<1x128xi32, #tpu.memory_space<vmem>>
      %dma_start3A_212 = tpu.memref_squeeze %dma_start3A_211 : memref<1x128xi32, #tpu.memory_space<vmem>> -> memref<128xi32, #tpu.memory_space<vmem>>
      %dma_start3A_213 = arith.constant 0 : i32
      %dma_start3A_214 = tpu.memref_slice %arg2[%dma_start3A_213] : memref<50331648xf32, #tpu.memory_space<hbm>> -> memref<50331648xf32, #tpu.memory_space<hbm>>
      tpu.enqueue_indirect_dma source(%dma_start3A_214 : memref<50331648xf32, #tpu.memory_space<hbm>>) target(%dma_start3A_209 : memref<128xf32, #tpu.memory_space<vmem>>) offsets(%dma_start3A_212 : memref<128xi32, #tpu.memory_space<vmem>>) semaphore(%arg13 : memref<!tpu.dma_semaphore, #tpu.memory_space<semaphore_mem>>)
      %mul3A_215 = arith.constant 8 : i32
      %mul3A_216 = arith.muli %mul3A_100, %mul3A_215 : i32
      %add3A_217 = arith.constant 0 : i32
      %add3A_218 = arith.addi %mul3A_216, %add3A_217 : i32
      %dma_wait3A = arith.constant 0 : i32
      %dma_wait3A_219 = arith.constant 0 : i32
      %dma_wait3A_220 = arith.constant 0 : i32
      %dma_wait3A_221 = tpu.memref_slice %arg10[%dma_wait3A, %dma_wait3A_219, %dma_wait3A_220] : memref<2x8x128xf32, #tpu.memory_space<vmem>> -> memref<1x1x128xf32, #tpu.memory_space<vmem>>
      %dma_wait3A_222 = tpu.memref_squeeze %dma_wait3A_221 : memref<1x1x128xf32, #tpu.memory_space<vmem>> -> memref<128xf32, #tpu.memory_space<vmem>>
      %dma_wait3A_223 = arith.constant 0 : i32
      %dma_wait3A_224 = tpu.memref_slice %arg7[%add3A_218, %dma_wait3A_223] : memref<384x128xi32, #tpu.memory_space<vmem>> -> memref<1x128xi32, #tpu.memory_space<vmem>>
      %dma_wait3A_225 = tpu.memref_squeeze %dma_wait3A_224 : memref<1x128xi32, #tpu.memory_space<vmem>> -> memref<128xi32, #tpu.memory_space<vmem>>
      %dma_wait3A_226 = arith.constant 0 : i32
      %dma_wait3A_227 = tpu.memref_slice %arg2[%dma_wait3A_226] : memref<50331648xf32, #tpu.memory_space<hbm>> -> memref<50331648xf32, #tpu.memory_space<hbm>>
      tpu.wait_indirect_dma semaphore(%arg12 : memref<!tpu.dma_semaphore, #tpu.memory_space<semaphore_mem>>) src(%dma_wait3A_227 : memref<50331648xf32, #tpu.memory_space<hbm>>) dst(%dma_wait3A_222 : memref<128xf32, #tpu.memory_space<vmem>>)
      %mul3A_228 = arith.constant 8 : i32
      %mul3A_229 = arith.muli %mul3A_100, %mul3A_228 : i32
      %add3A_230 = arith.constant 1 : i32
      %add3A_231 = arith.addi %mul3A_229, %add3A_230 : i32
      %dma_wait3A_232 = arith.constant 0 : i32
      %dma_wait3A_233 = arith.constant 1 : i32
      %dma_wait3A_234 = arith.constant 0 : i32
      %dma_wait3A_235 = tpu.memref_slice %arg10[%dma_wait3A_232, %dma_wait3A_233, %dma_wait3A_234] : memref<2x8x128xf32, #tpu.memory_space<vmem>> -> memref<1x1x128xf32, #tpu.memory_space<vmem>>
      %dma_wait3A_236 = tpu.memref_squeeze %dma_wait3A_235 : memref<1x1x128xf32, #tpu.memory_space<vmem>> -> memref<128xf32, #tpu.memory_space<vmem>>
      %dma_wait3A_237 = arith.constant 0 : i32
      %dma_wait3A_238 = tpu.memref_slice %arg7[%add3A_231, %dma_wait3A_237] : memref<384x128xi32, #tpu.memory_space<vmem>> -> memref<1x128xi32, #tpu.memory_space<vmem>>
      %dma_wait3A_239 = tpu.memref_squeeze %dma_wait3A_238 : memref<1x128xi32, #tpu.memory_space<vmem>> -> memref<128xi32, #tpu.memory_space<vmem>>
      %dma_wait3A_240 = arith.constant 0 : i32
      %dma_wait3A_241 = tpu.memref_slice %arg2[%dma_wait3A_240] : memref<50331648xf32, #tpu.memory_space<hbm>> -> memref<50331648xf32, #tpu.memory_space<hbm>>
      tpu.wait_indirect_dma semaphore(%arg12 : memref<!tpu.dma_semaphore, #tpu.memory_space<semaphore_mem>>) src(%dma_wait3A_241 : memref<50331648xf32, #tpu.memory_space<hbm>>) dst(%dma_wait3A_236 : memref<128xf32, #tpu.memory_space<vmem>>)
      %mul3A_242 = arith.constant 8 : i32
      %mul3A_243 = arith.muli %mul3A_100, %mul3A_242 : i32
      %add3A_244 = arith.constant 2 : i32
      %add3A_245 = arith.addi %mul3A_243, %add3A_244 : i32
      %dma_wait3A_246 = arith.constant 0 : i32
      %dma_wait3A_247 = arith.constant 2 : i32
      %dma_wait3A_248 = arith.constant 0 : i32
      %dma_wait3A_249 = tpu.memref_slice %arg10[%dma_wait3A_246, %dma_wait3A_247, %dma_wait3A_248] : memref<2x8x128xf32, #tpu.memory_space<vmem>> -> memref<1x1x128xf32, #tpu.memory_space<vmem>>
      %dma_wait3A_250 = tpu.memref_squeeze %dma_wait3A_249 : memref<1x1x128xf32, #tpu.memory_space<vmem>> -> memref<128xf32, #tpu.memory_space<vmem>>
      %dma_wait3A_251 = arith.constant 0 : i32
      %dma_wait3A_252 = tpu.memref_slice %arg7[%add3A_245, %dma_wait3A_251] : memref<384x128xi32, #tpu.memory_space<vmem>> -> memref<1x128xi32, #tpu.memory_space<vmem>>
      %dma_wait3A_253 = tpu.memref_squeeze %dma_wait3A_252 : memref<1x128xi32, #tpu.memory_space<vmem>> -> memref<128xi32, #tpu.memory_space<vmem>>
      %dma_wait3A_254 = arith.constant 0 : i32
      %dma_wait3A_255 = tpu.memref_slice %arg2[%dma_wait3A_254] : memref<50331648xf32, #tpu.memory_space<hbm>> -> memref<50331648xf32, #tpu.memory_space<hbm>>
      tpu.wait_indirect_dma semaphore(%arg12 : memref<!tpu.dma_semaphore, #tpu.memory_space<semaphore_mem>>) src(%dma_wait3A_255 : memref<50331648xf32, #tpu.memory_space<hbm>>) dst(%dma_wait3A_250 : memref<128xf32, #tpu.memory_space<vmem>>)
      %mul3A_256 = arith.constant 8 : i32
      %mul3A_257 = arith.muli %mul3A_100, %mul3A_256 : i32
      %add3A_258 = arith.constant 3 : i32
      %add3A_259 = arith.addi %mul3A_257, %add3A_258 : i32
      %dma_wait3A_260 = arith.constant 0 : i32
      %dma_wait3A_261 = arith.constant 3 : i32
      %dma_wait3A_262 = arith.constant 0 : i32
      %dma_wait3A_263 = tpu.memref_slice %arg10[%dma_wait3A_260, %dma_wait3A_261, %dma_wait3A_262] : memref<2x8x128xf32, #tpu.memory_space<vmem>> -> memref<1x1x128xf32, #tpu.memory_space<vmem>>
      %dma_wait3A_264 = tpu.memref_squeeze %dma_wait3A_263 : memref<1x1x128xf32, #tpu.memory_space<vmem>> -> memref<128xf32, #tpu.memory_space<vmem>>
      %dma_wait3A_265 = arith.constant 0 : i32
      %dma_wait3A_266 = tpu.memref_slice %arg7[%add3A_259, %dma_wait3A_265] : memref<384x128xi32, #tpu.memory_space<vmem>> -> memref<1x128xi32, #tpu.memory_space<vmem>>
      %dma_wait3A_267 = tpu.memref_squeeze %dma_wait3A_266 : memref<1x128xi32, #tpu.memory_space<vmem>> -> memref<128xi32, #tpu.memory_space<vmem>>
      %dma_wait3A_268 = arith.constant 0 : i32
      %dma_wait3A_269 = tpu.memref_slice %arg2[%dma_wait3A_268] : memref<50331648xf32, #tpu.memory_space<hbm>> -> memref<50331648xf32, #tpu.memory_space<hbm>>
      tpu.wait_indirect_dma semaphore(%arg12 : memref<!tpu.dma_semaphore, #tpu.memory_space<semaphore_mem>>) src(%dma_wait3A_269 : memref<50331648xf32, #tpu.memory_space<hbm>>) dst(%dma_wait3A_264 : memref<128xf32, #tpu.memory_space<vmem>>)
      %mul3A_270 = arith.constant 8 : i32
      %mul3A_271 = arith.muli %mul3A_100, %mul3A_270 : i32
      %add3A_272 = arith.constant 4 : i32
      %add3A_273 = arith.addi %mul3A_271, %add3A_272 : i32
      %dma_wait3A_274 = arith.constant 0 : i32
      %dma_wait3A_275 = arith.constant 4 : i32
      %dma_wait3A_276 = arith.constant 0 : i32
      %dma_wait3A_277 = tpu.memref_slice %arg10[%dma_wait3A_274, %dma_wait3A_275, %dma_wait3A_276] : memref<2x8x128xf32, #tpu.memory_space<vmem>> -> memref<1x1x128xf32, #tpu.memory_space<vmem>>
      %dma_wait3A_278 = tpu.memref_squeeze %dma_wait3A_277 : memref<1x1x128xf32, #tpu.memory_space<vmem>> -> memref<128xf32, #tpu.memory_space<vmem>>
      %dma_wait3A_279 = arith.constant 0 : i32
      %dma_wait3A_280 = tpu.memref_slice %arg7[%add3A_273, %dma_wait3A_279] : memref<384x128xi32, #tpu.memory_space<vmem>> -> memref<1x128xi32, #tpu.memory_space<vmem>>
      %dma_wait3A_281 = tpu.memref_squeeze %dma_wait3A_280 : memref<1x128xi32, #tpu.memory_space<vmem>> -> memref<128xi32, #tpu.memory_space<vmem>>
      %dma_wait3A_282 = arith.constant 0 : i32
      %dma_wait3A_283 = tpu.memref_slice %arg2[%dma_wait3A_282] : memref<50331648xf32, #tpu.memory_space<hbm>> -> memref<50331648xf32, #tpu.memory_space<hbm>>
      tpu.wait_indirect_dma semaphore(%arg12 : memref<!tpu.dma_semaphore, #tpu.memory_space<semaphore_mem>>) src(%dma_wait3A_283 : memref<50331648xf32, #tpu.memory_space<hbm>>) dst(%dma_wait3A_278 : memref<128xf32, #tpu.memory_space<vmem>>)
      %mul3A_284 = arith.constant 8 : i32
      %mul3A_285 = arith.muli %mul3A_100, %mul3A_284 : i32
      %add3A_286 = arith.constant 5 : i32
      %add3A_287 = arith.addi %mul3A_285, %add3A_286 : i32
      %dma_wait3A_288 = arith.constant 0 : i32
      %dma_wait3A_289 = arith.constant 5 : i32
      %dma_wait3A_290 = arith.constant 0 : i32
      %dma_wait3A_291 = tpu.memref_slice %arg10[%dma_wait3A_288, %dma_wait3A_289, %dma_wait3A_290] : memref<2x8x128xf32, #tpu.memory_space<vmem>> -> memref<1x1x128xf32, #tpu.memory_space<vmem>>
      %dma_wait3A_292 = tpu.memref_squeeze %dma_wait3A_291 : memref<1x1x128xf32, #tpu.memory_space<vmem>> -> memref<128xf32, #tpu.memory_space<vmem>>
      %dma_wait3A_293 = arith.constant 0 : i32
      %dma_wait3A_294 = tpu.memref_slice %arg7[%add3A_287, %dma_wait3A_293] : memref<384x128xi32, #tpu.memory_space<vmem>> -> memref<1x128xi32, #tpu.memory_space<vmem>>
      %dma_wait3A_295 = tpu.memref_squeeze %dma_wait3A_294 : memref<1x128xi32, #tpu.memory_space<vmem>> -> memref<128xi32, #tpu.memory_space<vmem>>
      %dma_wait3A_296 = arith.constant 0 : i32
      %dma_wait3A_297 = tpu.memref_slice %arg2[%dma_wait3A_296] : memref<50331648xf32, #tpu.memory_space<hbm>> -> memref<50331648xf32, #tpu.memory_space<hbm>>
      tpu.wait_indirect_dma semaphore(%arg12 : memref<!tpu.dma_semaphore, #tpu.memory_space<semaphore_mem>>) src(%dma_wait3A_297 : memref<50331648xf32, #tpu.memory_space<hbm>>) dst(%dma_wait3A_292 : memref<128xf32, #tpu.memory_space<vmem>>)
      %mul3A_298 = arith.constant 8 : i32
      %mul3A_299 = arith.muli %mul3A_100, %mul3A_298 : i32
      %add3A_300 = arith.constant 6 : i32
      %add3A_301 = arith.addi %mul3A_299, %add3A_300 : i32
      %dma_wait3A_302 = arith.constant 0 : i32
      %dma_wait3A_303 = arith.constant 6 : i32
      %dma_wait3A_304 = arith.constant 0 : i32
      %dma_wait3A_305 = tpu.memref_slice %arg10[%dma_wait3A_302, %dma_wait3A_303, %dma_wait3A_304] : memref<2x8x128xf32, #tpu.memory_space<vmem>> -> memref<1x1x128xf32, #tpu.memory_space<vmem>>
      %dma_wait3A_306 = tpu.memref_squeeze %dma_wait3A_305 : memref<1x1x128xf32, #tpu.memory_space<vmem>> -> memref<128xf32, #tpu.memory_space<vmem>>
      %dma_wait3A_307 = arith.constant 0 : i32
      %dma_wait3A_308 = tpu.memref_slice %arg7[%add3A_301, %dma_wait3A_307] : memref<384x128xi32, #tpu.memory_space<vmem>> -> memref<1x128xi32, #tpu.memory_space<vmem>>
      %dma_wait3A_309 = tpu.memref_squeeze %dma_wait3A_308 : memref<1x128xi32, #tpu.memory_space<vmem>> -> memref<128xi32, #tpu.memory_space<vmem>>
      %dma_wait3A_310 = arith.constant 0 : i32
      %dma_wait3A_311 = tpu.memref_slice %arg2[%dma_wait3A_310] : memref<50331648xf32, #tpu.memory_space<hbm>> -> memref<50331648xf32, #tpu.memory_space<hbm>>
      tpu.wait_indirect_dma semaphore(%arg12 : memref<!tpu.dma_semaphore, #tpu.memory_space<semaphore_mem>>) src(%dma_wait3A_311 : memref<50331648xf32, #tpu.memory_space<hbm>>) dst(%dma_wait3A_306 : memref<128xf32, #tpu.memory_space<vmem>>)
      %mul3A_312 = arith.constant 8 : i32
      %mul3A_313 = arith.muli %mul3A_100, %mul3A_312 : i32
      %add3A_314 = arith.constant 7 : i32
      %add3A_315 = arith.addi %mul3A_313, %add3A_314 : i32
      %dma_wait3A_316 = arith.constant 0 : i32
      %dma_wait3A_317 = arith.constant 7 : i32
      %dma_wait3A_318 = arith.constant 0 : i32
      %dma_wait3A_319 = tpu.memref_slice %arg10[%dma_wait3A_316, %dma_wait3A_317, %dma_wait3A_318] : memref<2x8x128xf32, #tpu.memory_space<vmem>> -> memref<1x1x128xf32, #tpu.memory_space<vmem>>
      %dma_wait3A_320 = tpu.memref_squeeze %dma_wait3A_319 : memref<1x1x128xf32, #tpu.memory_space<vmem>> -> memref<128xf32, #tpu.memory_space<vmem>>
      %dma_wait3A_321 = arith.constant 0 : i32
      %dma_wait3A_322 = tpu.memref_slice %arg7[%add3A_315, %dma_wait3A_321] : memref<384x128xi32, #tpu.memory_space<vmem>> -> memref<1x128xi32, #tpu.memory_space<vmem>>
      %dma_wait3A_323 = tpu.memref_squeeze %dma_wait3A_322 : memref<1x128xi32, #tpu.memory_space<vmem>> -> memref<128xi32, #tpu.memory_space<vmem>>
      %dma_wait3A_324 = arith.constant 0 : i32
      %dma_wait3A_325 = tpu.memref_slice %arg2[%dma_wait3A_324] : memref<50331648xf32, #tpu.memory_space<hbm>> -> memref<50331648xf32, #tpu.memory_space<hbm>>
      tpu.wait_indirect_dma semaphore(%arg12 : memref<!tpu.dma_semaphore, #tpu.memory_space<semaphore_mem>>) src(%dma_wait3A_325 : memref<50331648xf32, #tpu.memory_space<hbm>>) dst(%dma_wait3A_320 : memref<128xf32, #tpu.memory_space<vmem>>)
      %mul3A_326 = arith.constant 8 : i32
      %mul3A_327 = arith.muli %mul3A_100, %mul3A_326 : i32
      %add3A_328 = arith.constant 0 : i32
      %add3A_329 = arith.addi %mul3A_327, %add3A_328 : i32
      %get3A = arith.constant 0 : index
      %get3A_330 = tpu.vector_load %arg9[%get3A] {strides = array<i32>} : memref<512xf32, #tpu.memory_space<vmem>>, vector<16xf32>,
      %get3A_331 = vector.shape_cast %get3A_330 : vector<16xf32> to vector<16xf32>
      %mul3A_332 = arith.constant 128 : i32
      %mul3A_333 = arith.muli %add3A_329, %mul3A_332 : i32
      %add3A_334 = arith.constant 0 : i32
      %add3A_335 = arith.addi %mul3A_333, %add3A_334 : i32
      %get3A_336 = arith.index_cast %add3A_335 : i32 to index
      %get3A_337 = tpu.vector_load %arg8[%get3A_336] {strides = array<i32>} : memref<49152xf32, #tpu.memory_space<vmem>>, vector<16xf32>,
      %get3A_338 = vector.shape_cast %get3A_337 : vector<16xf32> to vector<16xf32>
      %get3A_339 = arith.constant 0 : i32
      %get3A_340 = arith.constant 0 : i32
      %get3A_341 = arith.index_cast %get3A_339 : i32 to index
      %get3A_342 = arith.index_cast %get3A_340 : i32 to index
      %get3A_343 = arith.constant 0 : index
      %get3A_344 = tpu.vector_load %arg10[%get3A_341, %get3A_342, %get3A_343] {strides = array<i32>} : memref<2x8x128xf32, #tpu.memory_space<vmem>>, vector<1x1x16xf32>,
      %get3A_345 = vector.shape_cast %get3A_344 : vector<1x1x16xf32> to vector<16xf32>
      %sub3A = arith.subf %get3A_345, %get3A_338 : vector<16xf32>
      %abs3A = math.absf %sub3A : vector<16xf32>
      %mul3A_346 = arith.mulf %get3A_331, %abs3A : vector<16xf32>
      %add3A_347 = arith.addf %scan3A_98, %mul3A_346 : vector<16xf32>
      %get3A_348 = arith.constant 16 : index
      %get3A_349 = tpu.vector_load %arg9[%get3A_348] {strides = array<i32>} : memref<512xf32, #tpu.memory_space<vmem>>, vector<16xf32>,
      %get3A_350 = vector.shape_cast %get3A_349 : vector<16xf32> to vector<16xf32>
      %mul3A_351 = arith.constant 128 : i32
      %mul3A_352 = arith.muli %add3A_329, %mul3A_351 : i32
      %add3A_353 = arith.constant 16 : i32
      %add3A_354 = arith.addi %mul3A_352, %add3A_353 : i32
      %get3A_355 = arith.index_cast %add3A_354 : i32 to index
      %get3A_356 = tpu.vector_load %arg8[%get3A_355] {strides = array<i32>} : memref<49152xf32, #tpu.memory_space<vmem>>, vector<16xf32>,
      %get3A_357 = vector.shape_cast %get3A_356 : vector<16xf32> to vector<16xf32>
      %get3A_358 = arith.constant 0 : i32
      %get3A_359 = arith.constant 0 : i32
      %get3A_360 = arith.index_cast %get3A_358 : i32 to index
      %get3A_361 = arith.index_cast %get3A_359 : i32 to index
      %get3A_362 = arith.constant 16 : index
      %get3A_363 = tpu.vector_load %arg10[%get3A_360, %get3A_361, %get3A_362] {strides = array<i32>} : memref<2x8x128xf32, #tpu.memory_space<vmem>>, vector<1x1x16xf32>,
      %get3A_364 = vector.shape_cast %get3A_363 : vector<1x1x16xf32> to vector<16xf32>
      %sub3A_365 = arith.subf %get3A_364, %get3A_357 : vector<16xf32>
      %abs3A_366 = math.absf %sub3A_365 : vector<16xf32>
      %mul3A_367 = arith.mulf %get3A_350, %abs3A_366 : vector<16xf32>
      %add3A_368 = arith.addf %add3A_347, %mul3A_367 : vector<16xf32>
      %get3A_369 = arith.constant 32 : index
      %get3A_370 = tpu.vector_load %arg9[%get3A_369] {strides = array<i32>} : memref<512xf32, #tpu.memory_space<vmem>>, vector<16xf32>,
      %get3A_371 = vector.shape_cast %get3A_370 : vector<16xf32> to vector<16xf32>
      %mul3A_372 = arith.constant 128 : i32
      %mul3A_373 = arith.muli %add3A_329, %mul3A_372 : i32
      %add3A_374 = arith.constant 32 : i32
      %add3A_375 = arith.addi %mul3A_373, %add3A_374 : i32
      %get3A_376 = arith.index_cast %add3A_375 : i32 to index
      %get3A_377 = tpu.vector_load %arg8[%get3A_376] {strides = array<i32>} : memref<49152xf32, #tpu.memory_space<vmem>>, vector<16xf32>,
      %get3A_378 = vector.shape_cast %get3A_377 : vector<16xf32> to vector<16xf32>
      %get3A_379 = arith.constant 0 : i32
      %get3A_380 = arith.constant 0 : i32
      %get3A_381 = arith.index_cast %get3A_379 : i32 to index
      %get3A_382 = arith.index_cast %get3A_380 : i32 to index
      %get3A_383 = arith.constant 32 : index
      %get3A_384 = tpu.vector_load %arg10[%get3A_381, %get3A_382, %get3A_383] {strides = array<i32>} : memref<2x8x128xf32, #tpu.memory_space<vmem>>, vector<1x1x16xf32>,
      %get3A_385 = vector.shape_cast %get3A_384 : vector<1x1x16xf32> to vector<16xf32>
      %sub3A_386 = arith.subf %get3A_385, %get3A_378 : vector<16xf32>
      %abs3A_387 = math.absf %sub3A_386 : vector<16xf32>
      %mul3A_388 = arith.mulf %get3A_371, %abs3A_387 : vector<16xf32>
      %add3A_389 = arith.addf %add3A_368, %mul3A_388 : vector<16xf32>
      %get3A_390 = arith.constant 48 : index
      %get3A_391 = tpu.vector_load %arg9[%get3A_390] {strides = array<i32>} : memref<512xf32, #tpu.memory_space<vmem>>, vector<16xf32>,
      %get3A_392 = vector.shape_cast %get3A_391 : vector<16xf32> to vector<16xf32>
      %mul3A_393 = arith.constant 128 : i32
      %mul3A_394 = arith.muli %add3A_329, %mul3A_393 : i32
      %add3A_395 = arith.constant 48 : i32
      %add3A_396 = arith.addi %mul3A_394, %add3A_395 : i32
      %get3A_397 = arith.index_cast %add3A_396 : i32 to index
      %get3A_398 = tpu.vector_load %arg8[%get3A_397] {strides = array<i32>} : memref<49152xf32, #tpu.memory_space<vmem>>, vector<16xf32>,
      %get3A_399 = vector.shape_cast %get3A_398 : vector<16xf32> to vector<16xf32>
      %get3A_400 = arith.constant 0 : i32
      %get3A_401 = arith.constant 0 : i32
      %get3A_402 = arith.index_cast %get3A_400 : i32 to index
      %get3A_403 = arith.index_cast %get3A_401 : i32 to index
      %get3A_404 = arith.constant 48 : index
      %get3A_405 = tpu.vector_load %arg10[%get3A_402, %get3A_403, %get3A_404] {strides = array<i32>} : memref<2x8x128xf32, #tpu.memory_space<vmem>>, vector<1x1x16xf32>,
      %get3A_406 = vector.shape_cast %get3A_405 : vector<1x1x16xf32> to vector<16xf32>
      %sub3A_407 = arith.subf %get3A_406, %get3A_399 : vector<16xf32>
      %abs3A_408 = math.absf %sub3A_407 : vector<16xf32>
      %mul3A_409 = arith.mulf %get3A_392, %abs3A_408 : vector<16xf32>
      %add3A_410 = arith.addf %add3A_389, %mul3A_409 : vector<16xf32>
      %get3A_411 = arith.constant 64 : index
      %get3A_412 = tpu.vector_load %arg9[%get3A_411] {strides = array<i32>} : memref<512xf32, #tpu.memory_space<vmem>>, vector<16xf32>,
      %get3A_413 = vector.shape_cast %get3A_412 : vector<16xf32> to vector<16xf32>
      %mul3A_414 = arith.constant 128 : i32
      %mul3A_415 = arith.muli %add3A_329, %mul3A_414 : i32
      %add3A_416 = arith.constant 64 : i32
      %add3A_417 = arith.addi %mul3A_415, %add3A_416 : i32
      %get3A_418 = arith.index_cast %add3A_417 : i32 to index
      %get3A_419 = tpu.vector_load %arg8[%get3A_418] {strides = array<i32>} : memref<49152xf32, #tpu.memory_space<vmem>>, vector<16xf32>,
      %get3A_420 = vector.shape_cast %get3A_419 : vector<16xf32> to vector<16xf32>
      %get3A_421 = arith.constant 0 : i32
      %get3A_422 = arith.constant 0 : i32
      %get3A_423 = arith.index_cast %get3A_421 : i32 to index
      %get3A_424 = arith.index_cast %get3A_422 : i32 to index
      %get3A_425 = arith.constant 64 : index
      %get3A_426 = tpu.vector_load %arg10[%get3A_423, %get3A_424, %get3A_425] {strides = array<i32>} : memref<2x8x128xf32, #tpu.memory_space<vmem>>, vector<1x1x16xf32>,
      %get3A_427 = vector.shape_cast %get3A_426 : vector<1x1x16xf32> to vector<16xf32>
      %sub3A_428 = arith.subf %get3A_427, %get3A_420 : vector<16xf32>
      %abs3A_429 = math.absf %sub3A_428 : vector<16xf32>
      %mul3A_430 = arith.mulf %get3A_413, %abs3A_429 : vector<16xf32>
      %add3A_431 = arith.addf %add3A_410, %mul3A_430 : vector<16xf32>
      %get3A_432 = arith.constant 80 : index
      %get3A_433 = tpu.vector_load %arg9[%get3A_432] {strides = array<i32>} : memref<512xf32, #tpu.memory_space<vmem>>, vector<16xf32>,
      %get3A_434 = vector.shape_cast %get3A_433 : vector<16xf32> to vector<16xf32>
      %mul3A_435 = arith.constant 128 : i32
      %mul3A_436 = arith.muli %add3A_329, %mul3A_435 : i32
      %add3A_437 = arith.constant 80 : i32
      %add3A_438 = arith.addi %mul3A_436, %add3A_437 : i32
      %get3A_439 = arith.index_cast %add3A_438 : i32 to index
      %get3A_440 = tpu.vector_load %arg8[%get3A_439] {strides = array<i32>} : memref<49152xf32, #tpu.memory_space<vmem>>, vector<16xf32>,
      %get3A_441 = vector.shape_cast %get3A_440 : vector<16xf32> to vector<16xf32>
      %get3A_442 = arith.constant 0 : i32
      %get3A_443 = arith.constant 0 : i32
      %get3A_444 = arith.index_cast %get3A_442 : i32 to index
      %get3A_445 = arith.index_cast %get3A_443 : i32 to index
      %get3A_446 = arith.constant 80 : index
      %get3A_447 = tpu.vector_load %arg10[%get3A_444, %get3A_445, %get3A_446] {strides = array<i32>} : memref<2x8x128xf32, #tpu.memory_space<vmem>>, vector<1x1x16xf32>,
      %get3A_448 = vector.shape_cast %get3A_447 : vector<1x1x16xf32> to vector<16xf32>
      %sub3A_449 = arith.subf %get3A_448, %get3A_441 : vector<16xf32>
      %abs3A_450 = math.absf %sub3A_449 : vector<16xf32>
      %mul3A_451 = arith.mulf %get3A_434, %abs3A_450 : vector<16xf32>
      %add3A_452 = arith.addf %add3A_431, %mul3A_451 : vector<16xf32>
      %get3A_453 = arith.constant 96 : index
      %get3A_454 = tpu.vector_load %arg9[%get3A_453] {strides = array<i32>} : memref<512xf32, #tpu.memory_space<vmem>>, vector<16xf32>,
      %get3A_455 = vector.shape_cast %get3A_454 : vector<16xf32> to vector<16xf32>
      %mul3A_456 = arith.constant 128 : i32
      %mul3A_457 = arith.muli %add3A_329, %mul3A_456 : i32
      %add3A_458 = arith.constant 96 : i32
      %add3A_459 = arith.addi %mul3A_457, %add3A_458 : i32
      %get3A_460 = arith.index_cast %add3A_459 : i32 to index
      %get3A_461 = tpu.vector_load %arg8[%get3A_460] {strides = array<i32>} : memref<49152xf32, #tpu.memory_space<vmem>>, vector<16xf32>,
      %get3A_462 = vector.shape_cast %get3A_461 : vector<16xf32> to vector<16xf32>
      %get3A_463 = arith.constant 0 : i32
      %get3A_464 = arith.constant 0 : i32
      %get3A_465 = arith.index_cast %get3A_463 : i32 to index
      %get3A_466 = arith.index_cast %get3A_464 : i32 to index
      %get3A_467 = arith.constant 96 : index
      %get3A_468 = tpu.vector_load %arg10[%get3A_465, %get3A_466, %get3A_467] {strides = array<i32>} : memref<2x8x128xf32, #tpu.memory_space<vmem>>, vector<1x1x16xf32>,
      %get3A_469 = vector.shape_cast %get3A_468 : vector<1x1x16xf32> to vector<16xf32>
      %sub3A_470 = arith.subf %get3A_469, %get3A_462 : vector<16xf32>
      %abs3A_471 = math.absf %sub3A_470 : vector<16xf32>
      %mul3A_472 = arith.mulf %get3A_455, %abs3A_471 : vector<16xf32>
      %add3A_473 = arith.addf %add3A_452, %mul3A_472 : vector<16xf32>
      %get3A_474 = arith.constant 112 : index
      %get3A_475 = tpu.vector_load %arg9[%get3A_474] {strides = array<i32>} : memref<512xf32, #tpu.memory_space<vmem>>, vector<16xf32>,
      %get3A_476 = vector.shape_cast %get3A_475 : vector<16xf32> to vector<16xf32>
      %mul3A_477 = arith.constant 128 : i32
      %mul3A_478 = arith.muli %add3A_329, %mul3A_477 : i32
      %add3A_479 = arith.constant 112 : i32
      %add3A_480 = arith.addi %mul3A_478, %add3A_479 : i32
      %get3A_481 = arith.index_cast %add3A_480 : i32 to index
      %get3A_482 = tpu.vector_load %arg8[%get3A_481] {strides = array<i32>} : memref<49152xf32, #tpu.memory_space<vmem>>, vector<16xf32>,
      %get3A_483 = vector.shape_cast %get3A_482 : vector<16xf32> to vector<16xf32>
      %get3A_484 = arith.constant 0 : i32
      %get3A_485 = arith.constant 0 : i32
      %get3A_486 = arith.index_cast %get3A_484 : i32 to index
      %get3A_487 = arith.index_cast %get3A_485 : i32 to index
      %get3A_488 = arith.constant 112 : index
      %get3A_489 = tpu.vector_load %arg10[%get3A_486, %get3A_487, %get3A_488] {strides = array<i32>} : memref<2x8x128xf32, #tpu.memory_space<vmem>>, vector<1x1x16xf32>,
      %get3A_490 = vector.shape_cast %get3A_489 : vector<1x1x16xf32> to vector<16xf32>
      %sub3A_491 = arith.subf %get3A_490, %get3A_483 : vector<16xf32>
      %abs3A_492 = math.absf %sub3A_491 : vector<16xf32>
      %mul3A_493 = arith.mulf %get3A_476, %abs3A_492 : vector<16xf32>
      %add3A_494 = arith.addf %add3A_473, %mul3A_493 : vector<16xf32>
      %mul3A_495 = arith.constant 8 : i32
      %mul3A_496 = arith.muli %mul3A_100, %mul3A_495 : i32
      %add3A_497 = arith.constant 1 : i32
      %add3A_498 = arith.addi %mul3A_496, %add3A_497 : i32
      %get3A_499 = arith.constant 128 : index
      %get3A_500 = tpu.vector_load %arg9[%get3A_499] {strides = array<i32>} : memref<512xf32, #tpu.memory_space<vmem>>, vector<16xf32>,
      %get3A_501 = vector.shape_cast %get3A_500 : vector<16xf32> to vector<16xf32>
      %mul3A_502 = arith.constant 128 : i32
      %mul3A_503 = arith.muli %add3A_498, %mul3A_502 : i32
      %add3A_504 = arith.constant 0 : i32
      %add3A_505 = arith.addi %mul3A_503, %add3A_504 : i32
      %get3A_506 = arith.index_cast %add3A_505 : i32 to index
      %get3A_507 = tpu.vector_load %arg8[%get3A_506] {strides = array<i32>} : memref<49152xf32, #tpu.memory_space<vmem>>, vector<16xf32>,
      %get3A_508 = vector.shape_cast %get3A_507 : vector<16xf32> to vector<16xf32>
      %get3A_509 = arith.constant 0 : i32
      %get3A_510 = arith.constant 1 : i32
      %get3A_511 = arith.index_cast %get3A_509 : i32 to index
      %get3A_512 = arith.index_cast %get3A_510 : i32 to index
      %get3A_513 = arith.constant 0 : index
      %get3A_514 = tpu.vector_load %arg10[%get3A_511, %get3A_512, %get3A_513] {strides = array<i32>} : memref<2x8x128xf32, #tpu.memory_space<vmem>>, vector<1x1x16xf32>,
      %get3A_515 = vector.shape_cast %get3A_514 : vector<1x1x16xf32> to vector<16xf32>
      %sub3A_516 = arith.subf %get3A_515, %get3A_508 : vector<16xf32>
      %abs3A_517 = math.absf %sub3A_516 : vector<16xf32>
      %mul3A_518 = arith.mulf %get3A_501, %abs3A_517 : vector<16xf32>
      %add3A_519 = arith.addf %add3A_494, %mul3A_518 : vector<16xf32>
      %get3A_520 = arith.constant 144 : index
      %get3A_521 = tpu.vector_load %arg9[%get3A_520] {strides = array<i32>} : memref<512xf32, #tpu.memory_space<vmem>>, vector<16xf32>,
      %get3A_522 = vector.shape_cast %get3A_521 : vector<16xf32> to vector<16xf32>
      %mul3A_523 = arith.constant 128 : i32
      %mul3A_524 = arith.muli %add3A_498, %mul3A_523 : i32
      %add3A_525 = arith.constant 16 : i32
      %add3A_526 = arith.addi %mul3A_524, %add3A_525 : i32
      %get3A_527 = arith.index_cast %add3A_526 : i32 to index
      %get3A_528 = tpu.vector_load %arg8[%get3A_527] {strides = array<i32>} : memref<49152xf32, #tpu.memory_space<vmem>>, vector<16xf32>,
      %get3A_529 = vector.shape_cast %get3A_528 : vector<16xf32> to vector<16xf32>
      %get3A_530 = arith.constant 0 : i32
      %get3A_531 = arith.constant 1 : i32
      %get3A_532 = arith.index_cast %get3A_530 : i32 to index
      %get3A_533 = arith.index_cast %get3A_531 : i32 to index
      %get3A_534 = arith.constant 16 : index
      %get3A_535 = tpu.vector_load %arg10[%get3A_532, %get3A_533, %get3A_534] {strides = array<i32>} : memref<2x8x128xf32, #tpu.memory_space<vmem>>, vector<1x1x16xf32>,
      %get3A_536 = vector.shape_cast %get3A_535 : vector<1x1x16xf32> to vector<16xf32>
      %sub3A_537 = arith.subf %get3A_536, %get3A_529 : vector<16xf32>
      %abs3A_538 = math.absf %sub3A_537 : vector<16xf32>
      %mul3A_539 = arith.mulf %get3A_522, %abs3A_538 : vector<16xf32>
      %add3A_540 = arith.addf %add3A_519, %mul3A_539 : vector<16xf32>
      %get3A_541 = arith.constant 160 : index
      %get3A_542 = tpu.vector_load %arg9[%get3A_541] {strides = array<i32>} : memref<512xf32, #tpu.memory_space<vmem>>, vector<16xf32>,
      %get3A_543 = vector.shape_cast %get3A_542 : vector<16xf32> to vector<16xf32>
      %mul3A_544 = arith.constant 128 : i32
      %mul3A_545 = arith.muli %add3A_498, %mul3A_544 : i32
      %add3A_546 = arith.constant 32 : i32
      %add3A_547 = arith.addi %mul3A_545, %add3A_546 : i32
      %get3A_548 = arith.index_cast %add3A_547 : i32 to index
      %get3A_549 = tpu.vector_load %arg8[%get3A_548] {strides = array<i32>} : memref<49152xf32, #tpu.memory_space<vmem>>, vector<16xf32>,
      %get3A_550 = vector.shape_cast %get3A_549 : vector<16xf32> to vector<16xf32>
      %get3A_551 = arith.constant 0 : i32
      %get3A_552 = arith.constant 1 : i32
      %get3A_553 = arith.index_cast %get3A_551 : i32 to index
      %get3A_554 = arith.index_cast %get3A_552 : i32 to index
      %get3A_555 = arith.constant 32 : index
      %get3A_556 = tpu.vector_load %arg10[%get3A_553, %get3A_554, %get3A_555] {strides = array<i32>} : memref<2x8x128xf32, #tpu.memory_space<vmem>>, vector<1x1x16xf32>,
      %get3A_557 = vector.shape_cast %get3A_556 : vector<1x1x16xf32> to vector<16xf32>
      %sub3A_558 = arith.subf %get3A_557, %get3A_550 : vector<16xf32>
      %abs3A_559 = math.absf %sub3A_558 : vector<16xf32>
      %mul3A_560 = arith.mulf %get3A_543, %abs3A_559 : vector<16xf32>
      %add3A_561 = arith.addf %add3A_540, %mul3A_560 : vector<16xf32>
      %get3A_562 = arith.constant 176 : index
      %get3A_563 = tpu.vector_load %arg9[%get3A_562] {strides = array<i32>} : memref<512xf32, #tpu.memory_space<vmem>>, vector<16xf32>,
      %get3A_564 = vector.shape_cast %get3A_563 : vector<16xf32> to vector<16xf32>
      %mul3A_565 = arith.constant 128 : i32
      %mul3A_566 = arith.muli %add3A_498, %mul3A_565 : i32
      %add3A_567 = arith.constant 48 : i32
      %add3A_568 = arith.addi %mul3A_566, %add3A_567 : i32
      %get3A_569 = arith.index_cast %add3A_568 : i32 to index
      %get3A_570 = tpu.vector_load %arg8[%get3A_569] {strides = array<i32>} : memref<49152xf32, #tpu.memory_space<vmem>>, vector<16xf32>,
      %get3A_571 = vector.shape_cast %get3A_570 : vector<16xf32> to vector<16xf32>
      %get3A_572 = arith.constant 0 : i32
      %get3A_573 = arith.constant 1 : i32
      %get3A_574 = arith.index_cast %get3A_572 : i32 to index
      %get3A_575 = arith.index_cast %get3A_573 : i32 to index
      %get3A_576 = arith.constant 48 : index
      %get3A_577 = tpu.vector_load %arg10[%get3A_574, %get3A_575, %get3A_576] {strides = array<i32>} : memref<2x8x128xf32, #tpu.memory_space<vmem>>, vector<1x1x16xf32>,
      %get3A_578 = vector.shape_cast %get3A_577 : vector<1x1x16xf32> to vector<16xf32>
      %sub3A_579 = arith.subf %get3A_578, %get3A_571 : vector<16xf32>
      %abs3A_580 = math.absf %sub3A_579 : vector<16xf32>
      %mul3A_581 = arith.mulf %get3A_564, %abs3A_580 : vector<16xf32>
      %add3A_582 = arith.addf %add3A_561, %mul3A_581 : vector<16xf32>
      %get3A_583 = arith.constant 192 : index
      %get3A_584 = tpu.vector_load %arg9[%get3A_583] {strides = array<i32>} : memref<512xf32, #tpu.memory_space<vmem>>, vector<16xf32>,
      %get3A_585 = vector.shape_cast %get3A_584 : vector<16xf32> to vector<16xf32>
      %mul3A_586 = arith.constant 128 : i32
      %mul3A_587 = arith.muli %add3A_498, %mul3A_586 : i32
      %add3A_588 = arith.constant 64 : i32
      %add3A_589 = arith.addi %mul3A_587, %add3A_588 : i32
      %get3A_590 = arith.index_cast %add3A_589 : i32 to index
      %get3A_591 = tpu.vector_load %arg8[%get3A_590] {strides = array<i32>} : memref<49152xf32, #tpu.memory_space<vmem>>, vector<16xf32>,
      %get3A_592 = vector.shape_cast %get3A_591 : vector<16xf32> to vector<16xf32>
      %get3A_593 = arith.constant 0 : i32
      %get3A_594 = arith.constant 1 : i32
      %get3A_595 = arith.index_cast %get3A_593 : i32 to index
      %get3A_596 = arith.index_cast %get3A_594 : i32 to index
      %get3A_597 = arith.constant 64 : index
      %get3A_598 = tpu.vector_load %arg10[%get3A_595, %get3A_596, %get3A_597] {strides = array<i32>} : memref<2x8x128xf32, #tpu.memory_space<vmem>>, vector<1x1x16xf32>,
      %get3A_599 = vector.shape_cast %get3A_598 : vector<1x1x16xf32> to vector<16xf32>
      %sub3A_600 = arith.subf %get3A_599, %get3A_592 : vector<16xf32>
      %abs3A_601 = math.absf %sub3A_600 : vector<16xf32>
      %mul3A_602 = arith.mulf %get3A_585, %abs3A_601 : vector<16xf32>
      %add3A_603 = arith.addf %add3A_582, %mul3A_602 : vector<16xf32>
      %get3A_604 = arith.constant 208 : index
      %get3A_605 = tpu.vector_load %arg9[%get3A_604] {strides = array<i32>} : memref<512xf32, #tpu.memory_space<vmem>>, vector<16xf32>,
      %get3A_606 = vector.shape_cast %get3A_605 : vector<16xf32> to vector<16xf32>
      %mul3A_607 = arith.constant 128 : i32
      %mul3A_608 = arith.muli %add3A_498, %mul3A_607 : i32
      %add3A_609 = arith.constant 80 : i32
      %add3A_610 = arith.addi %mul3A_608, %add3A_609 : i32
      %get3A_611 = arith.index_cast %add3A_610 : i32 to index
      %get3A_612 = tpu.vector_load %arg8[%get3A_611] {strides = array<i32>} : memref<49152xf32, #tpu.memory_space<vmem>>, vector<16xf32>,
      %get3A_613 = vector.shape_cast %get3A_612 : vector<16xf32> to vector<16xf32>
      %get3A_614 = arith.constant 0 : i32
      %get3A_615 = arith.constant 1 : i32
      %get3A_616 = arith.index_cast %get3A_614 : i32 to index
      %get3A_617 = arith.index_cast %get3A_615 : i32 to index
      %get3A_618 = arith.constant 80 : index
      %get3A_619 = tpu.vector_load %arg10[%get3A_616, %get3A_617, %get3A_618] {strides = array<i32>} : memref<2x8x128xf32, #tpu.memory_space<vmem>>, vector<1x1x16xf32>,
      %get3A_620 = vector.shape_cast %get3A_619 : vector<1x1x16xf32> to vector<16xf32>
      %sub3A_621 = arith.subf %get3A_620, %get3A_613 : vector<16xf32>
      %abs3A_622 = math.absf %sub3A_621 : vector<16xf32>
      %mul3A_623 = arith.mulf %get3A_606, %abs3A_622 : vector<16xf32>
      %add3A_624 = arith.addf %add3A_603, %mul3A_623 : vector<16xf32>
      %get3A_625 = arith.constant 224 : index
      %get3A_626 = tpu.vector_load %arg9[%get3A_625] {strides = array<i32>} : memref<512xf32, #tpu.memory_space<vmem>>, vector<16xf32>,
      %get3A_627 = vector.shape_cast %get3A_626 : vector<16xf32> to vector<16xf32>
      %mul3A_628 = arith.constant 128 : i32
      %mul3A_629 = arith.muli %add3A_498, %mul3A_628 : i32
      %add3A_630 = arith.constant 96 : i32
      %add3A_631 = arith.addi %mul3A_629, %add3A_630 : i32
      %get3A_632 = arith.index_cast %add3A_631 : i32 to index
      %get3A_633 = tpu.vector_load %arg8[%get3A_632] {strides = array<i32>} : memref<49152xf32, #tpu.memory_space<vmem>>, vector<16xf32>,
      %get3A_634 = vector.shape_cast %get3A_633 : vector<16xf32> to vector<16xf32>
      %get3A_635 = arith.constant 0 : i32
      %get3A_636 = arith.constant 1 : i32
      %get3A_637 = arith.index_cast %get3A_635 : i32 to index
      %get3A_638 = arith.index_cast %get3A_636 : i32 to index
      %get3A_639 = arith.constant 96 : index
      %get3A_640 = tpu.vector_load %arg10[%get3A_637, %get3A_638, %get3A_639] {strides = array<i32>} : memref<2x8x128xf32, #tpu.memory_space<vmem>>, vector<1x1x16xf32>,
      %get3A_641 = vector.shape_cast %get3A_640 : vector<1x1x16xf32> to vector<16xf32>
      %sub3A_642 = arith.subf %get3A_641, %get3A_634 : vector<16xf32>
      %abs3A_643 = math.absf %sub3A_642 : vector<16xf32>
      %mul3A_644 = arith.mulf %get3A_627, %abs3A_643 : vector<16xf32>
      %add3A_645 = arith.addf %add3A_624, %mul3A_644 : vector<16xf32>
      %get3A_646 = arith.constant 240 : index
      %get3A_647 = tpu.vector_load %arg9[%get3A_646] {strides = array<i32>} : memref<512xf32, #tpu.memory_space<vmem>>, vector<16xf32>,
      %get3A_648 = vector.shape_cast %get3A_647 : vector<16xf32> to vector<16xf32>
      %mul3A_649 = arith.constant 128 : i32
      %mul3A_650 = arith.muli %add3A_498, %mul3A_649 : i32
      %add3A_651 = arith.constant 112 : i32
      %add3A_652 = arith.addi %mul3A_650, %add3A_651 : i32
      %get3A_653 = arith.index_cast %add3A_652 : i32 to index
      %get3A_654 = tpu.vector_load %arg8[%get3A_653] {strides = array<i32>} : memref<49152xf32, #tpu.memory_space<vmem>>, vector<16xf32>,
      %get3A_655 = vector.shape_cast %get3A_654 : vector<16xf32> to vector<16xf32>
      %get3A_656 = arith.constant 0 : i32
      %get3A_657 = arith.constant 1 : i32
      %get3A_658 = arith.index_cast %get3A_656 : i32 to index
      %get3A_659 = arith.index_cast %get3A_657 : i32 to index
      %get3A_660 = arith.constant 112 : index
      %get3A_661 = tpu.vector_load %arg10[%get3A_658, %get3A_659, %get3A_660] {strides = array<i32>} : memref<2x8x128xf32, #tpu.memory_space<vmem>>, vector<1x1x16xf32>,
      %get3A_662 = vector.shape_cast %get3A_661 : vector<1x1x16xf32> to vector<16xf32>
      %sub3A_663 = arith.subf %get3A_662, %get3A_655 : vector<16xf32>
      %abs3A_664 = math.absf %sub3A_663 : vector<16xf32>
      %mul3A_665 = arith.mulf %get3A_648, %abs3A_664 : vector<16xf32>
      %add3A_666 = arith.addf %add3A_645, %mul3A_665 : vector<16xf32>
      %mul3A_667 = arith.constant 8 : i32
      %mul3A_668 = arith.muli %mul3A_100, %mul3A_667 : i32
      %add3A_669 = arith.constant 2 : i32
      %add3A_670 = arith.addi %mul3A_668, %add3A_669 : i32
      %get3A_671 = arith.constant 256 : index
      %get3A_672 = tpu.vector_load %arg9[%get3A_671] {strides = array<i32>} : memref<512xf32, #tpu.memory_space<vmem>>, vector<16xf32>,
      %get3A_673 = vector.shape_cast %get3A_672 : vector<16xf32> to vector<16xf32>
      %mul3A_674 = arith.constant 128 : i32
      %mul3A_675 = arith.muli %add3A_670, %mul3A_674 : i32
      %add3A_676 = arith.constant 0 : i32
      %add3A_677 = arith.addi %mul3A_675, %add3A_676 : i32
      %get3A_678 = arith.index_cast %add3A_677 : i32 to index
      %get3A_679 = tpu.vector_load %arg8[%get3A_678] {strides = array<i32>} : memref<49152xf32, #tpu.memory_space<vmem>>, vector<16xf32>,
      %get3A_680 = vector.shape_cast %get3A_679 : vector<16xf32> to vector<16xf32>
      %get3A_681 = arith.constant 0 : i32
      %get3A_682 = arith.constant 2 : i32
      %get3A_683 = arith.index_cast %get3A_681 : i32 to index
      %get3A_684 = arith.index_cast %get3A_682 : i32 to index
      %get3A_685 = arith.constant 0 : index
      %get3A_686 = tpu.vector_load %arg10[%get3A_683, %get3A_684, %get3A_685] {strides = array<i32>} : memref<2x8x128xf32, #tpu.memory_space<vmem>>, vector<1x1x16xf32>,
      %get3A_687 = vector.shape_cast %get3A_686 : vector<1x1x16xf32> to vector<16xf32>
      %sub3A_688 = arith.subf %get3A_687, %get3A_680 : vector<16xf32>
      %abs3A_689 = math.absf %sub3A_688 : vector<16xf32>
      %mul3A_690 = arith.mulf %get3A_673, %abs3A_689 : vector<16xf32>
      %add3A_691 = arith.addf %add3A_666, %mul3A_690 : vector<16xf32>
      %get3A_692 = arith.constant 272 : index
      %get3A_693 = tpu.vector_load %arg9[%get3A_692] {strides = array<i32>} : memref<512xf32, #tpu.memory_space<vmem>>, vector<16xf32>,
      %get3A_694 = vector.shape_cast %get3A_693 : vector<16xf32> to vector<16xf32>
      %mul3A_695 = arith.constant 128 : i32
      %mul3A_696 = arith.muli %add3A_670, %mul3A_695 : i32
      %add3A_697 = arith.constant 16 : i32
      %add3A_698 = arith.addi %mul3A_696, %add3A_697 : i32
      %get3A_699 = arith.index_cast %add3A_698 : i32 to index
      %get3A_700 = tpu.vector_load %arg8[%get3A_699] {strides = array<i32>} : memref<49152xf32, #tpu.memory_space<vmem>>, vector<16xf32>,
      %get3A_701 = vector.shape_cast %get3A_700 : vector<16xf32> to vector<16xf32>
      %get3A_702 = arith.constant 0 : i32
      %get3A_703 = arith.constant 2 : i32
      %get3A_704 = arith.index_cast %get3A_702 : i32 to index
      %get3A_705 = arith.index_cast %get3A_703 : i32 to index
      %get3A_706 = arith.constant 16 : index
      %get3A_707 = tpu.vector_load %arg10[%get3A_704, %get3A_705, %get3A_706] {strides = array<i32>} : memref<2x8x128xf32, #tpu.memory_space<vmem>>, vector<1x1x16xf32>,
      %get3A_708 = vector.shape_cast %get3A_707 : vector<1x1x16xf32> to vector<16xf32>
      %sub3A_709 = arith.subf %get3A_708, %get3A_701 : vector<16xf32>
      %abs3A_710 = math.absf %sub3A_709 : vector<16xf32>
      %mul3A_711 = arith.mulf %get3A_694, %abs3A_710 : vector<16xf32>
      %add3A_712 = arith.addf %add3A_691, %mul3A_711 : vector<16xf32>
      %get3A_713 = arith.constant 288 : index
      %get3A_714 = tpu.vector_load %arg9[%get3A_713] {strides = array<i32>} : memref<512xf32, #tpu.memory_space<vmem>>, vector<16xf32>,
      %get3A_715 = vector.shape_cast %get3A_714 : vector<16xf32> to vector<16xf32>
      %mul3A_716 = arith.constant 128 : i32
      %mul3A_717 = arith.muli %add3A_670, %mul3A_716 : i32
      %add3A_718 = arith.constant 32 : i32
      %add3A_719 = arith.addi %mul3A_717, %add3A_718 : i32
      %get3A_720 = arith.index_cast %add3A_719 : i32 to index
      %get3A_721 = tpu.vector_load %arg8[%get3A_720] {strides = array<i32>} : memref<49152xf32, #tpu.memory_space<vmem>>, vector<16xf32>,
      %get3A_722 = vector.shape_cast %get3A_721 : vector<16xf32> to vector<16xf32>
      %get3A_723 = arith.constant 0 : i32
      %get3A_724 = arith.constant 2 : i32
      %get3A_725 = arith.index_cast %get3A_723 : i32 to index
      %get3A_726 = arith.index_cast %get3A_724 : i32 to index
      %get3A_727 = arith.constant 32 : index
      %get3A_728 = tpu.vector_load %arg10[%get3A_725, %get3A_726, %get3A_727] {strides = array<i32>} : memref<2x8x128xf32, #tpu.memory_space<vmem>>, vector<1x1x16xf32>,
      %get3A_729 = vector.shape_cast %get3A_728 : vector<1x1x16xf32> to vector<16xf32>
      %sub3A_730 = arith.subf %get3A_729, %get3A_722 : vector<16xf32>
      %abs3A_731 = math.absf %sub3A_730 : vector<16xf32>
      %mul3A_732 = arith.mulf %get3A_715, %abs3A_731 : vector<16xf32>
      %add3A_733 = arith.addf %add3A_712, %mul3A_732 : vector<16xf32>
      %get3A_734 = arith.constant 304 : index
      %get3A_735 = tpu.vector_load %arg9[%get3A_734] {strides = array<i32>} : memref<512xf32, #tpu.memory_space<vmem>>, vector<16xf32>,
      %get3A_736 = vector.shape_cast %get3A_735 : vector<16xf32> to vector<16xf32>
      %mul3A_737 = arith.constant 128 : i32
      %mul3A_738 = arith.muli %add3A_670, %mul3A_737 : i32
      %add3A_739 = arith.constant 48 : i32
      %add3A_740 = arith.addi %mul3A_738, %add3A_739 : i32
      %get3A_741 = arith.index_cast %add3A_740 : i32 to index
      %get3A_742 = tpu.vector_load %arg8[%get3A_741] {strides = array<i32>} : memref<49152xf32, #tpu.memory_space<vmem>>, vector<16xf32>,
      %get3A_743 = vector.shape_cast %get3A_742 : vector<16xf32> to vector<16xf32>
      %get3A_744 = arith.constant 0 : i32
      %get3A_745 = arith.constant 2 : i32
      %get3A_746 = arith.index_cast %get3A_744 : i32 to index
      %get3A_747 = arith.index_cast %get3A_745 : i32 to index
      %get3A_748 = arith.constant 48 : index
      %get3A_749 = tpu.vector_load %arg10[%get3A_746, %get3A_747, %get3A_748] {strides = array<i32>} : memref<2x8x128xf32, #tpu.memory_space<vmem>>, vector<1x1x16xf32>,
      %get3A_750 = vector.shape_cast %get3A_749 : vector<1x1x16xf32> to vector<16xf32>
      %sub3A_751 = arith.subf %get3A_750, %get3A_743 : vector<16xf32>
      %abs3A_752 = math.absf %sub3A_751 : vector<16xf32>
      %mul3A_753 = arith.mulf %get3A_736, %abs3A_752 : vector<16xf32>
      %add3A_754 = arith.addf %add3A_733, %mul3A_753 : vector<16xf32>
      %get3A_755 = arith.constant 320 : index
      %get3A_756 = tpu.vector_load %arg9[%get3A_755] {strides = array<i32>} : memref<512xf32, #tpu.memory_space<vmem>>, vector<16xf32>,
      %get3A_757 = vector.shape_cast %get3A_756 : vector<16xf32> to vector<16xf32>
      %mul3A_758 = arith.constant 128 : i32
      %mul3A_759 = arith.muli %add3A_670, %mul3A_758 : i32
      %add3A_760 = arith.constant 64 : i32
      %add3A_761 = arith.addi %mul3A_759, %add3A_760 : i32
      %get3A_762 = arith.index_cast %add3A_761 : i32 to index
      %get3A_763 = tpu.vector_load %arg8[%get3A_762] {strides = array<i32>} : memref<49152xf32, #tpu.memory_space<vmem>>, vector<16xf32>,
      %get3A_764 = vector.shape_cast %get3A_763 : vector<16xf32> to vector<16xf32>
      %get3A_765 = arith.constant 0 : i32
      %get3A_766 = arith.constant 2 : i32
      %get3A_767 = arith.index_cast %get3A_765 : i32 to index
      %get3A_768 = arith.index_cast %get3A_766 : i32 to index
      %get3A_769 = arith.constant 64 : index
      %get3A_770 = tpu.vector_load %arg10[%get3A_767, %get3A_768, %get3A_769] {strides = array<i32>} : memref<2x8x128xf32, #tpu.memory_space<vmem>>, vector<1x1x16xf32>,
      %get3A_771 = vector.shape_cast %get3A_770 : vector<1x1x16xf32> to vector<16xf32>
      %sub3A_772 = arith.subf %get3A_771, %get3A_764 : vector<16xf32>
      %abs3A_773 = math.absf %sub3A_772 : vector<16xf32>
      %mul3A_774 = arith.mulf %get3A_757, %abs3A_773 : vector<16xf32>
      %add3A_775 = arith.addf %add3A_754, %mul3A_774 : vector<16xf32>
      %get3A_776 = arith.constant 336 : index
      %get3A_777 = tpu.vector_load %arg9[%get3A_776] {strides = array<i32>} : memref<512xf32, #tpu.memory_space<vmem>>, vector<16xf32>,
      %get3A_778 = vector.shape_cast %get3A_777 : vector<16xf32> to vector<16xf32>
      %mul3A_779 = arith.constant 128 : i32
      %mul3A_780 = arith.muli %add3A_670, %mul3A_779 : i32
      %add3A_781 = arith.constant 80 : i32
      %add3A_782 = arith.addi %mul3A_780, %add3A_781 : i32
      %get3A_783 = arith.index_cast %add3A_782 : i32 to index
      %get3A_784 = tpu.vector_load %arg8[%get3A_783] {strides = array<i32>} : memref<49152xf32, #tpu.memory_space<vmem>>, vector<16xf32>,
      %get3A_785 = vector.shape_cast %get3A_784 : vector<16xf32> to vector<16xf32>
      %get3A_786 = arith.constant 0 : i32
      %get3A_787 = arith.constant 2 : i32
      %get3A_788 = arith.index_cast %get3A_786 : i32 to index
      %get3A_789 = arith.index_cast %get3A_787 : i32 to index
      %get3A_790 = arith.constant 80 : index
      %get3A_791 = tpu.vector_load %arg10[%get3A_788, %get3A_789, %get3A_790] {strides = array<i32>} : memref<2x8x128xf32, #tpu.memory_space<vmem>>, vector<1x1x16xf32>,
      %get3A_792 = vector.shape_cast %get3A_791 : vector<1x1x16xf32> to vector<16xf32>
      %sub3A_793 = arith.subf %get3A_792, %get3A_785 : vector<16xf32>
      %abs3A_794 = math.absf %sub3A_793 : vector<16xf32>
      %mul3A_795 = arith.mulf %get3A_778, %abs3A_794 : vector<16xf32>
      %add3A_796 = arith.addf %add3A_775, %mul3A_795 : vector<16xf32>
      %get3A_797 = arith.constant 352 : index
      %get3A_798 = tpu.vector_load %arg9[%get3A_797] {strides = array<i32>} : memref<512xf32, #tpu.memory_space<vmem>>, vector<16xf32>,
      %get3A_799 = vector.shape_cast %get3A_798 : vector<16xf32> to vector<16xf32>
      %mul3A_800 = arith.constant 128 : i32
      %mul3A_801 = arith.muli %add3A_670, %mul3A_800 : i32
      %add3A_802 = arith.constant 96 : i32
      %add3A_803 = arith.addi %mul3A_801, %add3A_802 : i32
      %get3A_804 = arith.index_cast %add3A_803 : i32 to index
      %get3A_805 = tpu.vector_load %arg8[%get3A_804] {strides = array<i32>} : memref<49152xf32, #tpu.memory_space<vmem>>, vector<16xf32>,
      %get3A_806 = vector.shape_cast %get3A_805 : vector<16xf32> to vector<16xf32>
      %get3A_807 = arith.constant 0 : i32
      %get3A_808 = arith.constant 2 : i32
      %get3A_809 = arith.index_cast %get3A_807 : i32 to index
      %get3A_810 = arith.index_cast %get3A_808 : i32 to index
      %get3A_811 = arith.constant 96 : index
      %get3A_812 = tpu.vector_load %arg10[%get3A_809, %get3A_810, %get3A_811] {strides = array<i32>} : memref<2x8x128xf32, #tpu.memory_space<vmem>>, vector<1x1x16xf32>,
      %get3A_813 = vector.shape_cast %get3A_812 : vector<1x1x16xf32> to vector<16xf32>
      %sub3A_814 = arith.subf %get3A_813, %get3A_806 : vector<16xf32>
      %abs3A_815 = math.absf %sub3A_814 : vector<16xf32>
      %mul3A_816 = arith.mulf %get3A_799, %abs3A_815 : vector<16xf32>
      %add3A_817 = arith.addf %add3A_796, %mul3A_816 : vector<16xf32>
      %get3A_818 = arith.constant 368 : index
      %get3A_819 = tpu.vector_load %arg9[%get3A_818] {strides = array<i32>} : memref<512xf32, #tpu.memory_space<vmem>>, vector<16xf32>,
      %get3A_820 = vector.shape_cast %get3A_819 : vector<16xf32> to vector<16xf32>
      %mul3A_821 = arith.constant 128 : i32
      %mul3A_822 = arith.muli %add3A_670, %mul3A_821 : i32
      %add3A_823 = arith.constant 112 : i32
      %add3A_824 = arith.addi %mul3A_822, %add3A_823 : i32
      %get3A_825 = arith.index_cast %add3A_824 : i32 to index
      %get3A_826 = tpu.vector_load %arg8[%get3A_825] {strides = array<i32>} : memref<49152xf32, #tpu.memory_space<vmem>>, vector<16xf32>,
      %get3A_827 = vector.shape_cast %get3A_826 : vector<16xf32> to vector<16xf32>
      %get3A_828 = arith.constant 0 : i32
      %get3A_829 = arith.constant 2 : i32
      %get3A_830 = arith.index_cast %get3A_828 : i32 to index
      %get3A_831 = arith.index_cast %get3A_829 : i32 to index
      %get3A_832 = arith.constant 112 : index
      %get3A_833 = tpu.vector_load %arg10[%get3A_830, %get3A_831, %get3A_832] {strides = array<i32>} : memref<2x8x128xf32, #tpu.memory_space<vmem>>, vector<1x1x16xf32>,
      %get3A_834 = vector.shape_cast %get3A_833 : vector<1x1x16xf32> to vector<16xf32>
      %sub3A_835 = arith.subf %get3A_834, %get3A_827 : vector<16xf32>
      %abs3A_836 = math.absf %sub3A_835 : vector<16xf32>
      %mul3A_837 = arith.mulf %get3A_820, %abs3A_836 : vector<16xf32>
      %add3A_838 = arith.addf %add3A_817, %mul3A_837 : vector<16xf32>
      %mul3A_839 = arith.constant 8 : i32
      %mul3A_840 = arith.muli %mul3A_100, %mul3A_839 : i32
      %add3A_841 = arith.constant 3 : i32
      %add3A_842 = arith.addi %mul3A_840, %add3A_841 : i32
      %get3A_843 = arith.constant 384 : index
      %get3A_844 = tpu.vector_load %arg9[%get3A_843] {strides = array<i32>} : memref<512xf32, #tpu.memory_space<vmem>>, vector<16xf32>,
      %get3A_845 = vector.shape_cast %get3A_844 : vector<16xf32> to vector<16xf32>
      %mul3A_846 = arith.constant 128 : i32
      %mul3A_847 = arith.muli %add3A_842, %mul3A_846 : i32
      %add3A_848 = arith.constant 0 : i32
      %add3A_849 = arith.addi %mul3A_847, %add3A_848 : i32
      %get3A_850 = arith.index_cast %add3A_849 : i32 to index
      %get3A_851 = tpu.vector_load %arg8[%get3A_850] {strides = array<i32>} : memref<49152xf32, #tpu.memory_space<vmem>>, vector<16xf32>,
      %get3A_852 = vector.shape_cast %get3A_851 : vector<16xf32> to vector<16xf32>
      %get3A_853 = arith.constant 0 : i32
      %get3A_854 = arith.constant 3 : i32
      %get3A_855 = arith.index_cast %get3A_853 : i32 to index
      %get3A_856 = arith.index_cast %get3A_854 : i32 to index
      %get3A_857 = arith.constant 0 : index
      %get3A_858 = tpu.vector_load %arg10[%get3A_855, %get3A_856, %get3A_857] {strides = array<i32>} : memref<2x8x128xf32, #tpu.memory_space<vmem>>, vector<1x1x16xf32>,
      %get3A_859 = vector.shape_cast %get3A_858 : vector<1x1x16xf32> to vector<16xf32>
      %sub3A_860 = arith.subf %get3A_859, %get3A_852 : vector<16xf32>
      %abs3A_861 = math.absf %sub3A_860 : vector<16xf32>
      %mul3A_862 = arith.mulf %get3A_845, %abs3A_861 : vector<16xf32>
      %add3A_863 = arith.addf %add3A_838, %mul3A_862 : vector<16xf32>
      %get3A_864 = arith.constant 400 : index
      %get3A_865 = tpu.vector_load %arg9[%get3A_864] {strides = array<i32>} : memref<512xf32, #tpu.memory_space<vmem>>, vector<16xf32>,
      %get3A_866 = vector.shape_cast %get3A_865 : vector<16xf32> to vector<16xf32>
      %mul3A_867 = arith.constant 128 : i32
      %mul3A_868 = arith.muli %add3A_842, %mul3A_867 : i32
      %add3A_869 = arith.constant 16 : i32
      %add3A_870 = arith.addi %mul3A_868, %add3A_869 : i32
      %get3A_871 = arith.index_cast %add3A_870 : i32 to index
      %get3A_872 = tpu.vector_load %arg8[%get3A_871] {strides = array<i32>} : memref<49152xf32, #tpu.memory_space<vmem>>, vector<16xf32>,
      %get3A_873 = vector.shape_cast %get3A_872 : vector<16xf32> to vector<16xf32>
      %get3A_874 = arith.constant 0 : i32
      %get3A_875 = arith.constant 3 : i32
      %get3A_876 = arith.index_cast %get3A_874 : i32 to index
      %get3A_877 = arith.index_cast %get3A_875 : i32 to index
      %get3A_878 = arith.constant 16 : index
      %get3A_879 = tpu.vector_load %arg10[%get3A_876, %get3A_877, %get3A_878] {strides = array<i32>} : memref<2x8x128xf32, #tpu.memory_space<vmem>>, vector<1x1x16xf32>,
      %get3A_880 = vector.shape_cast %get3A_879 : vector<1x1x16xf32> to vector<16xf32>
      %sub3A_881 = arith.subf %get3A_880, %get3A_873 : vector<16xf32>
      %abs3A_882 = math.absf %sub3A_881 : vector<16xf32>
      %mul3A_883 = arith.mulf %get3A_866, %abs3A_882 : vector<16xf32>
      %add3A_884 = arith.addf %add3A_863, %mul3A_883 : vector<16xf32>
      %get3A_885 = arith.constant 416 : index
      %get3A_886 = tpu.vector_load %arg9[%get3A_885] {strides = array<i32>} : memref<512xf32, #tpu.memory_space<vmem>>, vector<16xf32>,
      %get3A_887 = vector.shape_cast %get3A_886 : vector<16xf32> to vector<16xf32>
      %mul3A_888 = arith.constant 128 : i32
      %mul3A_889 = arith.muli %add3A_842, %mul3A_888 : i32
      %add3A_890 = arith.constant 32 : i32
      %add3A_891 = arith.addi %mul3A_889, %add3A_890 : i32
      %get3A_892 = arith.index_cast %add3A_891 : i32 to index
      %get3A_893 = tpu.vector_load %arg8[%get3A_892] {strides = array<i32>} : memref<49152xf32, #tpu.memory_space<vmem>>, vector<16xf32>,
      %get3A_894 = vector.shape_cast %get3A_893 : vector<16xf32> to vector<16xf32>
      %get3A_895 = arith.constant 0 : i32
      %get3A_896 = arith.constant 3 : i32
      %get3A_897 = arith.index_cast %get3A_895 : i32 to index
      %get3A_898 = arith.index_cast %get3A_896 : i32 to index
      %get3A_899 = arith.constant 32 : index
      %get3A_900 = tpu.vector_load %arg10[%get3A_897, %get3A_898, %get3A_899] {strides = array<i32>} : memref<2x8x128xf32, #tpu.memory_space<vmem>>, vector<1x1x16xf32>,
      %get3A_901 = vector.shape_cast %get3A_900 : vector<1x1x16xf32> to vector<16xf32>
      %sub3A_902 = arith.subf %get3A_901, %get3A_894 : vector<16xf32>
      %abs3A_903 = math.absf %sub3A_902 : vector<16xf32>
      %mul3A_904 = arith.mulf %get3A_887, %abs3A_903 : vector<16xf32>
      %add3A_905 = arith.addf %add3A_884, %mul3A_904 : vector<16xf32>
      %get3A_906 = arith.constant 432 : index
      %get3A_907 = tpu.vector_load %arg9[%get3A_906] {strides = array<i32>} : memref<512xf32, #tpu.memory_space<vmem>>, vector<16xf32>,
      %get3A_908 = vector.shape_cast %get3A_907 : vector<16xf32> to vector<16xf32>
      %mul3A_909 = arith.constant 128 : i32
      %mul3A_910 = arith.muli %add3A_842, %mul3A_909 : i32
      %add3A_911 = arith.constant 48 : i32
      %add3A_912 = arith.addi %mul3A_910, %add3A_911 : i32
      %get3A_913 = arith.index_cast %add3A_912 : i32 to index
      %get3A_914 = tpu.vector_load %arg8[%get3A_913] {strides = array<i32>} : memref<49152xf32, #tpu.memory_space<vmem>>, vector<16xf32>,
      %get3A_915 = vector.shape_cast %get3A_914 : vector<16xf32> to vector<16xf32>
      %get3A_916 = arith.constant 0 : i32
      %get3A_917 = arith.constant 3 : i32
      %get3A_918 = arith.index_cast %get3A_916 : i32 to index
      %get3A_919 = arith.index_cast %get3A_917 : i32 to index
      %get3A_920 = arith.constant 48 : index
      %get3A_921 = tpu.vector_load %arg10[%get3A_918, %get3A_919, %get3A_920] {strides = array<i32>} : memref<2x8x128xf32, #tpu.memory_space<vmem>>, vector<1x1x16xf32>,
      %get3A_922 = vector.shape_cast %get3A_921 : vector<1x1x16xf32> to vector<16xf32>
      %sub3A_923 = arith.subf %get3A_922, %get3A_915 : vector<16xf32>
      %abs3A_924 = math.absf %sub3A_923 : vector<16xf32>
      %mul3A_925 = arith.mulf %get3A_908, %abs3A_924 : vector<16xf32>
      %add3A_926 = arith.addf %add3A_905, %mul3A_925 : vector<16xf32>
      %get3A_927 = arith.constant 448 : index
      %get3A_928 = tpu.vector_load %arg9[%get3A_927] {strides = array<i32>} : memref<512xf32, #tpu.memory_space<vmem>>, vector<16xf32>,
      %get3A_929 = vector.shape_cast %get3A_928 : vector<16xf32> to vector<16xf32>
      %mul3A_930 = arith.constant 128 : i32
      %mul3A_931 = arith.muli %add3A_842, %mul3A_930 : i32
      %add3A_932 = arith.constant 64 : i32
      %add3A_933 = arith.addi %mul3A_931, %add3A_932 : i32
      %get3A_934 = arith.index_cast %add3A_933 : i32 to index
      %get3A_935 = tpu.vector_load %arg8[%get3A_934] {strides = array<i32>} : memref<49152xf32, #tpu.memory_space<vmem>>, vector<16xf32>,
      %get3A_936 = vector.shape_cast %get3A_935 : vector<16xf32> to vector<16xf32>
      %get3A_937 = arith.constant 0 : i32
      %get3A_938 = arith.constant 3 : i32
      %get3A_939 = arith.index_cast %get3A_937 : i32 to index
      %get3A_940 = arith.index_cast %get3A_938 : i32 to index
      %get3A_941 = arith.constant 64 : index
      %get3A_942 = tpu.vector_load %arg10[%get3A_939, %get3A_940, %get3A_941] {strides = array<i32>} : memref<2x8x128xf32, #tpu.memory_space<vmem>>, vector<1x1x16xf32>,
      %get3A_943 = vector.shape_cast %get3A_942 : vector<1x1x16xf32> to vector<16xf32>
      %sub3A_944 = arith.subf %get3A_943, %get3A_936 : vector<16xf32>
      %abs3A_945 = math.absf %sub3A_944 : vector<16xf32>
      %mul3A_946 = arith.mulf %get3A_929, %abs3A_945 : vector<16xf32>
      %add3A_947 = arith.addf %add3A_926, %mul3A_946 : vector<16xf32>
      %get3A_948 = arith.constant 464 : index
      %get3A_949 = tpu.vector_load %arg9[%get3A_948] {strides = array<i32>} : memref<512xf32, #tpu.memory_space<vmem>>, vector<16xf32>,
      %get3A_950 = vector.shape_cast %get3A_949 : vector<16xf32> to vector<16xf32>
      %mul3A_951 = arith.constant 128 : i32
      %mul3A_952 = arith.muli %add3A_842, %mul3A_951 : i32
      %add3A_953 = arith.constant 80 : i32
      %add3A_954 = arith.addi %mul3A_952, %add3A_953 : i32
      %get3A_955 = arith.index_cast %add3A_954 : i32 to index
      %get3A_956 = tpu.vector_load %arg8[%get3A_955] {strides = array<i32>} : memref<49152xf32, #tpu.memory_space<vmem>>, vector<16xf32>,
      %get3A_957 = vector.shape_cast %get3A_956 : vector<16xf32> to vector<16xf32>
      %get3A_958 = arith.constant 0 : i32
      %get3A_959 = arith.constant 3 : i32
      %get3A_960 = arith.index_cast %get3A_958 : i32 to index
      %get3A_961 = arith.index_cast %get3A_959 : i32 to index
      %get3A_962 = arith.constant 80 : index
      %get3A_963 = tpu.vector_load %arg10[%get3A_960, %get3A_961, %get3A_962] {strides = array<i32>} : memref<2x8x128xf32, #tpu.memory_space<vmem>>, vector<1x1x16xf32>,
      %get3A_964 = vector.shape_cast %get3A_963 : vector<1x1x16xf32> to vector<16xf32>
      %sub3A_965 = arith.subf %get3A_964, %get3A_957 : vector<16xf32>
      %abs3A_966 = math.absf %sub3A_965 : vector<16xf32>
      %mul3A_967 = arith.mulf %get3A_950, %abs3A_966 : vector<16xf32>
      %add3A_968 = arith.addf %add3A_947, %mul3A_967 : vector<16xf32>
      %get3A_969 = arith.constant 480 : index
      %get3A_970 = tpu.vector_load %arg9[%get3A_969] {strides = array<i32>} : memref<512xf32, #tpu.memory_space<vmem>>, vector<16xf32>,
      %get3A_971 = vector.shape_cast %get3A_970 : vector<16xf32> to vector<16xf32>
      %mul3A_972 = arith.constant 128 : i32
      %mul3A_973 = arith.muli %add3A_842, %mul3A_972 : i32
      %add3A_974 = arith.constant 96 : i32
      %add3A_975 = arith.addi %mul3A_973, %add3A_974 : i32
      %get3A_976 = arith.index_cast %add3A_975 : i32 to index
      %get3A_977 = tpu.vector_load %arg8[%get3A_976] {strides = array<i32>} : memref<49152xf32, #tpu.memory_space<vmem>>, vector<16xf32>,
      %get3A_978 = vector.shape_cast %get3A_977 : vector<16xf32> to vector<16xf32>
      %get3A_979 = arith.constant 0 : i32
      %get3A_980 = arith.constant 3 : i32
      %get3A_981 = arith.index_cast %get3A_979 : i32 to index
      %get3A_982 = arith.index_cast %get3A_980 : i32 to index
      %get3A_983 = arith.constant 96 : index
      %get3A_984 = tpu.vector_load %arg10[%get3A_981, %get3A_982, %get3A_983] {strides = array<i32>} : memref<2x8x128xf32, #tpu.memory_space<vmem>>, vector<1x1x16xf32>,
      %get3A_985 = vector.shape_cast %get3A_984 : vector<1x1x16xf32> to vector<16xf32>
      %sub3A_986 = arith.subf %get3A_985, %get3A_978 : vector<16xf32>
      %abs3A_987 = math.absf %sub3A_986 : vector<16xf32>
      %mul3A_988 = arith.mulf %get3A_971, %abs3A_987 : vector<16xf32>
      %add3A_989 = arith.addf %add3A_968, %mul3A_988 : vector<16xf32>
      %get3A_990 = arith.constant 496 : index
      %get3A_991 = tpu.vector_load %arg9[%get3A_990] {strides = array<i32>} : memref<512xf32, #tpu.memory_space<vmem>>, vector<16xf32>,
      %get3A_992 = vector.shape_cast %get3A_991 : vector<16xf32> to vector<16xf32>
      %mul3A_993 = arith.constant 128 : i32
      %mul3A_994 = arith.muli %add3A_842, %mul3A_993 : i32
      %add3A_995 = arith.constant 112 : i32
      %add3A_996 = arith.addi %mul3A_994, %add3A_995 : i32
      %get3A_997 = arith.index_cast %add3A_996 : i32 to index
      %get3A_998 = tpu.vector_load %arg8[%get3A_997] {strides = array<i32>} : memref<49152xf32, #tpu.memory_space<vmem>>, vector<16xf32>,
      %get3A_999 = vector.shape_cast %get3A_998 : vector<16xf32> to vector<16xf32>
      %get3A_1000 = arith.constant 0 : i32
      %get3A_1001 = arith.constant 3 : i32
      %get3A_1002 = arith.index_cast %get3A_1000 : i32 to index
      %get3A_1003 = arith.index_cast %get3A_1001 : i32 to index
      %get3A_1004 = arith.constant 112 : index
      %get3A_1005 = tpu.vector_load %arg10[%get3A_1002, %get3A_1003, %get3A_1004] {strides = array<i32>} : memref<2x8x128xf32, #tpu.memory_space<vmem>>, vector<1x1x16xf32>,
      %get3A_1006 = vector.shape_cast %get3A_1005 : vector<1x1x16xf32> to vector<16xf32>
      %sub3A_1007 = arith.subf %get3A_1006, %get3A_999 : vector<16xf32>
      %abs3A_1008 = math.absf %sub3A_1007 : vector<16xf32>
      %mul3A_1009 = arith.mulf %get3A_992, %abs3A_1008 : vector<16xf32>
      %add3A_1010 = arith.addf %add3A_989, %mul3A_1009 : vector<16xf32>
      %mul3A_1011 = arith.constant 8 : i32
      %mul3A_1012 = arith.muli %mul3A_100, %mul3A_1011 : i32
      %add3A_1013 = arith.constant 4 : i32
      %add3A_1014 = arith.addi %mul3A_1012, %add3A_1013 : i32
      %get3A_1015 = arith.constant 0 : index
      %get3A_1016 = tpu.vector_load %arg9[%get3A_1015] {strides = array<i32>} : memref<512xf32, #tpu.memory_space<vmem>>, vector<16xf32>,
      %get3A_1017 = vector.shape_cast %get3A_1016 : vector<16xf32> to vector<16xf32>
      %mul3A_1018 = arith.constant 128 : i32
      %mul3A_1019 = arith.muli %add3A_1014, %mul3A_1018 : i32
      %add3A_1020 = arith.constant 0 : i32
      %add3A_1021 = arith.addi %mul3A_1019, %add3A_1020 : i32
      %get3A_1022 = arith.index_cast %add3A_1021 : i32 to index
      %get3A_1023 = tpu.vector_load %arg8[%get3A_1022] {strides = array<i32>} : memref<49152xf32, #tpu.memory_space<vmem>>, vector<16xf32>,
      %get3A_1024 = vector.shape_cast %get3A_1023 : vector<16xf32> to vector<16xf32>
      %get3A_1025 = arith.constant 0 : i32
      %get3A_1026 = arith.constant 4 : i32
      %get3A_1027 = arith.index_cast %get3A_1025 : i32 to index
      %get3A_1028 = arith.index_cast %get3A_1026 : i32 to index
      %get3A_1029 = arith.constant 0 : index
      %get3A_1030 = tpu.vector_load %arg10[%get3A_1027, %get3A_1028, %get3A_1029] {strides = array<i32>} : memref<2x8x128xf32, #tpu.memory_space<vmem>>, vector<1x1x16xf32>,
      %get3A_1031 = vector.shape_cast %get3A_1030 : vector<1x1x16xf32> to vector<16xf32>
      %sub3A_1032 = arith.subf %get3A_1031, %get3A_1024 : vector<16xf32>
      %abs3A_1033 = math.absf %sub3A_1032 : vector<16xf32>
      %mul3A_1034 = arith.mulf %get3A_1017, %abs3A_1033 : vector<16xf32>
      %add3A_1035 = arith.addf %add3A_1010, %mul3A_1034 : vector<16xf32>
      %get3A_1036 = arith.constant 16 : index
      %get3A_1037 = tpu.vector_load %arg9[%get3A_1036] {strides = array<i32>} : memref<512xf32, #tpu.memory_space<vmem>>, vector<16xf32>,
      %get3A_1038 = vector.shape_cast %get3A_1037 : vector<16xf32> to vector<16xf32>
      %mul3A_1039 = arith.constant 128 : i32
      %mul3A_1040 = arith.muli %add3A_1014, %mul3A_1039 : i32
      %add3A_1041 = arith.constant 16 : i32
      %add3A_1042 = arith.addi %mul3A_1040, %add3A_1041 : i32
      %get3A_1043 = arith.index_cast %add3A_1042 : i32 to index
      %get3A_1044 = tpu.vector_load %arg8[%get3A_1043] {strides = array<i32>} : memref<49152xf32, #tpu.memory_space<vmem>>, vector<16xf32>,
      %get3A_1045 = vector.shape_cast %get3A_1044 : vector<16xf32> to vector<16xf32>
      %get3A_1046 = arith.constant 0 : i32
      %get3A_1047 = arith.constant 4 : i32
      %get3A_1048 = arith.index_cast %get3A_1046 : i32 to index
      %get3A_1049 = arith.index_cast %get3A_1047 : i32 to index
      %get3A_1050 = arith.constant 16 : index
      %get3A_1051 = tpu.vector_load %arg10[%get3A_1048, %get3A_1049, %get3A_1050] {strides = array<i32>} : memref<2x8x128xf32, #tpu.memory_space<vmem>>, vector<1x1x16xf32>,
      %get3A_1052 = vector.shape_cast %get3A_1051 : vector<1x1x16xf32> to vector<16xf32>
      %sub3A_1053 = arith.subf %get3A_1052, %get3A_1045 : vector<16xf32>
      %abs3A_1054 = math.absf %sub3A_1053 : vector<16xf32>
      %mul3A_1055 = arith.mulf %get3A_1038, %abs3A_1054 : vector<16xf32>
      %add3A_1056 = arith.addf %add3A_1035, %mul3A_1055 : vector<16xf32>
      %get3A_1057 = arith.constant 32 : index
      %get3A_1058 = tpu.vector_load %arg9[%get3A_1057] {strides = array<i32>} : memref<512xf32, #tpu.memory_space<vmem>>, vector<16xf32>,
      %get3A_1059 = vector.shape_cast %get3A_1058 : vector<16xf32> to vector<16xf32>
      %mul3A_1060 = arith.constant 128 : i32
      %mul3A_1061 = arith.muli %add3A_1014, %mul3A_1060 : i32
      %add3A_1062 = arith.constant 32 : i32
      %add3A_1063 = arith.addi %mul3A_1061, %add3A_1062 : i32
      %get3A_1064 = arith.index_cast %add3A_1063 : i32 to index
      %get3A_1065 = tpu.vector_load %arg8[%get3A_1064] {strides = array<i32>} : memref<49152xf32, #tpu.memory_space<vmem>>, vector<16xf32>,
      %get3A_1066 = vector.shape_cast %get3A_1065 : vector<16xf32> to vector<16xf32>
      %get3A_1067 = arith.constant 0 : i32
      %get3A_1068 = arith.constant 4 : i32
      %get3A_1069 = arith.index_cast %get3A_1067 : i32 to index
      %get3A_1070 = arith.index_cast %get3A_1068 : i32 to index
      %get3A_1071 = arith.constant 32 : index
      %get3A_1072 = tpu.vector_load %arg10[%get3A_1069, %get3A_1070, %get3A_1071] {strides = array<i32>} : memref<2x8x128xf32, #tpu.memory_space<vmem>>, vector<1x1x16xf32>,
      %get3A_1073 = vector.shape_cast %get3A_1072 : vector<1x1x16xf32> to vector<16xf32>
      %sub3A_1074 = arith.subf %get3A_1073, %get3A_1066 : vector<16xf32>
      %abs3A_1075 = math.absf %sub3A_1074 : vector<16xf32>
      %mul3A_1076 = arith.mulf %get3A_1059, %abs3A_1075 : vector<16xf32>
      %add3A_1077 = arith.addf %add3A_1056, %mul3A_1076 : vector<16xf32>
      %get3A_1078 = arith.constant 48 : index
      %get3A_1079 = tpu.vector_load %arg9[%get3A_1078] {strides = array<i32>} : memref<512xf32, #tpu.memory_space<vmem>>, vector<16xf32>,
      %get3A_1080 = vector.shape_cast %get3A_1079 : vector<16xf32> to vector<16xf32>
      %mul3A_1081 = arith.constant 128 : i32
      %mul3A_1082 = arith.muli %add3A_1014, %mul3A_1081 : i32
      %add3A_1083 = arith.constant 48 : i32
      %add3A_1084 = arith.addi %mul3A_1082, %add3A_1083 : i32
      %get3A_1085 = arith.index_cast %add3A_1084 : i32 to index
      %get3A_1086 = tpu.vector_load %arg8[%get3A_1085] {strides = array<i32>} : memref<49152xf32, #tpu.memory_space<vmem>>, vector<16xf32>,
      %get3A_1087 = vector.shape_cast %get3A_1086 : vector<16xf32> to vector<16xf32>
      %get3A_1088 = arith.constant 0 : i32
      %get3A_1089 = arith.constant 4 : i32
      %get3A_1090 = arith.index_cast %get3A_1088 : i32 to index
      %get3A_1091 = arith.index_cast %get3A_1089 : i32 to index
      %get3A_1092 = arith.constant 48 : index
      %get3A_1093 = tpu.vector_load %arg10[%get3A_1090, %get3A_1091, %get3A_1092] {strides = array<i32>} : memref<2x8x128xf32, #tpu.memory_space<vmem>>, vector<1x1x16xf32>,
      %get3A_1094 = vector.shape_cast %get3A_1093 : vector<1x1x16xf32> to vector<16xf32>
      %sub3A_1095 = arith.subf %get3A_1094, %get3A_1087 : vector<16xf32>
      %abs3A_1096 = math.absf %sub3A_1095 : vector<16xf32>
      %mul3A_1097 = arith.mulf %get3A_1080, %abs3A_1096 : vector<16xf32>
      %add3A_1098 = arith.addf %add3A_1077, %mul3A_1097 : vector<16xf32>
      %get3A_1099 = arith.constant 64 : index
      %get3A_1100 = tpu.vector_load %arg9[%get3A_1099] {strides = array<i32>} : memref<512xf32, #tpu.memory_space<vmem>>, vector<16xf32>,
      %get3A_1101 = vector.shape_cast %get3A_1100 : vector<16xf32> to vector<16xf32>
      %mul3A_1102 = arith.constant 128 : i32
      %mul3A_1103 = arith.muli %add3A_1014, %mul3A_1102 : i32
      %add3A_1104 = arith.constant 64 : i32
      %add3A_1105 = arith.addi %mul3A_1103, %add3A_1104 : i32
      %get3A_1106 = arith.index_cast %add3A_1105 : i32 to index
      %get3A_1107 = tpu.vector_load %arg8[%get3A_1106] {strides = array<i32>} : memref<49152xf32, #tpu.memory_space<vmem>>, vector<16xf32>,
      %get3A_1108 = vector.shape_cast %get3A_1107 : vector<16xf32> to vector<16xf32>
      %get3A_1109 = arith.constant 0 : i32
      %get3A_1110 = arith.constant 4 : i32
      %get3A_1111 = arith.index_cast %get3A_1109 : i32 to index
      %get3A_1112 = arith.index_cast %get3A_1110 : i32 to index
      %get3A_1113 = arith.constant 64 : index
      %get3A_1114 = tpu.vector_load %arg10[%get3A_1111, %get3A_1112, %get3A_1113] {strides = array<i32>} : memref<2x8x128xf32, #tpu.memory_space<vmem>>, vector<1x1x16xf32>,
      %get3A_1115 = vector.shape_cast %get3A_1114 : vector<1x1x16xf32> to vector<16xf32>
      %sub3A_1116 = arith.subf %get3A_1115, %get3A_1108 : vector<16xf32>
      %abs3A_1117 = math.absf %sub3A_1116 : vector<16xf32>
      %mul3A_1118 = arith.mulf %get3A_1101, %abs3A_1117 : vector<16xf32>
      %add3A_1119 = arith.addf %add3A_1098, %mul3A_1118 : vector<16xf32>
      %get3A_1120 = arith.constant 80 : index
      %get3A_1121 = tpu.vector_load %arg9[%get3A_1120] {strides = array<i32>} : memref<512xf32, #tpu.memory_space<vmem>>, vector<16xf32>,
      %get3A_1122 = vector.shape_cast %get3A_1121 : vector<16xf32> to vector<16xf32>
      %mul3A_1123 = arith.constant 128 : i32
      %mul3A_1124 = arith.muli %add3A_1014, %mul3A_1123 : i32
      %add3A_1125 = arith.constant 80 : i32
      %add3A_1126 = arith.addi %mul3A_1124, %add3A_1125 : i32
      %get3A_1127 = arith.index_cast %add3A_1126 : i32 to index
      %get3A_1128 = tpu.vector_load %arg8[%get3A_1127] {strides = array<i32>} : memref<49152xf32, #tpu.memory_space<vmem>>, vector<16xf32>,
      %get3A_1129 = vector.shape_cast %get3A_1128 : vector<16xf32> to vector<16xf32>
      %get3A_1130 = arith.constant 0 : i32
      %get3A_1131 = arith.constant 4 : i32
      %get3A_1132 = arith.index_cast %get3A_1130 : i32 to index
      %get3A_1133 = arith.index_cast %get3A_1131 : i32 to index
      %get3A_1134 = arith.constant 80 : index
      %get3A_1135 = tpu.vector_load %arg10[%get3A_1132, %get3A_1133, %get3A_1134] {strides = array<i32>} : memref<2x8x128xf32, #tpu.memory_space<vmem>>, vector<1x1x16xf32>,
      %get3A_1136 = vector.shape_cast %get3A_1135 : vector<1x1x16xf32> to vector<16xf32>
      %sub3A_1137 = arith.subf %get3A_1136, %get3A_1129 : vector<16xf32>
      %abs3A_1138 = math.absf %sub3A_1137 : vector<16xf32>
      %mul3A_1139 = arith.mulf %get3A_1122, %abs3A_1138 : vector<16xf32>
      %add3A_1140 = arith.addf %add3A_1119, %mul3A_1139 : vector<16xf32>
      %get3A_1141 = arith.constant 96 : index
      %get3A_1142 = tpu.vector_load %arg9[%get3A_1141] {strides = array<i32>} : memref<512xf32, #tpu.memory_space<vmem>>, vector<16xf32>,
      %get3A_1143 = vector.shape_cast %get3A_1142 : vector<16xf32> to vector<16xf32>
      %mul3A_1144 = arith.constant 128 : i32
      %mul3A_1145 = arith.muli %add3A_1014, %mul3A_1144 : i32
      %add3A_1146 = arith.constant 96 : i32
      %add3A_1147 = arith.addi %mul3A_1145, %add3A_1146 : i32
      %get3A_1148 = arith.index_cast %add3A_1147 : i32 to index
      %get3A_1149 = tpu.vector_load %arg8[%get3A_1148] {strides = array<i32>} : memref<49152xf32, #tpu.memory_space<vmem>>, vector<16xf32>,
      %get3A_1150 = vector.shape_cast %get3A_1149 : vector<16xf32> to vector<16xf32>
      %get3A_1151 = arith.constant 0 : i32
      %get3A_1152 = arith.constant 4 : i32
      %get3A_1153 = arith.index_cast %get3A_1151 : i32 to index
      %get3A_1154 = arith.index_cast %get3A_1152 : i32 to index
      %get3A_1155 = arith.constant 96 : index
      %get3A_1156 = tpu.vector_load %arg10[%get3A_1153, %get3A_1154, %get3A_1155] {strides = array<i32>} : memref<2x8x128xf32, #tpu.memory_space<vmem>>, vector<1x1x16xf32>,
      %get3A_1157 = vector.shape_cast %get3A_1156 : vector<1x1x16xf32> to vector<16xf32>
      %sub3A_1158 = arith.subf %get3A_1157, %get3A_1150 : vector<16xf32>
      %abs3A_1159 = math.absf %sub3A_1158 : vector<16xf32>
      %mul3A_1160 = arith.mulf %get3A_1143, %abs3A_1159 : vector<16xf32>
      %add3A_1161 = arith.addf %add3A_1140, %mul3A_1160 : vector<16xf32>
      %get3A_1162 = arith.constant 112 : index
      %get3A_1163 = tpu.vector_load %arg9[%get3A_1162] {strides = array<i32>} : memref<512xf32, #tpu.memory_space<vmem>>, vector<16xf32>,
      %get3A_1164 = vector.shape_cast %get3A_1163 : vector<16xf32> to vector<16xf32>
      %mul3A_1165 = arith.constant 128 : i32
      %mul3A_1166 = arith.muli %add3A_1014, %mul3A_1165 : i32
      %add3A_1167 = arith.constant 112 : i32
      %add3A_1168 = arith.addi %mul3A_1166, %add3A_1167 : i32
      %get3A_1169 = arith.index_cast %add3A_1168 : i32 to index
      %get3A_1170 = tpu.vector_load %arg8[%get3A_1169] {strides = array<i32>} : memref<49152xf32, #tpu.memory_space<vmem>>, vector<16xf32>,
      %get3A_1171 = vector.shape_cast %get3A_1170 : vector<16xf32> to vector<16xf32>
      %get3A_1172 = arith.constant 0 : i32
      %get3A_1173 = arith.constant 4 : i32
      %get3A_1174 = arith.index_cast %get3A_1172 : i32 to index
      %get3A_1175 = arith.index_cast %get3A_1173 : i32 to index
      %get3A_1176 = arith.constant 112 : index
      %get3A_1177 = tpu.vector_load %arg10[%get3A_1174, %get3A_1175, %get3A_1176] {strides = array<i32>} : memref<2x8x128xf32, #tpu.memory_space<vmem>>, vector<1x1x16xf32>,
      %get3A_1178 = vector.shape_cast %get3A_1177 : vector<1x1x16xf32> to vector<16xf32>
      %sub3A_1179 = arith.subf %get3A_1178, %get3A_1171 : vector<16xf32>
      %abs3A_1180 = math.absf %sub3A_1179 : vector<16xf32>
      %mul3A_1181 = arith.mulf %get3A_1164, %abs3A_1180 : vector<16xf32>
      %add3A_1182 = arith.addf %add3A_1161, %mul3A_1181 : vector<16xf32>
      %mul3A_1183 = arith.constant 8 : i32
      %mul3A_1184 = arith.muli %mul3A_100, %mul3A_1183 : i32
      %add3A_1185 = arith.constant 5 : i32
      %add3A_1186 = arith.addi %mul3A_1184, %add3A_1185 : i32
      %get3A_1187 = arith.constant 128 : index
      %get3A_1188 = tpu.vector_load %arg9[%get3A_1187] {strides = array<i32>} : memref<512xf32, #tpu.memory_space<vmem>>, vector<16xf32>,
      %get3A_1189 = vector.shape_cast %get3A_1188 : vector<16xf32> to vector<16xf32>
      %mul3A_1190 = arith.constant 128 : i32
      %mul3A_1191 = arith.muli %add3A_1186, %mul3A_1190 : i32
      %add3A_1192 = arith.constant 0 : i32
      %add3A_1193 = arith.addi %mul3A_1191, %add3A_1192 : i32
      %get3A_1194 = arith.index_cast %add3A_1193 : i32 to index
      %get3A_1195 = tpu.vector_load %arg8[%get3A_1194] {strides = array<i32>} : memref<49152xf32, #tpu.memory_space<vmem>>, vector<16xf32>,
      %get3A_1196 = vector.shape_cast %get3A_1195 : vector<16xf32> to vector<16xf32>
      %get3A_1197 = arith.constant 0 : i32
      %get3A_1198 = arith.constant 5 : i32
      %get3A_1199 = arith.index_cast %get3A_1197 : i32 to index
      %get3A_1200 = arith.index_cast %get3A_1198 : i32 to index
      %get3A_1201 = arith.constant 0 : index
      %get3A_1202 = tpu.vector_load %arg10[%get3A_1199, %get3A_1200, %get3A_1201] {strides = array<i32>} : memref<2x8x128xf32, #tpu.memory_space<vmem>>, vector<1x1x16xf32>,
      %get3A_1203 = vector.shape_cast %get3A_1202 : vector<1x1x16xf32> to vector<16xf32>
      %sub3A_1204 = arith.subf %get3A_1203, %get3A_1196 : vector<16xf32>
      %abs3A_1205 = math.absf %sub3A_1204 : vector<16xf32>
      %mul3A_1206 = arith.mulf %get3A_1189, %abs3A_1205 : vector<16xf32>
      %add3A_1207 = arith.addf %add3A_1182, %mul3A_1206 : vector<16xf32>
      %get3A_1208 = arith.constant 144 : index
      %get3A_1209 = tpu.vector_load %arg9[%get3A_1208] {strides = array<i32>} : memref<512xf32, #tpu.memory_space<vmem>>, vector<16xf32>,
      %get3A_1210 = vector.shape_cast %get3A_1209 : vector<16xf32> to vector<16xf32>
      %mul3A_1211 = arith.constant 128 : i32
      %mul3A_1212 = arith.muli %add3A_1186, %mul3A_1211 : i32
      %add3A_1213 = arith.constant 16 : i32
      %add3A_1214 = arith.addi %mul3A_1212, %add3A_1213 : i32
      %get3A_1215 = arith.index_cast %add3A_1214 : i32 to index
      %get3A_1216 = tpu.vector_load %arg8[%get3A_1215] {strides = array<i32>} : memref<49152xf32, #tpu.memory_space<vmem>>, vector<16xf32>,
      %get3A_1217 = vector.shape_cast %get3A_1216 : vector<16xf32> to vector<16xf32>
      %get3A_1218 = arith.constant 0 : i32
      %get3A_1219 = arith.constant 5 : i32
      %get3A_1220 = arith.index_cast %get3A_1218 : i32 to index
      %get3A_1221 = arith.index_cast %get3A_1219 : i32 to index
      %get3A_1222 = arith.constant 16 : index
      %get3A_1223 = tpu.vector_load %arg10[%get3A_1220, %get3A_1221, %get3A_1222] {strides = array<i32>} : memref<2x8x128xf32, #tpu.memory_space<vmem>>, vector<1x1x16xf32>,
      %get3A_1224 = vector.shape_cast %get3A_1223 : vector<1x1x16xf32> to vector<16xf32>
      %sub3A_1225 = arith.subf %get3A_1224, %get3A_1217 : vector<16xf32>
      %abs3A_1226 = math.absf %sub3A_1225 : vector<16xf32>
      %mul3A_1227 = arith.mulf %get3A_1210, %abs3A_1226 : vector<16xf32>
      %add3A_1228 = arith.addf %add3A_1207, %mul3A_1227 : vector<16xf32>
      %get3A_1229 = arith.constant 160 : index
      %get3A_1230 = tpu.vector_load %arg9[%get3A_1229] {strides = array<i32>} : memref<512xf32, #tpu.memory_space<vmem>>, vector<16xf32>,
      %get3A_1231 = vector.shape_cast %get3A_1230 : vector<16xf32> to vector<16xf32>
      %mul3A_1232 = arith.constant 128 : i32
      %mul3A_1233 = arith.muli %add3A_1186, %mul3A_1232 : i32
      %add3A_1234 = arith.constant 32 : i32
      %add3A_1235 = arith.addi %mul3A_1233, %add3A_1234 : i32
      %get3A_1236 = arith.index_cast %add3A_1235 : i32 to index
      %get3A_1237 = tpu.vector_load %arg8[%get3A_1236] {strides = array<i32>} : memref<49152xf32, #tpu.memory_space<vmem>>, vector<16xf32>,
      %get3A_1238 = vector.shape_cast %get3A_1237 : vector<16xf32> to vector<16xf32>
      %get3A_1239 = arith.constant 0 : i32
      %get3A_1240 = arith.constant 5 : i32
      %get3A_1241 = arith.index_cast %get3A_1239 : i32 to index
      %get3A_1242 = arith.index_cast %get3A_1240 : i32 to index
      %get3A_1243 = arith.constant 32 : index
      %get3A_1244 = tpu.vector_load %arg10[%get3A_1241, %get3A_1242, %get3A_1243] {strides = array<i32>} : memref<2x8x128xf32, #tpu.memory_space<vmem>>, vector<1x1x16xf32>,
      %get3A_1245 = vector.shape_cast %get3A_1244 : vector<1x1x16xf32> to vector<16xf32>
      %sub3A_1246 = arith.subf %get3A_1245, %get3A_1238 : vector<16xf32>
      %abs3A_1247 = math.absf %sub3A_1246 : vector<16xf32>
      %mul3A_1248 = arith.mulf %get3A_1231, %abs3A_1247 : vector<16xf32>
      %add3A_1249 = arith.addf %add3A_1228, %mul3A_1248 : vector<16xf32>
      %get3A_1250 = arith.constant 176 : index
      %get3A_1251 = tpu.vector_load %arg9[%get3A_1250] {strides = array<i32>} : memref<512xf32, #tpu.memory_space<vmem>>, vector<16xf32>,
      %get3A_1252 = vector.shape_cast %get3A_1251 : vector<16xf32> to vector<16xf32>
      %mul3A_1253 = arith.constant 128 : i32
      %mul3A_1254 = arith.muli %add3A_1186, %mul3A_1253 : i32
      %add3A_1255 = arith.constant 48 : i32
      %add3A_1256 = arith.addi %mul3A_1254, %add3A_1255 : i32
      %get3A_1257 = arith.index_cast %add3A_1256 : i32 to index
      %get3A_1258 = tpu.vector_load %arg8[%get3A_1257] {strides = array<i32>} : memref<49152xf32, #tpu.memory_space<vmem>>, vector<16xf32>,
      %get3A_1259 = vector.shape_cast %get3A_1258 : vector<16xf32> to vector<16xf32>
      %get3A_1260 = arith.constant 0 : i32
      %get3A_1261 = arith.constant 5 : i32
      %get3A_1262 = arith.index_cast %get3A_1260 : i32 to index
      %get3A_1263 = arith.index_cast %get3A_1261 : i32 to index
      %get3A_1264 = arith.constant 48 : index
      %get3A_1265 = tpu.vector_load %arg10[%get3A_1262, %get3A_1263, %get3A_1264] {strides = array<i32>} : memref<2x8x128xf32, #tpu.memory_space<vmem>>, vector<1x1x16xf32>,
      %get3A_1266 = vector.shape_cast %get3A_1265 : vector<1x1x16xf32> to vector<16xf32>
      %sub3A_1267 = arith.subf %get3A_1266, %get3A_1259 : vector<16xf32>
      %abs3A_1268 = math.absf %sub3A_1267 : vector<16xf32>
      %mul3A_1269 = arith.mulf %get3A_1252, %abs3A_1268 : vector<16xf32>
      %add3A_1270 = arith.addf %add3A_1249, %mul3A_1269 : vector<16xf32>
      %get3A_1271 = arith.constant 192 : index
      %get3A_1272 = tpu.vector_load %arg9[%get3A_1271] {strides = array<i32>} : memref<512xf32, #tpu.memory_space<vmem>>, vector<16xf32>,
      %get3A_1273 = vector.shape_cast %get3A_1272 : vector<16xf32> to vector<16xf32>
      %mul3A_1274 = arith.constant 128 : i32
      %mul3A_1275 = arith.muli %add3A_1186, %mul3A_1274 : i32
      %add3A_1276 = arith.constant 64 : i32
      %add3A_1277 = arith.addi %mul3A_1275, %add3A_1276 : i32
      %get3A_1278 = arith.index_cast %add3A_1277 : i32 to index
      %get3A_1279 = tpu.vector_load %arg8[%get3A_1278] {strides = array<i32>} : memref<49152xf32, #tpu.memory_space<vmem>>, vector<16xf32>,
      %get3A_1280 = vector.shape_cast %get3A_1279 : vector<16xf32> to vector<16xf32>
      %get3A_1281 = arith.constant 0 : i32
      %get3A_1282 = arith.constant 5 : i32
      %get3A_1283 = arith.index_cast %get3A_1281 : i32 to index
      %get3A_1284 = arith.index_cast %get3A_1282 : i32 to index
      %get3A_1285 = arith.constant 64 : index
      %get3A_1286 = tpu.vector_load %arg10[%get3A_1283, %get3A_1284, %get3A_1285] {strides = array<i32>} : memref<2x8x128xf32, #tpu.memory_space<vmem>>, vector<1x1x16xf32>,
      %get3A_1287 = vector.shape_cast %get3A_1286 : vector<1x1x16xf32> to vector<16xf32>
      %sub3A_1288 = arith.subf %get3A_1287, %get3A_1280 : vector<16xf32>
      %abs3A_1289 = math.absf %sub3A_1288 : vector<16xf32>
      %mul3A_1290 = arith.mulf %get3A_1273, %abs3A_1289 : vector<16xf32>
      %add3A_1291 = arith.addf %add3A_1270, %mul3A_1290 : vector<16xf32>
      %get3A_1292 = arith.constant 208 : index
      %get3A_1293 = tpu.vector_load %arg9[%get3A_1292] {strides = array<i32>} : memref<512xf32, #tpu.memory_space<vmem>>, vector<16xf32>,
      %get3A_1294 = vector.shape_cast %get3A_1293 : vector<16xf32> to vector<16xf32>
      %mul3A_1295 = arith.constant 128 : i32
      %mul3A_1296 = arith.muli %add3A_1186, %mul3A_1295 : i32
      %add3A_1297 = arith.constant 80 : i32
      %add3A_1298 = arith.addi %mul3A_1296, %add3A_1297 : i32
      %get3A_1299 = arith.index_cast %add3A_1298 : i32 to index
      %get3A_1300 = tpu.vector_load %arg8[%get3A_1299] {strides = array<i32>} : memref<49152xf32, #tpu.memory_space<vmem>>, vector<16xf32>,
      %get3A_1301 = vector.shape_cast %get3A_1300 : vector<16xf32> to vector<16xf32>
      %get3A_1302 = arith.constant 0 : i32
      %get3A_1303 = arith.constant 5 : i32
      %get3A_1304 = arith.index_cast %get3A_1302 : i32 to index
      %get3A_1305 = arith.index_cast %get3A_1303 : i32 to index
      %get3A_1306 = arith.constant 80 : index
      %get3A_1307 = tpu.vector_load %arg10[%get3A_1304, %get3A_1305, %get3A_1306] {strides = array<i32>} : memref<2x8x128xf32, #tpu.memory_space<vmem>>, vector<1x1x16xf32>,
      %get3A_1308 = vector.shape_cast %get3A_1307 : vector<1x1x16xf32> to vector<16xf32>
      %sub3A_1309 = arith.subf %get3A_1308, %get3A_1301 : vector<16xf32>
      %abs3A_1310 = math.absf %sub3A_1309 : vector<16xf32>
      %mul3A_1311 = arith.mulf %get3A_1294, %abs3A_1310 : vector<16xf32>
      %add3A_1312 = arith.addf %add3A_1291, %mul3A_1311 : vector<16xf32>
      %get3A_1313 = arith.constant 224 : index
      %get3A_1314 = tpu.vector_load %arg9[%get3A_1313] {strides = array<i32>} : memref<512xf32, #tpu.memory_space<vmem>>, vector<16xf32>,
      %get3A_1315 = vector.shape_cast %get3A_1314 : vector<16xf32> to vector<16xf32>
      %mul3A_1316 = arith.constant 128 : i32
      %mul3A_1317 = arith.muli %add3A_1186, %mul3A_1316 : i32
      %add3A_1318 = arith.constant 96 : i32
      %add3A_1319 = arith.addi %mul3A_1317, %add3A_1318 : i32
      %get3A_1320 = arith.index_cast %add3A_1319 : i32 to index
      %get3A_1321 = tpu.vector_load %arg8[%get3A_1320] {strides = array<i32>} : memref<49152xf32, #tpu.memory_space<vmem>>, vector<16xf32>,
      %get3A_1322 = vector.shape_cast %get3A_1321 : vector<16xf32> to vector<16xf32>
      %get3A_1323 = arith.constant 0 : i32
      %get3A_1324 = arith.constant 5 : i32
      %get3A_1325 = arith.index_cast %get3A_1323 : i32 to index
      %get3A_1326 = arith.index_cast %get3A_1324 : i32 to index
      %get3A_1327 = arith.constant 96 : index
      %get3A_1328 = tpu.vector_load %arg10[%get3A_1325, %get3A_1326, %get3A_1327] {strides = array<i32>} : memref<2x8x128xf32, #tpu.memory_space<vmem>>, vector<1x1x16xf32>,
      %get3A_1329 = vector.shape_cast %get3A_1328 : vector<1x1x16xf32> to vector<16xf32>
      %sub3A_1330 = arith.subf %get3A_1329, %get3A_1322 : vector<16xf32>
      %abs3A_1331 = math.absf %sub3A_1330 : vector<16xf32>
      %mul3A_1332 = arith.mulf %get3A_1315, %abs3A_1331 : vector<16xf32>
      %add3A_1333 = arith.addf %add3A_1312, %mul3A_1332 : vector<16xf32>
      %get3A_1334 = arith.constant 240 : index
      %get3A_1335 = tpu.vector_load %arg9[%get3A_1334] {strides = array<i32>} : memref<512xf32, #tpu.memory_space<vmem>>, vector<16xf32>,
      %get3A_1336 = vector.shape_cast %get3A_1335 : vector<16xf32> to vector<16xf32>
      %mul3A_1337 = arith.constant 128 : i32
      %mul3A_1338 = arith.muli %add3A_1186, %mul3A_1337 : i32
      %add3A_1339 = arith.constant 112 : i32
      %add3A_1340 = arith.addi %mul3A_1338, %add3A_1339 : i32
      %get3A_1341 = arith.index_cast %add3A_1340 : i32 to index
      %get3A_1342 = tpu.vector_load %arg8[%get3A_1341] {strides = array<i32>} : memref<49152xf32, #tpu.memory_space<vmem>>, vector<16xf32>,
      %get3A_1343 = vector.shape_cast %get3A_1342 : vector<16xf32> to vector<16xf32>
      %get3A_1344 = arith.constant 0 : i32
      %get3A_1345 = arith.constant 5 : i32
      %get3A_1346 = arith.index_cast %get3A_1344 : i32 to index
      %get3A_1347 = arith.index_cast %get3A_1345 : i32 to index
      %get3A_1348 = arith.constant 112 : index
      %get3A_1349 = tpu.vector_load %arg10[%get3A_1346, %get3A_1347, %get3A_1348] {strides = array<i32>} : memref<2x8x128xf32, #tpu.memory_space<vmem>>, vector<1x1x16xf32>,
      %get3A_1350 = vector.shape_cast %get3A_1349 : vector<1x1x16xf32> to vector<16xf32>
      %sub3A_1351 = arith.subf %get3A_1350, %get3A_1343 : vector<16xf32>
      %abs3A_1352 = math.absf %sub3A_1351 : vector<16xf32>
      %mul3A_1353 = arith.mulf %get3A_1336, %abs3A_1352 : vector<16xf32>
      %add3A_1354 = arith.addf %add3A_1333, %mul3A_1353 : vector<16xf32>
      %mul3A_1355 = arith.constant 8 : i32
      %mul3A_1356 = arith.muli %mul3A_100, %mul3A_1355 : i32
      %add3A_1357 = arith.constant 6 : i32
      %add3A_1358 = arith.addi %mul3A_1356, %add3A_1357 : i32
      %get3A_1359 = arith.constant 256 : index
      %get3A_1360 = tpu.vector_load %arg9[%get3A_1359] {strides = array<i32>} : memref<512xf32, #tpu.memory_space<vmem>>, vector<16xf32>,
      %get3A_1361 = vector.shape_cast %get3A_1360 : vector<16xf32> to vector<16xf32>
      %mul3A_1362 = arith.constant 128 : i32
      %mul3A_1363 = arith.muli %add3A_1358, %mul3A_1362 : i32
      %add3A_1364 = arith.constant 0 : i32
      %add3A_1365 = arith.addi %mul3A_1363, %add3A_1364 : i32
      %get3A_1366 = arith.index_cast %add3A_1365 : i32 to index
      %get3A_1367 = tpu.vector_load %arg8[%get3A_1366] {strides = array<i32>} : memref<49152xf32, #tpu.memory_space<vmem>>, vector<16xf32>,
      %get3A_1368 = vector.shape_cast %get3A_1367 : vector<16xf32> to vector<16xf32>
      %get3A_1369 = arith.constant 0 : i32
      %get3A_1370 = arith.constant 6 : i32
      %get3A_1371 = arith.index_cast %get3A_1369 : i32 to index
      %get3A_1372 = arith.index_cast %get3A_1370 : i32 to index
      %get3A_1373 = arith.constant 0 : index
      %get3A_1374 = tpu.vector_load %arg10[%get3A_1371, %get3A_1372, %get3A_1373] {strides = array<i32>} : memref<2x8x128xf32, #tpu.memory_space<vmem>>, vector<1x1x16xf32>,
      %get3A_1375 = vector.shape_cast %get3A_1374 : vector<1x1x16xf32> to vector<16xf32>
      %sub3A_1376 = arith.subf %get3A_1375, %get3A_1368 : vector<16xf32>
      %abs3A_1377 = math.absf %sub3A_1376 : vector<16xf32>
      %mul3A_1378 = arith.mulf %get3A_1361, %abs3A_1377 : vector<16xf32>
      %add3A_1379 = arith.addf %add3A_1354, %mul3A_1378 : vector<16xf32>
      %get3A_1380 = arith.constant 272 : index
      %get3A_1381 = tpu.vector_load %arg9[%get3A_1380] {strides = array<i32>} : memref<512xf32, #tpu.memory_space<vmem>>, vector<16xf32>,
      %get3A_1382 = vector.shape_cast %get3A_1381 : vector<16xf32> to vector<16xf32>
      %mul3A_1383 = arith.constant 128 : i32
      %mul3A_1384 = arith.muli %add3A_1358, %mul3A_1383 : i32
      %add3A_1385 = arith.constant 16 : i32
      %add3A_1386 = arith.addi %mul3A_1384, %add3A_1385 : i32
      %get3A_1387 = arith.index_cast %add3A_1386 : i32 to index
      %get3A_1388 = tpu.vector_load %arg8[%get3A_1387] {strides = array<i32>} : memref<49152xf32, #tpu.memory_space<vmem>>, vector<16xf32>,
      %get3A_1389 = vector.shape_cast %get3A_1388 : vector<16xf32> to vector<16xf32>
      %get3A_1390 = arith.constant 0 : i32
      %get3A_1391 = arith.constant 6 : i32
      %get3A_1392 = arith.index_cast %get3A_1390 : i32 to index
      %get3A_1393 = arith.index_cast %get3A_1391 : i32 to index
      %get3A_1394 = arith.constant 16 : index
      %get3A_1395 = tpu.vector_load %arg10[%get3A_1392, %get3A_1393, %get3A_1394] {strides = array<i32>} : memref<2x8x128xf32, #tpu.memory_space<vmem>>, vector<1x1x16xf32>,
      %get3A_1396 = vector.shape_cast %get3A_1395 : vector<1x1x16xf32> to vector<16xf32>
      %sub3A_1397 = arith.subf %get3A_1396, %get3A_1389 : vector<16xf32>
      %abs3A_1398 = math.absf %sub3A_1397 : vector<16xf32>
      %mul3A_1399 = arith.mulf %get3A_1382, %abs3A_1398 : vector<16xf32>
      %add3A_1400 = arith.addf %add3A_1379, %mul3A_1399 : vector<16xf32>
      %get3A_1401 = arith.constant 288 : index
      %get3A_1402 = tpu.vector_load %arg9[%get3A_1401] {strides = array<i32>} : memref<512xf32, #tpu.memory_space<vmem>>, vector<16xf32>,
      %get3A_1403 = vector.shape_cast %get3A_1402 : vector<16xf32> to vector<16xf32>
      %mul3A_1404 = arith.constant 128 : i32
      %mul3A_1405 = arith.muli %add3A_1358, %mul3A_1404 : i32
      %add3A_1406 = arith.constant 32 : i32
      %add3A_1407 = arith.addi %mul3A_1405, %add3A_1406 : i32
      %get3A_1408 = arith.index_cast %add3A_1407 : i32 to index
      %get3A_1409 = tpu.vector_load %arg8[%get3A_1408] {strides = array<i32>} : memref<49152xf32, #tpu.memory_space<vmem>>, vector<16xf32>,
      %get3A_1410 = vector.shape_cast %get3A_1409 : vector<16xf32> to vector<16xf32>
      %get3A_1411 = arith.constant 0 : i32
      %get3A_1412 = arith.constant 6 : i32
      %get3A_1413 = arith.index_cast %get3A_1411 : i32 to index
      %get3A_1414 = arith.index_cast %get3A_1412 : i32 to index
      %get3A_1415 = arith.constant 32 : index
      %get3A_1416 = tpu.vector_load %arg10[%get3A_1413, %get3A_1414, %get3A_1415] {strides = array<i32>} : memref<2x8x128xf32, #tpu.memory_space<vmem>>, vector<1x1x16xf32>,
      %get3A_1417 = vector.shape_cast %get3A_1416 : vector<1x1x16xf32> to vector<16xf32>
      %sub3A_1418 = arith.subf %get3A_1417, %get3A_1410 : vector<16xf32>
      %abs3A_1419 = math.absf %sub3A_1418 : vector<16xf32>
      %mul3A_1420 = arith.mulf %get3A_1403, %abs3A_1419 : vector<16xf32>
      %add3A_1421 = arith.addf %add3A_1400, %mul3A_1420 : vector<16xf32>
      %get3A_1422 = arith.constant 304 : index
      %get3A_1423 = tpu.vector_load %arg9[%get3A_1422] {strides = array<i32>} : memref<512xf32, #tpu.memory_space<vmem>>, vector<16xf32>,
      %get3A_1424 = vector.shape_cast %get3A_1423 : vector<16xf32> to vector<16xf32>
      %mul3A_1425 = arith.constant 128 : i32
      %mul3A_1426 = arith.muli %add3A_1358, %mul3A_1425 : i32
      %add3A_1427 = arith.constant 48 : i32
      %add3A_1428 = arith.addi %mul3A_1426, %add3A_1427 : i32
      %get3A_1429 = arith.index_cast %add3A_1428 : i32 to index
      %get3A_1430 = tpu.vector_load %arg8[%get3A_1429] {strides = array<i32>} : memref<49152xf32, #tpu.memory_space<vmem>>, vector<16xf32>,
      %get3A_1431 = vector.shape_cast %get3A_1430 : vector<16xf32> to vector<16xf32>
      %get3A_1432 = arith.constant 0 : i32
      %get3A_1433 = arith.constant 6 : i32
      %get3A_1434 = arith.index_cast %get3A_1432 : i32 to index
      %get3A_1435 = arith.index_cast %get3A_1433 : i32 to index
      %get3A_1436 = arith.constant 48 : index
      %get3A_1437 = tpu.vector_load %arg10[%get3A_1434, %get3A_1435, %get3A_1436] {strides = array<i32>} : memref<2x8x128xf32, #tpu.memory_space<vmem>>, vector<1x1x16xf32>,
      %get3A_1438 = vector.shape_cast %get3A_1437 : vector<1x1x16xf32> to vector<16xf32>
      %sub3A_1439 = arith.subf %get3A_1438, %get3A_1431 : vector<16xf32>
      %abs3A_1440 = math.absf %sub3A_1439 : vector<16xf32>
      %mul3A_1441 = arith.mulf %get3A_1424, %abs3A_1440 : vector<16xf32>
      %add3A_1442 = arith.addf %add3A_1421, %mul3A_1441 : vector<16xf32>
      %get3A_1443 = arith.constant 320 : index
      %get3A_1444 = tpu.vector_load %arg9[%get3A_1443] {strides = array<i32>} : memref<512xf32, #tpu.memory_space<vmem>>, vector<16xf32>,
      %get3A_1445 = vector.shape_cast %get3A_1444 : vector<16xf32> to vector<16xf32>
      %mul3A_1446 = arith.constant 128 : i32
      %mul3A_1447 = arith.muli %add3A_1358, %mul3A_1446 : i32
      %add3A_1448 = arith.constant 64 : i32
      %add3A_1449 = arith.addi %mul3A_1447, %add3A_1448 : i32
      %get3A_1450 = arith.index_cast %add3A_1449 : i32 to index
      %get3A_1451 = tpu.vector_load %arg8[%get3A_1450] {strides = array<i32>} : memref<49152xf32, #tpu.memory_space<vmem>>, vector<16xf32>,
      %get3A_1452 = vector.shape_cast %get3A_1451 : vector<16xf32> to vector<16xf32>
      %get3A_1453 = arith.constant 0 : i32
      %get3A_1454 = arith.constant 6 : i32
      %get3A_1455 = arith.index_cast %get3A_1453 : i32 to index
      %get3A_1456 = arith.index_cast %get3A_1454 : i32 to index
      %get3A_1457 = arith.constant 64 : index
      %get3A_1458 = tpu.vector_load %arg10[%get3A_1455, %get3A_1456, %get3A_1457] {strides = array<i32>} : memref<2x8x128xf32, #tpu.memory_space<vmem>>, vector<1x1x16xf32>,
      %get3A_1459 = vector.shape_cast %get3A_1458 : vector<1x1x16xf32> to vector<16xf32>
      %sub3A_1460 = arith.subf %get3A_1459, %get3A_1452 : vector<16xf32>
      %abs3A_1461 = math.absf %sub3A_1460 : vector<16xf32>
      %mul3A_1462 = arith.mulf %get3A_1445, %abs3A_1461 : vector<16xf32>
      %add3A_1463 = arith.addf %add3A_1442, %mul3A_1462 : vector<16xf32>
      %get3A_1464 = arith.constant 336 : index
      %get3A_1465 = tpu.vector_load %arg9[%get3A_1464] {strides = array<i32>} : memref<512xf32, #tpu.memory_space<vmem>>, vector<16xf32>,
      %get3A_1466 = vector.shape_cast %get3A_1465 : vector<16xf32> to vector<16xf32>
      %mul3A_1467 = arith.constant 128 : i32
      %mul3A_1468 = arith.muli %add3A_1358, %mul3A_1467 : i32
      %add3A_1469 = arith.constant 80 : i32
      %add3A_1470 = arith.addi %mul3A_1468, %add3A_1469 : i32
      %get3A_1471 = arith.index_cast %add3A_1470 : i32 to index
      %get3A_1472 = tpu.vector_load %arg8[%get3A_1471] {strides = array<i32>} : memref<49152xf32, #tpu.memory_space<vmem>>, vector<16xf32>,
      %get3A_1473 = vector.shape_cast %get3A_1472 : vector<16xf32> to vector<16xf32>
      %get3A_1474 = arith.constant 0 : i32
      %get3A_1475 = arith.constant 6 : i32
      %get3A_1476 = arith.index_cast %get3A_1474 : i32 to index
      %get3A_1477 = arith.index_cast %get3A_1475 : i32 to index
      %get3A_1478 = arith.constant 80 : index
      %get3A_1479 = tpu.vector_load %arg10[%get3A_1476, %get3A_1477, %get3A_1478] {strides = array<i32>} : memref<2x8x128xf32, #tpu.memory_space<vmem>>, vector<1x1x16xf32>,
      %get3A_1480 = vector.shape_cast %get3A_1479 : vector<1x1x16xf32> to vector<16xf32>
      %sub3A_1481 = arith.subf %get3A_1480, %get3A_1473 : vector<16xf32>
      %abs3A_1482 = math.absf %sub3A_1481 : vector<16xf32>
      %mul3A_1483 = arith.mulf %get3A_1466, %abs3A_1482 : vector<16xf32>
      %add3A_1484 = arith.addf %add3A_1463, %mul3A_1483 : vector<16xf32>
      %get3A_1485 = arith.constant 352 : index
      %get3A_1486 = tpu.vector_load %arg9[%get3A_1485] {strides = array<i32>} : memref<512xf32, #tpu.memory_space<vmem>>, vector<16xf32>,
      %get3A_1487 = vector.shape_cast %get3A_1486 : vector<16xf32> to vector<16xf32>
      %mul3A_1488 = arith.constant 128 : i32
      %mul3A_1489 = arith.muli %add3A_1358, %mul3A_1488 : i32
      %add3A_1490 = arith.constant 96 : i32
      %add3A_1491 = arith.addi %mul3A_1489, %add3A_1490 : i32
      %get3A_1492 = arith.index_cast %add3A_1491 : i32 to index
      %get3A_1493 = tpu.vector_load %arg8[%get3A_1492] {strides = array<i32>} : memref<49152xf32, #tpu.memory_space<vmem>>, vector<16xf32>,
      %get3A_1494 = vector.shape_cast %get3A_1493 : vector<16xf32> to vector<16xf32>
      %get3A_1495 = arith.constant 0 : i32
      %get3A_1496 = arith.constant 6 : i32
      %get3A_1497 = arith.index_cast %get3A_1495 : i32 to index
      %get3A_1498 = arith.index_cast %get3A_1496 : i32 to index
      %get3A_1499 = arith.constant 96 : index
      %get3A_1500 = tpu.vector_load %arg10[%get3A_1497, %get3A_1498, %get3A_1499] {strides = array<i32>} : memref<2x8x128xf32, #tpu.memory_space<vmem>>, vector<1x1x16xf32>,
      %get3A_1501 = vector.shape_cast %get3A_1500 : vector<1x1x16xf32> to vector<16xf32>
      %sub3A_1502 = arith.subf %get3A_1501, %get3A_1494 : vector<16xf32>
      %abs3A_1503 = math.absf %sub3A_1502 : vector<16xf32>
      %mul3A_1504 = arith.mulf %get3A_1487, %abs3A_1503 : vector<16xf32>
      %add3A_1505 = arith.addf %add3A_1484, %mul3A_1504 : vector<16xf32>
      %get3A_1506 = arith.constant 368 : index
      %get3A_1507 = tpu.vector_load %arg9[%get3A_1506] {strides = array<i32>} : memref<512xf32, #tpu.memory_space<vmem>>, vector<16xf32>,
      %get3A_1508 = vector.shape_cast %get3A_1507 : vector<16xf32> to vector<16xf32>
      %mul3A_1509 = arith.constant 128 : i32
      %mul3A_1510 = arith.muli %add3A_1358, %mul3A_1509 : i32
      %add3A_1511 = arith.constant 112 : i32
      %add3A_1512 = arith.addi %mul3A_1510, %add3A_1511 : i32
      %get3A_1513 = arith.index_cast %add3A_1512 : i32 to index
      %get3A_1514 = tpu.vector_load %arg8[%get3A_1513] {strides = array<i32>} : memref<49152xf32, #tpu.memory_space<vmem>>, vector<16xf32>,
      %get3A_1515 = vector.shape_cast %get3A_1514 : vector<16xf32> to vector<16xf32>
      %get3A_1516 = arith.constant 0 : i32
      %get3A_1517 = arith.constant 6 : i32
      %get3A_1518 = arith.index_cast %get3A_1516 : i32 to index
      %get3A_1519 = arith.index_cast %get3A_1517 : i32 to index
      %get3A_1520 = arith.constant 112 : index
      %get3A_1521 = tpu.vector_load %arg10[%get3A_1518, %get3A_1519, %get3A_1520] {strides = array<i32>} : memref<2x8x128xf32, #tpu.memory_space<vmem>>, vector<1x1x16xf32>,
      %get3A_1522 = vector.shape_cast %get3A_1521 : vector<1x1x16xf32> to vector<16xf32>
      %sub3A_1523 = arith.subf %get3A_1522, %get3A_1515 : vector<16xf32>
      %abs3A_1524 = math.absf %sub3A_1523 : vector<16xf32>
      %mul3A_1525 = arith.mulf %get3A_1508, %abs3A_1524 : vector<16xf32>
      %add3A_1526 = arith.addf %add3A_1505, %mul3A_1525 : vector<16xf32>
      %mul3A_1527 = arith.constant 8 : i32
      %mul3A_1528 = arith.muli %mul3A_100, %mul3A_1527 : i32
      %add3A_1529 = arith.constant 7 : i32
      %add3A_1530 = arith.addi %mul3A_1528, %add3A_1529 : i32
      %get3A_1531 = arith.constant 384 : index
      %get3A_1532 = tpu.vector_load %arg9[%get3A_1531] {strides = array<i32>} : memref<512xf32, #tpu.memory_space<vmem>>, vector<16xf32>,
      %get3A_1533 = vector.shape_cast %get3A_1532 : vector<16xf32> to vector<16xf32>
      %mul3A_1534 = arith.constant 128 : i32
      %mul3A_1535 = arith.muli %add3A_1530, %mul3A_1534 : i32
      %add3A_1536 = arith.constant 0 : i32
      %add3A_1537 = arith.addi %mul3A_1535, %add3A_1536 : i32
      %get3A_1538 = arith.index_cast %add3A_1537 : i32 to index
      %get3A_1539 = tpu.vector_load %arg8[%get3A_1538] {strides = array<i32>} : memref<49152xf32, #tpu.memory_space<vmem>>, vector<16xf32>,
      %get3A_1540 = vector.shape_cast %get3A_1539 : vector<16xf32> to vector<16xf32>
      %get3A_1541 = arith.constant 0 : i32
      %get3A_1542 = arith.constant 7 : i32
      %get3A_1543 = arith.index_cast %get3A_1541 : i32 to index
      %get3A_1544 = arith.index_cast %get3A_1542 : i32 to index
      %get3A_1545 = arith.constant 0 : index
      %get3A_1546 = tpu.vector_load %arg10[%get3A_1543, %get3A_1544, %get3A_1545] {strides = array<i32>} : memref<2x8x128xf32, #tpu.memory_space<vmem>>, vector<1x1x16xf32>,
      %get3A_1547 = vector.shape_cast %get3A_1546 : vector<1x1x16xf32> to vector<16xf32>
      %sub3A_1548 = arith.subf %get3A_1547, %get3A_1540 : vector<16xf32>
      %abs3A_1549 = math.absf %sub3A_1548 : vector<16xf32>
      %mul3A_1550 = arith.mulf %get3A_1533, %abs3A_1549 : vector<16xf32>
      %add3A_1551 = arith.addf %add3A_1526, %mul3A_1550 : vector<16xf32>
      %get3A_1552 = arith.constant 400 : index
      %get3A_1553 = tpu.vector_load %arg9[%get3A_1552] {strides = array<i32>} : memref<512xf32, #tpu.memory_space<vmem>>, vector<16xf32>,
      %get3A_1554 = vector.shape_cast %get3A_1553 : vector<16xf32> to vector<16xf32>
      %mul3A_1555 = arith.constant 128 : i32
      %mul3A_1556 = arith.muli %add3A_1530, %mul3A_1555 : i32
      %add3A_1557 = arith.constant 16 : i32
      %add3A_1558 = arith.addi %mul3A_1556, %add3A_1557 : i32
      %get3A_1559 = arith.index_cast %add3A_1558 : i32 to index
      %get3A_1560 = tpu.vector_load %arg8[%get3A_1559] {strides = array<i32>} : memref<49152xf32, #tpu.memory_space<vmem>>, vector<16xf32>,
      %get3A_1561 = vector.shape_cast %get3A_1560 : vector<16xf32> to vector<16xf32>
      %get3A_1562 = arith.constant 0 : i32
      %get3A_1563 = arith.constant 7 : i32
      %get3A_1564 = arith.index_cast %get3A_1562 : i32 to index
      %get3A_1565 = arith.index_cast %get3A_1563 : i32 to index
      %get3A_1566 = arith.constant 16 : index
      %get3A_1567 = tpu.vector_load %arg10[%get3A_1564, %get3A_1565, %get3A_1566] {strides = array<i32>} : memref<2x8x128xf32, #tpu.memory_space<vmem>>, vector<1x1x16xf32>,
      %get3A_1568 = vector.shape_cast %get3A_1567 : vector<1x1x16xf32> to vector<16xf32>
      %sub3A_1569 = arith.subf %get3A_1568, %get3A_1561 : vector<16xf32>
      %abs3A_1570 = math.absf %sub3A_1569 : vector<16xf32>
      %mul3A_1571 = arith.mulf %get3A_1554, %abs3A_1570 : vector<16xf32>
      %add3A_1572 = arith.addf %add3A_1551, %mul3A_1571 : vector<16xf32>
      %get3A_1573 = arith.constant 416 : index
      %get3A_1574 = tpu.vector_load %arg9[%get3A_1573] {strides = array<i32>} : memref<512xf32, #tpu.memory_space<vmem>>, vector<16xf32>,
      %get3A_1575 = vector.shape_cast %get3A_1574 : vector<16xf32> to vector<16xf32>
      %mul3A_1576 = arith.constant 128 : i32
      %mul3A_1577 = arith.muli %add3A_1530, %mul3A_1576 : i32
      %add3A_1578 = arith.constant 32 : i32
      %add3A_1579 = arith.addi %mul3A_1577, %add3A_1578 : i32
      %get3A_1580 = arith.index_cast %add3A_1579 : i32 to index
      %get3A_1581 = tpu.vector_load %arg8[%get3A_1580] {strides = array<i32>} : memref<49152xf32, #tpu.memory_space<vmem>>, vector<16xf32>,
      %get3A_1582 = vector.shape_cast %get3A_1581 : vector<16xf32> to vector<16xf32>
      %get3A_1583 = arith.constant 0 : i32
      %get3A_1584 = arith.constant 7 : i32
      %get3A_1585 = arith.index_cast %get3A_1583 : i32 to index
      %get3A_1586 = arith.index_cast %get3A_1584 : i32 to index
      %get3A_1587 = arith.constant 32 : index
      %get3A_1588 = tpu.vector_load %arg10[%get3A_1585, %get3A_1586, %get3A_1587] {strides = array<i32>} : memref<2x8x128xf32, #tpu.memory_space<vmem>>, vector<1x1x16xf32>,
      %get3A_1589 = vector.shape_cast %get3A_1588 : vector<1x1x16xf32> to vector<16xf32>
      %sub3A_1590 = arith.subf %get3A_1589, %get3A_1582 : vector<16xf32>
      %abs3A_1591 = math.absf %sub3A_1590 : vector<16xf32>
      %mul3A_1592 = arith.mulf %get3A_1575, %abs3A_1591 : vector<16xf32>
      %add3A_1593 = arith.addf %add3A_1572, %mul3A_1592 : vector<16xf32>
      %get3A_1594 = arith.constant 432 : index
      %get3A_1595 = tpu.vector_load %arg9[%get3A_1594] {strides = array<i32>} : memref<512xf32, #tpu.memory_space<vmem>>, vector<16xf32>,
      %get3A_1596 = vector.shape_cast %get3A_1595 : vector<16xf32> to vector<16xf32>
      %mul3A_1597 = arith.constant 128 : i32
      %mul3A_1598 = arith.muli %add3A_1530, %mul3A_1597 : i32
      %add3A_1599 = arith.constant 48 : i32
      %add3A_1600 = arith.addi %mul3A_1598, %add3A_1599 : i32
      %get3A_1601 = arith.index_cast %add3A_1600 : i32 to index
      %get3A_1602 = tpu.vector_load %arg8[%get3A_1601] {strides = array<i32>} : memref<49152xf32, #tpu.memory_space<vmem>>, vector<16xf32>,
      %get3A_1603 = vector.shape_cast %get3A_1602 : vector<16xf32> to vector<16xf32>
      %get3A_1604 = arith.constant 0 : i32
      %get3A_1605 = arith.constant 7 : i32
      %get3A_1606 = arith.index_cast %get3A_1604 : i32 to index
      %get3A_1607 = arith.index_cast %get3A_1605 : i32 to index
      %get3A_1608 = arith.constant 48 : index
      %get3A_1609 = tpu.vector_load %arg10[%get3A_1606, %get3A_1607, %get3A_1608] {strides = array<i32>} : memref<2x8x128xf32, #tpu.memory_space<vmem>>, vector<1x1x16xf32>,
      %get3A_1610 = vector.shape_cast %get3A_1609 : vector<1x1x16xf32> to vector<16xf32>
      %sub3A_1611 = arith.subf %get3A_1610, %get3A_1603 : vector<16xf32>
      %abs3A_1612 = math.absf %sub3A_1611 : vector<16xf32>
      %mul3A_1613 = arith.mulf %get3A_1596, %abs3A_1612 : vector<16xf32>
      %add3A_1614 = arith.addf %add3A_1593, %mul3A_1613 : vector<16xf32>
      %get3A_1615 = arith.constant 448 : index
      %get3A_1616 = tpu.vector_load %arg9[%get3A_1615] {strides = array<i32>} : memref<512xf32, #tpu.memory_space<vmem>>, vector<16xf32>,
      %get3A_1617 = vector.shape_cast %get3A_1616 : vector<16xf32> to vector<16xf32>
      %mul3A_1618 = arith.constant 128 : i32
      %mul3A_1619 = arith.muli %add3A_1530, %mul3A_1618 : i32
      %add3A_1620 = arith.constant 64 : i32
      %add3A_1621 = arith.addi %mul3A_1619, %add3A_1620 : i32
      %get3A_1622 = arith.index_cast %add3A_1621 : i32 to index
      %get3A_1623 = tpu.vector_load %arg8[%get3A_1622] {strides = array<i32>} : memref<49152xf32, #tpu.memory_space<vmem>>, vector<16xf32>,
      %get3A_1624 = vector.shape_cast %get3A_1623 : vector<16xf32> to vector<16xf32>
      %get3A_1625 = arith.constant 0 : i32
      %get3A_1626 = arith.constant 7 : i32
      %get3A_1627 = arith.index_cast %get3A_1625 : i32 to index
      %get3A_1628 = arith.index_cast %get3A_1626 : i32 to index
      %get3A_1629 = arith.constant 64 : index
      %get3A_1630 = tpu.vector_load %arg10[%get3A_1627, %get3A_1628, %get3A_1629] {strides = array<i32>} : memref<2x8x128xf32, #tpu.memory_space<vmem>>, vector<1x1x16xf32>,
      %get3A_1631 = vector.shape_cast %get3A_1630 : vector<1x1x16xf32> to vector<16xf32>
      %sub3A_1632 = arith.subf %get3A_1631, %get3A_1624 : vector<16xf32>
      %abs3A_1633 = math.absf %sub3A_1632 : vector<16xf32>
      %mul3A_1634 = arith.mulf %get3A_1617, %abs3A_1633 : vector<16xf32>
      %add3A_1635 = arith.addf %add3A_1614, %mul3A_1634 : vector<16xf32>
      %get3A_1636 = arith.constant 464 : index
      %get3A_1637 = tpu.vector_load %arg9[%get3A_1636] {strides = array<i32>} : memref<512xf32, #tpu.memory_space<vmem>>, vector<16xf32>,
      %get3A_1638 = vector.shape_cast %get3A_1637 : vector<16xf32> to vector<16xf32>
      %mul3A_1639 = arith.constant 128 : i32
      %mul3A_1640 = arith.muli %add3A_1530, %mul3A_1639 : i32
      %add3A_1641 = arith.constant 80 : i32
      %add3A_1642 = arith.addi %mul3A_1640, %add3A_1641 : i32
      %get3A_1643 = arith.index_cast %add3A_1642 : i32 to index
      %get3A_1644 = tpu.vector_load %arg8[%get3A_1643] {strides = array<i32>} : memref<49152xf32, #tpu.memory_space<vmem>>, vector<16xf32>,
      %get3A_1645 = vector.shape_cast %get3A_1644 : vector<16xf32> to vector<16xf32>
      %get3A_1646 = arith.constant 0 : i32
      %get3A_1647 = arith.constant 7 : i32
      %get3A_1648 = arith.index_cast %get3A_1646 : i32 to index
      %get3A_1649 = arith.index_cast %get3A_1647 : i32 to index
      %get3A_1650 = arith.constant 80 : index
      %get3A_1651 = tpu.vector_load %arg10[%get3A_1648, %get3A_1649, %get3A_1650] {strides = array<i32>} : memref<2x8x128xf32, #tpu.memory_space<vmem>>, vector<1x1x16xf32>,
      %get3A_1652 = vector.shape_cast %get3A_1651 : vector<1x1x16xf32> to vector<16xf32>
      %sub3A_1653 = arith.subf %get3A_1652, %get3A_1645 : vector<16xf32>
      %abs3A_1654 = math.absf %sub3A_1653 : vector<16xf32>
      %mul3A_1655 = arith.mulf %get3A_1638, %abs3A_1654 : vector<16xf32>
      %add3A_1656 = arith.addf %add3A_1635, %mul3A_1655 : vector<16xf32>
      %get3A_1657 = arith.constant 480 : index
      %get3A_1658 = tpu.vector_load %arg9[%get3A_1657] {strides = array<i32>} : memref<512xf32, #tpu.memory_space<vmem>>, vector<16xf32>,
      %get3A_1659 = vector.shape_cast %get3A_1658 : vector<16xf32> to vector<16xf32>
      %mul3A_1660 = arith.constant 128 : i32
      %mul3A_1661 = arith.muli %add3A_1530, %mul3A_1660 : i32
      %add3A_1662 = arith.constant 96 : i32
      %add3A_1663 = arith.addi %mul3A_1661, %add3A_1662 : i32
      %get3A_1664 = arith.index_cast %add3A_1663 : i32 to index
      %get3A_1665 = tpu.vector_load %arg8[%get3A_1664] {strides = array<i32>} : memref<49152xf32, #tpu.memory_space<vmem>>, vector<16xf32>,
      %get3A_1666 = vector.shape_cast %get3A_1665 : vector<16xf32> to vector<16xf32>
      %get3A_1667 = arith.constant 0 : i32
      %get3A_1668 = arith.constant 7 : i32
      %get3A_1669 = arith.index_cast %get3A_1667 : i32 to index
      %get3A_1670 = arith.index_cast %get3A_1668 : i32 to index
      %get3A_1671 = arith.constant 96 : index
      %get3A_1672 = tpu.vector_load %arg10[%get3A_1669, %get3A_1670, %get3A_1671] {strides = array<i32>} : memref<2x8x128xf32, #tpu.memory_space<vmem>>, vector<1x1x16xf32>,
      %get3A_1673 = vector.shape_cast %get3A_1672 : vector<1x1x16xf32> to vector<16xf32>
      %sub3A_1674 = arith.subf %get3A_1673, %get3A_1666 : vector<16xf32>
      %abs3A_1675 = math.absf %sub3A_1674 : vector<16xf32>
      %mul3A_1676 = arith.mulf %get3A_1659, %abs3A_1675 : vector<16xf32>
      %add3A_1677 = arith.addf %add3A_1656, %mul3A_1676 : vector<16xf32>
      %get3A_1678 = arith.constant 496 : index
      %get3A_1679 = tpu.vector_load %arg9[%get3A_1678] {strides = array<i32>} : memref<512xf32, #tpu.memory_space<vmem>>, vector<16xf32>,
      %get3A_1680 = vector.shape_cast %get3A_1679 : vector<16xf32> to vector<16xf32>
      %mul3A_1681 = arith.constant 128 : i32
      %mul3A_1682 = arith.muli %add3A_1530, %mul3A_1681 : i32
      %add3A_1683 = arith.constant 112 : i32
      %add3A_1684 = arith.addi %mul3A_1682, %add3A_1683 : i32
      %get3A_1685 = arith.index_cast %add3A_1684 : i32 to index
      %get3A_1686 = tpu.vector_load %arg8[%get3A_1685] {strides = array<i32>} : memref<49152xf32, #tpu.memory_space<vmem>>, vector<16xf32>,
      %get3A_1687 = vector.shape_cast %get3A_1686 : vector<16xf32> to vector<16xf32>
      %get3A_1688 = arith.constant 0 : i32
      %get3A_1689 = arith.constant 7 : i32
      %get3A_1690 = arith.index_cast %get3A_1688 : i32 to index
      %get3A_1691 = arith.index_cast %get3A_1689 : i32 to index
      %get3A_1692 = arith.constant 112 : index
      %get3A_1693 = tpu.vector_load %arg10[%get3A_1690, %get3A_1691, %get3A_1692] {strides = array<i32>} : memref<2x8x128xf32, #tpu.memory_space<vmem>>, vector<1x1x16xf32>,
      %get3A_1694 = vector.shape_cast %get3A_1693 : vector<1x1x16xf32> to vector<16xf32>
      %sub3A_1695 = arith.subf %get3A_1694, %get3A_1687 : vector<16xf32>
      %abs3A_1696 = math.absf %sub3A_1695 : vector<16xf32>
      %mul3A_1697 = arith.mulf %get3A_1680, %abs3A_1696 : vector<16xf32>
      %add3A_1698 = arith.addf %add3A_1677, %mul3A_1697 : vector<16xf32>
      %add3A_1699 = arith.constant 2 : i32
      %add3A_1700 = arith.addi %mul3A_100, %add3A_1699 : i32
      %lt3A = arith.constant 48 : i32
      %lt3A_1701 = arith.cmpi slt, %add3A_1700, %lt3A : i32
      %convert_element_type3A = arith.extui %lt3A_1701 : i1 to i32
      %cond3A = arith.constant 0 : i32
      %cond3A_1702 = arith.cmpi ne, %convert_element_type3A, %cond3A : i32
      scf.if %cond3A_1702 {
        %add3A_3193 = arith.constant 2 : i32
        %add3A_3194 = arith.addi %mul3A_100, %add3A_3193 : i32
        %mul3A_3195 = arith.constant 8 : i32
        %mul3A_3196 = arith.muli %add3A_3194, %mul3A_3195 : i32
        %add3A_3197 = arith.constant 0 : i32
        %add3A_3198 = arith.addi %mul3A_3196, %add3A_3197 : i32
        %dma_start3A_3199 = arith.constant 0 : i32
        %dma_start3A_3200 = arith.constant 0 : i32
        %dma_start3A_3201 = arith.constant 0 : i32
        %dma_start3A_3202 = tpu.memref_slice %arg10[%dma_start3A_3199, %dma_start3A_3200, %dma_start3A_3201] : memref<2x8x128xf32, #tpu.memory_space<vmem>> -> memref<1x1x128xf32, #tpu.memory_space<vmem>>
        %dma_start3A_3203 = tpu.memref_squeeze %dma_start3A_3202 : memref<1x1x128xf32, #tpu.memory_space<vmem>> -> memref<128xf32, #tpu.memory_space<vmem>>
        %dma_start3A_3204 = arith.constant 0 : i32
        %dma_start3A_3205 = tpu.memref_slice %arg7[%add3A_3198, %dma_start3A_3204] : memref<384x128xi32, #tpu.memory_space<vmem>> -> memref<1x128xi32, #tpu.memory_space<vmem>>
        %dma_start3A_3206 = tpu.memref_squeeze %dma_start3A_3205 : memref<1x128xi32, #tpu.memory_space<vmem>> -> memref<128xi32, #tpu.memory_space<vmem>>
        %dma_start3A_3207 = arith.constant 0 : i32
        %dma_start3A_3208 = tpu.memref_slice %arg2[%dma_start3A_3207] : memref<50331648xf32, #tpu.memory_space<hbm>> -> memref<50331648xf32, #tpu.memory_space<hbm>>
        tpu.enqueue_indirect_dma source(%dma_start3A_3208 : memref<50331648xf32, #tpu.memory_space<hbm>>) target(%dma_start3A_3203 : memref<128xf32, #tpu.memory_space<vmem>>) offsets(%dma_start3A_3206 : memref<128xi32, #tpu.memory_space<vmem>>) semaphore(%arg12 : memref<!tpu.dma_semaphore, #tpu.memory_space<semaphore_mem>>)
        %mul3A_3209 = arith.constant 8 : i32
        %mul3A_3210 = arith.muli %add3A_3194, %mul3A_3209 : i32
        %add3A_3211 = arith.constant 1 : i32
        %add3A_3212 = arith.addi %mul3A_3210, %add3A_3211 : i32
        %dma_start3A_3213 = arith.constant 0 : i32
        %dma_start3A_3214 = arith.constant 1 : i32
        %dma_start3A_3215 = arith.constant 0 : i32
        %dma_start3A_3216 = tpu.memref_slice %arg10[%dma_start3A_3213, %dma_start3A_3214, %dma_start3A_3215] : memref<2x8x128xf32, #tpu.memory_space<vmem>> -> memref<1x1x128xf32, #tpu.memory_space<vmem>>
        %dma_start3A_3217 = tpu.memref_squeeze %dma_start3A_3216 : memref<1x1x128xf32, #tpu.memory_space<vmem>> -> memref<128xf32, #tpu.memory_space<vmem>>
        %dma_start3A_3218 = arith.constant 0 : i32
        %dma_start3A_3219 = tpu.memref_slice %arg7[%add3A_3212, %dma_start3A_3218] : memref<384x128xi32, #tpu.memory_space<vmem>> -> memref<1x128xi32, #tpu.memory_space<vmem>>
        %dma_start3A_3220 = tpu.memref_squeeze %dma_start3A_3219 : memref<1x128xi32, #tpu.memory_space<vmem>> -> memref<128xi32, #tpu.memory_space<vmem>>
        %dma_start3A_3221 = arith.constant 0 : i32
        %dma_start3A_3222 = tpu.memref_slice %arg2[%dma_start3A_3221] : memref<50331648xf32, #tpu.memory_space<hbm>> -> memref<50331648xf32, #tpu.memory_space<hbm>>
        tpu.enqueue_indirect_dma source(%dma_start3A_3222 : memref<50331648xf32, #tpu.memory_space<hbm>>) target(%dma_start3A_3217 : memref<128xf32, #tpu.memory_space<vmem>>) offsets(%dma_start3A_3220 : memref<128xi32, #tpu.memory_space<vmem>>) semaphore(%arg12 : memref<!tpu.dma_semaphore, #tpu.memory_space<semaphore_mem>>)
        %mul3A_3223 = arith.constant 8 : i32
        %mul3A_3224 = arith.muli %add3A_3194, %mul3A_3223 : i32
        %add3A_3225 = arith.constant 2 : i32
        %add3A_3226 = arith.addi %mul3A_3224, %add3A_3225 : i32
        %dma_start3A_3227 = arith.constant 0 : i32
        %dma_start3A_3228 = arith.constant 2 : i32
        %dma_start3A_3229 = arith.constant 0 : i32
        %dma_start3A_3230 = tpu.memref_slice %arg10[%dma_start3A_3227, %dma_start3A_3228, %dma_start3A_3229] : memref<2x8x128xf32, #tpu.memory_space<vmem>> -> memref<1x1x128xf32, #tpu.memory_space<vmem>>
        %dma_start3A_3231 = tpu.memref_squeeze %dma_start3A_3230 : memref<1x1x128xf32, #tpu.memory_space<vmem>> -> memref<128xf32, #tpu.memory_space<vmem>>
        %dma_start3A_3232 = arith.constant 0 : i32
        %dma_start3A_3233 = tpu.memref_slice %arg7[%add3A_3226, %dma_start3A_3232] : memref<384x128xi32, #tpu.memory_space<vmem>> -> memref<1x128xi32, #tpu.memory_space<vmem>>
        %dma_start3A_3234 = tpu.memref_squeeze %dma_start3A_3233 : memref<1x128xi32, #tpu.memory_space<vmem>> -> memref<128xi32, #tpu.memory_space<vmem>>
        %dma_start3A_3235 = arith.constant 0 : i32
        %dma_start3A_3236 = tpu.memref_slice %arg2[%dma_start3A_3235] : memref<50331648xf32, #tpu.memory_space<hbm>> -> memref<50331648xf32, #tpu.memory_space<hbm>>
        tpu.enqueue_indirect_dma source(%dma_start3A_3236 : memref<50331648xf32, #tpu.memory_space<hbm>>) target(%dma_start3A_3231 : memref<128xf32, #tpu.memory_space<vmem>>) offsets(%dma_start3A_3234 : memref<128xi32, #tpu.memory_space<vmem>>) semaphore(%arg12 : memref<!tpu.dma_semaphore, #tpu.memory_space<semaphore_mem>>)
        %mul3A_3237 = arith.constant 8 : i32
        %mul3A_3238 = arith.muli %add3A_3194, %mul3A_3237 : i32
        %add3A_3239 = arith.constant 3 : i32
        %add3A_3240 = arith.addi %mul3A_3238, %add3A_3239 : i32
        %dma_start3A_3241 = arith.constant 0 : i32
        %dma_start3A_3242 = arith.constant 3 : i32
        %dma_start3A_3243 = arith.constant 0 : i32
        %dma_start3A_3244 = tpu.memref_slice %arg10[%dma_start3A_3241, %dma_start3A_3242, %dma_start3A_3243] : memref<2x8x128xf32, #tpu.memory_space<vmem>> -> memref<1x1x128xf32, #tpu.memory_space<vmem>>
        %dma_start3A_3245 = tpu.memref_squeeze %dma_start3A_3244 : memref<1x1x128xf32, #tpu.memory_space<vmem>> -> memref<128xf32, #tpu.memory_space<vmem>>
        %dma_start3A_3246 = arith.constant 0 : i32
        %dma_start3A_3247 = tpu.memref_slice %arg7[%add3A_3240, %dma_start3A_3246] : memref<384x128xi32, #tpu.memory_space<vmem>> -> memref<1x128xi32, #tpu.memory_space<vmem>>
        %dma_start3A_3248 = tpu.memref_squeeze %dma_start3A_3247 : memref<1x128xi32, #tpu.memory_space<vmem>> -> memref<128xi32, #tpu.memory_space<vmem>>
        %dma_start3A_3249 = arith.constant 0 : i32
        %dma_start3A_3250 = tpu.memref_slice %arg2[%dma_start3A_3249] : memref<50331648xf32, #tpu.memory_space<hbm>> -> memref<50331648xf32, #tpu.memory_space<hbm>>
        tpu.enqueue_indirect_dma source(%dma_start3A_3250 : memref<50331648xf32, #tpu.memory_space<hbm>>) target(%dma_start3A_3245 : memref<128xf32, #tpu.memory_space<vmem>>) offsets(%dma_start3A_3248 : memref<128xi32, #tpu.memory_space<vmem>>) semaphore(%arg12 : memref<!tpu.dma_semaphore, #tpu.memory_space<semaphore_mem>>)
        %mul3A_3251 = arith.constant 8 : i32
        %mul3A_3252 = arith.muli %add3A_3194, %mul3A_3251 : i32
        %add3A_3253 = arith.constant 4 : i32
        %add3A_3254 = arith.addi %mul3A_3252, %add3A_3253 : i32
        %dma_start3A_3255 = arith.constant 0 : i32
        %dma_start3A_3256 = arith.constant 4 : i32
        %dma_start3A_3257 = arith.constant 0 : i32
        %dma_start3A_3258 = tpu.memref_slice %arg10[%dma_start3A_3255, %dma_start3A_3256, %dma_start3A_3257] : memref<2x8x128xf32, #tpu.memory_space<vmem>> -> memref<1x1x128xf32, #tpu.memory_space<vmem>>
        %dma_start3A_3259 = tpu.memref_squeeze %dma_start3A_3258 : memref<1x1x128xf32, #tpu.memory_space<vmem>> -> memref<128xf32, #tpu.memory_space<vmem>>
        %dma_start3A_3260 = arith.constant 0 : i32
        %dma_start3A_3261 = tpu.memref_slice %arg7[%add3A_3254, %dma_start3A_3260] : memref<384x128xi32, #tpu.memory_space<vmem>> -> memref<1x128xi32, #tpu.memory_space<vmem>>
        %dma_start3A_3262 = tpu.memref_squeeze %dma_start3A_3261 : memref<1x128xi32, #tpu.memory_space<vmem>> -> memref<128xi32, #tpu.memory_space<vmem>>
        %dma_start3A_3263 = arith.constant 0 : i32
        %dma_start3A_3264 = tpu.memref_slice %arg2[%dma_start3A_3263] : memref<50331648xf32, #tpu.memory_space<hbm>> -> memref<50331648xf32, #tpu.memory_space<hbm>>
        tpu.enqueue_indirect_dma source(%dma_start3A_3264 : memref<50331648xf32, #tpu.memory_space<hbm>>) target(%dma_start3A_3259 : memref<128xf32, #tpu.memory_space<vmem>>) offsets(%dma_start3A_3262 : memref<128xi32, #tpu.memory_space<vmem>>) semaphore(%arg12 : memref<!tpu.dma_semaphore, #tpu.memory_space<semaphore_mem>>)
        %mul3A_3265 = arith.constant 8 : i32
        %mul3A_3266 = arith.muli %add3A_3194, %mul3A_3265 : i32
        %add3A_3267 = arith.constant 5 : i32
        %add3A_3268 = arith.addi %mul3A_3266, %add3A_3267 : i32
        %dma_start3A_3269 = arith.constant 0 : i32
        %dma_start3A_3270 = arith.constant 5 : i32
        %dma_start3A_3271 = arith.constant 0 : i32
        %dma_start3A_3272 = tpu.memref_slice %arg10[%dma_start3A_3269, %dma_start3A_3270, %dma_start3A_3271] : memref<2x8x128xf32, #tpu.memory_space<vmem>> -> memref<1x1x128xf32, #tpu.memory_space<vmem>>
        %dma_start3A_3273 = tpu.memref_squeeze %dma_start3A_3272 : memref<1x1x128xf32, #tpu.memory_space<vmem>> -> memref<128xf32, #tpu.memory_space<vmem>>
        %dma_start3A_3274 = arith.constant 0 : i32
        %dma_start3A_3275 = tpu.memref_slice %arg7[%add3A_3268, %dma_start3A_3274] : memref<384x128xi32, #tpu.memory_space<vmem>> -> memref<1x128xi32, #tpu.memory_space<vmem>>
        %dma_start3A_3276 = tpu.memref_squeeze %dma_start3A_3275 : memref<1x128xi32, #tpu.memory_space<vmem>> -> memref<128xi32, #tpu.memory_space<vmem>>
        %dma_start3A_3277 = arith.constant 0 : i32
        %dma_start3A_3278 = tpu.memref_slice %arg2[%dma_start3A_3277] : memref<50331648xf32, #tpu.memory_space<hbm>> -> memref<50331648xf32, #tpu.memory_space<hbm>>
        tpu.enqueue_indirect_dma source(%dma_start3A_3278 : memref<50331648xf32, #tpu.memory_space<hbm>>) target(%dma_start3A_3273 : memref<128xf32, #tpu.memory_space<vmem>>) offsets(%dma_start3A_3276 : memref<128xi32, #tpu.memory_space<vmem>>) semaphore(%arg12 : memref<!tpu.dma_semaphore, #tpu.memory_space<semaphore_mem>>)
        %mul3A_3279 = arith.constant 8 : i32
        %mul3A_3280 = arith.muli %add3A_3194, %mul3A_3279 : i32
        %add3A_3281 = arith.constant 6 : i32
        %add3A_3282 = arith.addi %mul3A_3280, %add3A_3281 : i32
        %dma_start3A_3283 = arith.constant 0 : i32
        %dma_start3A_3284 = arith.constant 6 : i32
        %dma_start3A_3285 = arith.constant 0 : i32
        %dma_start3A_3286 = tpu.memref_slice %arg10[%dma_start3A_3283, %dma_start3A_3284, %dma_start3A_3285] : memref<2x8x128xf32, #tpu.memory_space<vmem>> -> memref<1x1x128xf32, #tpu.memory_space<vmem>>
        %dma_start3A_3287 = tpu.memref_squeeze %dma_start3A_3286 : memref<1x1x128xf32, #tpu.memory_space<vmem>> -> memref<128xf32, #tpu.memory_space<vmem>>
        %dma_start3A_3288 = arith.constant 0 : i32
        %dma_start3A_3289 = tpu.memref_slice %arg7[%add3A_3282, %dma_start3A_3288] : memref<384x128xi32, #tpu.memory_space<vmem>> -> memref<1x128xi32, #tpu.memory_space<vmem>>
        %dma_start3A_3290 = tpu.memref_squeeze %dma_start3A_3289 : memref<1x128xi32, #tpu.memory_space<vmem>> -> memref<128xi32, #tpu.memory_space<vmem>>
        %dma_start3A_3291 = arith.constant 0 : i32
        %dma_start3A_3292 = tpu.memref_slice %arg2[%dma_start3A_3291] : memref<50331648xf32, #tpu.memory_space<hbm>> -> memref<50331648xf32, #tpu.memory_space<hbm>>
        tpu.enqueue_indirect_dma source(%dma_start3A_3292 : memref<50331648xf32, #tpu.memory_space<hbm>>) target(%dma_start3A_3287 : memref<128xf32, #tpu.memory_space<vmem>>) offsets(%dma_start3A_3290 : memref<128xi32, #tpu.memory_space<vmem>>) semaphore(%arg12 : memref<!tpu.dma_semaphore, #tpu.memory_space<semaphore_mem>>)
        %mul3A_3293 = arith.constant 8 : i32
        %mul3A_3294 = arith.muli %add3A_3194, %mul3A_3293 : i32
        %add3A_3295 = arith.constant 7 : i32
        %add3A_3296 = arith.addi %mul3A_3294, %add3A_3295 : i32
        %dma_start3A_3297 = arith.constant 0 : i32
        %dma_start3A_3298 = arith.constant 7 : i32
        %dma_start3A_3299 = arith.constant 0 : i32
        %dma_start3A_3300 = tpu.memref_slice %arg10[%dma_start3A_3297, %dma_start3A_3298, %dma_start3A_3299] : memref<2x8x128xf32, #tpu.memory_space<vmem>> -> memref<1x1x128xf32, #tpu.memory_space<vmem>>
        %dma_start3A_3301 = tpu.memref_squeeze %dma_start3A_3300 : memref<1x1x128xf32, #tpu.memory_space<vmem>> -> memref<128xf32, #tpu.memory_space<vmem>>
        %dma_start3A_3302 = arith.constant 0 : i32
        %dma_start3A_3303 = tpu.memref_slice %arg7[%add3A_3296, %dma_start3A_3302] : memref<384x128xi32, #tpu.memory_space<vmem>> -> memref<1x128xi32, #tpu.memory_space<vmem>>
        %dma_start3A_3304 = tpu.memref_squeeze %dma_start3A_3303 : memref<1x128xi32, #tpu.memory_space<vmem>> -> memref<128xi32, #tpu.memory_space<vmem>>
        %dma_start3A_3305 = arith.constant 0 : i32
        %dma_start3A_3306 = tpu.memref_slice %arg2[%dma_start3A_3305] : memref<50331648xf32, #tpu.memory_space<hbm>> -> memref<50331648xf32, #tpu.memory_space<hbm>>
        tpu.enqueue_indirect_dma source(%dma_start3A_3306 : memref<50331648xf32, #tpu.memory_space<hbm>>) target(%dma_start3A_3301 : memref<128xf32, #tpu.memory_space<vmem>>) offsets(%dma_start3A_3304 : memref<128xi32, #tpu.memory_space<vmem>>) semaphore(%arg12 : memref<!tpu.dma_semaphore, #tpu.memory_space<semaphore_mem>>)
      } else {
      }
      %add3A_1703 = arith.constant 1 : i32
      %add3A_1704 = arith.addi %mul3A_100, %add3A_1703 : i32
      %mul3A_1705 = arith.constant 8 : i32
      %mul3A_1706 = arith.muli %add3A_1704, %mul3A_1705 : i32
      %add3A_1707 = arith.constant 0 : i32
      %add3A_1708 = arith.addi %mul3A_1706, %add3A_1707 : i32
      %dma_wait3A_1709 = arith.constant 1 : i32
      %dma_wait3A_1710 = arith.constant 0 : i32
      %dma_wait3A_1711 = arith.constant 0 : i32
      %dma_wait3A_1712 = tpu.memref_slice %arg10[%dma_wait3A_1709, %dma_wait3A_1710, %dma_wait3A_1711] : memref<2x8x128xf32, #tpu.memory_space<vmem>> -> memref<1x1x128xf32, #tpu.memory_space<vmem>>
      %dma_wait3A_1713 = tpu.memref_squeeze %dma_wait3A_1712 : memref<1x1x128xf32, #tpu.memory_space<vmem>> -> memref<128xf32, #tpu.memory_space<vmem>>
      %dma_wait3A_1714 = arith.constant 0 : i32
      %dma_wait3A_1715 = tpu.memref_slice %arg7[%add3A_1708, %dma_wait3A_1714] : memref<384x128xi32, #tpu.memory_space<vmem>> -> memref<1x128xi32, #tpu.memory_space<vmem>>
      %dma_wait3A_1716 = tpu.memref_squeeze %dma_wait3A_1715 : memref<1x128xi32, #tpu.memory_space<vmem>> -> memref<128xi32, #tpu.memory_space<vmem>>
      %dma_wait3A_1717 = arith.constant 0 : i32
      %dma_wait3A_1718 = tpu.memref_slice %arg2[%dma_wait3A_1717] : memref<50331648xf32, #tpu.memory_space<hbm>> -> memref<50331648xf32, #tpu.memory_space<hbm>>
      tpu.wait_indirect_dma semaphore(%arg13 : memref<!tpu.dma_semaphore, #tpu.memory_space<semaphore_mem>>) src(%dma_wait3A_1718 : memref<50331648xf32, #tpu.memory_space<hbm>>) dst(%dma_wait3A_1713 : memref<128xf32, #tpu.memory_space<vmem>>)
      %mul3A_1719 = arith.constant 8 : i32
      %mul3A_1720 = arith.muli %add3A_1704, %mul3A_1719 : i32
      %add3A_1721 = arith.constant 1 : i32
      %add3A_1722 = arith.addi %mul3A_1720, %add3A_1721 : i32
      %dma_wait3A_1723 = arith.constant 1 : i32
      %dma_wait3A_1724 = arith.constant 1 : i32
      %dma_wait3A_1725 = arith.constant 0 : i32
      %dma_wait3A_1726 = tpu.memref_slice %arg10[%dma_wait3A_1723, %dma_wait3A_1724, %dma_wait3A_1725] : memref<2x8x128xf32, #tpu.memory_space<vmem>> -> memref<1x1x128xf32, #tpu.memory_space<vmem>>
      %dma_wait3A_1727 = tpu.memref_squeeze %dma_wait3A_1726 : memref<1x1x128xf32, #tpu.memory_space<vmem>> -> memref<128xf32, #tpu.memory_space<vmem>>
      %dma_wait3A_1728 = arith.constant 0 : i32
      %dma_wait3A_1729 = tpu.memref_slice %arg7[%add3A_1722, %dma_wait3A_1728] : memref<384x128xi32, #tpu.memory_space<vmem>> -> memref<1x128xi32, #tpu.memory_space<vmem>>
      %dma_wait3A_1730 = tpu.memref_squeeze %dma_wait3A_1729 : memref<1x128xi32, #tpu.memory_space<vmem>> -> memref<128xi32, #tpu.memory_space<vmem>>
      %dma_wait3A_1731 = arith.constant 0 : i32
      %dma_wait3A_1732 = tpu.memref_slice %arg2[%dma_wait3A_1731] : memref<50331648xf32, #tpu.memory_space<hbm>> -> memref<50331648xf32, #tpu.memory_space<hbm>>
      tpu.wait_indirect_dma semaphore(%arg13 : memref<!tpu.dma_semaphore, #tpu.memory_space<semaphore_mem>>) src(%dma_wait3A_1732 : memref<50331648xf32, #tpu.memory_space<hbm>>) dst(%dma_wait3A_1727 : memref<128xf32, #tpu.memory_space<vmem>>)
      %mul3A_1733 = arith.constant 8 : i32
      %mul3A_1734 = arith.muli %add3A_1704, %mul3A_1733 : i32
      %add3A_1735 = arith.constant 2 : i32
      %add3A_1736 = arith.addi %mul3A_1734, %add3A_1735 : i32
      %dma_wait3A_1737 = arith.constant 1 : i32
      %dma_wait3A_1738 = arith.constant 2 : i32
      %dma_wait3A_1739 = arith.constant 0 : i32
      %dma_wait3A_1740 = tpu.memref_slice %arg10[%dma_wait3A_1737, %dma_wait3A_1738, %dma_wait3A_1739] : memref<2x8x128xf32, #tpu.memory_space<vmem>> -> memref<1x1x128xf32, #tpu.memory_space<vmem>>
      %dma_wait3A_1741 = tpu.memref_squeeze %dma_wait3A_1740 : memref<1x1x128xf32, #tpu.memory_space<vmem>> -> memref<128xf32, #tpu.memory_space<vmem>>
      %dma_wait3A_1742 = arith.constant 0 : i32
      %dma_wait3A_1743 = tpu.memref_slice %arg7[%add3A_1736, %dma_wait3A_1742] : memref<384x128xi32, #tpu.memory_space<vmem>> -> memref<1x128xi32, #tpu.memory_space<vmem>>
      %dma_wait3A_1744 = tpu.memref_squeeze %dma_wait3A_1743 : memref<1x128xi32, #tpu.memory_space<vmem>> -> memref<128xi32, #tpu.memory_space<vmem>>
      %dma_wait3A_1745 = arith.constant 0 : i32
      %dma_wait3A_1746 = tpu.memref_slice %arg2[%dma_wait3A_1745] : memref<50331648xf32, #tpu.memory_space<hbm>> -> memref<50331648xf32, #tpu.memory_space<hbm>>
      tpu.wait_indirect_dma semaphore(%arg13 : memref<!tpu.dma_semaphore, #tpu.memory_space<semaphore_mem>>) src(%dma_wait3A_1746 : memref<50331648xf32, #tpu.memory_space<hbm>>) dst(%dma_wait3A_1741 : memref<128xf32, #tpu.memory_space<vmem>>)
      %mul3A_1747 = arith.constant 8 : i32
      %mul3A_1748 = arith.muli %add3A_1704, %mul3A_1747 : i32
      %add3A_1749 = arith.constant 3 : i32
      %add3A_1750 = arith.addi %mul3A_1748, %add3A_1749 : i32
      %dma_wait3A_1751 = arith.constant 1 : i32
      %dma_wait3A_1752 = arith.constant 3 : i32
      %dma_wait3A_1753 = arith.constant 0 : i32
      %dma_wait3A_1754 = tpu.memref_slice %arg10[%dma_wait3A_1751, %dma_wait3A_1752, %dma_wait3A_1753] : memref<2x8x128xf32, #tpu.memory_space<vmem>> -> memref<1x1x128xf32, #tpu.memory_space<vmem>>
      %dma_wait3A_1755 = tpu.memref_squeeze %dma_wait3A_1754 : memref<1x1x128xf32, #tpu.memory_space<vmem>> -> memref<128xf32, #tpu.memory_space<vmem>>
      %dma_wait3A_1756 = arith.constant 0 : i32
      %dma_wait3A_1757 = tpu.memref_slice %arg7[%add3A_1750, %dma_wait3A_1756] : memref<384x128xi32, #tpu.memory_space<vmem>> -> memref<1x128xi32, #tpu.memory_space<vmem>>
      %dma_wait3A_1758 = tpu.memref_squeeze %dma_wait3A_1757 : memref<1x128xi32, #tpu.memory_space<vmem>> -> memref<128xi32, #tpu.memory_space<vmem>>
      %dma_wait3A_1759 = arith.constant 0 : i32
      %dma_wait3A_1760 = tpu.memref_slice %arg2[%dma_wait3A_1759] : memref<50331648xf32, #tpu.memory_space<hbm>> -> memref<50331648xf32, #tpu.memory_space<hbm>>
      tpu.wait_indirect_dma semaphore(%arg13 : memref<!tpu.dma_semaphore, #tpu.memory_space<semaphore_mem>>) src(%dma_wait3A_1760 : memref<50331648xf32, #tpu.memory_space<hbm>>) dst(%dma_wait3A_1755 : memref<128xf32, #tpu.memory_space<vmem>>)
      %mul3A_1761 = arith.constant 8 : i32
      %mul3A_1762 = arith.muli %add3A_1704, %mul3A_1761 : i32
      %add3A_1763 = arith.constant 4 : i32
      %add3A_1764 = arith.addi %mul3A_1762, %add3A_1763 : i32
      %dma_wait3A_1765 = arith.constant 1 : i32
      %dma_wait3A_1766 = arith.constant 4 : i32
      %dma_wait3A_1767 = arith.constant 0 : i32
      %dma_wait3A_1768 = tpu.memref_slice %arg10[%dma_wait3A_1765, %dma_wait3A_1766, %dma_wait3A_1767] : memref<2x8x128xf32, #tpu.memory_space<vmem>> -> memref<1x1x128xf32, #tpu.memory_space<vmem>>
      %dma_wait3A_1769 = tpu.memref_squeeze %dma_wait3A_1768 : memref<1x1x128xf32, #tpu.memory_space<vmem>> -> memref<128xf32, #tpu.memory_space<vmem>>
      %dma_wait3A_1770 = arith.constant 0 : i32
      %dma_wait3A_1771 = tpu.memref_slice %arg7[%add3A_1764, %dma_wait3A_1770] : memref<384x128xi32, #tpu.memory_space<vmem>> -> memref<1x128xi32, #tpu.memory_space<vmem>>
      %dma_wait3A_1772 = tpu.memref_squeeze %dma_wait3A_1771 : memref<1x128xi32, #tpu.memory_space<vmem>> -> memref<128xi32, #tpu.memory_space<vmem>>
      %dma_wait3A_1773 = arith.constant 0 : i32
      %dma_wait3A_1774 = tpu.memref_slice %arg2[%dma_wait3A_1773] : memref<50331648xf32, #tpu.memory_space<hbm>> -> memref<50331648xf32, #tpu.memory_space<hbm>>
      tpu.wait_indirect_dma semaphore(%arg13 : memref<!tpu.dma_semaphore, #tpu.memory_space<semaphore_mem>>) src(%dma_wait3A_1774 : memref<50331648xf32, #tpu.memory_space<hbm>>) dst(%dma_wait3A_1769 : memref<128xf32, #tpu.memory_space<vmem>>)
      %mul3A_1775 = arith.constant 8 : i32
      %mul3A_1776 = arith.muli %add3A_1704, %mul3A_1775 : i32
      %add3A_1777 = arith.constant 5 : i32
      %add3A_1778 = arith.addi %mul3A_1776, %add3A_1777 : i32
      %dma_wait3A_1779 = arith.constant 1 : i32
      %dma_wait3A_1780 = arith.constant 5 : i32
      %dma_wait3A_1781 = arith.constant 0 : i32
      %dma_wait3A_1782 = tpu.memref_slice %arg10[%dma_wait3A_1779, %dma_wait3A_1780, %dma_wait3A_1781] : memref<2x8x128xf32, #tpu.memory_space<vmem>> -> memref<1x1x128xf32, #tpu.memory_space<vmem>>
      %dma_wait3A_1783 = tpu.memref_squeeze %dma_wait3A_1782 : memref<1x1x128xf32, #tpu.memory_space<vmem>> -> memref<128xf32, #tpu.memory_space<vmem>>
      %dma_wait3A_1784 = arith.constant 0 : i32
      %dma_wait3A_1785 = tpu.memref_slice %arg7[%add3A_1778, %dma_wait3A_1784] : memref<384x128xi32, #tpu.memory_space<vmem>> -> memref<1x128xi32, #tpu.memory_space<vmem>>
      %dma_wait3A_1786 = tpu.memref_squeeze %dma_wait3A_1785 : memref<1x128xi32, #tpu.memory_space<vmem>> -> memref<128xi32, #tpu.memory_space<vmem>>
      %dma_wait3A_1787 = arith.constant 0 : i32
      %dma_wait3A_1788 = tpu.memref_slice %arg2[%dma_wait3A_1787] : memref<50331648xf32, #tpu.memory_space<hbm>> -> memref<50331648xf32, #tpu.memory_space<hbm>>
      tpu.wait_indirect_dma semaphore(%arg13 : memref<!tpu.dma_semaphore, #tpu.memory_space<semaphore_mem>>) src(%dma_wait3A_1788 : memref<50331648xf32, #tpu.memory_space<hbm>>) dst(%dma_wait3A_1783 : memref<128xf32, #tpu.memory_space<vmem>>)
      %mul3A_1789 = arith.constant 8 : i32
      %mul3A_1790 = arith.muli %add3A_1704, %mul3A_1789 : i32
      %add3A_1791 = arith.constant 6 : i32
      %add3A_1792 = arith.addi %mul3A_1790, %add3A_1791 : i32
      %dma_wait3A_1793 = arith.constant 1 : i32
      %dma_wait3A_1794 = arith.constant 6 : i32
      %dma_wait3A_1795 = arith.constant 0 : i32
      %dma_wait3A_1796 = tpu.memref_slice %arg10[%dma_wait3A_1793, %dma_wait3A_1794, %dma_wait3A_1795] : memref<2x8x128xf32, #tpu.memory_space<vmem>> -> memref<1x1x128xf32, #tpu.memory_space<vmem>>
      %dma_wait3A_1797 = tpu.memref_squeeze %dma_wait3A_1796 : memref<1x1x128xf32, #tpu.memory_space<vmem>> -> memref<128xf32, #tpu.memory_space<vmem>>
      %dma_wait3A_1798 = arith.constant 0 : i32
      %dma_wait3A_1799 = tpu.memref_slice %arg7[%add3A_1792, %dma_wait3A_1798] : memref<384x128xi32, #tpu.memory_space<vmem>> -> memref<1x128xi32, #tpu.memory_space<vmem>>
      %dma_wait3A_1800 = tpu.memref_squeeze %dma_wait3A_1799 : memref<1x128xi32, #tpu.memory_space<vmem>> -> memref<128xi32, #tpu.memory_space<vmem>>
      %dma_wait3A_1801 = arith.constant 0 : i32
      %dma_wait3A_1802 = tpu.memref_slice %arg2[%dma_wait3A_1801] : memref<50331648xf32, #tpu.memory_space<hbm>> -> memref<50331648xf32, #tpu.memory_space<hbm>>
      tpu.wait_indirect_dma semaphore(%arg13 : memref<!tpu.dma_semaphore, #tpu.memory_space<semaphore_mem>>) src(%dma_wait3A_1802 : memref<50331648xf32, #tpu.memory_space<hbm>>) dst(%dma_wait3A_1797 : memref<128xf32, #tpu.memory_space<vmem>>)
      %mul3A_1803 = arith.constant 8 : i32
      %mul3A_1804 = arith.muli %add3A_1704, %mul3A_1803 : i32
      %add3A_1805 = arith.constant 7 : i32
      %add3A_1806 = arith.addi %mul3A_1804, %add3A_1805 : i32
      %dma_wait3A_1807 = arith.constant 1 : i32
      %dma_wait3A_1808 = arith.constant 7 : i32
      %dma_wait3A_1809 = arith.constant 0 : i32
      %dma_wait3A_1810 = tpu.memref_slice %arg10[%dma_wait3A_1807, %dma_wait3A_1808, %dma_wait3A_1809] : memref<2x8x128xf32, #tpu.memory_space<vmem>> -> memref<1x1x128xf32, #tpu.memory_space<vmem>>
      %dma_wait3A_1811 = tpu.memref_squeeze %dma_wait3A_1810 : memref<1x1x128xf32, #tpu.memory_space<vmem>> -> memref<128xf32, #tpu.memory_space<vmem>>
      %dma_wait3A_1812 = arith.constant 0 : i32
      %dma_wait3A_1813 = tpu.memref_slice %arg7[%add3A_1806, %dma_wait3A_1812] : memref<384x128xi32, #tpu.memory_space<vmem>> -> memref<1x128xi32, #tpu.memory_space<vmem>>
      %dma_wait3A_1814 = tpu.memref_squeeze %dma_wait3A_1813 : memref<1x128xi32, #tpu.memory_space<vmem>> -> memref<128xi32, #tpu.memory_space<vmem>>
      %dma_wait3A_1815 = arith.constant 0 : i32
      %dma_wait3A_1816 = tpu.memref_slice %arg2[%dma_wait3A_1815] : memref<50331648xf32, #tpu.memory_space<hbm>> -> memref<50331648xf32, #tpu.memory_space<hbm>>
      tpu.wait_indirect_dma semaphore(%arg13 : memref<!tpu.dma_semaphore, #tpu.memory_space<semaphore_mem>>) src(%dma_wait3A_1816 : memref<50331648xf32, #tpu.memory_space<hbm>>) dst(%dma_wait3A_1811 : memref<128xf32, #tpu.memory_space<vmem>>)
      %mul3A_1817 = arith.constant 8 : i32
      %mul3A_1818 = arith.muli %add3A_1704, %mul3A_1817 : i32
      %add3A_1819 = arith.constant 0 : i32
      %add3A_1820 = arith.addi %mul3A_1818, %add3A_1819 : i32
      %get3A_1821 = arith.constant 0 : index
      %get3A_1822 = tpu.vector_load %arg9[%get3A_1821] {strides = array<i32>} : memref<512xf32, #tpu.memory_space<vmem>>, vector<16xf32>,
      %get3A_1823 = vector.shape_cast %get3A_1822 : vector<16xf32> to vector<16xf32>
      %mul3A_1824 = arith.constant 128 : i32
      %mul3A_1825 = arith.muli %add3A_1820, %mul3A_1824 : i32
      %add3A_1826 = arith.constant 0 : i32
      %add3A_1827 = arith.addi %mul3A_1825, %add3A_1826 : i32
      %get3A_1828 = arith.index_cast %add3A_1827 : i32 to index
      %get3A_1829 = tpu.vector_load %arg8[%get3A_1828] {strides = array<i32>} : memref<49152xf32, #tpu.memory_space<vmem>>, vector<16xf32>,
      %get3A_1830 = vector.shape_cast %get3A_1829 : vector<16xf32> to vector<16xf32>
      %get3A_1831 = arith.constant 1 : i32
      %get3A_1832 = arith.constant 0 : i32
      %get3A_1833 = arith.index_cast %get3A_1831 : i32 to index
      %get3A_1834 = arith.index_cast %get3A_1832 : i32 to index
      %get3A_1835 = arith.constant 0 : index
      %get3A_1836 = tpu.vector_load %arg10[%get3A_1833, %get3A_1834, %get3A_1835] {strides = array<i32>} : memref<2x8x128xf32, #tpu.memory_space<vmem>>, vector<1x1x16xf32>,
      %get3A_1837 = vector.shape_cast %get3A_1836 : vector<1x1x16xf32> to vector<16xf32>
      %sub3A_1838 = arith.subf %get3A_1837, %get3A_1830 : vector<16xf32>
      %abs3A_1839 = math.absf %sub3A_1838 : vector<16xf32>
      %mul3A_1840 = arith.mulf %get3A_1823, %abs3A_1839 : vector<16xf32>
      %add3A_1841 = arith.addf %add3A_1698, %mul3A_1840 : vector<16xf32>
      %get3A_1842 = arith.constant 16 : index
      %get3A_1843 = tpu.vector_load %arg9[%get3A_1842] {strides = array<i32>} : memref<512xf32, #tpu.memory_space<vmem>>, vector<16xf32>,
      %get3A_1844 = vector.shape_cast %get3A_1843 : vector<16xf32> to vector<16xf32>
      %mul3A_1845 = arith.constant 128 : i32
      %mul3A_1846 = arith.muli %add3A_1820, %mul3A_1845 : i32
      %add3A_1847 = arith.constant 16 : i32
      %add3A_1848 = arith.addi %mul3A_1846, %add3A_1847 : i32
      %get3A_1849 = arith.index_cast %add3A_1848 : i32 to index
      %get3A_1850 = tpu.vector_load %arg8[%get3A_1849] {strides = array<i32>} : memref<49152xf32, #tpu.memory_space<vmem>>, vector<16xf32>,
      %get3A_1851 = vector.shape_cast %get3A_1850 : vector<16xf32> to vector<16xf32>
      %get3A_1852 = arith.constant 1 : i32
      %get3A_1853 = arith.constant 0 : i32
      %get3A_1854 = arith.index_cast %get3A_1852 : i32 to index
      %get3A_1855 = arith.index_cast %get3A_1853 : i32 to index
      %get3A_1856 = arith.constant 16 : index
      %get3A_1857 = tpu.vector_load %arg10[%get3A_1854, %get3A_1855, %get3A_1856] {strides = array<i32>} : memref<2x8x128xf32, #tpu.memory_space<vmem>>, vector<1x1x16xf32>,
      %get3A_1858 = vector.shape_cast %get3A_1857 : vector<1x1x16xf32> to vector<16xf32>
      %sub3A_1859 = arith.subf %get3A_1858, %get3A_1851 : vector<16xf32>
      %abs3A_1860 = math.absf %sub3A_1859 : vector<16xf32>
      %mul3A_1861 = arith.mulf %get3A_1844, %abs3A_1860 : vector<16xf32>
      %add3A_1862 = arith.addf %add3A_1841, %mul3A_1861 : vector<16xf32>
      %get3A_1863 = arith.constant 32 : index
      %get3A_1864 = tpu.vector_load %arg9[%get3A_1863] {strides = array<i32>} : memref<512xf32, #tpu.memory_space<vmem>>, vector<16xf32>,
      %get3A_1865 = vector.shape_cast %get3A_1864 : vector<16xf32> to vector<16xf32>
      %mul3A_1866 = arith.constant 128 : i32
      %mul3A_1867 = arith.muli %add3A_1820, %mul3A_1866 : i32
      %add3A_1868 = arith.constant 32 : i32
      %add3A_1869 = arith.addi %mul3A_1867, %add3A_1868 : i32
      %get3A_1870 = arith.index_cast %add3A_1869 : i32 to index
      %get3A_1871 = tpu.vector_load %arg8[%get3A_1870] {strides = array<i32>} : memref<49152xf32, #tpu.memory_space<vmem>>, vector<16xf32>,
      %get3A_1872 = vector.shape_cast %get3A_1871 : vector<16xf32> to vector<16xf32>
      %get3A_1873 = arith.constant 1 : i32
      %get3A_1874 = arith.constant 0 : i32
      %get3A_1875 = arith.index_cast %get3A_1873 : i32 to index
      %get3A_1876 = arith.index_cast %get3A_1874 : i32 to index
      %get3A_1877 = arith.constant 32 : index
      %get3A_1878 = tpu.vector_load %arg10[%get3A_1875, %get3A_1876, %get3A_1877] {strides = array<i32>} : memref<2x8x128xf32, #tpu.memory_space<vmem>>, vector<1x1x16xf32>,
      %get3A_1879 = vector.shape_cast %get3A_1878 : vector<1x1x16xf32> to vector<16xf32>
      %sub3A_1880 = arith.subf %get3A_1879, %get3A_1872 : vector<16xf32>
      %abs3A_1881 = math.absf %sub3A_1880 : vector<16xf32>
      %mul3A_1882 = arith.mulf %get3A_1865, %abs3A_1881 : vector<16xf32>
      %add3A_1883 = arith.addf %add3A_1862, %mul3A_1882 : vector<16xf32>
      %get3A_1884 = arith.constant 48 : index
      %get3A_1885 = tpu.vector_load %arg9[%get3A_1884] {strides = array<i32>} : memref<512xf32, #tpu.memory_space<vmem>>, vector<16xf32>,
      %get3A_1886 = vector.shape_cast %get3A_1885 : vector<16xf32> to vector<16xf32>
      %mul3A_1887 = arith.constant 128 : i32
      %mul3A_1888 = arith.muli %add3A_1820, %mul3A_1887 : i32
      %add3A_1889 = arith.constant 48 : i32
      %add3A_1890 = arith.addi %mul3A_1888, %add3A_1889 : i32
      %get3A_1891 = arith.index_cast %add3A_1890 : i32 to index
      %get3A_1892 = tpu.vector_load %arg8[%get3A_1891] {strides = array<i32>} : memref<49152xf32, #tpu.memory_space<vmem>>, vector<16xf32>,
      %get3A_1893 = vector.shape_cast %get3A_1892 : vector<16xf32> to vector<16xf32>
      %get3A_1894 = arith.constant 1 : i32
      %get3A_1895 = arith.constant 0 : i32
      %get3A_1896 = arith.index_cast %get3A_1894 : i32 to index
      %get3A_1897 = arith.index_cast %get3A_1895 : i32 to index
      %get3A_1898 = arith.constant 48 : index
      %get3A_1899 = tpu.vector_load %arg10[%get3A_1896, %get3A_1897, %get3A_1898] {strides = array<i32>} : memref<2x8x128xf32, #tpu.memory_space<vmem>>, vector<1x1x16xf32>,
      %get3A_1900 = vector.shape_cast %get3A_1899 : vector<1x1x16xf32> to vector<16xf32>
      %sub3A_1901 = arith.subf %get3A_1900, %get3A_1893 : vector<16xf32>
      %abs3A_1902 = math.absf %sub3A_1901 : vector<16xf32>
      %mul3A_1903 = arith.mulf %get3A_1886, %abs3A_1902 : vector<16xf32>
      %add3A_1904 = arith.addf %add3A_1883, %mul3A_1903 : vector<16xf32>
      %get3A_1905 = arith.constant 64 : index
      %get3A_1906 = tpu.vector_load %arg9[%get3A_1905] {strides = array<i32>} : memref<512xf32, #tpu.memory_space<vmem>>, vector<16xf32>,
      %get3A_1907 = vector.shape_cast %get3A_1906 : vector<16xf32> to vector<16xf32>
      %mul3A_1908 = arith.constant 128 : i32
      %mul3A_1909 = arith.muli %add3A_1820, %mul3A_1908 : i32
      %add3A_1910 = arith.constant 64 : i32
      %add3A_1911 = arith.addi %mul3A_1909, %add3A_1910 : i32
      %get3A_1912 = arith.index_cast %add3A_1911 : i32 to index
      %get3A_1913 = tpu.vector_load %arg8[%get3A_1912] {strides = array<i32>} : memref<49152xf32, #tpu.memory_space<vmem>>, vector<16xf32>,
      %get3A_1914 = vector.shape_cast %get3A_1913 : vector<16xf32> to vector<16xf32>
      %get3A_1915 = arith.constant 1 : i32
      %get3A_1916 = arith.constant 0 : i32
      %get3A_1917 = arith.index_cast %get3A_1915 : i32 to index
      %get3A_1918 = arith.index_cast %get3A_1916 : i32 to index
      %get3A_1919 = arith.constant 64 : index
      %get3A_1920 = tpu.vector_load %arg10[%get3A_1917, %get3A_1918, %get3A_1919] {strides = array<i32>} : memref<2x8x128xf32, #tpu.memory_space<vmem>>, vector<1x1x16xf32>,
      %get3A_1921 = vector.shape_cast %get3A_1920 : vector<1x1x16xf32> to vector<16xf32>
      %sub3A_1922 = arith.subf %get3A_1921, %get3A_1914 : vector<16xf32>
      %abs3A_1923 = math.absf %sub3A_1922 : vector<16xf32>
      %mul3A_1924 = arith.mulf %get3A_1907, %abs3A_1923 : vector<16xf32>
      %add3A_1925 = arith.addf %add3A_1904, %mul3A_1924 : vector<16xf32>
      %get3A_1926 = arith.constant 80 : index
      %get3A_1927 = tpu.vector_load %arg9[%get3A_1926] {strides = array<i32>} : memref<512xf32, #tpu.memory_space<vmem>>, vector<16xf32>,
      %get3A_1928 = vector.shape_cast %get3A_1927 : vector<16xf32> to vector<16xf32>
      %mul3A_1929 = arith.constant 128 : i32
      %mul3A_1930 = arith.muli %add3A_1820, %mul3A_1929 : i32
      %add3A_1931 = arith.constant 80 : i32
      %add3A_1932 = arith.addi %mul3A_1930, %add3A_1931 : i32
      %get3A_1933 = arith.index_cast %add3A_1932 : i32 to index
      %get3A_1934 = tpu.vector_load %arg8[%get3A_1933] {strides = array<i32>} : memref<49152xf32, #tpu.memory_space<vmem>>, vector<16xf32>,
      %get3A_1935 = vector.shape_cast %get3A_1934 : vector<16xf32> to vector<16xf32>
      %get3A_1936 = arith.constant 1 : i32
      %get3A_1937 = arith.constant 0 : i32
      %get3A_1938 = arith.index_cast %get3A_1936 : i32 to index
      %get3A_1939 = arith.index_cast %get3A_1937 : i32 to index
      %get3A_1940 = arith.constant 80 : index
      %get3A_1941 = tpu.vector_load %arg10[%get3A_1938, %get3A_1939, %get3A_1940] {strides = array<i32>} : memref<2x8x128xf32, #tpu.memory_space<vmem>>, vector<1x1x16xf32>,
      %get3A_1942 = vector.shape_cast %get3A_1941 : vector<1x1x16xf32> to vector<16xf32>
      %sub3A_1943 = arith.subf %get3A_1942, %get3A_1935 : vector<16xf32>
      %abs3A_1944 = math.absf %sub3A_1943 : vector<16xf32>
      %mul3A_1945 = arith.mulf %get3A_1928, %abs3A_1944 : vector<16xf32>
      %add3A_1946 = arith.addf %add3A_1925, %mul3A_1945 : vector<16xf32>
      %get3A_1947 = arith.constant 96 : index
      %get3A_1948 = tpu.vector_load %arg9[%get3A_1947] {strides = array<i32>} : memref<512xf32, #tpu.memory_space<vmem>>, vector<16xf32>,
      %get3A_1949 = vector.shape_cast %get3A_1948 : vector<16xf32> to vector<16xf32>
      %mul3A_1950 = arith.constant 128 : i32
      %mul3A_1951 = arith.muli %add3A_1820, %mul3A_1950 : i32
      %add3A_1952 = arith.constant 96 : i32
      %add3A_1953 = arith.addi %mul3A_1951, %add3A_1952 : i32
      %get3A_1954 = arith.index_cast %add3A_1953 : i32 to index
      %get3A_1955 = tpu.vector_load %arg8[%get3A_1954] {strides = array<i32>} : memref<49152xf32, #tpu.memory_space<vmem>>, vector<16xf32>,
      %get3A_1956 = vector.shape_cast %get3A_1955 : vector<16xf32> to vector<16xf32>
      %get3A_1957 = arith.constant 1 : i32
      %get3A_1958 = arith.constant 0 : i32
      %get3A_1959 = arith.index_cast %get3A_1957 : i32 to index
      %get3A_1960 = arith.index_cast %get3A_1958 : i32 to index
      %get3A_1961 = arith.constant 96 : index
      %get3A_1962 = tpu.vector_load %arg10[%get3A_1959, %get3A_1960, %get3A_1961] {strides = array<i32>} : memref<2x8x128xf32, #tpu.memory_space<vmem>>, vector<1x1x16xf32>,
      %get3A_1963 = vector.shape_cast %get3A_1962 : vector<1x1x16xf32> to vector<16xf32>
      %sub3A_1964 = arith.subf %get3A_1963, %get3A_1956 : vector<16xf32>
      %abs3A_1965 = math.absf %sub3A_1964 : vector<16xf32>
      %mul3A_1966 = arith.mulf %get3A_1949, %abs3A_1965 : vector<16xf32>
      %add3A_1967 = arith.addf %add3A_1946, %mul3A_1966 : vector<16xf32>
      %get3A_1968 = arith.constant 112 : index
      %get3A_1969 = tpu.vector_load %arg9[%get3A_1968] {strides = array<i32>} : memref<512xf32, #tpu.memory_space<vmem>>, vector<16xf32>,
      %get3A_1970 = vector.shape_cast %get3A_1969 : vector<16xf32> to vector<16xf32>
      %mul3A_1971 = arith.constant 128 : i32
      %mul3A_1972 = arith.muli %add3A_1820, %mul3A_1971 : i32
      %add3A_1973 = arith.constant 112 : i32
      %add3A_1974 = arith.addi %mul3A_1972, %add3A_1973 : i32
      %get3A_1975 = arith.index_cast %add3A_1974 : i32 to index
      %get3A_1976 = tpu.vector_load %arg8[%get3A_1975] {strides = array<i32>} : memref<49152xf32, #tpu.memory_space<vmem>>, vector<16xf32>,
      %get3A_1977 = vector.shape_cast %get3A_1976 : vector<16xf32> to vector<16xf32>
      %get3A_1978 = arith.constant 1 : i32
      %get3A_1979 = arith.constant 0 : i32
      %get3A_1980 = arith.index_cast %get3A_1978 : i32 to index
      %get3A_1981 = arith.index_cast %get3A_1979 : i32 to index
      %get3A_1982 = arith.constant 112 : index
      %get3A_1983 = tpu.vector_load %arg10[%get3A_1980, %get3A_1981, %get3A_1982] {strides = array<i32>} : memref<2x8x128xf32, #tpu.memory_space<vmem>>, vector<1x1x16xf32>,
      %get3A_1984 = vector.shape_cast %get3A_1983 : vector<1x1x16xf32> to vector<16xf32>
      %sub3A_1985 = arith.subf %get3A_1984, %get3A_1977 : vector<16xf32>
      %abs3A_1986 = math.absf %sub3A_1985 : vector<16xf32>
      %mul3A_1987 = arith.mulf %get3A_1970, %abs3A_1986 : vector<16xf32>
      %add3A_1988 = arith.addf %add3A_1967, %mul3A_1987 : vector<16xf32>
      %mul3A_1989 = arith.constant 8 : i32
      %mul3A_1990 = arith.muli %add3A_1704, %mul3A_1989 : i32
      %add3A_1991 = arith.constant 1 : i32
      %add3A_1992 = arith.addi %mul3A_1990, %add3A_1991 : i32
      %get3A_1993 = arith.constant 128 : index
      %get3A_1994 = tpu.vector_load %arg9[%get3A_1993] {strides = array<i32>} : memref<512xf32, #tpu.memory_space<vmem>>, vector<16xf32>,
      %get3A_1995 = vector.shape_cast %get3A_1994 : vector<16xf32> to vector<16xf32>
      %mul3A_1996 = arith.constant 128 : i32
      %mul3A_1997 = arith.muli %add3A_1992, %mul3A_1996 : i32
      %add3A_1998 = arith.constant 0 : i32
      %add3A_1999 = arith.addi %mul3A_1997, %add3A_1998 : i32
      %get3A_2000 = arith.index_cast %add3A_1999 : i32 to index
      %get3A_2001 = tpu.vector_load %arg8[%get3A_2000] {strides = array<i32>} : memref<49152xf32, #tpu.memory_space<vmem>>, vector<16xf32>,
      %get3A_2002 = vector.shape_cast %get3A_2001 : vector<16xf32> to vector<16xf32>
      %get3A_2003 = arith.constant 1 : i32
      %get3A_2004 = arith.constant 1 : i32
      %get3A_2005 = arith.index_cast %get3A_2003 : i32 to index
      %get3A_2006 = arith.index_cast %get3A_2004 : i32 to index
      %get3A_2007 = arith.constant 0 : index
      %get3A_2008 = tpu.vector_load %arg10[%get3A_2005, %get3A_2006, %get3A_2007] {strides = array<i32>} : memref<2x8x128xf32, #tpu.memory_space<vmem>>, vector<1x1x16xf32>,
      %get3A_2009 = vector.shape_cast %get3A_2008 : vector<1x1x16xf32> to vector<16xf32>
      %sub3A_2010 = arith.subf %get3A_2009, %get3A_2002 : vector<16xf32>
      %abs3A_2011 = math.absf %sub3A_2010 : vector<16xf32>
      %mul3A_2012 = arith.mulf %get3A_1995, %abs3A_2011 : vector<16xf32>
      %add3A_2013 = arith.addf %add3A_1988, %mul3A_2012 : vector<16xf32>
      %get3A_2014 = arith.constant 144 : index
      %get3A_2015 = tpu.vector_load %arg9[%get3A_2014] {strides = array<i32>} : memref<512xf32, #tpu.memory_space<vmem>>, vector<16xf32>,
      %get3A_2016 = vector.shape_cast %get3A_2015 : vector<16xf32> to vector<16xf32>
      %mul3A_2017 = arith.constant 128 : i32
      %mul3A_2018 = arith.muli %add3A_1992, %mul3A_2017 : i32
      %add3A_2019 = arith.constant 16 : i32
      %add3A_2020 = arith.addi %mul3A_2018, %add3A_2019 : i32
      %get3A_2021 = arith.index_cast %add3A_2020 : i32 to index
      %get3A_2022 = tpu.vector_load %arg8[%get3A_2021] {strides = array<i32>} : memref<49152xf32, #tpu.memory_space<vmem>>, vector<16xf32>,
      %get3A_2023 = vector.shape_cast %get3A_2022 : vector<16xf32> to vector<16xf32>
      %get3A_2024 = arith.constant 1 : i32
      %get3A_2025 = arith.constant 1 : i32
      %get3A_2026 = arith.index_cast %get3A_2024 : i32 to index
      %get3A_2027 = arith.index_cast %get3A_2025 : i32 to index
      %get3A_2028 = arith.constant 16 : index
      %get3A_2029 = tpu.vector_load %arg10[%get3A_2026, %get3A_2027, %get3A_2028] {strides = array<i32>} : memref<2x8x128xf32, #tpu.memory_space<vmem>>, vector<1x1x16xf32>,
      %get3A_2030 = vector.shape_cast %get3A_2029 : vector<1x1x16xf32> to vector<16xf32>
      %sub3A_2031 = arith.subf %get3A_2030, %get3A_2023 : vector<16xf32>
      %abs3A_2032 = math.absf %sub3A_2031 : vector<16xf32>
      %mul3A_2033 = arith.mulf %get3A_2016, %abs3A_2032 : vector<16xf32>
      %add3A_2034 = arith.addf %add3A_2013, %mul3A_2033 : vector<16xf32>
      %get3A_2035 = arith.constant 160 : index
      %get3A_2036 = tpu.vector_load %arg9[%get3A_2035] {strides = array<i32>} : memref<512xf32, #tpu.memory_space<vmem>>, vector<16xf32>,
      %get3A_2037 = vector.shape_cast %get3A_2036 : vector<16xf32> to vector<16xf32>
      %mul3A_2038 = arith.constant 128 : i32
      %mul3A_2039 = arith.muli %add3A_1992, %mul3A_2038 : i32
      %add3A_2040 = arith.constant 32 : i32
      %add3A_2041 = arith.addi %mul3A_2039, %add3A_2040 : i32
      %get3A_2042 = arith.index_cast %add3A_2041 : i32 to index
      %get3A_2043 = tpu.vector_load %arg8[%get3A_2042] {strides = array<i32>} : memref<49152xf32, #tpu.memory_space<vmem>>, vector<16xf32>,
      %get3A_2044 = vector.shape_cast %get3A_2043 : vector<16xf32> to vector<16xf32>
      %get3A_2045 = arith.constant 1 : i32
      %get3A_2046 = arith.constant 1 : i32
      %get3A_2047 = arith.index_cast %get3A_2045 : i32 to index
      %get3A_2048 = arith.index_cast %get3A_2046 : i32 to index
      %get3A_2049 = arith.constant 32 : index
      %get3A_2050 = tpu.vector_load %arg10[%get3A_2047, %get3A_2048, %get3A_2049] {strides = array<i32>} : memref<2x8x128xf32, #tpu.memory_space<vmem>>, vector<1x1x16xf32>,
      %get3A_2051 = vector.shape_cast %get3A_2050 : vector<1x1x16xf32> to vector<16xf32>
      %sub3A_2052 = arith.subf %get3A_2051, %get3A_2044 : vector<16xf32>
      %abs3A_2053 = math.absf %sub3A_2052 : vector<16xf32>
      %mul3A_2054 = arith.mulf %get3A_2037, %abs3A_2053 : vector<16xf32>
      %add3A_2055 = arith.addf %add3A_2034, %mul3A_2054 : vector<16xf32>
      %get3A_2056 = arith.constant 176 : index
      %get3A_2057 = tpu.vector_load %arg9[%get3A_2056] {strides = array<i32>} : memref<512xf32, #tpu.memory_space<vmem>>, vector<16xf32>,
      %get3A_2058 = vector.shape_cast %get3A_2057 : vector<16xf32> to vector<16xf32>
      %mul3A_2059 = arith.constant 128 : i32
      %mul3A_2060 = arith.muli %add3A_1992, %mul3A_2059 : i32
      %add3A_2061 = arith.constant 48 : i32
      %add3A_2062 = arith.addi %mul3A_2060, %add3A_2061 : i32
      %get3A_2063 = arith.index_cast %add3A_2062 : i32 to index
      %get3A_2064 = tpu.vector_load %arg8[%get3A_2063] {strides = array<i32>} : memref<49152xf32, #tpu.memory_space<vmem>>, vector<16xf32>,
      %get3A_2065 = vector.shape_cast %get3A_2064 : vector<16xf32> to vector<16xf32>
      %get3A_2066 = arith.constant 1 : i32
      %get3A_2067 = arith.constant 1 : i32
      %get3A_2068 = arith.index_cast %get3A_2066 : i32 to index
      %get3A_2069 = arith.index_cast %get3A_2067 : i32 to index
      %get3A_2070 = arith.constant 48 : index
      %get3A_2071 = tpu.vector_load %arg10[%get3A_2068, %get3A_2069, %get3A_2070] {strides = array<i32>} : memref<2x8x128xf32, #tpu.memory_space<vmem>>, vector<1x1x16xf32>,
      %get3A_2072 = vector.shape_cast %get3A_2071 : vector<1x1x16xf32> to vector<16xf32>
      %sub3A_2073 = arith.subf %get3A_2072, %get3A_2065 : vector<16xf32>
      %abs3A_2074 = math.absf %sub3A_2073 : vector<16xf32>
      %mul3A_2075 = arith.mulf %get3A_2058, %abs3A_2074 : vector<16xf32>
      %add3A_2076 = arith.addf %add3A_2055, %mul3A_2075 : vector<16xf32>
      %get3A_2077 = arith.constant 192 : index
      %get3A_2078 = tpu.vector_load %arg9[%get3A_2077] {strides = array<i32>} : memref<512xf32, #tpu.memory_space<vmem>>, vector<16xf32>,
      %get3A_2079 = vector.shape_cast %get3A_2078 : vector<16xf32> to vector<16xf32>
      %mul3A_2080 = arith.constant 128 : i32
      %mul3A_2081 = arith.muli %add3A_1992, %mul3A_2080 : i32
      %add3A_2082 = arith.constant 64 : i32
      %add3A_2083 = arith.addi %mul3A_2081, %add3A_2082 : i32
      %get3A_2084 = arith.index_cast %add3A_2083 : i32 to index
      %get3A_2085 = tpu.vector_load %arg8[%get3A_2084] {strides = array<i32>} : memref<49152xf32, #tpu.memory_space<vmem>>, vector<16xf32>,
      %get3A_2086 = vector.shape_cast %get3A_2085 : vector<16xf32> to vector<16xf32>
      %get3A_2087 = arith.constant 1 : i32
      %get3A_2088 = arith.constant 1 : i32
      %get3A_2089 = arith.index_cast %get3A_2087 : i32 to index
      %get3A_2090 = arith.index_cast %get3A_2088 : i32 to index
      %get3A_2091 = arith.constant 64 : index
      %get3A_2092 = tpu.vector_load %arg10[%get3A_2089, %get3A_2090, %get3A_2091] {strides = array<i32>} : memref<2x8x128xf32, #tpu.memory_space<vmem>>, vector<1x1x16xf32>,
      %get3A_2093 = vector.shape_cast %get3A_2092 : vector<1x1x16xf32> to vector<16xf32>
      %sub3A_2094 = arith.subf %get3A_2093, %get3A_2086 : vector<16xf32>
      %abs3A_2095 = math.absf %sub3A_2094 : vector<16xf32>
      %mul3A_2096 = arith.mulf %get3A_2079, %abs3A_2095 : vector<16xf32>
      %add3A_2097 = arith.addf %add3A_2076, %mul3A_2096 : vector<16xf32>
      %get3A_2098 = arith.constant 208 : index
      %get3A_2099 = tpu.vector_load %arg9[%get3A_2098] {strides = array<i32>} : memref<512xf32, #tpu.memory_space<vmem>>, vector<16xf32>,
      %get3A_2100 = vector.shape_cast %get3A_2099 : vector<16xf32> to vector<16xf32>
      %mul3A_2101 = arith.constant 128 : i32
      %mul3A_2102 = arith.muli %add3A_1992, %mul3A_2101 : i32
      %add3A_2103 = arith.constant 80 : i32
      %add3A_2104 = arith.addi %mul3A_2102, %add3A_2103 : i32
      %get3A_2105 = arith.index_cast %add3A_2104 : i32 to index
      %get3A_2106 = tpu.vector_load %arg8[%get3A_2105] {strides = array<i32>} : memref<49152xf32, #tpu.memory_space<vmem>>, vector<16xf32>,
      %get3A_2107 = vector.shape_cast %get3A_2106 : vector<16xf32> to vector<16xf32>
      %get3A_2108 = arith.constant 1 : i32
      %get3A_2109 = arith.constant 1 : i32
      %get3A_2110 = arith.index_cast %get3A_2108 : i32 to index
      %get3A_2111 = arith.index_cast %get3A_2109 : i32 to index
      %get3A_2112 = arith.constant 80 : index
      %get3A_2113 = tpu.vector_load %arg10[%get3A_2110, %get3A_2111, %get3A_2112] {strides = array<i32>} : memref<2x8x128xf32, #tpu.memory_space<vmem>>, vector<1x1x16xf32>,
      %get3A_2114 = vector.shape_cast %get3A_2113 : vector<1x1x16xf32> to vector<16xf32>
      %sub3A_2115 = arith.subf %get3A_2114, %get3A_2107 : vector<16xf32>
      %abs3A_2116 = math.absf %sub3A_2115 : vector<16xf32>
      %mul3A_2117 = arith.mulf %get3A_2100, %abs3A_2116 : vector<16xf32>
      %add3A_2118 = arith.addf %add3A_2097, %mul3A_2117 : vector<16xf32>
      %get3A_2119 = arith.constant 224 : index
      %get3A_2120 = tpu.vector_load %arg9[%get3A_2119] {strides = array<i32>} : memref<512xf32, #tpu.memory_space<vmem>>, vector<16xf32>,
      %get3A_2121 = vector.shape_cast %get3A_2120 : vector<16xf32> to vector<16xf32>
      %mul3A_2122 = arith.constant 128 : i32
      %mul3A_2123 = arith.muli %add3A_1992, %mul3A_2122 : i32
      %add3A_2124 = arith.constant 96 : i32
      %add3A_2125 = arith.addi %mul3A_2123, %add3A_2124 : i32
      %get3A_2126 = arith.index_cast %add3A_2125 : i32 to index
      %get3A_2127 = tpu.vector_load %arg8[%get3A_2126] {strides = array<i32>} : memref<49152xf32, #tpu.memory_space<vmem>>, vector<16xf32>,
      %get3A_2128 = vector.shape_cast %get3A_2127 : vector<16xf32> to vector<16xf32>
      %get3A_2129 = arith.constant 1 : i32
      %get3A_2130 = arith.constant 1 : i32
      %get3A_2131 = arith.index_cast %get3A_2129 : i32 to index
      %get3A_2132 = arith.index_cast %get3A_2130 : i32 to index
      %get3A_2133 = arith.constant 96 : index
      %get3A_2134 = tpu.vector_load %arg10[%get3A_2131, %get3A_2132, %get3A_2133] {strides = array<i32>} : memref<2x8x128xf32, #tpu.memory_space<vmem>>, vector<1x1x16xf32>,
      %get3A_2135 = vector.shape_cast %get3A_2134 : vector<1x1x16xf32> to vector<16xf32>
      %sub3A_2136 = arith.subf %get3A_2135, %get3A_2128 : vector<16xf32>
      %abs3A_2137 = math.absf %sub3A_2136 : vector<16xf32>
      %mul3A_2138 = arith.mulf %get3A_2121, %abs3A_2137 : vector<16xf32>
      %add3A_2139 = arith.addf %add3A_2118, %mul3A_2138 : vector<16xf32>
      %get3A_2140 = arith.constant 240 : index
      %get3A_2141 = tpu.vector_load %arg9[%get3A_2140] {strides = array<i32>} : memref<512xf32, #tpu.memory_space<vmem>>, vector<16xf32>,
      %get3A_2142 = vector.shape_cast %get3A_2141 : vector<16xf32> to vector<16xf32>
      %mul3A_2143 = arith.constant 128 : i32
      %mul3A_2144 = arith.muli %add3A_1992, %mul3A_2143 : i32
      %add3A_2145 = arith.constant 112 : i32
      %add3A_2146 = arith.addi %mul3A_2144, %add3A_2145 : i32
      %get3A_2147 = arith.index_cast %add3A_2146 : i32 to index
      %get3A_2148 = tpu.vector_load %arg8[%get3A_2147] {strides = array<i32>} : memref<49152xf32, #tpu.memory_space<vmem>>, vector<16xf32>,
      %get3A_2149 = vector.shape_cast %get3A_2148 : vector<16xf32> to vector<16xf32>
      %get3A_2150 = arith.constant 1 : i32
      %get3A_2151 = arith.constant 1 : i32
      %get3A_2152 = arith.index_cast %get3A_2150 : i32 to index
      %get3A_2153 = arith.index_cast %get3A_2151 : i32 to index
      %get3A_2154 = arith.constant 112 : index
      %get3A_2155 = tpu.vector_load %arg10[%get3A_2152, %get3A_2153, %get3A_2154] {strides = array<i32>} : memref<2x8x128xf32, #tpu.memory_space<vmem>>, vector<1x1x16xf32>,
      %get3A_2156 = vector.shape_cast %get3A_2155 : vector<1x1x16xf32> to vector<16xf32>
      %sub3A_2157 = arith.subf %get3A_2156, %get3A_2149 : vector<16xf32>
      %abs3A_2158 = math.absf %sub3A_2157 : vector<16xf32>
      %mul3A_2159 = arith.mulf %get3A_2142, %abs3A_2158 : vector<16xf32>
      %add3A_2160 = arith.addf %add3A_2139, %mul3A_2159 : vector<16xf32>
      %mul3A_2161 = arith.constant 8 : i32
      %mul3A_2162 = arith.muli %add3A_1704, %mul3A_2161 : i32
      %add3A_2163 = arith.constant 2 : i32
      %add3A_2164 = arith.addi %mul3A_2162, %add3A_2163 : i32
      %get3A_2165 = arith.constant 256 : index
      %get3A_2166 = tpu.vector_load %arg9[%get3A_2165] {strides = array<i32>} : memref<512xf32, #tpu.memory_space<vmem>>, vector<16xf32>,
      %get3A_2167 = vector.shape_cast %get3A_2166 : vector<16xf32> to vector<16xf32>
      %mul3A_2168 = arith.constant 128 : i32
      %mul3A_2169 = arith.muli %add3A_2164, %mul3A_2168 : i32
      %add3A_2170 = arith.constant 0 : i32
      %add3A_2171 = arith.addi %mul3A_2169, %add3A_2170 : i32
      %get3A_2172 = arith.index_cast %add3A_2171 : i32 to index
      %get3A_2173 = tpu.vector_load %arg8[%get3A_2172] {strides = array<i32>} : memref<49152xf32, #tpu.memory_space<vmem>>, vector<16xf32>,
      %get3A_2174 = vector.shape_cast %get3A_2173 : vector<16xf32> to vector<16xf32>
      %get3A_2175 = arith.constant 1 : i32
      %get3A_2176 = arith.constant 2 : i32
      %get3A_2177 = arith.index_cast %get3A_2175 : i32 to index
      %get3A_2178 = arith.index_cast %get3A_2176 : i32 to index
      %get3A_2179 = arith.constant 0 : index
      %get3A_2180 = tpu.vector_load %arg10[%get3A_2177, %get3A_2178, %get3A_2179] {strides = array<i32>} : memref<2x8x128xf32, #tpu.memory_space<vmem>>, vector<1x1x16xf32>,
      %get3A_2181 = vector.shape_cast %get3A_2180 : vector<1x1x16xf32> to vector<16xf32>
      %sub3A_2182 = arith.subf %get3A_2181, %get3A_2174 : vector<16xf32>
      %abs3A_2183 = math.absf %sub3A_2182 : vector<16xf32>
      %mul3A_2184 = arith.mulf %get3A_2167, %abs3A_2183 : vector<16xf32>
      %add3A_2185 = arith.addf %add3A_2160, %mul3A_2184 : vector<16xf32>
      %get3A_2186 = arith.constant 272 : index
      %get3A_2187 = tpu.vector_load %arg9[%get3A_2186] {strides = array<i32>} : memref<512xf32, #tpu.memory_space<vmem>>, vector<16xf32>,
      %get3A_2188 = vector.shape_cast %get3A_2187 : vector<16xf32> to vector<16xf32>
      %mul3A_2189 = arith.constant 128 : i32
      %mul3A_2190 = arith.muli %add3A_2164, %mul3A_2189 : i32
      %add3A_2191 = arith.constant 16 : i32
      %add3A_2192 = arith.addi %mul3A_2190, %add3A_2191 : i32
      %get3A_2193 = arith.index_cast %add3A_2192 : i32 to index
      %get3A_2194 = tpu.vector_load %arg8[%get3A_2193] {strides = array<i32>} : memref<49152xf32, #tpu.memory_space<vmem>>, vector<16xf32>,
      %get3A_2195 = vector.shape_cast %get3A_2194 : vector<16xf32> to vector<16xf32>
      %get3A_2196 = arith.constant 1 : i32
      %get3A_2197 = arith.constant 2 : i32
      %get3A_2198 = arith.index_cast %get3A_2196 : i32 to index
      %get3A_2199 = arith.index_cast %get3A_2197 : i32 to index
      %get3A_2200 = arith.constant 16 : index
      %get3A_2201 = tpu.vector_load %arg10[%get3A_2198, %get3A_2199, %get3A_2200] {strides = array<i32>} : memref<2x8x128xf32, #tpu.memory_space<vmem>>, vector<1x1x16xf32>,
      %get3A_2202 = vector.shape_cast %get3A_2201 : vector<1x1x16xf32> to vector<16xf32>
      %sub3A_2203 = arith.subf %get3A_2202, %get3A_2195 : vector<16xf32>
      %abs3A_2204 = math.absf %sub3A_2203 : vector<16xf32>
      %mul3A_2205 = arith.mulf %get3A_2188, %abs3A_2204 : vector<16xf32>
      %add3A_2206 = arith.addf %add3A_2185, %mul3A_2205 : vector<16xf32>
      %get3A_2207 = arith.constant 288 : index
      %get3A_2208 = tpu.vector_load %arg9[%get3A_2207] {strides = array<i32>} : memref<512xf32, #tpu.memory_space<vmem>>, vector<16xf32>,
      %get3A_2209 = vector.shape_cast %get3A_2208 : vector<16xf32> to vector<16xf32>
      %mul3A_2210 = arith.constant 128 : i32
      %mul3A_2211 = arith.muli %add3A_2164, %mul3A_2210 : i32
      %add3A_2212 = arith.constant 32 : i32
      %add3A_2213 = arith.addi %mul3A_2211, %add3A_2212 : i32
      %get3A_2214 = arith.index_cast %add3A_2213 : i32 to index
      %get3A_2215 = tpu.vector_load %arg8[%get3A_2214] {strides = array<i32>} : memref<49152xf32, #tpu.memory_space<vmem>>, vector<16xf32>,
      %get3A_2216 = vector.shape_cast %get3A_2215 : vector<16xf32> to vector<16xf32>
      %get3A_2217 = arith.constant 1 : i32
      %get3A_2218 = arith.constant 2 : i32
      %get3A_2219 = arith.index_cast %get3A_2217 : i32 to index
      %get3A_2220 = arith.index_cast %get3A_2218 : i32 to index
      %get3A_2221 = arith.constant 32 : index
      %get3A_2222 = tpu.vector_load %arg10[%get3A_2219, %get3A_2220, %get3A_2221] {strides = array<i32>} : memref<2x8x128xf32, #tpu.memory_space<vmem>>, vector<1x1x16xf32>,
      %get3A_2223 = vector.shape_cast %get3A_2222 : vector<1x1x16xf32> to vector<16xf32>
      %sub3A_2224 = arith.subf %get3A_2223, %get3A_2216 : vector<16xf32>
      %abs3A_2225 = math.absf %sub3A_2224 : vector<16xf32>
      %mul3A_2226 = arith.mulf %get3A_2209, %abs3A_2225 : vector<16xf32>
      %add3A_2227 = arith.addf %add3A_2206, %mul3A_2226 : vector<16xf32>
      %get3A_2228 = arith.constant 304 : index
      %get3A_2229 = tpu.vector_load %arg9[%get3A_2228] {strides = array<i32>} : memref<512xf32, #tpu.memory_space<vmem>>, vector<16xf32>,
      %get3A_2230 = vector.shape_cast %get3A_2229 : vector<16xf32> to vector<16xf32>
      %mul3A_2231 = arith.constant 128 : i32
      %mul3A_2232 = arith.muli %add3A_2164, %mul3A_2231 : i32
      %add3A_2233 = arith.constant 48 : i32
      %add3A_2234 = arith.addi %mul3A_2232, %add3A_2233 : i32
      %get3A_2235 = arith.index_cast %add3A_2234 : i32 to index
      %get3A_2236 = tpu.vector_load %arg8[%get3A_2235] {strides = array<i32>} : memref<49152xf32, #tpu.memory_space<vmem>>, vector<16xf32>,
      %get3A_2237 = vector.shape_cast %get3A_2236 : vector<16xf32> to vector<16xf32>
      %get3A_2238 = arith.constant 1 : i32
      %get3A_2239 = arith.constant 2 : i32
      %get3A_2240 = arith.index_cast %get3A_2238 : i32 to index
      %get3A_2241 = arith.index_cast %get3A_2239 : i32 to index
      %get3A_2242 = arith.constant 48 : index
      %get3A_2243 = tpu.vector_load %arg10[%get3A_2240, %get3A_2241, %get3A_2242] {strides = array<i32>} : memref<2x8x128xf32, #tpu.memory_space<vmem>>, vector<1x1x16xf32>,
      %get3A_2244 = vector.shape_cast %get3A_2243 : vector<1x1x16xf32> to vector<16xf32>
      %sub3A_2245 = arith.subf %get3A_2244, %get3A_2237 : vector<16xf32>
      %abs3A_2246 = math.absf %sub3A_2245 : vector<16xf32>
      %mul3A_2247 = arith.mulf %get3A_2230, %abs3A_2246 : vector<16xf32>
      %add3A_2248 = arith.addf %add3A_2227, %mul3A_2247 : vector<16xf32>
      %get3A_2249 = arith.constant 320 : index
      %get3A_2250 = tpu.vector_load %arg9[%get3A_2249] {strides = array<i32>} : memref<512xf32, #tpu.memory_space<vmem>>, vector<16xf32>,
      %get3A_2251 = vector.shape_cast %get3A_2250 : vector<16xf32> to vector<16xf32>
      %mul3A_2252 = arith.constant 128 : i32
      %mul3A_2253 = arith.muli %add3A_2164, %mul3A_2252 : i32
      %add3A_2254 = arith.constant 64 : i32
      %add3A_2255 = arith.addi %mul3A_2253, %add3A_2254 : i32
      %get3A_2256 = arith.index_cast %add3A_2255 : i32 to index
      %get3A_2257 = tpu.vector_load %arg8[%get3A_2256] {strides = array<i32>} : memref<49152xf32, #tpu.memory_space<vmem>>, vector<16xf32>,
      %get3A_2258 = vector.shape_cast %get3A_2257 : vector<16xf32> to vector<16xf32>
      %get3A_2259 = arith.constant 1 : i32
      %get3A_2260 = arith.constant 2 : i32
      %get3A_2261 = arith.index_cast %get3A_2259 : i32 to index
      %get3A_2262 = arith.index_cast %get3A_2260 : i32 to index
      %get3A_2263 = arith.constant 64 : index
      %get3A_2264 = tpu.vector_load %arg10[%get3A_2261, %get3A_2262, %get3A_2263] {strides = array<i32>} : memref<2x8x128xf32, #tpu.memory_space<vmem>>, vector<1x1x16xf32>,
      %get3A_2265 = vector.shape_cast %get3A_2264 : vector<1x1x16xf32> to vector<16xf32>
      %sub3A_2266 = arith.subf %get3A_2265, %get3A_2258 : vector<16xf32>
      %abs3A_2267 = math.absf %sub3A_2266 : vector<16xf32>
      %mul3A_2268 = arith.mulf %get3A_2251, %abs3A_2267 : vector<16xf32>
      %add3A_2269 = arith.addf %add3A_2248, %mul3A_2268 : vector<16xf32>
      %get3A_2270 = arith.constant 336 : index
      %get3A_2271 = tpu.vector_load %arg9[%get3A_2270] {strides = array<i32>} : memref<512xf32, #tpu.memory_space<vmem>>, vector<16xf32>,
      %get3A_2272 = vector.shape_cast %get3A_2271 : vector<16xf32> to vector<16xf32>
      %mul3A_2273 = arith.constant 128 : i32
      %mul3A_2274 = arith.muli %add3A_2164, %mul3A_2273 : i32
      %add3A_2275 = arith.constant 80 : i32
      %add3A_2276 = arith.addi %mul3A_2274, %add3A_2275 : i32
      %get3A_2277 = arith.index_cast %add3A_2276 : i32 to index
      %get3A_2278 = tpu.vector_load %arg8[%get3A_2277] {strides = array<i32>} : memref<49152xf32, #tpu.memory_space<vmem>>, vector<16xf32>,
      %get3A_2279 = vector.shape_cast %get3A_2278 : vector<16xf32> to vector<16xf32>
      %get3A_2280 = arith.constant 1 : i32
      %get3A_2281 = arith.constant 2 : i32
      %get3A_2282 = arith.index_cast %get3A_2280 : i32 to index
      %get3A_2283 = arith.index_cast %get3A_2281 : i32 to index
      %get3A_2284 = arith.constant 80 : index
      %get3A_2285 = tpu.vector_load %arg10[%get3A_2282, %get3A_2283, %get3A_2284] {strides = array<i32>} : memref<2x8x128xf32, #tpu.memory_space<vmem>>, vector<1x1x16xf32>,
      %get3A_2286 = vector.shape_cast %get3A_2285 : vector<1x1x16xf32> to vector<16xf32>
      %sub3A_2287 = arith.subf %get3A_2286, %get3A_2279 : vector<16xf32>
      %abs3A_2288 = math.absf %sub3A_2287 : vector<16xf32>
      %mul3A_2289 = arith.mulf %get3A_2272, %abs3A_2288 : vector<16xf32>
      %add3A_2290 = arith.addf %add3A_2269, %mul3A_2289 : vector<16xf32>
      %get3A_2291 = arith.constant 352 : index
      %get3A_2292 = tpu.vector_load %arg9[%get3A_2291] {strides = array<i32>} : memref<512xf32, #tpu.memory_space<vmem>>, vector<16xf32>,
      %get3A_2293 = vector.shape_cast %get3A_2292 : vector<16xf32> to vector<16xf32>
      %mul3A_2294 = arith.constant 128 : i32
      %mul3A_2295 = arith.muli %add3A_2164, %mul3A_2294 : i32
      %add3A_2296 = arith.constant 96 : i32
      %add3A_2297 = arith.addi %mul3A_2295, %add3A_2296 : i32
      %get3A_2298 = arith.index_cast %add3A_2297 : i32 to index
      %get3A_2299 = tpu.vector_load %arg8[%get3A_2298] {strides = array<i32>} : memref<49152xf32, #tpu.memory_space<vmem>>, vector<16xf32>,
      %get3A_2300 = vector.shape_cast %get3A_2299 : vector<16xf32> to vector<16xf32>
      %get3A_2301 = arith.constant 1 : i32
      %get3A_2302 = arith.constant 2 : i32
      %get3A_2303 = arith.index_cast %get3A_2301 : i32 to index
      %get3A_2304 = arith.index_cast %get3A_2302 : i32 to index
      %get3A_2305 = arith.constant 96 : index
      %get3A_2306 = tpu.vector_load %arg10[%get3A_2303, %get3A_2304, %get3A_2305] {strides = array<i32>} : memref<2x8x128xf32, #tpu.memory_space<vmem>>, vector<1x1x16xf32>,
      %get3A_2307 = vector.shape_cast %get3A_2306 : vector<1x1x16xf32> to vector<16xf32>
      %sub3A_2308 = arith.subf %get3A_2307, %get3A_2300 : vector<16xf32>
      %abs3A_2309 = math.absf %sub3A_2308 : vector<16xf32>
      %mul3A_2310 = arith.mulf %get3A_2293, %abs3A_2309 : vector<16xf32>
      %add3A_2311 = arith.addf %add3A_2290, %mul3A_2310 : vector<16xf32>
      %get3A_2312 = arith.constant 368 : index
      %get3A_2313 = tpu.vector_load %arg9[%get3A_2312] {strides = array<i32>} : memref<512xf32, #tpu.memory_space<vmem>>, vector<16xf32>,
      %get3A_2314 = vector.shape_cast %get3A_2313 : vector<16xf32> to vector<16xf32>
      %mul3A_2315 = arith.constant 128 : i32
      %mul3A_2316 = arith.muli %add3A_2164, %mul3A_2315 : i32
      %add3A_2317 = arith.constant 112 : i32
      %add3A_2318 = arith.addi %mul3A_2316, %add3A_2317 : i32
      %get3A_2319 = arith.index_cast %add3A_2318 : i32 to index
      %get3A_2320 = tpu.vector_load %arg8[%get3A_2319] {strides = array<i32>} : memref<49152xf32, #tpu.memory_space<vmem>>, vector<16xf32>,
      %get3A_2321 = vector.shape_cast %get3A_2320 : vector<16xf32> to vector<16xf32>
      %get3A_2322 = arith.constant 1 : i32
      %get3A_2323 = arith.constant 2 : i32
      %get3A_2324 = arith.index_cast %get3A_2322 : i32 to index
      %get3A_2325 = arith.index_cast %get3A_2323 : i32 to index
      %get3A_2326 = arith.constant 112 : index
      %get3A_2327 = tpu.vector_load %arg10[%get3A_2324, %get3A_2325, %get3A_2326] {strides = array<i32>} : memref<2x8x128xf32, #tpu.memory_space<vmem>>, vector<1x1x16xf32>,
      %get3A_2328 = vector.shape_cast %get3A_2327 : vector<1x1x16xf32> to vector<16xf32>
      %sub3A_2329 = arith.subf %get3A_2328, %get3A_2321 : vector<16xf32>
      %abs3A_2330 = math.absf %sub3A_2329 : vector<16xf32>
      %mul3A_2331 = arith.mulf %get3A_2314, %abs3A_2330 : vector<16xf32>
      %add3A_2332 = arith.addf %add3A_2311, %mul3A_2331 : vector<16xf32>
      %mul3A_2333 = arith.constant 8 : i32
      %mul3A_2334 = arith.muli %add3A_1704, %mul3A_2333 : i32
      %add3A_2335 = arith.constant 3 : i32
      %add3A_2336 = arith.addi %mul3A_2334, %add3A_2335 : i32
      %get3A_2337 = arith.constant 384 : index
      %get3A_2338 = tpu.vector_load %arg9[%get3A_2337] {strides = array<i32>} : memref<512xf32, #tpu.memory_space<vmem>>, vector<16xf32>,
      %get3A_2339 = vector.shape_cast %get3A_2338 : vector<16xf32> to vector<16xf32>
      %mul3A_2340 = arith.constant 128 : i32
      %mul3A_2341 = arith.muli %add3A_2336, %mul3A_2340 : i32
      %add3A_2342 = arith.constant 0 : i32
      %add3A_2343 = arith.addi %mul3A_2341, %add3A_2342 : i32
      %get3A_2344 = arith.index_cast %add3A_2343 : i32 to index
      %get3A_2345 = tpu.vector_load %arg8[%get3A_2344] {strides = array<i32>} : memref<49152xf32, #tpu.memory_space<vmem>>, vector<16xf32>,
      %get3A_2346 = vector.shape_cast %get3A_2345 : vector<16xf32> to vector<16xf32>
      %get3A_2347 = arith.constant 1 : i32
      %get3A_2348 = arith.constant 3 : i32
      %get3A_2349 = arith.index_cast %get3A_2347 : i32 to index
      %get3A_2350 = arith.index_cast %get3A_2348 : i32 to index
      %get3A_2351 = arith.constant 0 : index
      %get3A_2352 = tpu.vector_load %arg10[%get3A_2349, %get3A_2350, %get3A_2351] {strides = array<i32>} : memref<2x8x128xf32, #tpu.memory_space<vmem>>, vector<1x1x16xf32>,
      %get3A_2353 = vector.shape_cast %get3A_2352 : vector<1x1x16xf32> to vector<16xf32>
      %sub3A_2354 = arith.subf %get3A_2353, %get3A_2346 : vector<16xf32>
      %abs3A_2355 = math.absf %sub3A_2354 : vector<16xf32>
      %mul3A_2356 = arith.mulf %get3A_2339, %abs3A_2355 : vector<16xf32>
      %add3A_2357 = arith.addf %add3A_2332, %mul3A_2356 : vector<16xf32>
      %get3A_2358 = arith.constant 400 : index
      %get3A_2359 = tpu.vector_load %arg9[%get3A_2358] {strides = array<i32>} : memref<512xf32, #tpu.memory_space<vmem>>, vector<16xf32>,
      %get3A_2360 = vector.shape_cast %get3A_2359 : vector<16xf32> to vector<16xf32>
      %mul3A_2361 = arith.constant 128 : i32
      %mul3A_2362 = arith.muli %add3A_2336, %mul3A_2361 : i32
      %add3A_2363 = arith.constant 16 : i32
      %add3A_2364 = arith.addi %mul3A_2362, %add3A_2363 : i32
      %get3A_2365 = arith.index_cast %add3A_2364 : i32 to index
      %get3A_2366 = tpu.vector_load %arg8[%get3A_2365] {strides = array<i32>} : memref<49152xf32, #tpu.memory_space<vmem>>, vector<16xf32>,
      %get3A_2367 = vector.shape_cast %get3A_2366 : vector<16xf32> to vector<16xf32>
      %get3A_2368 = arith.constant 1 : i32
      %get3A_2369 = arith.constant 3 : i32
      %get3A_2370 = arith.index_cast %get3A_2368 : i32 to index
      %get3A_2371 = arith.index_cast %get3A_2369 : i32 to index
      %get3A_2372 = arith.constant 16 : index
      %get3A_2373 = tpu.vector_load %arg10[%get3A_2370, %get3A_2371, %get3A_2372] {strides = array<i32>} : memref<2x8x128xf32, #tpu.memory_space<vmem>>, vector<1x1x16xf32>,
      %get3A_2374 = vector.shape_cast %get3A_2373 : vector<1x1x16xf32> to vector<16xf32>
      %sub3A_2375 = arith.subf %get3A_2374, %get3A_2367 : vector<16xf32>
      %abs3A_2376 = math.absf %sub3A_2375 : vector<16xf32>
      %mul3A_2377 = arith.mulf %get3A_2360, %abs3A_2376 : vector<16xf32>
      %add3A_2378 = arith.addf %add3A_2357, %mul3A_2377 : vector<16xf32>
      %get3A_2379 = arith.constant 416 : index
      %get3A_2380 = tpu.vector_load %arg9[%get3A_2379] {strides = array<i32>} : memref<512xf32, #tpu.memory_space<vmem>>, vector<16xf32>,
      %get3A_2381 = vector.shape_cast %get3A_2380 : vector<16xf32> to vector<16xf32>
      %mul3A_2382 = arith.constant 128 : i32
      %mul3A_2383 = arith.muli %add3A_2336, %mul3A_2382 : i32
      %add3A_2384 = arith.constant 32 : i32
      %add3A_2385 = arith.addi %mul3A_2383, %add3A_2384 : i32
      %get3A_2386 = arith.index_cast %add3A_2385 : i32 to index
      %get3A_2387 = tpu.vector_load %arg8[%get3A_2386] {strides = array<i32>} : memref<49152xf32, #tpu.memory_space<vmem>>, vector<16xf32>,
      %get3A_2388 = vector.shape_cast %get3A_2387 : vector<16xf32> to vector<16xf32>
      %get3A_2389 = arith.constant 1 : i32
      %get3A_2390 = arith.constant 3 : i32
      %get3A_2391 = arith.index_cast %get3A_2389 : i32 to index
      %get3A_2392 = arith.index_cast %get3A_2390 : i32 to index
      %get3A_2393 = arith.constant 32 : index
      %get3A_2394 = tpu.vector_load %arg10[%get3A_2391, %get3A_2392, %get3A_2393] {strides = array<i32>} : memref<2x8x128xf32, #tpu.memory_space<vmem>>, vector<1x1x16xf32>,
      %get3A_2395 = vector.shape_cast %get3A_2394 : vector<1x1x16xf32> to vector<16xf32>
      %sub3A_2396 = arith.subf %get3A_2395, %get3A_2388 : vector<16xf32>
      %abs3A_2397 = math.absf %sub3A_2396 : vector<16xf32>
      %mul3A_2398 = arith.mulf %get3A_2381, %abs3A_2397 : vector<16xf32>
      %add3A_2399 = arith.addf %add3A_2378, %mul3A_2398 : vector<16xf32>
      %get3A_2400 = arith.constant 432 : index
      %get3A_2401 = tpu.vector_load %arg9[%get3A_2400] {strides = array<i32>} : memref<512xf32, #tpu.memory_space<vmem>>, vector<16xf32>,
      %get3A_2402 = vector.shape_cast %get3A_2401 : vector<16xf32> to vector<16xf32>
      %mul3A_2403 = arith.constant 128 : i32
      %mul3A_2404 = arith.muli %add3A_2336, %mul3A_2403 : i32
      %add3A_2405 = arith.constant 48 : i32
      %add3A_2406 = arith.addi %mul3A_2404, %add3A_2405 : i32
      %get3A_2407 = arith.index_cast %add3A_2406 : i32 to index
      %get3A_2408 = tpu.vector_load %arg8[%get3A_2407] {strides = array<i32>} : memref<49152xf32, #tpu.memory_space<vmem>>, vector<16xf32>,
      %get3A_2409 = vector.shape_cast %get3A_2408 : vector<16xf32> to vector<16xf32>
      %get3A_2410 = arith.constant 1 : i32
      %get3A_2411 = arith.constant 3 : i32
      %get3A_2412 = arith.index_cast %get3A_2410 : i32 to index
      %get3A_2413 = arith.index_cast %get3A_2411 : i32 to index
      %get3A_2414 = arith.constant 48 : index
      %get3A_2415 = tpu.vector_load %arg10[%get3A_2412, %get3A_2413, %get3A_2414] {strides = array<i32>} : memref<2x8x128xf32, #tpu.memory_space<vmem>>, vector<1x1x16xf32>,
      %get3A_2416 = vector.shape_cast %get3A_2415 : vector<1x1x16xf32> to vector<16xf32>
      %sub3A_2417 = arith.subf %get3A_2416, %get3A_2409 : vector<16xf32>
      %abs3A_2418 = math.absf %sub3A_2417 : vector<16xf32>
      %mul3A_2419 = arith.mulf %get3A_2402, %abs3A_2418 : vector<16xf32>
      %add3A_2420 = arith.addf %add3A_2399, %mul3A_2419 : vector<16xf32>
      %get3A_2421 = arith.constant 448 : index
      %get3A_2422 = tpu.vector_load %arg9[%get3A_2421] {strides = array<i32>} : memref<512xf32, #tpu.memory_space<vmem>>, vector<16xf32>,
      %get3A_2423 = vector.shape_cast %get3A_2422 : vector<16xf32> to vector<16xf32>
      %mul3A_2424 = arith.constant 128 : i32
      %mul3A_2425 = arith.muli %add3A_2336, %mul3A_2424 : i32
      %add3A_2426 = arith.constant 64 : i32
      %add3A_2427 = arith.addi %mul3A_2425, %add3A_2426 : i32
      %get3A_2428 = arith.index_cast %add3A_2427 : i32 to index
      %get3A_2429 = tpu.vector_load %arg8[%get3A_2428] {strides = array<i32>} : memref<49152xf32, #tpu.memory_space<vmem>>, vector<16xf32>,
      %get3A_2430 = vector.shape_cast %get3A_2429 : vector<16xf32> to vector<16xf32>
      %get3A_2431 = arith.constant 1 : i32
      %get3A_2432 = arith.constant 3 : i32
      %get3A_2433 = arith.index_cast %get3A_2431 : i32 to index
      %get3A_2434 = arith.index_cast %get3A_2432 : i32 to index
      %get3A_2435 = arith.constant 64 : index
      %get3A_2436 = tpu.vector_load %arg10[%get3A_2433, %get3A_2434, %get3A_2435] {strides = array<i32>} : memref<2x8x128xf32, #tpu.memory_space<vmem>>, vector<1x1x16xf32>,
      %get3A_2437 = vector.shape_cast %get3A_2436 : vector<1x1x16xf32> to vector<16xf32>
      %sub3A_2438 = arith.subf %get3A_2437, %get3A_2430 : vector<16xf32>
      %abs3A_2439 = math.absf %sub3A_2438 : vector<16xf32>
      %mul3A_2440 = arith.mulf %get3A_2423, %abs3A_2439 : vector<16xf32>
      %add3A_2441 = arith.addf %add3A_2420, %mul3A_2440 : vector<16xf32>
      %get3A_2442 = arith.constant 464 : index
      %get3A_2443 = tpu.vector_load %arg9[%get3A_2442] {strides = array<i32>} : memref<512xf32, #tpu.memory_space<vmem>>, vector<16xf32>,
      %get3A_2444 = vector.shape_cast %get3A_2443 : vector<16xf32> to vector<16xf32>
      %mul3A_2445 = arith.constant 128 : i32
      %mul3A_2446 = arith.muli %add3A_2336, %mul3A_2445 : i32
      %add3A_2447 = arith.constant 80 : i32
      %add3A_2448 = arith.addi %mul3A_2446, %add3A_2447 : i32
      %get3A_2449 = arith.index_cast %add3A_2448 : i32 to index
      %get3A_2450 = tpu.vector_load %arg8[%get3A_2449] {strides = array<i32>} : memref<49152xf32, #tpu.memory_space<vmem>>, vector<16xf32>,
      %get3A_2451 = vector.shape_cast %get3A_2450 : vector<16xf32> to vector<16xf32>
      %get3A_2452 = arith.constant 1 : i32
      %get3A_2453 = arith.constant 3 : i32
      %get3A_2454 = arith.index_cast %get3A_2452 : i32 to index
      %get3A_2455 = arith.index_cast %get3A_2453 : i32 to index
      %get3A_2456 = arith.constant 80 : index
      %get3A_2457 = tpu.vector_load %arg10[%get3A_2454, %get3A_2455, %get3A_2456] {strides = array<i32>} : memref<2x8x128xf32, #tpu.memory_space<vmem>>, vector<1x1x16xf32>,
      %get3A_2458 = vector.shape_cast %get3A_2457 : vector<1x1x16xf32> to vector<16xf32>
      %sub3A_2459 = arith.subf %get3A_2458, %get3A_2451 : vector<16xf32>
      %abs3A_2460 = math.absf %sub3A_2459 : vector<16xf32>
      %mul3A_2461 = arith.mulf %get3A_2444, %abs3A_2460 : vector<16xf32>
      %add3A_2462 = arith.addf %add3A_2441, %mul3A_2461 : vector<16xf32>
      %get3A_2463 = arith.constant 480 : index
      %get3A_2464 = tpu.vector_load %arg9[%get3A_2463] {strides = array<i32>} : memref<512xf32, #tpu.memory_space<vmem>>, vector<16xf32>,
      %get3A_2465 = vector.shape_cast %get3A_2464 : vector<16xf32> to vector<16xf32>
      %mul3A_2466 = arith.constant 128 : i32
      %mul3A_2467 = arith.muli %add3A_2336, %mul3A_2466 : i32
      %add3A_2468 = arith.constant 96 : i32
      %add3A_2469 = arith.addi %mul3A_2467, %add3A_2468 : i32
      %get3A_2470 = arith.index_cast %add3A_2469 : i32 to index
      %get3A_2471 = tpu.vector_load %arg8[%get3A_2470] {strides = array<i32>} : memref<49152xf32, #tpu.memory_space<vmem>>, vector<16xf32>,
      %get3A_2472 = vector.shape_cast %get3A_2471 : vector<16xf32> to vector<16xf32>
      %get3A_2473 = arith.constant 1 : i32
      %get3A_2474 = arith.constant 3 : i32
      %get3A_2475 = arith.index_cast %get3A_2473 : i32 to index
      %get3A_2476 = arith.index_cast %get3A_2474 : i32 to index
      %get3A_2477 = arith.constant 96 : index
      %get3A_2478 = tpu.vector_load %arg10[%get3A_2475, %get3A_2476, %get3A_2477] {strides = array<i32>} : memref<2x8x128xf32, #tpu.memory_space<vmem>>, vector<1x1x16xf32>,
      %get3A_2479 = vector.shape_cast %get3A_2478 : vector<1x1x16xf32> to vector<16xf32>
      %sub3A_2480 = arith.subf %get3A_2479, %get3A_2472 : vector<16xf32>
      %abs3A_2481 = math.absf %sub3A_2480 : vector<16xf32>
      %mul3A_2482 = arith.mulf %get3A_2465, %abs3A_2481 : vector<16xf32>
      %add3A_2483 = arith.addf %add3A_2462, %mul3A_2482 : vector<16xf32>
      %get3A_2484 = arith.constant 496 : index
      %get3A_2485 = tpu.vector_load %arg9[%get3A_2484] {strides = array<i32>} : memref<512xf32, #tpu.memory_space<vmem>>, vector<16xf32>,
      %get3A_2486 = vector.shape_cast %get3A_2485 : vector<16xf32> to vector<16xf32>
      %mul3A_2487 = arith.constant 128 : i32
      %mul3A_2488 = arith.muli %add3A_2336, %mul3A_2487 : i32
      %add3A_2489 = arith.constant 112 : i32
      %add3A_2490 = arith.addi %mul3A_2488, %add3A_2489 : i32
      %get3A_2491 = arith.index_cast %add3A_2490 : i32 to index
      %get3A_2492 = tpu.vector_load %arg8[%get3A_2491] {strides = array<i32>} : memref<49152xf32, #tpu.memory_space<vmem>>, vector<16xf32>,
      %get3A_2493 = vector.shape_cast %get3A_2492 : vector<16xf32> to vector<16xf32>
      %get3A_2494 = arith.constant 1 : i32
      %get3A_2495 = arith.constant 3 : i32
      %get3A_2496 = arith.index_cast %get3A_2494 : i32 to index
      %get3A_2497 = arith.index_cast %get3A_2495 : i32 to index
      %get3A_2498 = arith.constant 112 : index
      %get3A_2499 = tpu.vector_load %arg10[%get3A_2496, %get3A_2497, %get3A_2498] {strides = array<i32>} : memref<2x8x128xf32, #tpu.memory_space<vmem>>, vector<1x1x16xf32>,
      %get3A_2500 = vector.shape_cast %get3A_2499 : vector<1x1x16xf32> to vector<16xf32>
      %sub3A_2501 = arith.subf %get3A_2500, %get3A_2493 : vector<16xf32>
      %abs3A_2502 = math.absf %sub3A_2501 : vector<16xf32>
      %mul3A_2503 = arith.mulf %get3A_2486, %abs3A_2502 : vector<16xf32>
      %add3A_2504 = arith.addf %add3A_2483, %mul3A_2503 : vector<16xf32>
      %mul3A_2505 = arith.constant 8 : i32
      %mul3A_2506 = arith.muli %add3A_1704, %mul3A_2505 : i32
      %add3A_2507 = arith.constant 4 : i32
      %add3A_2508 = arith.addi %mul3A_2506, %add3A_2507 : i32
      %get3A_2509 = arith.constant 0 : index
      %get3A_2510 = tpu.vector_load %arg9[%get3A_2509] {strides = array<i32>} : memref<512xf32, #tpu.memory_space<vmem>>, vector<16xf32>,
      %get3A_2511 = vector.shape_cast %get3A_2510 : vector<16xf32> to vector<16xf32>
      %mul3A_2512 = arith.constant 128 : i32
      %mul3A_2513 = arith.muli %add3A_2508, %mul3A_2512 : i32
      %add3A_2514 = arith.constant 0 : i32
      %add3A_2515 = arith.addi %mul3A_2513, %add3A_2514 : i32
      %get3A_2516 = arith.index_cast %add3A_2515 : i32 to index
      %get3A_2517 = tpu.vector_load %arg8[%get3A_2516] {strides = array<i32>} : memref<49152xf32, #tpu.memory_space<vmem>>, vector<16xf32>,
      %get3A_2518 = vector.shape_cast %get3A_2517 : vector<16xf32> to vector<16xf32>
      %get3A_2519 = arith.constant 1 : i32
      %get3A_2520 = arith.constant 4 : i32
      %get3A_2521 = arith.index_cast %get3A_2519 : i32 to index
      %get3A_2522 = arith.index_cast %get3A_2520 : i32 to index
      %get3A_2523 = arith.constant 0 : index
      %get3A_2524 = tpu.vector_load %arg10[%get3A_2521, %get3A_2522, %get3A_2523] {strides = array<i32>} : memref<2x8x128xf32, #tpu.memory_space<vmem>>, vector<1x1x16xf32>,
      %get3A_2525 = vector.shape_cast %get3A_2524 : vector<1x1x16xf32> to vector<16xf32>
      %sub3A_2526 = arith.subf %get3A_2525, %get3A_2518 : vector<16xf32>
      %abs3A_2527 = math.absf %sub3A_2526 : vector<16xf32>
      %mul3A_2528 = arith.mulf %get3A_2511, %abs3A_2527 : vector<16xf32>
      %add3A_2529 = arith.addf %add3A_2504, %mul3A_2528 : vector<16xf32>
      %get3A_2530 = arith.constant 16 : index
      %get3A_2531 = tpu.vector_load %arg9[%get3A_2530] {strides = array<i32>} : memref<512xf32, #tpu.memory_space<vmem>>, vector<16xf32>,
      %get3A_2532 = vector.shape_cast %get3A_2531 : vector<16xf32> to vector<16xf32>
      %mul3A_2533 = arith.constant 128 : i32
      %mul3A_2534 = arith.muli %add3A_2508, %mul3A_2533 : i32
      %add3A_2535 = arith.constant 16 : i32
      %add3A_2536 = arith.addi %mul3A_2534, %add3A_2535 : i32
      %get3A_2537 = arith.index_cast %add3A_2536 : i32 to index
      %get3A_2538 = tpu.vector_load %arg8[%get3A_2537] {strides = array<i32>} : memref<49152xf32, #tpu.memory_space<vmem>>, vector<16xf32>,
      %get3A_2539 = vector.shape_cast %get3A_2538 : vector<16xf32> to vector<16xf32>
      %get3A_2540 = arith.constant 1 : i32
      %get3A_2541 = arith.constant 4 : i32
      %get3A_2542 = arith.index_cast %get3A_2540 : i32 to index
      %get3A_2543 = arith.index_cast %get3A_2541 : i32 to index
      %get3A_2544 = arith.constant 16 : index
      %get3A_2545 = tpu.vector_load %arg10[%get3A_2542, %get3A_2543, %get3A_2544] {strides = array<i32>} : memref<2x8x128xf32, #tpu.memory_space<vmem>>, vector<1x1x16xf32>,
      %get3A_2546 = vector.shape_cast %get3A_2545 : vector<1x1x16xf32> to vector<16xf32>
      %sub3A_2547 = arith.subf %get3A_2546, %get3A_2539 : vector<16xf32>
      %abs3A_2548 = math.absf %sub3A_2547 : vector<16xf32>
      %mul3A_2549 = arith.mulf %get3A_2532, %abs3A_2548 : vector<16xf32>
      %add3A_2550 = arith.addf %add3A_2529, %mul3A_2549 : vector<16xf32>
      %get3A_2551 = arith.constant 32 : index
      %get3A_2552 = tpu.vector_load %arg9[%get3A_2551] {strides = array<i32>} : memref<512xf32, #tpu.memory_space<vmem>>, vector<16xf32>,
      %get3A_2553 = vector.shape_cast %get3A_2552 : vector<16xf32> to vector<16xf32>
      %mul3A_2554 = arith.constant 128 : i32
      %mul3A_2555 = arith.muli %add3A_2508, %mul3A_2554 : i32
      %add3A_2556 = arith.constant 32 : i32
      %add3A_2557 = arith.addi %mul3A_2555, %add3A_2556 : i32
      %get3A_2558 = arith.index_cast %add3A_2557 : i32 to index
      %get3A_2559 = tpu.vector_load %arg8[%get3A_2558] {strides = array<i32>} : memref<49152xf32, #tpu.memory_space<vmem>>, vector<16xf32>,
      %get3A_2560 = vector.shape_cast %get3A_2559 : vector<16xf32> to vector<16xf32>
      %get3A_2561 = arith.constant 1 : i32
      %get3A_2562 = arith.constant 4 : i32
      %get3A_2563 = arith.index_cast %get3A_2561 : i32 to index
      %get3A_2564 = arith.index_cast %get3A_2562 : i32 to index
      %get3A_2565 = arith.constant 32 : index
      %get3A_2566 = tpu.vector_load %arg10[%get3A_2563, %get3A_2564, %get3A_2565] {strides = array<i32>} : memref<2x8x128xf32, #tpu.memory_space<vmem>>, vector<1x1x16xf32>,
      %get3A_2567 = vector.shape_cast %get3A_2566 : vector<1x1x16xf32> to vector<16xf32>
      %sub3A_2568 = arith.subf %get3A_2567, %get3A_2560 : vector<16xf32>
      %abs3A_2569 = math.absf %sub3A_2568 : vector<16xf32>
      %mul3A_2570 = arith.mulf %get3A_2553, %abs3A_2569 : vector<16xf32>
      %add3A_2571 = arith.addf %add3A_2550, %mul3A_2570 : vector<16xf32>
      %get3A_2572 = arith.constant 48 : index
      %get3A_2573 = tpu.vector_load %arg9[%get3A_2572] {strides = array<i32>} : memref<512xf32, #tpu.memory_space<vmem>>, vector<16xf32>,
      %get3A_2574 = vector.shape_cast %get3A_2573 : vector<16xf32> to vector<16xf32>
      %mul3A_2575 = arith.constant 128 : i32
      %mul3A_2576 = arith.muli %add3A_2508, %mul3A_2575 : i32
      %add3A_2577 = arith.constant 48 : i32
      %add3A_2578 = arith.addi %mul3A_2576, %add3A_2577 : i32
      %get3A_2579 = arith.index_cast %add3A_2578 : i32 to index
      %get3A_2580 = tpu.vector_load %arg8[%get3A_2579] {strides = array<i32>} : memref<49152xf32, #tpu.memory_space<vmem>>, vector<16xf32>,
      %get3A_2581 = vector.shape_cast %get3A_2580 : vector<16xf32> to vector<16xf32>
      %get3A_2582 = arith.constant 1 : i32
      %get3A_2583 = arith.constant 4 : i32
      %get3A_2584 = arith.index_cast %get3A_2582 : i32 to index
      %get3A_2585 = arith.index_cast %get3A_2583 : i32 to index
      %get3A_2586 = arith.constant 48 : index
      %get3A_2587 = tpu.vector_load %arg10[%get3A_2584, %get3A_2585, %get3A_2586] {strides = array<i32>} : memref<2x8x128xf32, #tpu.memory_space<vmem>>, vector<1x1x16xf32>,
      %get3A_2588 = vector.shape_cast %get3A_2587 : vector<1x1x16xf32> to vector<16xf32>
      %sub3A_2589 = arith.subf %get3A_2588, %get3A_2581 : vector<16xf32>
      %abs3A_2590 = math.absf %sub3A_2589 : vector<16xf32>
      %mul3A_2591 = arith.mulf %get3A_2574, %abs3A_2590 : vector<16xf32>
      %add3A_2592 = arith.addf %add3A_2571, %mul3A_2591 : vector<16xf32>
      %get3A_2593 = arith.constant 64 : index
      %get3A_2594 = tpu.vector_load %arg9[%get3A_2593] {strides = array<i32>} : memref<512xf32, #tpu.memory_space<vmem>>, vector<16xf32>,
      %get3A_2595 = vector.shape_cast %get3A_2594 : vector<16xf32> to vector<16xf32>
      %mul3A_2596 = arith.constant 128 : i32
      %mul3A_2597 = arith.muli %add3A_2508, %mul3A_2596 : i32
      %add3A_2598 = arith.constant 64 : i32
      %add3A_2599 = arith.addi %mul3A_2597, %add3A_2598 : i32
      %get3A_2600 = arith.index_cast %add3A_2599 : i32 to index
      %get3A_2601 = tpu.vector_load %arg8[%get3A_2600] {strides = array<i32>} : memref<49152xf32, #tpu.memory_space<vmem>>, vector<16xf32>,
      %get3A_2602 = vector.shape_cast %get3A_2601 : vector<16xf32> to vector<16xf32>
      %get3A_2603 = arith.constant 1 : i32
      %get3A_2604 = arith.constant 4 : i32
      %get3A_2605 = arith.index_cast %get3A_2603 : i32 to index
      %get3A_2606 = arith.index_cast %get3A_2604 : i32 to index
      %get3A_2607 = arith.constant 64 : index
      %get3A_2608 = tpu.vector_load %arg10[%get3A_2605, %get3A_2606, %get3A_2607] {strides = array<i32>} : memref<2x8x128xf32, #tpu.memory_space<vmem>>, vector<1x1x16xf32>,
      %get3A_2609 = vector.shape_cast %get3A_2608 : vector<1x1x16xf32> to vector<16xf32>
      %sub3A_2610 = arith.subf %get3A_2609, %get3A_2602 : vector<16xf32>
      %abs3A_2611 = math.absf %sub3A_2610 : vector<16xf32>
      %mul3A_2612 = arith.mulf %get3A_2595, %abs3A_2611 : vector<16xf32>
      %add3A_2613 = arith.addf %add3A_2592, %mul3A_2612 : vector<16xf32>
      %get3A_2614 = arith.constant 80 : index
      %get3A_2615 = tpu.vector_load %arg9[%get3A_2614] {strides = array<i32>} : memref<512xf32, #tpu.memory_space<vmem>>, vector<16xf32>,
      %get3A_2616 = vector.shape_cast %get3A_2615 : vector<16xf32> to vector<16xf32>
      %mul3A_2617 = arith.constant 128 : i32
      %mul3A_2618 = arith.muli %add3A_2508, %mul3A_2617 : i32
      %add3A_2619 = arith.constant 80 : i32
      %add3A_2620 = arith.addi %mul3A_2618, %add3A_2619 : i32
      %get3A_2621 = arith.index_cast %add3A_2620 : i32 to index
      %get3A_2622 = tpu.vector_load %arg8[%get3A_2621] {strides = array<i32>} : memref<49152xf32, #tpu.memory_space<vmem>>, vector<16xf32>,
      %get3A_2623 = vector.shape_cast %get3A_2622 : vector<16xf32> to vector<16xf32>
      %get3A_2624 = arith.constant 1 : i32
      %get3A_2625 = arith.constant 4 : i32
      %get3A_2626 = arith.index_cast %get3A_2624 : i32 to index
      %get3A_2627 = arith.index_cast %get3A_2625 : i32 to index
      %get3A_2628 = arith.constant 80 : index
      %get3A_2629 = tpu.vector_load %arg10[%get3A_2626, %get3A_2627, %get3A_2628] {strides = array<i32>} : memref<2x8x128xf32, #tpu.memory_space<vmem>>, vector<1x1x16xf32>,
      %get3A_2630 = vector.shape_cast %get3A_2629 : vector<1x1x16xf32> to vector<16xf32>
      %sub3A_2631 = arith.subf %get3A_2630, %get3A_2623 : vector<16xf32>
      %abs3A_2632 = math.absf %sub3A_2631 : vector<16xf32>
      %mul3A_2633 = arith.mulf %get3A_2616, %abs3A_2632 : vector<16xf32>
      %add3A_2634 = arith.addf %add3A_2613, %mul3A_2633 : vector<16xf32>
      %get3A_2635 = arith.constant 96 : index
      %get3A_2636 = tpu.vector_load %arg9[%get3A_2635] {strides = array<i32>} : memref<512xf32, #tpu.memory_space<vmem>>, vector<16xf32>,
      %get3A_2637 = vector.shape_cast %get3A_2636 : vector<16xf32> to vector<16xf32>
      %mul3A_2638 = arith.constant 128 : i32
      %mul3A_2639 = arith.muli %add3A_2508, %mul3A_2638 : i32
      %add3A_2640 = arith.constant 96 : i32
      %add3A_2641 = arith.addi %mul3A_2639, %add3A_2640 : i32
      %get3A_2642 = arith.index_cast %add3A_2641 : i32 to index
      %get3A_2643 = tpu.vector_load %arg8[%get3A_2642] {strides = array<i32>} : memref<49152xf32, #tpu.memory_space<vmem>>, vector<16xf32>,
      %get3A_2644 = vector.shape_cast %get3A_2643 : vector<16xf32> to vector<16xf32>
      %get3A_2645 = arith.constant 1 : i32
      %get3A_2646 = arith.constant 4 : i32
      %get3A_2647 = arith.index_cast %get3A_2645 : i32 to index
      %get3A_2648 = arith.index_cast %get3A_2646 : i32 to index
      %get3A_2649 = arith.constant 96 : index
      %get3A_2650 = tpu.vector_load %arg10[%get3A_2647, %get3A_2648, %get3A_2649] {strides = array<i32>} : memref<2x8x128xf32, #tpu.memory_space<vmem>>, vector<1x1x16xf32>,
      %get3A_2651 = vector.shape_cast %get3A_2650 : vector<1x1x16xf32> to vector<16xf32>
      %sub3A_2652 = arith.subf %get3A_2651, %get3A_2644 : vector<16xf32>
      %abs3A_2653 = math.absf %sub3A_2652 : vector<16xf32>
      %mul3A_2654 = arith.mulf %get3A_2637, %abs3A_2653 : vector<16xf32>
      %add3A_2655 = arith.addf %add3A_2634, %mul3A_2654 : vector<16xf32>
      %get3A_2656 = arith.constant 112 : index
      %get3A_2657 = tpu.vector_load %arg9[%get3A_2656] {strides = array<i32>} : memref<512xf32, #tpu.memory_space<vmem>>, vector<16xf32>,
      %get3A_2658 = vector.shape_cast %get3A_2657 : vector<16xf32> to vector<16xf32>
      %mul3A_2659 = arith.constant 128 : i32
      %mul3A_2660 = arith.muli %add3A_2508, %mul3A_2659 : i32
      %add3A_2661 = arith.constant 112 : i32
      %add3A_2662 = arith.addi %mul3A_2660, %add3A_2661 : i32
      %get3A_2663 = arith.index_cast %add3A_2662 : i32 to index
      %get3A_2664 = tpu.vector_load %arg8[%get3A_2663] {strides = array<i32>} : memref<49152xf32, #tpu.memory_space<vmem>>, vector<16xf32>,
      %get3A_2665 = vector.shape_cast %get3A_2664 : vector<16xf32> to vector<16xf32>
      %get3A_2666 = arith.constant 1 : i32
      %get3A_2667 = arith.constant 4 : i32
      %get3A_2668 = arith.index_cast %get3A_2666 : i32 to index
      %get3A_2669 = arith.index_cast %get3A_2667 : i32 to index
      %get3A_2670 = arith.constant 112 : index
      %get3A_2671 = tpu.vector_load %arg10[%get3A_2668, %get3A_2669, %get3A_2670] {strides = array<i32>} : memref<2x8x128xf32, #tpu.memory_space<vmem>>, vector<1x1x16xf32>,
      %get3A_2672 = vector.shape_cast %get3A_2671 : vector<1x1x16xf32> to vector<16xf32>
      %sub3A_2673 = arith.subf %get3A_2672, %get3A_2665 : vector<16xf32>
      %abs3A_2674 = math.absf %sub3A_2673 : vector<16xf32>
      %mul3A_2675 = arith.mulf %get3A_2658, %abs3A_2674 : vector<16xf32>
      %add3A_2676 = arith.addf %add3A_2655, %mul3A_2675 : vector<16xf32>
      %mul3A_2677 = arith.constant 8 : i32
      %mul3A_2678 = arith.muli %add3A_1704, %mul3A_2677 : i32
      %add3A_2679 = arith.constant 5 : i32
      %add3A_2680 = arith.addi %mul3A_2678, %add3A_2679 : i32
      %get3A_2681 = arith.constant 128 : index
      %get3A_2682 = tpu.vector_load %arg9[%get3A_2681] {strides = array<i32>} : memref<512xf32, #tpu.memory_space<vmem>>, vector<16xf32>,
      %get3A_2683 = vector.shape_cast %get3A_2682 : vector<16xf32> to vector<16xf32>
      %mul3A_2684 = arith.constant 128 : i32
      %mul3A_2685 = arith.muli %add3A_2680, %mul3A_2684 : i32
      %add3A_2686 = arith.constant 0 : i32
      %add3A_2687 = arith.addi %mul3A_2685, %add3A_2686 : i32
      %get3A_2688 = arith.index_cast %add3A_2687 : i32 to index
      %get3A_2689 = tpu.vector_load %arg8[%get3A_2688] {strides = array<i32>} : memref<49152xf32, #tpu.memory_space<vmem>>, vector<16xf32>,
      %get3A_2690 = vector.shape_cast %get3A_2689 : vector<16xf32> to vector<16xf32>
      %get3A_2691 = arith.constant 1 : i32
      %get3A_2692 = arith.constant 5 : i32
      %get3A_2693 = arith.index_cast %get3A_2691 : i32 to index
      %get3A_2694 = arith.index_cast %get3A_2692 : i32 to index
      %get3A_2695 = arith.constant 0 : index
      %get3A_2696 = tpu.vector_load %arg10[%get3A_2693, %get3A_2694, %get3A_2695] {strides = array<i32>} : memref<2x8x128xf32, #tpu.memory_space<vmem>>, vector<1x1x16xf32>,
      %get3A_2697 = vector.shape_cast %get3A_2696 : vector<1x1x16xf32> to vector<16xf32>
      %sub3A_2698 = arith.subf %get3A_2697, %get3A_2690 : vector<16xf32>
      %abs3A_2699 = math.absf %sub3A_2698 : vector<16xf32>
      %mul3A_2700 = arith.mulf %get3A_2683, %abs3A_2699 : vector<16xf32>
      %add3A_2701 = arith.addf %add3A_2676, %mul3A_2700 : vector<16xf32>
      %get3A_2702 = arith.constant 144 : index
      %get3A_2703 = tpu.vector_load %arg9[%get3A_2702] {strides = array<i32>} : memref<512xf32, #tpu.memory_space<vmem>>, vector<16xf32>,
      %get3A_2704 = vector.shape_cast %get3A_2703 : vector<16xf32> to vector<16xf32>
      %mul3A_2705 = arith.constant 128 : i32
      %mul3A_2706 = arith.muli %add3A_2680, %mul3A_2705 : i32
      %add3A_2707 = arith.constant 16 : i32
      %add3A_2708 = arith.addi %mul3A_2706, %add3A_2707 : i32
      %get3A_2709 = arith.index_cast %add3A_2708 : i32 to index
      %get3A_2710 = tpu.vector_load %arg8[%get3A_2709] {strides = array<i32>} : memref<49152xf32, #tpu.memory_space<vmem>>, vector<16xf32>,
      %get3A_2711 = vector.shape_cast %get3A_2710 : vector<16xf32> to vector<16xf32>
      %get3A_2712 = arith.constant 1 : i32
      %get3A_2713 = arith.constant 5 : i32
      %get3A_2714 = arith.index_cast %get3A_2712 : i32 to index
      %get3A_2715 = arith.index_cast %get3A_2713 : i32 to index
      %get3A_2716 = arith.constant 16 : index
      %get3A_2717 = tpu.vector_load %arg10[%get3A_2714, %get3A_2715, %get3A_2716] {strides = array<i32>} : memref<2x8x128xf32, #tpu.memory_space<vmem>>, vector<1x1x16xf32>,
      %get3A_2718 = vector.shape_cast %get3A_2717 : vector<1x1x16xf32> to vector<16xf32>
      %sub3A_2719 = arith.subf %get3A_2718, %get3A_2711 : vector<16xf32>
      %abs3A_2720 = math.absf %sub3A_2719 : vector<16xf32>
      %mul3A_2721 = arith.mulf %get3A_2704, %abs3A_2720 : vector<16xf32>
      %add3A_2722 = arith.addf %add3A_2701, %mul3A_2721 : vector<16xf32>
      %get3A_2723 = arith.constant 160 : index
      %get3A_2724 = tpu.vector_load %arg9[%get3A_2723] {strides = array<i32>} : memref<512xf32, #tpu.memory_space<vmem>>, vector<16xf32>,
      %get3A_2725 = vector.shape_cast %get3A_2724 : vector<16xf32> to vector<16xf32>
      %mul3A_2726 = arith.constant 128 : i32
      %mul3A_2727 = arith.muli %add3A_2680, %mul3A_2726 : i32
      %add3A_2728 = arith.constant 32 : i32
      %add3A_2729 = arith.addi %mul3A_2727, %add3A_2728 : i32
      %get3A_2730 = arith.index_cast %add3A_2729 : i32 to index
      %get3A_2731 = tpu.vector_load %arg8[%get3A_2730] {strides = array<i32>} : memref<49152xf32, #tpu.memory_space<vmem>>, vector<16xf32>,
      %get3A_2732 = vector.shape_cast %get3A_2731 : vector<16xf32> to vector<16xf32>
      %get3A_2733 = arith.constant 1 : i32
      %get3A_2734 = arith.constant 5 : i32
      %get3A_2735 = arith.index_cast %get3A_2733 : i32 to index
      %get3A_2736 = arith.index_cast %get3A_2734 : i32 to index
      %get3A_2737 = arith.constant 32 : index
      %get3A_2738 = tpu.vector_load %arg10[%get3A_2735, %get3A_2736, %get3A_2737] {strides = array<i32>} : memref<2x8x128xf32, #tpu.memory_space<vmem>>, vector<1x1x16xf32>,
      %get3A_2739 = vector.shape_cast %get3A_2738 : vector<1x1x16xf32> to vector<16xf32>
      %sub3A_2740 = arith.subf %get3A_2739, %get3A_2732 : vector<16xf32>
      %abs3A_2741 = math.absf %sub3A_2740 : vector<16xf32>
      %mul3A_2742 = arith.mulf %get3A_2725, %abs3A_2741 : vector<16xf32>
      %add3A_2743 = arith.addf %add3A_2722, %mul3A_2742 : vector<16xf32>
      %get3A_2744 = arith.constant 176 : index
      %get3A_2745 = tpu.vector_load %arg9[%get3A_2744] {strides = array<i32>} : memref<512xf32, #tpu.memory_space<vmem>>, vector<16xf32>,
      %get3A_2746 = vector.shape_cast %get3A_2745 : vector<16xf32> to vector<16xf32>
      %mul3A_2747 = arith.constant 128 : i32
      %mul3A_2748 = arith.muli %add3A_2680, %mul3A_2747 : i32
      %add3A_2749 = arith.constant 48 : i32
      %add3A_2750 = arith.addi %mul3A_2748, %add3A_2749 : i32
      %get3A_2751 = arith.index_cast %add3A_2750 : i32 to index
      %get3A_2752 = tpu.vector_load %arg8[%get3A_2751] {strides = array<i32>} : memref<49152xf32, #tpu.memory_space<vmem>>, vector<16xf32>,
      %get3A_2753 = vector.shape_cast %get3A_2752 : vector<16xf32> to vector<16xf32>
      %get3A_2754 = arith.constant 1 : i32
      %get3A_2755 = arith.constant 5 : i32
      %get3A_2756 = arith.index_cast %get3A_2754 : i32 to index
      %get3A_2757 = arith.index_cast %get3A_2755 : i32 to index
      %get3A_2758 = arith.constant 48 : index
      %get3A_2759 = tpu.vector_load %arg10[%get3A_2756, %get3A_2757, %get3A_2758] {strides = array<i32>} : memref<2x8x128xf32, #tpu.memory_space<vmem>>, vector<1x1x16xf32>,
      %get3A_2760 = vector.shape_cast %get3A_2759 : vector<1x1x16xf32> to vector<16xf32>
      %sub3A_2761 = arith.subf %get3A_2760, %get3A_2753 : vector<16xf32>
      %abs3A_2762 = math.absf %sub3A_2761 : vector<16xf32>
      %mul3A_2763 = arith.mulf %get3A_2746, %abs3A_2762 : vector<16xf32>
      %add3A_2764 = arith.addf %add3A_2743, %mul3A_2763 : vector<16xf32>
      %get3A_2765 = arith.constant 192 : index
      %get3A_2766 = tpu.vector_load %arg9[%get3A_2765] {strides = array<i32>} : memref<512xf32, #tpu.memory_space<vmem>>, vector<16xf32>,
      %get3A_2767 = vector.shape_cast %get3A_2766 : vector<16xf32> to vector<16xf32>
      %mul3A_2768 = arith.constant 128 : i32
      %mul3A_2769 = arith.muli %add3A_2680, %mul3A_2768 : i32
      %add3A_2770 = arith.constant 64 : i32
      %add3A_2771 = arith.addi %mul3A_2769, %add3A_2770 : i32
      %get3A_2772 = arith.index_cast %add3A_2771 : i32 to index
      %get3A_2773 = tpu.vector_load %arg8[%get3A_2772] {strides = array<i32>} : memref<49152xf32, #tpu.memory_space<vmem>>, vector<16xf32>,
      %get3A_2774 = vector.shape_cast %get3A_2773 : vector<16xf32> to vector<16xf32>
      %get3A_2775 = arith.constant 1 : i32
      %get3A_2776 = arith.constant 5 : i32
      %get3A_2777 = arith.index_cast %get3A_2775 : i32 to index
      %get3A_2778 = arith.index_cast %get3A_2776 : i32 to index
      %get3A_2779 = arith.constant 64 : index
      %get3A_2780 = tpu.vector_load %arg10[%get3A_2777, %get3A_2778, %get3A_2779] {strides = array<i32>} : memref<2x8x128xf32, #tpu.memory_space<vmem>>, vector<1x1x16xf32>,
      %get3A_2781 = vector.shape_cast %get3A_2780 : vector<1x1x16xf32> to vector<16xf32>
      %sub3A_2782 = arith.subf %get3A_2781, %get3A_2774 : vector<16xf32>
      %abs3A_2783 = math.absf %sub3A_2782 : vector<16xf32>
      %mul3A_2784 = arith.mulf %get3A_2767, %abs3A_2783 : vector<16xf32>
      %add3A_2785 = arith.addf %add3A_2764, %mul3A_2784 : vector<16xf32>
      %get3A_2786 = arith.constant 208 : index
      %get3A_2787 = tpu.vector_load %arg9[%get3A_2786] {strides = array<i32>} : memref<512xf32, #tpu.memory_space<vmem>>, vector<16xf32>,
      %get3A_2788 = vector.shape_cast %get3A_2787 : vector<16xf32> to vector<16xf32>
      %mul3A_2789 = arith.constant 128 : i32
      %mul3A_2790 = arith.muli %add3A_2680, %mul3A_2789 : i32
      %add3A_2791 = arith.constant 80 : i32
      %add3A_2792 = arith.addi %mul3A_2790, %add3A_2791 : i32
      %get3A_2793 = arith.index_cast %add3A_2792 : i32 to index
      %get3A_2794 = tpu.vector_load %arg8[%get3A_2793] {strides = array<i32>} : memref<49152xf32, #tpu.memory_space<vmem>>, vector<16xf32>,
      %get3A_2795 = vector.shape_cast %get3A_2794 : vector<16xf32> to vector<16xf32>
      %get3A_2796 = arith.constant 1 : i32
      %get3A_2797 = arith.constant 5 : i32
      %get3A_2798 = arith.index_cast %get3A_2796 : i32 to index
      %get3A_2799 = arith.index_cast %get3A_2797 : i32 to index
      %get3A_2800 = arith.constant 80 : index
      %get3A_2801 = tpu.vector_load %arg10[%get3A_2798, %get3A_2799, %get3A_2800] {strides = array<i32>} : memref<2x8x128xf32, #tpu.memory_space<vmem>>, vector<1x1x16xf32>,
      %get3A_2802 = vector.shape_cast %get3A_2801 : vector<1x1x16xf32> to vector<16xf32>
      %sub3A_2803 = arith.subf %get3A_2802, %get3A_2795 : vector<16xf32>
      %abs3A_2804 = math.absf %sub3A_2803 : vector<16xf32>
      %mul3A_2805 = arith.mulf %get3A_2788, %abs3A_2804 : vector<16xf32>
      %add3A_2806 = arith.addf %add3A_2785, %mul3A_2805 : vector<16xf32>
      %get3A_2807 = arith.constant 224 : index
      %get3A_2808 = tpu.vector_load %arg9[%get3A_2807] {strides = array<i32>} : memref<512xf32, #tpu.memory_space<vmem>>, vector<16xf32>,
      %get3A_2809 = vector.shape_cast %get3A_2808 : vector<16xf32> to vector<16xf32>
      %mul3A_2810 = arith.constant 128 : i32
      %mul3A_2811 = arith.muli %add3A_2680, %mul3A_2810 : i32
      %add3A_2812 = arith.constant 96 : i32
      %add3A_2813 = arith.addi %mul3A_2811, %add3A_2812 : i32
      %get3A_2814 = arith.index_cast %add3A_2813 : i32 to index
      %get3A_2815 = tpu.vector_load %arg8[%get3A_2814] {strides = array<i32>} : memref<49152xf32, #tpu.memory_space<vmem>>, vector<16xf32>,
      %get3A_2816 = vector.shape_cast %get3A_2815 : vector<16xf32> to vector<16xf32>
      %get3A_2817 = arith.constant 1 : i32
      %get3A_2818 = arith.constant 5 : i32
      %get3A_2819 = arith.index_cast %get3A_2817 : i32 to index
      %get3A_2820 = arith.index_cast %get3A_2818 : i32 to index
      %get3A_2821 = arith.constant 96 : index
      %get3A_2822 = tpu.vector_load %arg10[%get3A_2819, %get3A_2820, %get3A_2821] {strides = array<i32>} : memref<2x8x128xf32, #tpu.memory_space<vmem>>, vector<1x1x16xf32>,
      %get3A_2823 = vector.shape_cast %get3A_2822 : vector<1x1x16xf32> to vector<16xf32>
      %sub3A_2824 = arith.subf %get3A_2823, %get3A_2816 : vector<16xf32>
      %abs3A_2825 = math.absf %sub3A_2824 : vector<16xf32>
      %mul3A_2826 = arith.mulf %get3A_2809, %abs3A_2825 : vector<16xf32>
      %add3A_2827 = arith.addf %add3A_2806, %mul3A_2826 : vector<16xf32>
      %get3A_2828 = arith.constant 240 : index
      %get3A_2829 = tpu.vector_load %arg9[%get3A_2828] {strides = array<i32>} : memref<512xf32, #tpu.memory_space<vmem>>, vector<16xf32>,
      %get3A_2830 = vector.shape_cast %get3A_2829 : vector<16xf32> to vector<16xf32>
      %mul3A_2831 = arith.constant 128 : i32
      %mul3A_2832 = arith.muli %add3A_2680, %mul3A_2831 : i32
      %add3A_2833 = arith.constant 112 : i32
      %add3A_2834 = arith.addi %mul3A_2832, %add3A_2833 : i32
      %get3A_2835 = arith.index_cast %add3A_2834 : i32 to index
      %get3A_2836 = tpu.vector_load %arg8[%get3A_2835] {strides = array<i32>} : memref<49152xf32, #tpu.memory_space<vmem>>, vector<16xf32>,
      %get3A_2837 = vector.shape_cast %get3A_2836 : vector<16xf32> to vector<16xf32>
      %get3A_2838 = arith.constant 1 : i32
      %get3A_2839 = arith.constant 5 : i32
      %get3A_2840 = arith.index_cast %get3A_2838 : i32 to index
      %get3A_2841 = arith.index_cast %get3A_2839 : i32 to index
      %get3A_2842 = arith.constant 112 : index
      %get3A_2843 = tpu.vector_load %arg10[%get3A_2840, %get3A_2841, %get3A_2842] {strides = array<i32>} : memref<2x8x128xf32, #tpu.memory_space<vmem>>, vector<1x1x16xf32>,
      %get3A_2844 = vector.shape_cast %get3A_2843 : vector<1x1x16xf32> to vector<16xf32>
      %sub3A_2845 = arith.subf %get3A_2844, %get3A_2837 : vector<16xf32>
      %abs3A_2846 = math.absf %sub3A_2845 : vector<16xf32>
      %mul3A_2847 = arith.mulf %get3A_2830, %abs3A_2846 : vector<16xf32>
      %add3A_2848 = arith.addf %add3A_2827, %mul3A_2847 : vector<16xf32>
      %mul3A_2849 = arith.constant 8 : i32
      %mul3A_2850 = arith.muli %add3A_1704, %mul3A_2849 : i32
      %add3A_2851 = arith.constant 6 : i32
      %add3A_2852 = arith.addi %mul3A_2850, %add3A_2851 : i32
      %get3A_2853 = arith.constant 256 : index
      %get3A_2854 = tpu.vector_load %arg9[%get3A_2853] {strides = array<i32>} : memref<512xf32, #tpu.memory_space<vmem>>, vector<16xf32>,
      %get3A_2855 = vector.shape_cast %get3A_2854 : vector<16xf32> to vector<16xf32>
      %mul3A_2856 = arith.constant 128 : i32
      %mul3A_2857 = arith.muli %add3A_2852, %mul3A_2856 : i32
      %add3A_2858 = arith.constant 0 : i32
      %add3A_2859 = arith.addi %mul3A_2857, %add3A_2858 : i32
      %get3A_2860 = arith.index_cast %add3A_2859 : i32 to index
      %get3A_2861 = tpu.vector_load %arg8[%get3A_2860] {strides = array<i32>} : memref<49152xf32, #tpu.memory_space<vmem>>, vector<16xf32>,
      %get3A_2862 = vector.shape_cast %get3A_2861 : vector<16xf32> to vector<16xf32>
      %get3A_2863 = arith.constant 1 : i32
      %get3A_2864 = arith.constant 6 : i32
      %get3A_2865 = arith.index_cast %get3A_2863 : i32 to index
      %get3A_2866 = arith.index_cast %get3A_2864 : i32 to index
      %get3A_2867 = arith.constant 0 : index
      %get3A_2868 = tpu.vector_load %arg10[%get3A_2865, %get3A_2866, %get3A_2867] {strides = array<i32>} : memref<2x8x128xf32, #tpu.memory_space<vmem>>, vector<1x1x16xf32>,
      %get3A_2869 = vector.shape_cast %get3A_2868 : vector<1x1x16xf32> to vector<16xf32>
      %sub3A_2870 = arith.subf %get3A_2869, %get3A_2862 : vector<16xf32>
      %abs3A_2871 = math.absf %sub3A_2870 : vector<16xf32>
      %mul3A_2872 = arith.mulf %get3A_2855, %abs3A_2871 : vector<16xf32>
      %add3A_2873 = arith.addf %add3A_2848, %mul3A_2872 : vector<16xf32>
      %get3A_2874 = arith.constant 272 : index
      %get3A_2875 = tpu.vector_load %arg9[%get3A_2874] {strides = array<i32>} : memref<512xf32, #tpu.memory_space<vmem>>, vector<16xf32>,
      %get3A_2876 = vector.shape_cast %get3A_2875 : vector<16xf32> to vector<16xf32>
      %mul3A_2877 = arith.constant 128 : i32
      %mul3A_2878 = arith.muli %add3A_2852, %mul3A_2877 : i32
      %add3A_2879 = arith.constant 16 : i32
      %add3A_2880 = arith.addi %mul3A_2878, %add3A_2879 : i32
      %get3A_2881 = arith.index_cast %add3A_2880 : i32 to index
      %get3A_2882 = tpu.vector_load %arg8[%get3A_2881] {strides = array<i32>} : memref<49152xf32, #tpu.memory_space<vmem>>, vector<16xf32>,
      %get3A_2883 = vector.shape_cast %get3A_2882 : vector<16xf32> to vector<16xf32>
      %get3A_2884 = arith.constant 1 : i32
      %get3A_2885 = arith.constant 6 : i32
      %get3A_2886 = arith.index_cast %get3A_2884 : i32 to index
      %get3A_2887 = arith.index_cast %get3A_2885 : i32 to index
      %get3A_2888 = arith.constant 16 : index
      %get3A_2889 = tpu.vector_load %arg10[%get3A_2886, %get3A_2887, %get3A_2888] {strides = array<i32>} : memref<2x8x128xf32, #tpu.memory_space<vmem>>, vector<1x1x16xf32>,
      %get3A_2890 = vector.shape_cast %get3A_2889 : vector<1x1x16xf32> to vector<16xf32>
      %sub3A_2891 = arith.subf %get3A_2890, %get3A_2883 : vector<16xf32>
      %abs3A_2892 = math.absf %sub3A_2891 : vector<16xf32>
      %mul3A_2893 = arith.mulf %get3A_2876, %abs3A_2892 : vector<16xf32>
      %add3A_2894 = arith.addf %add3A_2873, %mul3A_2893 : vector<16xf32>
      %get3A_2895 = arith.constant 288 : index
      %get3A_2896 = tpu.vector_load %arg9[%get3A_2895] {strides = array<i32>} : memref<512xf32, #tpu.memory_space<vmem>>, vector<16xf32>,
      %get3A_2897 = vector.shape_cast %get3A_2896 : vector<16xf32> to vector<16xf32>
      %mul3A_2898 = arith.constant 128 : i32
      %mul3A_2899 = arith.muli %add3A_2852, %mul3A_2898 : i32
      %add3A_2900 = arith.constant 32 : i32
      %add3A_2901 = arith.addi %mul3A_2899, %add3A_2900 : i32
      %get3A_2902 = arith.index_cast %add3A_2901 : i32 to index
      %get3A_2903 = tpu.vector_load %arg8[%get3A_2902] {strides = array<i32>} : memref<49152xf32, #tpu.memory_space<vmem>>, vector<16xf32>,
      %get3A_2904 = vector.shape_cast %get3A_2903 : vector<16xf32> to vector<16xf32>
      %get3A_2905 = arith.constant 1 : i32
      %get3A_2906 = arith.constant 6 : i32
      %get3A_2907 = arith.index_cast %get3A_2905 : i32 to index
      %get3A_2908 = arith.index_cast %get3A_2906 : i32 to index
      %get3A_2909 = arith.constant 32 : index
      %get3A_2910 = tpu.vector_load %arg10[%get3A_2907, %get3A_2908, %get3A_2909] {strides = array<i32>} : memref<2x8x128xf32, #tpu.memory_space<vmem>>, vector<1x1x16xf32>,
      %get3A_2911 = vector.shape_cast %get3A_2910 : vector<1x1x16xf32> to vector<16xf32>
      %sub3A_2912 = arith.subf %get3A_2911, %get3A_2904 : vector<16xf32>
      %abs3A_2913 = math.absf %sub3A_2912 : vector<16xf32>
      %mul3A_2914 = arith.mulf %get3A_2897, %abs3A_2913 : vector<16xf32>
      %add3A_2915 = arith.addf %add3A_2894, %mul3A_2914 : vector<16xf32>
      %get3A_2916 = arith.constant 304 : index
      %get3A_2917 = tpu.vector_load %arg9[%get3A_2916] {strides = array<i32>} : memref<512xf32, #tpu.memory_space<vmem>>, vector<16xf32>,
      %get3A_2918 = vector.shape_cast %get3A_2917 : vector<16xf32> to vector<16xf32>
      %mul3A_2919 = arith.constant 128 : i32
      %mul3A_2920 = arith.muli %add3A_2852, %mul3A_2919 : i32
      %add3A_2921 = arith.constant 48 : i32
      %add3A_2922 = arith.addi %mul3A_2920, %add3A_2921 : i32
      %get3A_2923 = arith.index_cast %add3A_2922 : i32 to index
      %get3A_2924 = tpu.vector_load %arg8[%get3A_2923] {strides = array<i32>} : memref<49152xf32, #tpu.memory_space<vmem>>, vector<16xf32>,
      %get3A_2925 = vector.shape_cast %get3A_2924 : vector<16xf32> to vector<16xf32>
      %get3A_2926 = arith.constant 1 : i32
      %get3A_2927 = arith.constant 6 : i32
      %get3A_2928 = arith.index_cast %get3A_2926 : i32 to index
      %get3A_2929 = arith.index_cast %get3A_2927 : i32 to index
      %get3A_2930 = arith.constant 48 : index
      %get3A_2931 = tpu.vector_load %arg10[%get3A_2928, %get3A_2929, %get3A_2930] {strides = array<i32>} : memref<2x8x128xf32, #tpu.memory_space<vmem>>, vector<1x1x16xf32>,
      %get3A_2932 = vector.shape_cast %get3A_2931 : vector<1x1x16xf32> to vector<16xf32>
      %sub3A_2933 = arith.subf %get3A_2932, %get3A_2925 : vector<16xf32>
      %abs3A_2934 = math.absf %sub3A_2933 : vector<16xf32>
      %mul3A_2935 = arith.mulf %get3A_2918, %abs3A_2934 : vector<16xf32>
      %add3A_2936 = arith.addf %add3A_2915, %mul3A_2935 : vector<16xf32>
      %get3A_2937 = arith.constant 320 : index
      %get3A_2938 = tpu.vector_load %arg9[%get3A_2937] {strides = array<i32>} : memref<512xf32, #tpu.memory_space<vmem>>, vector<16xf32>,
      %get3A_2939 = vector.shape_cast %get3A_2938 : vector<16xf32> to vector<16xf32>
      %mul3A_2940 = arith.constant 128 : i32
      %mul3A_2941 = arith.muli %add3A_2852, %mul3A_2940 : i32
      %add3A_2942 = arith.constant 64 : i32
      %add3A_2943 = arith.addi %mul3A_2941, %add3A_2942 : i32
      %get3A_2944 = arith.index_cast %add3A_2943 : i32 to index
      %get3A_2945 = tpu.vector_load %arg8[%get3A_2944] {strides = array<i32>} : memref<49152xf32, #tpu.memory_space<vmem>>, vector<16xf32>,
      %get3A_2946 = vector.shape_cast %get3A_2945 : vector<16xf32> to vector<16xf32>
      %get3A_2947 = arith.constant 1 : i32
      %get3A_2948 = arith.constant 6 : i32
      %get3A_2949 = arith.index_cast %get3A_2947 : i32 to index
      %get3A_2950 = arith.index_cast %get3A_2948 : i32 to index
      %get3A_2951 = arith.constant 64 : index
      %get3A_2952 = tpu.vector_load %arg10[%get3A_2949, %get3A_2950, %get3A_2951] {strides = array<i32>} : memref<2x8x128xf32, #tpu.memory_space<vmem>>, vector<1x1x16xf32>,
      %get3A_2953 = vector.shape_cast %get3A_2952 : vector<1x1x16xf32> to vector<16xf32>
      %sub3A_2954 = arith.subf %get3A_2953, %get3A_2946 : vector<16xf32>
      %abs3A_2955 = math.absf %sub3A_2954 : vector<16xf32>
      %mul3A_2956 = arith.mulf %get3A_2939, %abs3A_2955 : vector<16xf32>
      %add3A_2957 = arith.addf %add3A_2936, %mul3A_2956 : vector<16xf32>
      %get3A_2958 = arith.constant 336 : index
      %get3A_2959 = tpu.vector_load %arg9[%get3A_2958] {strides = array<i32>} : memref<512xf32, #tpu.memory_space<vmem>>, vector<16xf32>,
      %get3A_2960 = vector.shape_cast %get3A_2959 : vector<16xf32> to vector<16xf32>
      %mul3A_2961 = arith.constant 128 : i32
      %mul3A_2962 = arith.muli %add3A_2852, %mul3A_2961 : i32
      %add3A_2963 = arith.constant 80 : i32
      %add3A_2964 = arith.addi %mul3A_2962, %add3A_2963 : i32
      %get3A_2965 = arith.index_cast %add3A_2964 : i32 to index
      %get3A_2966 = tpu.vector_load %arg8[%get3A_2965] {strides = array<i32>} : memref<49152xf32, #tpu.memory_space<vmem>>, vector<16xf32>,
      %get3A_2967 = vector.shape_cast %get3A_2966 : vector<16xf32> to vector<16xf32>
      %get3A_2968 = arith.constant 1 : i32
      %get3A_2969 = arith.constant 6 : i32
      %get3A_2970 = arith.index_cast %get3A_2968 : i32 to index
      %get3A_2971 = arith.index_cast %get3A_2969 : i32 to index
      %get3A_2972 = arith.constant 80 : index
      %get3A_2973 = tpu.vector_load %arg10[%get3A_2970, %get3A_2971, %get3A_2972] {strides = array<i32>} : memref<2x8x128xf32, #tpu.memory_space<vmem>>, vector<1x1x16xf32>,
      %get3A_2974 = vector.shape_cast %get3A_2973 : vector<1x1x16xf32> to vector<16xf32>
      %sub3A_2975 = arith.subf %get3A_2974, %get3A_2967 : vector<16xf32>
      %abs3A_2976 = math.absf %sub3A_2975 : vector<16xf32>
      %mul3A_2977 = arith.mulf %get3A_2960, %abs3A_2976 : vector<16xf32>
      %add3A_2978 = arith.addf %add3A_2957, %mul3A_2977 : vector<16xf32>
      %get3A_2979 = arith.constant 352 : index
      %get3A_2980 = tpu.vector_load %arg9[%get3A_2979] {strides = array<i32>} : memref<512xf32, #tpu.memory_space<vmem>>, vector<16xf32>,
      %get3A_2981 = vector.shape_cast %get3A_2980 : vector<16xf32> to vector<16xf32>
      %mul3A_2982 = arith.constant 128 : i32
      %mul3A_2983 = arith.muli %add3A_2852, %mul3A_2982 : i32
      %add3A_2984 = arith.constant 96 : i32
      %add3A_2985 = arith.addi %mul3A_2983, %add3A_2984 : i32
      %get3A_2986 = arith.index_cast %add3A_2985 : i32 to index
      %get3A_2987 = tpu.vector_load %arg8[%get3A_2986] {strides = array<i32>} : memref<49152xf32, #tpu.memory_space<vmem>>, vector<16xf32>,
      %get3A_2988 = vector.shape_cast %get3A_2987 : vector<16xf32> to vector<16xf32>
      %get3A_2989 = arith.constant 1 : i32
      %get3A_2990 = arith.constant 6 : i32
      %get3A_2991 = arith.index_cast %get3A_2989 : i32 to index
      %get3A_2992 = arith.index_cast %get3A_2990 : i32 to index
      %get3A_2993 = arith.constant 96 : index
      %get3A_2994 = tpu.vector_load %arg10[%get3A_2991, %get3A_2992, %get3A_2993] {strides = array<i32>} : memref<2x8x128xf32, #tpu.memory_space<vmem>>, vector<1x1x16xf32>,
      %get3A_2995 = vector.shape_cast %get3A_2994 : vector<1x1x16xf32> to vector<16xf32>
      %sub3A_2996 = arith.subf %get3A_2995, %get3A_2988 : vector<16xf32>
      %abs3A_2997 = math.absf %sub3A_2996 : vector<16xf32>
      %mul3A_2998 = arith.mulf %get3A_2981, %abs3A_2997 : vector<16xf32>
      %add3A_2999 = arith.addf %add3A_2978, %mul3A_2998 : vector<16xf32>
      %get3A_3000 = arith.constant 368 : index
      %get3A_3001 = tpu.vector_load %arg9[%get3A_3000] {strides = array<i32>} : memref<512xf32, #tpu.memory_space<vmem>>, vector<16xf32>,
      %get3A_3002 = vector.shape_cast %get3A_3001 : vector<16xf32> to vector<16xf32>
      %mul3A_3003 = arith.constant 128 : i32
      %mul3A_3004 = arith.muli %add3A_2852, %mul3A_3003 : i32
      %add3A_3005 = arith.constant 112 : i32
      %add3A_3006 = arith.addi %mul3A_3004, %add3A_3005 : i32
      %get3A_3007 = arith.index_cast %add3A_3006 : i32 to index
      %get3A_3008 = tpu.vector_load %arg8[%get3A_3007] {strides = array<i32>} : memref<49152xf32, #tpu.memory_space<vmem>>, vector<16xf32>,
      %get3A_3009 = vector.shape_cast %get3A_3008 : vector<16xf32> to vector<16xf32>
      %get3A_3010 = arith.constant 1 : i32
      %get3A_3011 = arith.constant 6 : i32
      %get3A_3012 = arith.index_cast %get3A_3010 : i32 to index
      %get3A_3013 = arith.index_cast %get3A_3011 : i32 to index
      %get3A_3014 = arith.constant 112 : index
      %get3A_3015 = tpu.vector_load %arg10[%get3A_3012, %get3A_3013, %get3A_3014] {strides = array<i32>} : memref<2x8x128xf32, #tpu.memory_space<vmem>>, vector<1x1x16xf32>,
      %get3A_3016 = vector.shape_cast %get3A_3015 : vector<1x1x16xf32> to vector<16xf32>
      %sub3A_3017 = arith.subf %get3A_3016, %get3A_3009 : vector<16xf32>
      %abs3A_3018 = math.absf %sub3A_3017 : vector<16xf32>
      %mul3A_3019 = arith.mulf %get3A_3002, %abs3A_3018 : vector<16xf32>
      %add3A_3020 = arith.addf %add3A_2999, %mul3A_3019 : vector<16xf32>
      %mul3A_3021 = arith.constant 8 : i32
      %mul3A_3022 = arith.muli %add3A_1704, %mul3A_3021 : i32
      %add3A_3023 = arith.constant 7 : i32
      %add3A_3024 = arith.addi %mul3A_3022, %add3A_3023 : i32
      %get3A_3025 = arith.constant 384 : index
      %get3A_3026 = tpu.vector_load %arg9[%get3A_3025] {strides = array<i32>} : memref<512xf32, #tpu.memory_space<vmem>>, vector<16xf32>,
      %get3A_3027 = vector.shape_cast %get3A_3026 : vector<16xf32> to vector<16xf32>
      %mul3A_3028 = arith.constant 128 : i32
      %mul3A_3029 = arith.muli %add3A_3024, %mul3A_3028 : i32
      %add3A_3030 = arith.constant 0 : i32
      %add3A_3031 = arith.addi %mul3A_3029, %add3A_3030 : i32
      %get3A_3032 = arith.index_cast %add3A_3031 : i32 to index
      %get3A_3033 = tpu.vector_load %arg8[%get3A_3032] {strides = array<i32>} : memref<49152xf32, #tpu.memory_space<vmem>>, vector<16xf32>,
      %get3A_3034 = vector.shape_cast %get3A_3033 : vector<16xf32> to vector<16xf32>
      %get3A_3035 = arith.constant 1 : i32
      %get3A_3036 = arith.constant 7 : i32
      %get3A_3037 = arith.index_cast %get3A_3035 : i32 to index
      %get3A_3038 = arith.index_cast %get3A_3036 : i32 to index
      %get3A_3039 = arith.constant 0 : index
      %get3A_3040 = tpu.vector_load %arg10[%get3A_3037, %get3A_3038, %get3A_3039] {strides = array<i32>} : memref<2x8x128xf32, #tpu.memory_space<vmem>>, vector<1x1x16xf32>,
      %get3A_3041 = vector.shape_cast %get3A_3040 : vector<1x1x16xf32> to vector<16xf32>
      %sub3A_3042 = arith.subf %get3A_3041, %get3A_3034 : vector<16xf32>
      %abs3A_3043 = math.absf %sub3A_3042 : vector<16xf32>
      %mul3A_3044 = arith.mulf %get3A_3027, %abs3A_3043 : vector<16xf32>
      %add3A_3045 = arith.addf %add3A_3020, %mul3A_3044 : vector<16xf32>
      %get3A_3046 = arith.constant 400 : index
      %get3A_3047 = tpu.vector_load %arg9[%get3A_3046] {strides = array<i32>} : memref<512xf32, #tpu.memory_space<vmem>>, vector<16xf32>,
      %get3A_3048 = vector.shape_cast %get3A_3047 : vector<16xf32> to vector<16xf32>
      %mul3A_3049 = arith.constant 128 : i32
      %mul3A_3050 = arith.muli %add3A_3024, %mul3A_3049 : i32
      %add3A_3051 = arith.constant 16 : i32
      %add3A_3052 = arith.addi %mul3A_3050, %add3A_3051 : i32
      %get3A_3053 = arith.index_cast %add3A_3052 : i32 to index
      %get3A_3054 = tpu.vector_load %arg8[%get3A_3053] {strides = array<i32>} : memref<49152xf32, #tpu.memory_space<vmem>>, vector<16xf32>,
      %get3A_3055 = vector.shape_cast %get3A_3054 : vector<16xf32> to vector<16xf32>
      %get3A_3056 = arith.constant 1 : i32
      %get3A_3057 = arith.constant 7 : i32
      %get3A_3058 = arith.index_cast %get3A_3056 : i32 to index
      %get3A_3059 = arith.index_cast %get3A_3057 : i32 to index
      %get3A_3060 = arith.constant 16 : index
      %get3A_3061 = tpu.vector_load %arg10[%get3A_3058, %get3A_3059, %get3A_3060] {strides = array<i32>} : memref<2x8x128xf32, #tpu.memory_space<vmem>>, vector<1x1x16xf32>,
      %get3A_3062 = vector.shape_cast %get3A_3061 : vector<1x1x16xf32> to vector<16xf32>
      %sub3A_3063 = arith.subf %get3A_3062, %get3A_3055 : vector<16xf32>
      %abs3A_3064 = math.absf %sub3A_3063 : vector<16xf32>
      %mul3A_3065 = arith.mulf %get3A_3048, %abs3A_3064 : vector<16xf32>
      %add3A_3066 = arith.addf %add3A_3045, %mul3A_3065 : vector<16xf32>
      %get3A_3067 = arith.constant 416 : index
      %get3A_3068 = tpu.vector_load %arg9[%get3A_3067] {strides = array<i32>} : memref<512xf32, #tpu.memory_space<vmem>>, vector<16xf32>,
      %get3A_3069 = vector.shape_cast %get3A_3068 : vector<16xf32> to vector<16xf32>
      %mul3A_3070 = arith.constant 128 : i32
      %mul3A_3071 = arith.muli %add3A_3024, %mul3A_3070 : i32
      %add3A_3072 = arith.constant 32 : i32
      %add3A_3073 = arith.addi %mul3A_3071, %add3A_3072 : i32
      %get3A_3074 = arith.index_cast %add3A_3073 : i32 to index
      %get3A_3075 = tpu.vector_load %arg8[%get3A_3074] {strides = array<i32>} : memref<49152xf32, #tpu.memory_space<vmem>>, vector<16xf32>,
      %get3A_3076 = vector.shape_cast %get3A_3075 : vector<16xf32> to vector<16xf32>
      %get3A_3077 = arith.constant 1 : i32
      %get3A_3078 = arith.constant 7 : i32
      %get3A_3079 = arith.index_cast %get3A_3077 : i32 to index
      %get3A_3080 = arith.index_cast %get3A_3078 : i32 to index
      %get3A_3081 = arith.constant 32 : index
      %get3A_3082 = tpu.vector_load %arg10[%get3A_3079, %get3A_3080, %get3A_3081] {strides = array<i32>} : memref<2x8x128xf32, #tpu.memory_space<vmem>>, vector<1x1x16xf32>,
      %get3A_3083 = vector.shape_cast %get3A_3082 : vector<1x1x16xf32> to vector<16xf32>
      %sub3A_3084 = arith.subf %get3A_3083, %get3A_3076 : vector<16xf32>
      %abs3A_3085 = math.absf %sub3A_3084 : vector<16xf32>
      %mul3A_3086 = arith.mulf %get3A_3069, %abs3A_3085 : vector<16xf32>
      %add3A_3087 = arith.addf %add3A_3066, %mul3A_3086 : vector<16xf32>
      %get3A_3088 = arith.constant 432 : index
      %get3A_3089 = tpu.vector_load %arg9[%get3A_3088] {strides = array<i32>} : memref<512xf32, #tpu.memory_space<vmem>>, vector<16xf32>,
      %get3A_3090 = vector.shape_cast %get3A_3089 : vector<16xf32> to vector<16xf32>
      %mul3A_3091 = arith.constant 128 : i32
      %mul3A_3092 = arith.muli %add3A_3024, %mul3A_3091 : i32
      %add3A_3093 = arith.constant 48 : i32
      %add3A_3094 = arith.addi %mul3A_3092, %add3A_3093 : i32
      %get3A_3095 = arith.index_cast %add3A_3094 : i32 to index
      %get3A_3096 = tpu.vector_load %arg8[%get3A_3095] {strides = array<i32>} : memref<49152xf32, #tpu.memory_space<vmem>>, vector<16xf32>,
      %get3A_3097 = vector.shape_cast %get3A_3096 : vector<16xf32> to vector<16xf32>
      %get3A_3098 = arith.constant 1 : i32
      %get3A_3099 = arith.constant 7 : i32
      %get3A_3100 = arith.index_cast %get3A_3098 : i32 to index
      %get3A_3101 = arith.index_cast %get3A_3099 : i32 to index
      %get3A_3102 = arith.constant 48 : index
      %get3A_3103 = tpu.vector_load %arg10[%get3A_3100, %get3A_3101, %get3A_3102] {strides = array<i32>} : memref<2x8x128xf32, #tpu.memory_space<vmem>>, vector<1x1x16xf32>,
      %get3A_3104 = vector.shape_cast %get3A_3103 : vector<1x1x16xf32> to vector<16xf32>
      %sub3A_3105 = arith.subf %get3A_3104, %get3A_3097 : vector<16xf32>
      %abs3A_3106 = math.absf %sub3A_3105 : vector<16xf32>
      %mul3A_3107 = arith.mulf %get3A_3090, %abs3A_3106 : vector<16xf32>
      %add3A_3108 = arith.addf %add3A_3087, %mul3A_3107 : vector<16xf32>
      %get3A_3109 = arith.constant 448 : index
      %get3A_3110 = tpu.vector_load %arg9[%get3A_3109] {strides = array<i32>} : memref<512xf32, #tpu.memory_space<vmem>>, vector<16xf32>,
      %get3A_3111 = vector.shape_cast %get3A_3110 : vector<16xf32> to vector<16xf32>
      %mul3A_3112 = arith.constant 128 : i32
      %mul3A_3113 = arith.muli %add3A_3024, %mul3A_3112 : i32
      %add3A_3114 = arith.constant 64 : i32
      %add3A_3115 = arith.addi %mul3A_3113, %add3A_3114 : i32
      %get3A_3116 = arith.index_cast %add3A_3115 : i32 to index
      %get3A_3117 = tpu.vector_load %arg8[%get3A_3116] {strides = array<i32>} : memref<49152xf32, #tpu.memory_space<vmem>>, vector<16xf32>,
      %get3A_3118 = vector.shape_cast %get3A_3117 : vector<16xf32> to vector<16xf32>
      %get3A_3119 = arith.constant 1 : i32
      %get3A_3120 = arith.constant 7 : i32
      %get3A_3121 = arith.index_cast %get3A_3119 : i32 to index
      %get3A_3122 = arith.index_cast %get3A_3120 : i32 to index
      %get3A_3123 = arith.constant 64 : index
      %get3A_3124 = tpu.vector_load %arg10[%get3A_3121, %get3A_3122, %get3A_3123] {strides = array<i32>} : memref<2x8x128xf32, #tpu.memory_space<vmem>>, vector<1x1x16xf32>,
      %get3A_3125 = vector.shape_cast %get3A_3124 : vector<1x1x16xf32> to vector<16xf32>
      %sub3A_3126 = arith.subf %get3A_3125, %get3A_3118 : vector<16xf32>
      %abs3A_3127 = math.absf %sub3A_3126 : vector<16xf32>
      %mul3A_3128 = arith.mulf %get3A_3111, %abs3A_3127 : vector<16xf32>
      %add3A_3129 = arith.addf %add3A_3108, %mul3A_3128 : vector<16xf32>
      %get3A_3130 = arith.constant 464 : index
      %get3A_3131 = tpu.vector_load %arg9[%get3A_3130] {strides = array<i32>} : memref<512xf32, #tpu.memory_space<vmem>>, vector<16xf32>,
      %get3A_3132 = vector.shape_cast %get3A_3131 : vector<16xf32> to vector<16xf32>
      %mul3A_3133 = arith.constant 128 : i32
      %mul3A_3134 = arith.muli %add3A_3024, %mul3A_3133 : i32
      %add3A_3135 = arith.constant 80 : i32
      %add3A_3136 = arith.addi %mul3A_3134, %add3A_3135 : i32
      %get3A_3137 = arith.index_cast %add3A_3136 : i32 to index
      %get3A_3138 = tpu.vector_load %arg8[%get3A_3137] {strides = array<i32>} : memref<49152xf32, #tpu.memory_space<vmem>>, vector<16xf32>,
      %get3A_3139 = vector.shape_cast %get3A_3138 : vector<16xf32> to vector<16xf32>
      %get3A_3140 = arith.constant 1 : i32
      %get3A_3141 = arith.constant 7 : i32
      %get3A_3142 = arith.index_cast %get3A_3140 : i32 to index
      %get3A_3143 = arith.index_cast %get3A_3141 : i32 to index
      %get3A_3144 = arith.constant 80 : index
      %get3A_3145 = tpu.vector_load %arg10[%get3A_3142, %get3A_3143, %get3A_3144] {strides = array<i32>} : memref<2x8x128xf32, #tpu.memory_space<vmem>>, vector<1x1x16xf32>,
      %get3A_3146 = vector.shape_cast %get3A_3145 : vector<1x1x16xf32> to vector<16xf32>
      %sub3A_3147 = arith.subf %get3A_3146, %get3A_3139 : vector<16xf32>
      %abs3A_3148 = math.absf %sub3A_3147 : vector<16xf32>
      %mul3A_3149 = arith.mulf %get3A_3132, %abs3A_3148 : vector<16xf32>
      %add3A_3150 = arith.addf %add3A_3129, %mul3A_3149 : vector<16xf32>
      %get3A_3151 = arith.constant 480 : index
      %get3A_3152 = tpu.vector_load %arg9[%get3A_3151] {strides = array<i32>} : memref<512xf32, #tpu.memory_space<vmem>>, vector<16xf32>,
      %get3A_3153 = vector.shape_cast %get3A_3152 : vector<16xf32> to vector<16xf32>
      %mul3A_3154 = arith.constant 128 : i32
      %mul3A_3155 = arith.muli %add3A_3024, %mul3A_3154 : i32
      %add3A_3156 = arith.constant 96 : i32
      %add3A_3157 = arith.addi %mul3A_3155, %add3A_3156 : i32
      %get3A_3158 = arith.index_cast %add3A_3157 : i32 to index
      %get3A_3159 = tpu.vector_load %arg8[%get3A_3158] {strides = array<i32>} : memref<49152xf32, #tpu.memory_space<vmem>>, vector<16xf32>,
      %get3A_3160 = vector.shape_cast %get3A_3159 : vector<16xf32> to vector<16xf32>
      %get3A_3161 = arith.constant 1 : i32
      %get3A_3162 = arith.constant 7 : i32
      %get3A_3163 = arith.index_cast %get3A_3161 : i32 to index
      %get3A_3164 = arith.index_cast %get3A_3162 : i32 to index
      %get3A_3165 = arith.constant 96 : index
      %get3A_3166 = tpu.vector_load %arg10[%get3A_3163, %get3A_3164, %get3A_3165] {strides = array<i32>} : memref<2x8x128xf32, #tpu.memory_space<vmem>>, vector<1x1x16xf32>,
      %get3A_3167 = vector.shape_cast %get3A_3166 : vector<1x1x16xf32> to vector<16xf32>
      %sub3A_3168 = arith.subf %get3A_3167, %get3A_3160 : vector<16xf32>
      %abs3A_3169 = math.absf %sub3A_3168 : vector<16xf32>
      %mul3A_3170 = arith.mulf %get3A_3153, %abs3A_3169 : vector<16xf32>
      %add3A_3171 = arith.addf %add3A_3150, %mul3A_3170 : vector<16xf32>
      %get3A_3172 = arith.constant 496 : index
      %get3A_3173 = tpu.vector_load %arg9[%get3A_3172] {strides = array<i32>} : memref<512xf32, #tpu.memory_space<vmem>>, vector<16xf32>,
      %get3A_3174 = vector.shape_cast %get3A_3173 : vector<16xf32> to vector<16xf32>
      %mul3A_3175 = arith.constant 128 : i32
      %mul3A_3176 = arith.muli %add3A_3024, %mul3A_3175 : i32
      %add3A_3177 = arith.constant 112 : i32
      %add3A_3178 = arith.addi %mul3A_3176, %add3A_3177 : i32
      %get3A_3179 = arith.index_cast %add3A_3178 : i32 to index
      %get3A_3180 = tpu.vector_load %arg8[%get3A_3179] {strides = array<i32>} : memref<49152xf32, #tpu.memory_space<vmem>>, vector<16xf32>,
      %get3A_3181 = vector.shape_cast %get3A_3180 : vector<16xf32> to vector<16xf32>
      %get3A_3182 = arith.constant 1 : i32
      %get3A_3183 = arith.constant 7 : i32
      %get3A_3184 = arith.index_cast %get3A_3182 : i32 to index
      %get3A_3185 = arith.index_cast %get3A_3183 : i32 to index
      %get3A_3186 = arith.constant 112 : index
      %get3A_3187 = tpu.vector_load %arg10[%get3A_3184, %get3A_3185, %get3A_3186] {strides = array<i32>} : memref<2x8x128xf32, #tpu.memory_space<vmem>>, vector<1x1x16xf32>,
      %get3A_3188 = vector.shape_cast %get3A_3187 : vector<1x1x16xf32> to vector<16xf32>
      %sub3A_3189 = arith.subf %get3A_3188, %get3A_3181 : vector<16xf32>
      %abs3A_3190 = math.absf %sub3A_3189 : vector<16xf32>
      %mul3A_3191 = arith.mulf %get3A_3174, %abs3A_3190 : vector<16xf32>
      %add3A_3192 = arith.addf %add3A_3171, %mul3A_3191 : vector<16xf32>
      scf.yield %add3A_3192 : vector<16xf32>
    }
    %scan3A_93 = arith.constant 24 : i32
    %swap3A = arith.constant 0 : index
    %swap3A_94 = tpu.vector_load %arg11[%swap3A] {strides = array<i32>} : memref<16xf32, #tpu.memory_space<vmem>>, vector<16xf32>,
    %swap3A_95 = vector.shape_cast %swap3A_94 : vector<16xf32> to vector<16xf32>
    %swap3A_96 = vector.shape_cast %scan3A_92 : vector<16xf32> to vector<16xf32>
    tpu.vector_store %arg11[%swap3A], %swap3A_96 {strides = array<i32>} : memref<16xf32, #tpu.memory_space<vmem>>, vector<16xf32>,
    "tpu.region"() ({
      %run_scoped3A = tpu.sem_alloc : memref<!tpu.dma_semaphore, #tpu.memory_space<semaphore_mem>>
      %dma_start3A_97 = arith.constant 0 : i32
      %dma_start3A_98 = tpu.memref_slice %arg6[%add3A, %dma_start3A_97] : memref<32x16xf32, #tpu.memory_space<hbm>> -> memref<1x16xf32, #tpu.memory_space<hbm>>
      %dma_start3A_99 = tpu.memref_squeeze %dma_start3A_98 : memref<1x16xf32, #tpu.memory_space<hbm>> -> memref<16xf32, #tpu.memory_space<hbm>>
      %dma_start3A_100 = arith.constant 0 : i32
      %dma_start3A_101 = tpu.memref_slice %arg6[%add3A, %dma_start3A_100] : memref<32x16xf32, #tpu.memory_space<hbm>> -> memref<1x16xf32, #tpu.memory_space<hbm>>
      %dma_start3A_102 = tpu.memref_squeeze %dma_start3A_101 : memref<1x16xf32, #tpu.memory_space<hbm>> -> memref<16xf32, #tpu.memory_space<hbm>>
      tpu.enqueue_dma source(%arg11 : memref<16xf32, #tpu.memory_space<vmem>>) target(%dma_start3A_102 : memref<16xf32, #tpu.memory_space<hbm>>) target_semaphore(%run_scoped3A : memref<!tpu.dma_semaphore, #tpu.memory_space<semaphore_mem>>)
      %dma_wait3A = arith.constant 0 : i32
      %dma_wait3A_103 = tpu.memref_slice %arg6[%add3A, %dma_wait3A] : memref<32x16xf32, #tpu.memory_space<hbm>> -> memref<1x16xf32, #tpu.memory_space<hbm>>
      %dma_wait3A_104 = tpu.memref_squeeze %dma_wait3A_103 : memref<1x16xf32, #tpu.memory_space<hbm>> -> memref<16xf32, #tpu.memory_space<hbm>>
      %dma_wait3A_105 = arith.constant 0 : i32
      %dma_wait3A_106 = tpu.memref_slice %arg6[%add3A, %dma_wait3A_105] : memref<32x16xf32, #tpu.memory_space<hbm>> -> memref<1x16xf32, #tpu.memory_space<hbm>>
      %dma_wait3A_107 = tpu.memref_squeeze %dma_wait3A_106 : memref<1x16xf32, #tpu.memory_space<hbm>> -> memref<16xf32, #tpu.memory_space<hbm>>
      tpu.wait_dma2 semaphore(%run_scoped3A : memref<!tpu.dma_semaphore, #tpu.memory_space<semaphore_mem>>) src(%arg11 : memref<16xf32, #tpu.memory_space<vmem>>) dst(%dma_wait3A_107 : memref<16xf32, #tpu.memory_space<hbm>>)
      tpu.yield
    }) : () -> ()
    return
  }
}

</mosaic_0001>

<sc_bundles>
// kernel: kernel.3.cloned.1.call-start
scs
__scs_entry_jumppad:
0x0: {  	(pc) =	sbr.rel $0x88, $3  }
0x1: {  	(tag) =	ssettag $0x0;
	lr =	simm.s32 $0x1  }
0x2: {  	[smem:$0x3F9D] =	sst lr;
	_ =	strace $0xD0000000  }
0x3: {  	_ = 	snop  }
0x4: {  	_ = 	snop  }
0x5: {  	_ = 	snop  }
0x6: {  	_ = 	snop  }
0x7: {  	_ = 	snop  }
__scs_overlays_trampoline_lowered:
0x8: {  	[smem:$0x3FAC] =	sst s0  }
0x9: {  	[smem:$0x3FAD] =	sst s1  }
0xa: {  	[smem:$0x3FAE] =	sst s2  }
0xb: {  	[smem:$0x3FAF] =	sst s3  }
0xc: {  	[smem:$0x3FB0] =	sst s4  }
0xd: {  	[smem:$0x3FB1] =	sst s5  }
0xe: {  	[smem:$0x3FB2] =	sst s6  }
0xf: {  	[smem:$0x3FB3] =	sst s7  }
0x10: {  	[smem:$0x3FB4] =	sst s8  }
0x11: {  	[smem:$0x3FB5] =	sst s9;
	s0 =	simm.s32 @!p0 $0x0  }
0x12: {  	s1 =	sld [smem:$0x3F9B];
	s0 =	simm.s32 @p0 $0x1  }
0x13: {  	[smem:$0x3FB6] =	sst s0;
	s0 =	simm.s32 @!p1 $0x0  }
0x14: {  	s2 =	sld [smem:$0x3F9A];
	s0 =	simm.s32 @p1 $0x1  }
0x15: {  	[smem:$0x3FB7] =	sst s0;
	s0 =	simm.s32 @!p2 $0x0  }
0x16: {  	s3 =	sld [smem:$0x3FDB];
	s0 =	simm.s32 @p2 $0x1  }
0x17: {  	s4 =	simm.s32 $0x1BF5;
	[smem:$0x3FB9] =	sst s0  }
0x18: {  	s0 =	sld [smem:$0x3F9C];
	_ =	swait.ge [sflag:s4], $0x0  }
0x19: {  	s7 =	sld [smem:$0x3F9D]  }
0x1a: {  	s8 =	sadd.s32 $0xFFFFE003, lr  }
0x1b: {  	s9 =	sadd.s32 $0xFFFFFEF7, lr;
	s5 =	simm.s32 $0xFFFFFFFF;
	p2 =	slt.u32 s8, $0xFFFFF086  }
0x1c: {  	p1 =	slt.u32 s9, $0xF7A;
	s5 =	simm.s32 @!p2 $0x0  }
0x1d: {  	s5 =	simm.s32 @p1 $0x1;
	p0 =	seq.s32 s7, s2  }
0x1e: {  	s7 =	smul.u32 @!p0 $0xF7A, s2;
	p2 =	seq.s32 @!p0 s5, $0x0  }
0x1f: {  	s9 =	smul.u32 $0xF7A, s1;
	s8 =	simm.s32 @!p0 $0x1BF5;
	p2 =	por !p2, p0  }
0x20: {  	[sflag:s8] =	ssyncset.s32 @!p0 $0xFFFFF086;
	s6 =	sadd.s32 @!p0 s3, s7;
	s7 =	simm.s32 @!p0 $0x108  }
0x21: {  	s3 =	sadd.s32 s3, s9;
	s6 =	sadd.s32 @!p0 $0x88, s6;
	s7 =	simm.s32 @p2 $0x1082  }
0x22: {  	[simem:s7], [sflag:s8] =	dma.local @!p0 [hbm:s6], $0xF7A  }
0x23: {  	s9 =	sor.u32 $0xD0000000, s2;
	s6 =	simm.s32 $0x108;
	_ =	swait.ge @!p0 [sflag:s8], $0x0  }
0x24: {  	s3 =	sadd.s32 $0x88, s3;
	s6 =	simm.s32 @!p1 $0x1082;
	[sflag:s4] =	ssyncset.s32 $0xFFFFF086  }
0x25: {  	[simem:s6], [sflag:s4] =	dma.local [hbm:s3], $0xF7A  }
0x26: {  	[smem:$0x3F9D] =	sst s1;
	(tag) =	ssettag s2;
	_ =	strace s9  }
0x27: {  	s1 =	sld [smem:$0x3FAD]  }
0x28: {  	s2 =	sld [smem:$0x3FAE]  }
0x29: {  	s4 =	sld [smem:$0x3FB0]  }
0x2a: {  	p0 =	seq.s32 s5, $0x0;
	s5 =	sld [smem:$0x3FB1]  }
0x2b: {  	s6 =	sld [smem:$0x3FB2]  }
0x2c: {  	s7 =	sld [smem:$0x3FB3]  }
0x2d: {  	s3 =	simm.s32 $0x108;
	s8 =	sld [smem:$0x3FB4]  }
0x2e: {  	s3 =	simm.s32 @!p0 $0x1082;
	s9 =	sld [smem:$0x3FB5]  }
0x2f: {  	lr =	sadd.s32 s0, s3;
	s0 =	sld [smem:$0x3FAC]  }
0x30: {  	s3 =	sld [smem:$0x3FAF]  }
0x31: {  	[smem:$0x3FB8] =	sst s10  }
0x32: {  	s10 =	sld [smem:$0x3FB6];
	_ =	sdelay $0x3  }
0x33: {  	p0 =	seq.s32 s10, $0x1;
	s10 =	sld [smem:$0x3FB8];
	_ =	sdelay $0x3  }
0x34: {  	[smem:$0x3FB8] =	sst s10  }
0x35: {  	s10 =	sld [smem:$0x3FB7];
	_ =	sdelay $0x3  }
0x36: {  	p1 =	seq.s32 s10, $0x1;
	s10 =	sld [smem:$0x3FB8];
	_ =	sdelay $0x3  }
0x37: {  	[smem:$0x3FB8] =	sst s10  }
0x38: {  	s10 =	sld [smem:$0x3FB9]  }
0x39: {  	_ = 	snop;
	(pc) =	sbr.ind lr, $3  }
0x3a: {  	_ = 	snop  }
0x3b: {  	_ = 	snop  }
0x3c: {  	p2 =	seq.s32 s10, $0x1;
	s10 =	sld [smem:$0x3FB8]  }
0x3d: {  	_ =	shalt  }
0x3e: {  	_ =	shalt  }
0x3f: {  	_ =	shalt  }
0x40: {  	_ =	shalt  }
0x41: {  	_ =	shalt  }
0x42: {  	_ =	shalt  }
0x43: {  	_ =	shalt  }
0x44: {  	_ =	shalt  }
0x45: {  	_ =	shalt  }
0x46: {  	_ =	shalt  }
0x47: {  	_ =	shalt  }
0x48: {  	_ =	shalt  }
0x49: {  	_ =	shalt  }
0x4a: {  	_ =	shalt  }
0x4b: {  	_ =	shalt  }
0x4c: {  	_ =	shalt  }
0x4d: {  	_ =	shalt  }
0x4e: {  	_ =	shalt  }
0x4f: {  	_ =	shalt  }
0x50: {  	_ =	shalt  }
0x51: {  	_ =	shalt  }
0x52: {  	_ =	shalt  }
0x53: {  	_ =	shalt  }
0x54: {  	_ =	shalt  }
0x55: {  	_ =	shalt  }
0x56: {  	_ =	shalt  }
0x57: {  	_ =	shalt  }
0x58: {  	_ =	shalt  }
0x59: {  	_ =	shalt  }
0x5a: {  	_ =	shalt  }
0x5b: {  	_ =	shalt  }
0x5c: {  	_ =	shalt  }
0x5d: {  	_ =	shalt  }
0x5e: {  	_ =	shalt  }
0x5f: {  	_ =	shalt  }
0x60: {  	_ =	shalt  }
0x61: {  	_ =	shalt  }
0x62: {  	_ =	shalt  }
0x63: {  	_ =	shalt  }
0x64: {  	_ =	shalt  }
0x65: {  	_ =	shalt  }
0x66: {  	_ =	shalt  }
0x67: {  	_ =	shalt  }
0x68: {  	_ =	shalt  }
0x69: {  	_ =	shalt  }
0x6a: {  	_ =	shalt  }
0x6b: {  	_ =	shalt  }
0x6c: {  	_ =	shalt  }
0x6d: {  	_ =	shalt  }
0x6e: {  	_ =	shalt  }
0x6f: {  	_ =	shalt  }
0x70: {  	_ =	shalt  }
0x71: {  	_ =	shalt  }
0x72: {  	_ =	shalt  }
0x73: {  	_ =	shalt  }
0x74: {  	_ =	shalt  }
0x75: {  	_ =	shalt  }
0x76: {  	_ =	shalt  }
0x77: {  	_ =	shalt  }
0x78: {  	_ =	shalt  }
0x79: {  	_ =	shalt  }
0x7a: {  	_ =	shalt  }
0x7b: {  	_ =	shalt  }
0x7c: {  	_ =	shalt  }
0x7d: {  	_ =	shalt  }
0x7e: {  	_ =	shalt  }
0x7f: {  	_ =	shalt  }
0x80: {  	_ =	shalt  }
0x81: {  	_ =	shalt  }
0x82: {  	_ =	shalt  }
0x83: {  	_ =	shalt  }
0x84: {  	_ =	shalt  }
0x85: {  	_ =	shalt  }
0x86: {  	_ =	shalt  }
0x87: {  	_ =	shalt  }
.Lfunc_end0:
.L_simem_size_0:
called_computation_lowered:
.L_overlay_start_0:
0x88: {  	s2 =	sld [smem:$0x3FD9]  }
0x89: {  	s3 =	sld [smem:$0x3FFE];
	_ =	sdelay $0x1  }
0x8a: {  	s1 =	srdreg.scid  }
0x8b: {  	s0 =	sand.u32 $0x1, s1  }
0x8c: {  	s17 =	sshll.u32 s0, $0xA;
	s2 =	sadd.s32 s3, s2  }
0x8d: {  	s2 =	sadd.s32 s2, s17  }
0x8e: {  	[smem:$0x3FC4] =	sst s2  }
0x8f: {  	_ = 	snop  }
0x90: {  	s2 =	sld [smem:$0x3FC9];
	(tm) =	ssettm $0x1  }
0x91: {  	s18 =	sld [smem:$0x3FFB];
	_ =	sdelay $0x3  }
0x92: {  	_ =	strace s18  }
0x93: {  	s3 =	sld [smem:$0x3FFC];
	_ =	sdelay $0x3  }
0x94: {  	_ =	strace s3  }
0x95: {  	s3 =	sld [smem:$0x3FFD];
	_ =	sdelay $0x3  }
0x96: {  	_ =	strace s3  }
0x97: {  	_ =	strace $0x8FFFFFFF  }
0x98: {  	s19 =	sld [smem:$0x3FDB];
	_ =	sdelay $0x1  }
0x99: {  	s4 =	simm.s32 $_scs_section_size  }
0x9a: {  	s5 =	simm.s32 $_size__tile_overlayer_lowered;
	s6 =	simm.s32 $_tile_overlayer_lowered  }
0x9b: {  	s22 =	simm.s32 $0x1BFF;
	s21 =	sshll.u32 s6, $0x1;
	s3 =	sadd.s32 s4, s19  }
0x9c: {  	s7 =	simm.s32 $0x0;
	s20 =	sshll.u32 s5, $0x1;
	s5 =	sadd.s32 s21, s3  }
0x9d: {  	[timem:s7], [sflag:s22] =	dma.local [hbm:s5], s20  }
0x9e: {  	_ =	swait.ge [sflag:s22], s20  }
0x9f: {  	s4 =	ssub.s32 $0x0, s20;
	[sflag:s22] =	ssyncset.done $0x0  }
0xa0: {  	[sflag:s22] =	ssyncadd.s32 s4;
	_ =	sdelay $0x1  }
0xa1: {  	s23 =	simm.s32 $0x1B8B  }
0xa2: {  	_ =	swait.ge [sflag:s23], $0x1  }
0xa3: {  	[sflag:s23] =	ssyncset.done $0x0  }
0xa4: {  	s25 =	simm.s32 $0x1B8E;
	s24 =	sld [smem:$0x3FFE];
	[sflag:s23] =	ssyncadd.s32 $0xFFFFFFFF  }
0xa5: {  	s26 =	simm.s32 $execute0_lowered;
	[smem:$0x3FD2] =	sst s25  }
0xa6: {  	s5 =	sshll.u32 s26, $0x1;
	_ =	strace $0x80000046;
	[dreg:$0x1] =	wrdreg $0xFFFFFFFF  }
0xa7: {  	s28 =	simm.s32 $_size_execute0_lowered;
	s3 =	sadd.s32 s3, s5;
	[dreg:$0x0] =	wrdreg $0x0  }
0xa8: {  	s5 =	sshll.u32 s28, $0x1;
	[dreg:$0x2] =	wrdreg s3  }
0xa9: {  	[dreg:$0x3] =	wrdreg s5  }
0xaa: {  	[dreg:$0x4] =	wrdreg $0xC0  }
0xab: {  	_ =	task [dreg:s7], $0x5FFFF  }
0xac: {  	[dreg:$0x1] =	wrdreg $0xFFFFFFFF  }
0xad: {  	[dreg:$0x0] =	wrdreg $0x60  }
0xae: {  	[dreg:$0x2] =	wrdreg s2  }
0xaf: {  	[dreg:$0x3] =	wrdreg s24  }
0xb0: {  	[dreg:$0x4] =	wrdreg $0x9  }
0xb1: {  	_ =	task.clear_ibuf [dreg:s7], $0x5FFFF;
	_ =	strace $0x90000046  }
0xb2: {  	s29 =	simm.s32 $0x9;
	_ =	strace $0x80000048  }
0xb3: {  	_ =	swait.ge [sflag:s29], $0x1  }
0xb4: {  	[sflag:s29] =	ssyncadd.s32 $0xFFFFFFFF  }
0xb5: {  	_ =	strace $0x90000048  }
0xb6: {  	_ =	sfence  }
0xb7: {  	s30 =	sld [smem:$0x0];
	_ =	sdelay $0x2  }
0xb8: {  	s31 =	sshll.u32 s1, $0xD;
	s1 =	sshrl.u32 s1, $0x2  }
0xb9: {  	s3 =	sand.u32 $0x4000, s31;
	s1 =	sadd.s32 s1, s30  }
0xba: {  	s0 =	sor.u32 s3, s0;
	s1 =	sshll.u32 s1, $0x11  }
0xbb: {  	s0 =	sor.u32 s1, s0  }
0xbc: {  	s0 =	sadd.s32 $0x8F2B, s0  }
0xbd: {  	[sflag:s0] =	ssyncadd.remote.s32 $0x1  }
0xbe: {  	_ =	sfence.sel $0xFFFF  }
0xbf: {  	[dreg:$0x0] =	wrdreg $0xFFFFFFFF;
	(pc) =	sbr.abs _section_cstart, $3  }
0xc0: {  	[dreg:$0x1] =	wrdreg $0xFFFFFFFF  }
0xc1: {  	_ =	task.clear_ibuf [dreg:s7], $0x2FFFF;
	_ =	strace $0x9FFFFFFF  }
0xc2: {  	(tm) =	ssettm $0x7FFFFFFF  }
0xc3: {  	_ =	shalt  }
tec
execute0_lowered:
.L_overlay_start_1:
0x0: {  	(tag) =	ssettag $0x1  }
0x1: {  	s0 =	srdreg.scid;
	s2 =	rddreg [dreg:$0x0]  }
0x2: {  	s3 =	stileid.u32;
	s4 =	rddreg [dreg:$0x1];
	s10 =	simm.s32 $0x80  }
0x3: {  	s11 =	simm.s32 $0x400;
	s21 =	simm.s32 $0x18600;
	s22 =	simm.s32 $0x18680  }
0x4: {  	s23 =	simm.s32 $0x18700;
	s24 =	simm.s32 $0x18780;
	s25 =	simm.s32 $0x18800  }
0x5: {  	s26 =	simm.s32 $0x18880;
	s28 =	simm.s32 $0x18580;
	s29 =	simm.s32 $0x18900  }
0x6: {  	s30 =	simm.s32 $0x18980;
	s31 =	simm.s32 $0x1;
	s0 =	sand.u32 $0x1, s0  }
0x7: {  	s1 =	sshll.u32 s3, $0x1;
	s5 =	sshrl.u32 s3, $0x2;
	s3 =	simm.s32 $0x0  }
0x8: {  	s12 =	simm.s32 $0x0;
	s1 =	sor.u32 s0, s1;
	[smem:$0x7FF] =	sst s3  }
0x9: {  	s7 =	sshll.u32 s5, $0xC;
	_ =	strace $0x80000047;
	[dreg:$0x3] =	wrdreg s21  }
0xa: {  	s8 =	smul.u32 $0x60000, s5;
	s5 =	sshll.u32 s5, $0xA;
	[dreg:$0x4] =	wrdreg s22  }
0xb: {  	s0 =	ssub.s32 $0x2, s0;
	s6 =	sshll.u32 s1, $0x7;
	[dreg:$0x5] =	wrdreg s23  }
0xc: {  	s1 =	smul.u32 $0x1800, s1;
	s20 =	sshrl.u32 s0, $0x1;
	[dreg:$0x6] =	wrdreg s24  }
0xd: {  	s21 =	simm.s32 $0x18400;
	s22 =	simm.s32 $0x280;
	[dreg:$0x7] =	wrdreg s25  }
0xe: {  	s23 =	simm.s32 $0x18480;
	s24 =	simm.s32 $0x300;
	[dreg:$0x8] =	wrdreg s26  }
0xf: {  	s25 =	simm.s32 $0x18500;
	s26 =	simm.s32 $0x380;
	s6 =	sand.u32 $0x380, s6  }
0x10: {  	s0 =	ssub.s32 s0, s20;
	s20 =	simm.s32 $0x200;
	s7 =	sor.u32 s7, s6  }
0x11: {  	s1 =	sadd.s32 s1, s4;
	s8 =	sor.u32 s8, s6;
	s5 =	sor.u32 s5, s6  }
0x12: {  	s7 =	sshrl.u32 s7, $0x3;
	s19 =	sshrl.u32 s8, $0x3;
	s5 =	sshrl.u32 s5, $0x3  }
0x13: {  	s8 =	smax.u32 s0, $0x1;
	s0 =	simm.s32 $0x18A00;
	s7 =	sadd.s32 s7, s4  }
0x14: {  	s6 =	sadd.s32 s19, s4;
	s9 =	sadd.s32 s5, s4;
	s4 =	sadd.s32 $0x30A00, s1  }
0x15: {  	s19 =	simm.s32 $0x18380;
	s1 =	simm.s32 $0x2;
	s5 =	sadd.s32 $0x200, s7  }
0x16: {  	s6 =	sadd.s32 $0xA00, s6;
	s7 =	sadd.s32 $0x60A00, s9;
	s9 =	simm.s32 $0x3  }
.LBB2_1:
0x17: {  	[tilespmem:s3], [sflag:$0x3] =	stream.linear.gather [hbm4b:s4+s3], $0xC000, $0x38;
	[tilespmem:$0x18A80] =	vst v63  }
0x18: {  	_ =	swait.ge [sflag:s9], $0xC000  }
0x19: {  	[sflag:s9] =	ssyncset.done $0x0  }
0x1a: {  	s13 =	simm.s32 $0x18000;
	[sflag:s9] =	ssyncadd.s32 $0xFFFF4000  }
0x1b: {  	[tilespmem:s13], [sflag:$0x3] =	stream.strided.gather [hbm4b:s5+s10], $0x200, s11, s10, $0x38;
	[tilespmem:$0x18A80] =	vst v63  }
0x1c: {  	_ =	swait.ge [sflag:s9], $0x200  }
0x1d: {  	[sflag:s9] =	ssyncset.done $0x0  }
0x1e: {  	s14 =	simm.s32 $0xC000;
	[sflag:s9] =	ssyncadd.s32 $0xFFFFFE00  }
0x1f: {  	[tilespmem:s14], [sflag:$0x3] =	stream.strided.gather [hbm4b:s6+s10], $0xC000, s11, s10, $0x38;
	[tilespmem:$0x18A80] =	vst v63  }
0x20: {  	_ =	swait.ge [sflag:s9], $0xC000  }
0x21: {  	[sflag:s9] =	ssyncset.done $0x0  }
0x22: {  	s15 =	simm.s32 $0x18200;
	[sflag:s9] =	ssyncadd.s32 $0xFFFF4000  }
0x23: {  	[tilespmem:s15], [sflag:$0x1] =	stream.indirect.gather [hbm4b:s2+s10], $0x1, s3, s10, $0xb8;
	[tilespmem:$0x18A80] =	vst v63  }
0x24: {  	s16 =	simm.s32 $0x18280  }
0x25: {  	[tilespmem:s16], [sflag:$0x1] =	stream.indirect.gather [hbm4b:s2+s10], $0x1, s10, s10, $0xb8;
	[tilespmem:$0x18A80] =	vst v63  }
0x26: {  	s17 =	simm.s32 $0x100;
	s14 =	simm.s32 $0x18300  }
0x27: {  	[tilespmem:s14], [sflag:$0x1] =	stream.indirect.gather [hbm4b:s2+s10], $0x1, s17, s10, $0xb8;
	[tilespmem:$0x18A80] =	vst v63  }
0x28: {  	s18 =	simm.s32 $0x180  }
0x29: {  	[tilespmem:s19], [sflag:$0x1] =	stream.indirect.gather [hbm4b:s2+s10], $0x1, s18, s10, $0xb8;
	[tilespmem:$0x18A80] =	vst v63  }
0x2a: {  	_ = 	snop  }
0x2b: {  	[tilespmem:s21], [sflag:$0x1] =	stream.indirect.gather [hbm4b:s2+s10], $0x1, s20, s10, $0xb8;
	[tilespmem:$0x18A80] =	vst v63  }
0x2c: {  	_ = 	snop  }
0x2d: {  	[tilespmem:s23], [sflag:$0x1] =	stream.indirect.gather [hbm4b:s2+s10], $0x1, s22, s10, $0xb8;
	[tilespmem:$0x18A80] =	vst v63  }
0x2e: {  	_ = 	snop  }
0x2f: {  	[tilespmem:s25], [sflag:$0x1] =	stream.indirect.gather [hbm4b:s2+s10], $0x1, s24, s10, $0xb8;
	[tilespmem:$0x18A80] =	vst v63  }
0x30: {  	s13 =	simm.s32 $0x0  }
0x31: {  	v63 =	vimm.f32 $0.0e+00;
	[tilespmem:s28], [sflag:$0x1] =	stream.indirect.gather [hbm4b:s2+s10], $0x1, s26, s10, $0xb8;
	[tilespmem:$0x18A80] =	vst v63  }
.LBB2_2:
0x32: {  	s14 =	sshra.s32 s13, $0x2  }
0x33: {  	s15 =	rddreg [dreg:$0x3];
	s16 =	sadd.s32 $0x400, s14  }
0x34: {  	[tilespmem:s15], [sflag:$0x2] =	stream.indirect.gather [hbm4b:s2+s10], $0x1, s16, s10, $0xb8;
	[tilespmem:$0x18A80] =	vst v63  }
0x35: {  	s17 =	rddreg [dreg:$0x4];
	s18 =	sadd.s32 $0x480, s14  }
0x36: {  	[tilespmem:s17], [sflag:$0x2] =	stream.indirect.gather [hbm4b:s2+s10], $0x1, s18, s10, $0xb8;
	[tilespmem:$0x18A80] =	vst v63  }
0x37: {  	s16 =	rddreg [dreg:$0x5];
	s18 =	sadd.s32 $0x500, s14  }
0x38: {  	[tilespmem:s16], [sflag:$0x2] =	stream.indirect.gather [hbm4b:s2+s10], $0x1, s18, s10, $0xb8;
	[tilespmem:$0x18A80] =	vst v63  }
0x39: {  	s17 =	rddreg [dreg:$0x6];
	s18 =	sadd.s32 $0x580, s14  }
0x3a: {  	[tilespmem:s17], [sflag:$0x2] =	stream.indirect.gather [hbm4b:s2+s10], $0x1, s18, s10, $0xb8;
	[tilespmem:$0x18A80] =	vst v63  }
0x3b: {  	s16 =	rddreg [dreg:$0x7];
	s17 =	sadd.s32 $0x600, s14  }
0x3c: {  	[tilespmem:s16], [sflag:$0x2] =	stream.indirect.gather [hbm4b:s2+s10], $0x1, s17, s10, $0xb8;
	[tilespmem:$0x18A80] =	vst v63  }
0x3d: {  	s18 =	rddreg [dreg:$0x8];
	s16 =	sadd.s32 $0x680, s14  }
0x3e: {  	[tilespmem:s18], [sflag:$0x2] =	stream.indirect.gather [hbm4b:s2+s10], $0x1, s16, s10, $0xb8;
	[tilespmem:$0x18A80] =	vst v63  }
0x3f: {  	s17 =	sadd.s32 $0x700, s14  }
0x40: {  	[tilespmem:s29], [sflag:$0x2] =	stream.indirect.gather [hbm4b:s2+s10], $0x1, s17, s10, $0xb8;
	[tilespmem:$0x18A80] =	vst v63  }
0x41: {  	s18 =	sadd.s32 $0x780, s14  }
0x42: {  	[tilespmem:s30], [sflag:$0x2] =	stream.indirect.gather [hbm4b:s2+s10], $0x1, s18, s10, $0xb8;
	[tilespmem:$0x18A80] =	vst v63  }
0x43: {  	_ =	swait.ge [sflag:s31], $0x80  }
0x44: {  	[sflag:s31] =	ssyncset.done $0x0  }
0x45: {  	[sflag:s31] =	ssyncadd.s32 $0xFFFFFF80  }
0x46: {  	_ =	swait.ge [sflag:s31], $0x80  }
0x47: {  	[sflag:s31] =	ssyncset.done $0x0  }
0x48: {  	[sflag:s31] =	ssyncadd.s32 $0xFFFFFF80  }
0x49: {  	_ =	swait.ge [sflag:s31], $0x80  }
0x4a: {  	[sflag:s31] =	ssyncset.done $0x0  }
0x4b: {  	[sflag:s31] =	ssyncadd.s32 $0xFFFFFF80  }
0x4c: {  	_ =	swait.ge [sflag:s31], $0x80  }
0x4d: {  	[sflag:s31] =	ssyncset.done $0x0  }
0x4e: {  	[sflag:s31] =	ssyncadd.s32 $0xFFFFFF80  }
0x4f: {  	_ =	swait.ge [sflag:s31], $0x80  }
0x50: {  	[sflag:s31] =	ssyncset.done $0x0  }
0x51: {  	[sflag:s31] =	ssyncadd.s32 $0xFFFFFF80  }
0x52: {  	_ =	swait.ge [sflag:s31], $0x80  }
0x53: {  	[sflag:s31] =	ssyncset.done $0x0  }
0x54: {  	[sflag:s31] =	ssyncadd.s32 $0xFFFFFF80  }
0x55: {  	_ =	swait.ge [sflag:s31], $0x80  }
0x56: {  	[sflag:s31] =	ssyncset.done $0x0  }
0x57: {  	[sflag:s31] =	ssyncadd.s32 $0xFFFFFF80  }
0x58: {  	_ =	swait.ge [sflag:s31], $0x80  }
0x59: {  	[sflag:s31] =	ssyncset.done $0x0  }
0x5a: {  	[sflag:s31] =	ssyncadd.s32 $0xFFFFFF80  }
0x5b: {  	v62 =	vld [tilespmem:s14+$0xC140];
	_ =	sdelay $0x4  }
0x5c: {  	[tilespmem:$0x1FBA0] =	vst v62;
	v62 =	vld [tilespmem:s14+$0xC150];
	_ =	sdelay $0x4  }
0x5d: {  	[tilespmem:$0x1FBC0] =	vst v62;
	v62 =	vld [tilespmem:$0x18350];
	_ =	sdelay $0x4  }
0x5e: {  	[tilespmem:$0x1FBD0] =	vst v62;
	v62 =	vld [tilespmem:s14+$0xC160];
	_ =	sdelay $0x4  }
0x5f: {  	[tilespmem:$0x1FBE0] =	vst v62;
	v62 =	vld [tilespmem:$0x18360];
	_ =	sdelay $0x4  }
0x60: {  	[tilespmem:$0x1FBF0] =	vst v62;
	v62 =	vld [tilespmem:$0x18170];
	_ =	sdelay $0x4  }
0x61: {  	[tilespmem:$0x1FC40] =	vst v62;
	v62 =	vld [tilespmem:s14+$0xC170];
	_ =	sdelay $0x4  }
0x62: {  	[tilespmem:$0x1FC00] =	vst v62;
	v62 =	vld [tilespmem:$0x18370];
	_ =	sdelay $0x4  }
0x63: {  	[tilespmem:$0x1FC10] =	vst v62;
	v62 =	vld [tilespmem:$0x18180];
	_ =	sdelay $0x4  }
0x64: {  	[tilespmem:$0x1FC70] =	vst v62;
	v62 =	vld [tilespmem:s14+$0xC180];
	_ =	sdelay $0x4  }
0x65: {  	[tilespmem:$0x1FC20] =	vst v62;
	v62 =	vld [tilespmem:$0x18380];
	_ =	sdelay $0x4  }
0x66: {  	[tilespmem:$0x1FC30] =	vst v62;
	v62 =	vld [tilespmem:$0x18190];
	_ =	sdelay $0x4  }
0x67: {  	[tilespmem:$0x1FCA0] =	vst v62;
	v62 =	vld [tilespmem:s14+$0xC190];
	_ =	sdelay $0x4  }
0x68: {  	[tilespmem:$0x1FC50] =	vst v62;
	v62 =	vld [tilespmem:$0x18390];
	_ =	sdelay $0x4  }
0x69: {  	[tilespmem:$0x1FC60] =	vst v62;
	v62 =	vld [tilespmem:$0x181A0];
	_ =	sdelay $0x4  }
0x6a: {  	[tilespmem:$0x1FCD0] =	vst v62;
	v62 =	vld [tilespmem:s14+$0xC1A0];
	_ =	sdelay $0x4  }
0x6b: {  	[tilespmem:$0x1FC80] =	vst v62;
	v62 =	vld [tilespmem:$0x183A0];
	_ =	sdelay $0x4  }
0x6c: {  	[tilespmem:$0x1FC90] =	vst v62;
	v62 =	vld [tilespmem:$0x181B0];
	_ =	sdelay $0x4  }
0x6d: {  	[tilespmem:$0x1FD00] =	vst v62;
	v62 =	vld [tilespmem:s14+$0xC1B0];
	_ =	sdelay $0x4  }
0x6e: {  	[tilespmem:$0x1FCB0] =	vst v62;
	v62 =	vld [tilespmem:$0x183B0];
	_ =	sdelay $0x4  }
0x6f: {  	[tilespmem:$0x1FCC0] =	vst v62;
	v62 =	vld [tilespmem:$0x181C0];
	_ =	sdelay $0x4  }
0x70: {  	[tilespmem:$0x1FD30] =	vst v62;
	v62 =	vld [tilespmem:s14+$0xC1C0];
	_ =	sdelay $0x4  }
0x71: {  	[tilespmem:$0x1FCE0] =	vst v62;
	v62 =	vld [tilespmem:$0x183C0];
	_ =	sdelay $0x4  }
0x72: {  	[tilespmem:$0x1FCF0] =	vst v62;
	v62 =	vld [tilespmem:$0x181D0];
	_ =	sdelay $0x4  }
0x73: {  	[tilespmem:$0x1FD60] =	vst v62;
	v62 =	vld [tilespmem:s14+$0xC1D0];
	_ =	sdelay $0x4  }
0x74: {  	[tilespmem:$0x1FD10] =	vst v62;
	v62 =	vld [tilespmem:$0x183D0];
	_ =	sdelay $0x4  }
0x75: {  	[tilespmem:$0x1FD20] =	vst v62;
	v62 =	vld [tilespmem:$0x181E0];
	_ =	sdelay $0x4  }
0x76: {  	[tilespmem:$0x1FD90] =	vst v62;
	v62 =	vld [tilespmem:s14+$0xC1E0];
	_ =	sdelay $0x4  }
0x77: {  	[tilespmem:$0x1FD40] =	vst v62;
	v62 =	vld [tilespmem:$0x183E0];
	_ =	sdelay $0x4  }
0x78: {  	[tilespmem:$0x1FD50] =	vst v62;
	v62 =	vld [tilespmem:$0x181F0];
	_ =	sdelay $0x4  }
0x79: {  	[tilespmem:$0x1FDC0] =	vst v62;
	v62 =	vld [tilespmem:s14+$0xC1F0];
	_ =	sdelay $0x4  }
0x7a: {  	[tilespmem:$0x1FD70] =	vst v62;
	v62 =	vld [tilespmem:$0x183F0];
	_ =	sdelay $0x1  }
0x7b: {  	v2 =	vld [tilespmem:$0x18000]  }
0x7c: {  	v3 =	vld [tilespmem:s14+$0xC000]  }
0x7d: {  	v0 =	vld [tilespmem:$0x18200]  }
0x7e: {  	[tilespmem:$0x1FD80] =	vst v62;
	v62 =	vld [tilespmem:s14+$0xC200]  }
0x7f: {  	v47 =	vld [tilespmem:$0x18010]  }
0x80: {  	v5 =	vld [tilespmem:s14+$0xC010]  }
0x81: {  	v1 =	vld [tilespmem:$0x18210]  }
0x82: {  	v26 =	vld [tilespmem:$0x18020]  }
0x83: {  	[tilespmem:$0x1FDA0] =	vst v62;
	v62 =	vld [tilespmem:$0x18400]  }
0x84: {  	v8 =	vld [tilespmem:s14+$0xC020]  }
0x85: {  	v6 =	vld [tilespmem:$0x18220]  }
0x86: {  	v25 =	vld [tilespmem:$0x18030]  }
0x87: {  	v29 =	vld [tilespmem:s14+$0xC030]  }
0x88: {  	[tilespmem:$0x1FDB0] =	vst v62;
	v62 =	vld [tilespmem:s14+$0xC210]  }
0x89: {  	v28 =	vld [tilespmem:$0x18230]  }
0x8a: {  	v24 =	vld [tilespmem:$0x18040]  }
0x8b: {  	v31 =	vld [tilespmem:s14+$0xC040]  }
0x8c: {  	v30 =	vld [tilespmem:$0x18240]  }
0x8d: {  	[tilespmem:$0x1FDD0] =	vst v62;
	v62 =	vld [tilespmem:$0x18410]  }
0x8e: {  	v22 =	vld [tilespmem:$0x18050]  }
0x8f: {  	v33 =	vld [tilespmem:s14+$0xC050]  }
0x90: {  	v32 =	vld [tilespmem:$0x18250]  }
0x91: {  	v21 =	vld [tilespmem:$0x18060]  }
0x92: {  	[tilespmem:$0x1FDE0] =	vst v62;
	v62 =	vld [tilespmem:s14+$0xC220]  }
0x93: {  	v35 =	vld [tilespmem:s14+$0xC060]  }
0x94: {  	v34 =	vld [tilespmem:$0x18260]  }
0x95: {  	v20 =	vld [tilespmem:$0x18070]  }
0x96: {  	v37 =	vld [tilespmem:s14+$0xC070]  }
0x97: {  	[tilespmem:$0x1FE00] =	vst v62;
	v62 =	vld [tilespmem:$0x18420]  }
0x98: {  	v36 =	vld [tilespmem:$0x18270]  }
0x99: {  	v19 =	vld [tilespmem:$0x18080]  }
0x9a: {  	v39 =	vld [tilespmem:s14+$0xC080]  }
0x9b: {  	v38 =	vld [tilespmem:$0x18280]  }
0x9c: {  	[tilespmem:$0x1FE10] =	vst v62;
	v62 =	vld [tilespmem:s14+$0xC230]  }
0x9d: {  	v18 =	vld [tilespmem:$0x18090]  }
0x9e: {  	v41 =	vld [tilespmem:s14+$0xC090]  }
0x9f: {  	v40 =	vld [tilespmem:$0x18290]  }
0xa0: {  	v17 =	vld [tilespmem:$0x180A0]  }
0xa1: {  	[tilespmem:$0x1FE20] =	vst v62;
	v62 =	vld [tilespmem:$0x18430]  }
0xa2: {  	v43 =	vld [tilespmem:s14+$0xC0A0]  }
0xa3: {  	v42 =	vld [tilespmem:$0x182A0]  }
0xa4: {  	v7 =	vld [tilespmem:$0x180B0]  }
0xa5: {  	v45 =	vld [tilespmem:s14+$0xC0B0]  }
0xa6: {  	[tilespmem:$0x1FE30] =	vst v62;
	v62 =	vld [tilespmem:s14+$0xC240]  }
0xa7: {  	v44 =	vld [tilespmem:$0x182B0]  }
0xa8: {  	v4 =	vld [tilespmem:$0x180C0]  }
0xa9: {  	v48 =	vld [tilespmem:s14+$0xC0C0]  }
0xaa: {  	v46 =	vld [tilespmem:$0x182C0]  }
0xab: {  	[tilespmem:$0x1FE40] =	vst v62;
	v62 =	vld [tilespmem:$0x18440]  }
0xac: {  	v10 =	vld [tilespmem:$0x180D0]  }
0xad: {  	v50 =	vld [tilespmem:s14+$0xC0D0]  }
0xae: {  	v49 =	vld [tilespmem:$0x182D0]  }
0xaf: {  	v13 =	vld [tilespmem:$0x180E0]  }
0xb0: {  	[tilespmem:$0x1FE50] =	vst v62;
	v62 =	vld [tilespmem:s14+$0xC250]  }
0xb1: {  	v52 =	vld [tilespmem:s14+$0xC0E0]  }
0xb2: {  	v51 =	vld [tilespmem:$0x182E0]  }
0xb3: {  	v16 =	vld [tilespmem:$0x180F0]  }
0xb4: {  	v54 =	vld [tilespmem:s14+$0xC0F0]  }
0xb5: {  	[tilespmem:$0x1FE60] =	vst v62;
	v62 =	vld [tilespmem:$0x18450]  }
0xb6: {  	v53 =	vld [tilespmem:$0x182F0]  }
0xb7: {  	v15 =	vld [tilespmem:$0x18100]  }
0xb8: {  	v56 =	vld [tilespmem:s14+$0xC100]  }
0xb9: {  	v55 =	vld [tilespmem:$0x18300]  }
0xba: {  	[tilespmem:$0x1FE70] =	vst v62;
	v62 =	vld [tilespmem:s14+$0xC260]  }
0xbb: {  	v14 =	vld [tilespmem:$0x18110]  }
0xbc: {  	v58 =	vld [tilespmem:s14+$0xC110]  }
0xbd: {  	v57 =	vld [tilespmem:$0x18310]  }
0xbe: {  	v23 =	vld [tilespmem:$0x18120]  }
0xbf: {  	[tilespmem:$0x1FE80] =	vst v62;
	v62 =	vld [tilespmem:$0x18460]  }
0xc0: {  	v60 =	vld [tilespmem:s14+$0xC120]  }
0xc1: {  	v59 =	vld [tilespmem:$0x18320]  }
0xc2: {  	v12 =	vld [tilespmem:$0x18130]  }
0xc3: {  	v9 =	vld [tilespmem:s14+$0xC130]  }
0xc4: {  	[tilespmem:$0x1FE90] =	vst v62;
	v62 =	vld [tilespmem:s14+$0xC270]  }
0xc5: {  	v27 =	vld [tilespmem:$0x18340]  }
0xc6: {  	v6 =	vsub.f32 v6, v8;
	v8 =	vld [tilespmem:$0x18480]  }
0xc7: {  	v61 =	vld [tilespmem:$0x18330];
	v0 =	vsub.f32 v0, v3  }
0xc8: {  	v11 =	vld [tilespmem:$0x18140]  }
0xc9: {  	v1 =	vsub.f32 v1, v5;
	v0 =	vand.u32 $0x7FFFFFFF, v0;
	[tilespmem:$0x1FEA0] =	vst v62;
	v62 =	vld [tilespmem:$0x18470]  }
0xca: {  	[tilespmem:$0x1FBB0] =	vst v27;
	v27 =	vld [tilespmem:$0x18150];
	v0 =	vmul.f32 v0, v2  }
0xcb: {  	v1 =	vand.u32 $0x7FFFFFFF, v1;
	[tilespmem:$0x1FED0] =	vst v8;
	v8 =	vsub.f32 v30, v31;
	v31 =	vld [tilespmem:s14+$0xC2B0]  }
0xcc: {  	[tilespmem:$0x1FB90] =	vst v9;
	v9 =	vld [tilespmem:$0x18160];
	v1 =	vmul.f32 v1, v47;
	v0 =	vadd.f32 v0, v63  }
0xcd: {  	[tilespmem:$0x1FDF0] =	vst v2;
	v3 =	vsub.f32 v28, v29;
	v29 =	vld [tilespmem:$0x184A0];
	v2 =	vand.u32 $0x7FFFFFFF, v6  }
0xce: {  	v5 =	vld [tilespmem:s14+$0xC280];
	v0 =	vadd.f32 v1, v0;
	[tilespmem:$0x1FEB0] =	vst v62;
	v62 =	vmul.f32 v2, v26  }
0xcf: {  	v28 =	vld [tilespmem:$0x18490];
	v39 =	vsub.f32 v38, v39;
	v38 =	vsub.f32 v42, v43;
	v3 =	vand.u32 $0x7FFFFFFF, v3  }
0xd0: {  	v42 =	vld [tilespmem:$0x18510];
	v30 =	vmul.f32 v3, v25;
	[tilespmem:$0x1FF00] =	vst v31;
	v31 =	vsub.f32 v34, v35;
	v0 =	vadd.f32 v62, v0  }
0xd1: {  	v35 =	vsub.f32 v36, v37;
	v36 =	vld [tilespmem:$0x184D0];
	v2 =	vand.u32 $0x7FFFFFFF, v8;
	v62 =	vsub.f32 v32, v33  }
0xd2: {  	v52 =	vsub.f32 v51, v52;
	v51 =	vld [tilespmem:$0x1FB90];
	[tilespmem:$0x1FEF0] =	vst v29;
	v29 =	vmul.f32 v2, v24;
	v0 =	vadd.f32 v30, v0  }
0xd3: {  	v8 =	vld [tilespmem:$0x184B0];
	v3 =	vand.u32 $0x7FFFFFFF, v62  }
0xd4: {  	v6 =	vld [tilespmem:s14+$0xC2A0];
	v33 =	vmul.f32 v3, v22;
	v0 =	vadd.f32 v29, v0  }
0xd5: {  	v34 =	vld [tilespmem:s14+$0xC2D0];
	v2 =	vand.u32 $0x7FFFFFFF, v31  }
0xd6: {  	[tilespmem:$0x1FF40] =	vst v36;
	v36 =	vld [tilespmem:$0x184F0];
	v37 =	vmul.f32 v2, v21;
	v0 =	vadd.f32 v33, v0  }
0xd7: {  	v63 =	vld [tilespmem:s14+$0xC290];
	[tilespmem:$0x1FF90] =	vst v42;
	v3 =	vand.u32 $0x7FFFFFFF, v35  }
0xd8: {  	v42 =	vsub.f32 v57, v58;
	v57 =	vld [tilespmem:$0x18580];
	[tilespmem:$0x1FF10] =	vst v8;
	v8 =	vmul.f32 v3, v20;
	v0 =	vadd.f32 v37, v0  }
0xd9: {  	v58 =	vld [tilespmem:$0x18590];
	v2 =	vand.u32 $0x7FFFFFFF, v39;
	v29 =	vsub.f32 v40, v41  }
0xda: {  	[tilespmem:$0x1FF50] =	vst v34;
	v34 =	vld [tilespmem:s14+$0xC320];
	v37 =	vmul.f32 v2, v19;
	v0 =	vadd.f32 v8, v0  }
0xdb: {  	[tilespmem:$0x1FF70] =	vst v36;
	v36 =	vld [tilespmem:s14+$0xC340];
	v3 =	vand.u32 $0x7FFFFFFF, v29  }
0xdc: {  	[tilespmem:$0x1FEE0] =	vst v6;
	v6 =	vld [tilespmem:$0x1FC70];
	v40 =	vmul.f32 v3, v18;
	v0 =	vadd.f32 v37, v0  }
0xdd: {  	[tilespmem:$0x1FEC0] =	vst v5;
	v5 =	vld [tilespmem:$0x1FCA0];
	v41 =	vsub.f32 v44, v45;
	v2 =	vand.u32 $0x7FFFFFFF, v38  }
0xde: {  	v31 =	vld [tilespmem:s14+$0xC2F0];
	v43 =	vmul.f32 v2, v17;
	v0 =	vadd.f32 v40, v0  }
0xdf: {  	v32 =	vld [tilespmem:$0x184C0];
	v44 =	vsub.f32 v46, v48;
	v3 =	vand.u32 $0x7FFFFFFF, v41  }
0xe0: {  	v39 =	vld [tilespmem:$0x18500];
	v46 =	vmul.f32 v3, v7;
	v0 =	vadd.f32 v43, v0  }
0xe1: {  	v30 =	vld [tilespmem:s14+$0xC2C0];
	v48 =	vsub.f32 v49, v50;
	v2 =	vand.u32 $0x7FFFFFFF, v44  }
0xe2: {  	v62 =	vld [tilespmem:$0x184E0];
	v50 =	vmul.f32 v2, v4;
	v0 =	vadd.f32 v46, v0  }
0xe3: {  	v35 =	vld [tilespmem:s14+$0xC330];
	v3 =	vand.u32 $0x7FFFFFFF, v48  }
0xe4: {  	v49 =	vld [tilespmem:$0x18530];
	v8 =	vmul.f32 v3, v10;
	v0 =	vadd.f32 v50, v0  }
0xe5: {  	v45 =	vld [tilespmem:$0x18520];
	v29 =	vsub.f32 v53, v54;
	v2 =	vand.u32 $0x7FFFFFFF, v52  }
0xe6: {  	[tilespmem:$0x1FF80] =	vst v39;
	v53 =	vld [tilespmem:$0x1FBA0];
	v39 =	vmul.f32 v2, v13;
	v0 =	vadd.f32 v8, v0  }
0xe7: {  	v54 =	vld [tilespmem:$0x1FBB0];
	v3 =	vand.u32 $0x7FFFFFFF, v29;
	v40 =	vsub.f32 v55, v56  }
0xe8: {  	v38 =	vld [tilespmem:$0x18550];
	v41 =	vmul.f32 v3, v16;
	v0 =	vadd.f32 v39, v0  }
0xe9: {  	[tilespmem:$0x1FFB0] =	vst v49;
	v49 =	vsub.f32 v59, v60;
	v29 =	vld [tilespmem:$0x1FBD0];
	v2 =	vand.u32 $0x7FFFFFFF, v40  }
0xea: {  	v48 =	vmul.f32 v2, v15;
	v8 =	vld [tilespmem:$0x1FBC0];
	v0 =	vadd.f32 v41, v0  }
0xeb: {  	v3 =	vand.u32 $0x7FFFFFFF, v42;
	v40 =	vld [tilespmem:$0x1FBF0];
	v2 =	vand.u32 $0x7FFFFFFF, v49  }
0xec: {  	v50 =	vmul.f32 v3, v14;
	v3 =	vsub.f32 v61, v51;
	v39 =	vld [tilespmem:$0x1FBE0];
	v0 =	vadd.f32 v48, v0  }
0xed: {  	[tilespmem:$0x1FF30] =	vst v32;
	v32 =	vld [tilespmem:s14+$0xC300];
	v52 =	vmul.f32 v2, v23  }
0xee: {  	v2 =	vsub.f32 v54, v53;
	v61 =	vld [tilespmem:$0x1FC20];
	v3 =	vand.u32 $0x7FFFFFFF, v3;
	v0 =	vadd.f32 v50, v0  }
0xef: {  	v59 =	vmul.f32 v3, v12;
	v3 =	vsub.f32 v29, v8;
	v8 =	vld [tilespmem:$0x1FC30]  }
0xf0: {  	v53 =	vld [tilespmem:$0x1FC10];
	v2 =	vand.u32 $0x7FFFFFFF, v2;
	v0 =	vadd.f32 v52, v0  }
0xf1: {  	[tilespmem:$0x1FFD0] =	vst v38;
	v38 =	vmul.f32 v2, v11;
	v48 =	vld [tilespmem:$0x1FC00];
	v2 =	vsub.f32 v40, v39  }
0xf2: {  	v33 =	vld [tilespmem:s14+$0xC310];
	v3 =	vand.u32 $0x7FFFFFFF, v3;
	v0 =	vadd.f32 v59, v0  }
0xf3: {  	v39 =	vld [tilespmem:$0x1FC50];
	v42 =	vmul.f32 v3, v27;
	v2 =	vand.u32 $0x7FFFFFFF, v2  }
0xf4: {  	v59 =	vmul.f32 v2, v9;
	v2 =	vsub.f32 v8, v61;
	v8 =	vld [tilespmem:$0x1FC40];
	v0 =	vadd.f32 v38, v0  }
0xf5: {  	v40 =	vld [tilespmem:$0x1FC60]  }
0xf6: {  	v41 =	vld [tilespmem:$0x185C0];
	v3 =	vsub.f32 v53, v48;
	v0 =	vadd.f32 v42, v0  }
0xf7: {  	v42 =	vld [tilespmem:$0x1FC80]  }
0xf8: {  	v3 =	vand.u32 $0x7FFFFFFF, v3;
	v0 =	vadd.f32 v59, v0;
	v59 =	vld [tilespmem:$0x1FC90]  }
0xf9: {  	[tilespmem:$0x1FF20] =	vst v30;
	v30 =	vld [tilespmem:s14+$0xC2E0];
	v29 =	vmul.f32 v3, v8  }
0xfa: {  	[tilespmem:$0x1FF60] =	vst v62;
	v62 =	vld [tilespmem:$0x18540];
	v2 =	vand.u32 $0x7FFFFFFF, v2;
	v3 =	vsub.f32 v40, v39  }
0xfb: {  	[tilespmem:$0x1FFE0] =	vst v41;
	v38 =	vld [tilespmem:$0x1FCB0];
	v41 =	vmul.f32 v2, v6;
	v0 =	vadd.f32 v29, v0  }
0xfc: {  	v40 =	vld [tilespmem:$0x1FCC0];
	v3 =	vand.u32 $0x7FFFFFFF, v3  }
0xfd: {  	v61 =	vmul.f32 v3, v5;
	v0 =	vadd.f32 v41, v0;
	v2 =	vsub.f32 v59, v42;
	v59 =	vld [tilespmem:$0x1FCD0]  }
0xfe: {  	v42 =	vld [tilespmem:$0x1FCE0]  }
0xff: {  	v0 =	vadd.f32 v61, v0;
	v61 =	vld [tilespmem:$0x1FCF0]  }
0x100: {  	v44 =	vld [tilespmem:s14+$0xC370]  }
0x101: {  	[tilespmem:$0x1FFA0] =	vst v45;
	v45 =	vld [tilespmem:s14+$0xC380]  }
0x102: {  	v60 =	vld [tilespmem:$0x185A0];
	v2 =	vand.u32 $0x7FFFFFFF, v2  }
0x103: {  	v3 =	vsub.f32 v40, v38;
	v40 =	vld [tilespmem:$0x1FD10];
	v41 =	vmul.f32 v2, v59  }
0x104: {  	v2 =	vsub.f32 v61, v42;
	v61 =	vld [tilespmem:$0x1FD00]  }
0x105: {  	v0 =	vadd.f32 v41, v0;
	v41 =	vld [tilespmem:$0x1FD20]  }
0x106: {  	v37 =	vld [tilespmem:s14+$0xC350]  }
0x107: {  	[tilespmem:$0x1FFC0] =	vst v62;
	v62 =	vld [tilespmem:$0x185B0]  }
0x108: {  	v55 =	vld [tilespmem:$0x18560]  }
0x109: {  	v56 =	vld [tilespmem:$0x18570];
	v3 =	vand.u32 $0x7FFFFFFF, v3  }
0x10a: {  	v38 =	vmul.f32 v3, v61;
	v3 =	vsub.f32 v41, v40;
	v40 =	vld [tilespmem:$0x1FD40]  }
0x10b: {  	v41 =	vld [tilespmem:$0x1FD50]  }
0x10c: {  	v0 =	vadd.f32 v38, v0;
	v38 =	vld [tilespmem:$0x1FD30]  }
0x10d: {  	v43 =	vld [tilespmem:s14+$0xC360]  }
0x10e: {  	v49 =	vld [tilespmem:s14+$0xC3A0]  }
0x10f: {  	v46 =	vld [tilespmem:s14+$0xC390]  }
0x110: {  	v54 =	vld [tilespmem:$0x185D0];
	v2 =	vand.u32 $0x7FFFFFFF, v2  }
0x111: {  	v42 =	vmul.f32 v2, v38;
	v2 =	vsub.f32 v41, v40;
	v40 =	vld [tilespmem:$0x1FD60]  }
0x112: {  	v41 =	vld [tilespmem:$0x1FD80]  }
0x113: {  	v0 =	vadd.f32 v42, v0;
	v42 =	vld [tilespmem:$0x1FD70]  }
0x114: {  	v51 =	vld [tilespmem:s14+$0xC3C0]  }
0x115: {  	[tilespmem:$0x1FFF0] =	vst v54;
	v54 =	vld [tilespmem:s14+$0xC3F0]  }
0x116: {  	v50 =	vld [tilespmem:s14+$0xC3B0]  }
0x117: {  	v52 =	vld [tilespmem:s14+$0xC3D0];
	v3 =	vand.u32 $0x7FFFFFFF, v3  }
0x118: {  	v1 =	vmul.f32 v3, v40;
	v3 =	vsub.f32 v41, v42;
	v41 =	vld [tilespmem:$0x1FD90]  }
0x119: {  	p0 =	seq.s32 s13, $0x2E000;
	v53 =	vld [tilespmem:s14+$0xC3E0]  }
0x11a: {  	s15 =	sshra.s32 @!p0 s13, $0x2;
	v48 =	vld [tilespmem:$0x185E0]  }
0x11b: {  	s16 =	sadd.s32 @!p0 $0x800, s15;
	s17 =	simm.s32 @!p0 $0x80;
	s18 =	simm.s32 @!p0 $0x18200;
	v39 =	vld [tilespmem:$0x185F0]  }
0x11c: {  	[tilespmem:s18], [sflag:$0x1] =	stream.indirect.gather @!p0 [hbm4b:s2+s17], $0x1, s16, s17, $0xb8;
	v2 =	vand.u32 $0x7FFFFFFF, v2;
	v42 =	vld [tilespmem:$0x1FDB0]  }
0x11d: {  	s16 =	sadd.s32 @!p0 $0x880, s15;
	s18 =	simm.s32 @!p0 $0x18280;
	v0 =	vadd.f32 v1, v0;
	v1 =	vmul.f32 v2, v41;
	v2 =	vld [tilespmem:$0x1FDA0]  }
0x11e: {  	[tilespmem:s18], [sflag:$0x1] =	stream.indirect.gather @!p0 [hbm4b:s2+s17], $0x1, s16, s17, $0xb8;
	[tilespmem:$0x18A80] =	vst v63  }
0x11f: {  	s16 =	sadd.s32 @!p0 $0x900, s15;
	s18 =	simm.s32 @!p0 $0x18300  }
0x120: {  	[tilespmem:s18], [sflag:$0x1] =	stream.indirect.gather @!p0 [hbm4b:s2+s17], $0x1, s16, s17, $0xb8;
	[tilespmem:$0x18A80] =	vst v63  }
0x121: {  	s16 =	sadd.s32 @!p0 $0x980, s15;
	s18 =	simm.s32 @!p0 $0x18380  }
0x122: {  	[tilespmem:s18], [sflag:$0x1] =	stream.indirect.gather @!p0 [hbm4b:s2+s17], $0x1, s16, s17, $0xb8;
	v2 =	vsub.f32 v42, v2;
	v42 =	vld [tilespmem:$0x1FDC0]  }
0x123: {  	s16 =	sadd.s32 @!p0 $0xA00, s15;
	s18 =	simm.s32 @!p0 $0x18400  }
0x124: {  	[tilespmem:s18], [sflag:$0x1] =	stream.indirect.gather @!p0 [hbm4b:s2+s17], $0x1, s16, s17, $0xb8;
	[tilespmem:$0x18A80] =	vst v63  }
0x125: {  	s16 =	sadd.s32 @!p0 $0xA80, s15;
	s18 =	simm.s32 @!p0 $0x18480  }
0x126: {  	v29 =	vld [tilespmem:$0x1FDE0];
	[tilespmem:s18], [sflag:$0x1] =	stream.indirect.gather @!p0 [hbm4b:s2+s17], $0x1, s16, s17, $0xb8;
	v3 =	vand.u32 $0x7FFFFFFF, v3  }
0x127: {  	s16 =	sadd.s32 @!p0 $0xB00, s15;
	s18 =	simm.s32 @!p0 $0x18500;
	v0 =	vadd.f32 v1, v0;
	v1 =	vmul.f32 v3, v42;
	v3 =	vld [tilespmem:$0x1FDD0]  }
0x128: {  	[tilespmem:s18], [sflag:$0x1] =	stream.indirect.gather @!p0 [hbm4b:s2+s17], $0x1, s16, s17, $0xb8;
	[tilespmem:$0x18A80] =	vst v63  }
0x129: {  	s15 =	sadd.s32 @!p0 $0xB80, s15;
	s16 =	simm.s32 @!p0 $0x18580  }
0x12a: {  	[tilespmem:s16], [sflag:$0x1] =	stream.indirect.gather @!p0 [hbm4b:s2+s17], $0x1, s15, s17, $0xb8;
	[tilespmem:$0x18A80] =	vst v63  }
0x12b: {  	_ =	swait.ge [sflag:s1], $0x80  }
0x12c: {  	v3 =	vsub.f32 v29, v3;
	v29 =	vld [tilespmem:$0x1FDF0];
	_ =	sdelay $0x3  }
0x12d: {  	v2 =	vand.u32 $0x7FFFFFFF, v2  }
0x12e: {  	v0 =	vadd.f32 v1, v0;
	v1 =	vmul.f32 v2, v29;
	v2 =	vld [tilespmem:$0x1FE00]  }
0x12f: {  	v29 =	vld [tilespmem:$0x1FE10]  }
0x130: {  	[sflag:s1] =	ssyncset.done $0x0  }
0x131: {  	[sflag:s1] =	ssyncadd.s32 $0xFFFFFF80  }
0x132: {  	v3 =	vand.u32 $0x7FFFFFFF, v3;
	_ =	swait.ge [sflag:s1], $0x80  }
0x133: {  	v0 =	vadd.f32 v1, v0;
	v1 =	vmul.f32 v3, v47;
	v3 =	vld [tilespmem:$0x1FE20]  }
0x134: {  	v2 =	vsub.f32 v29, v2;
	v29 =	vld [tilespmem:$0x1FE30];
	_ =	sdelay $0x3  }
0x135: {  	v47 =	vld [tilespmem:$0x1FE40]  }
0x136: {  	v3 =	vsub.f32 v29, v3;
	v29 =	vld [tilespmem:$0x1FE50];
	_ =	sdelay $0x1  }
0x137: {  	[sflag:s1] =	ssyncset.done $0x0  }
0x138: {  	[sflag:s1] =	ssyncadd.s32 $0xFFFFFF80  }
0x139: {  	v2 =	vand.u32 $0x7FFFFFFF, v2;
	_ =	swait.ge [sflag:s1], $0x80  }
0x13a: {  	v0 =	vadd.f32 v1, v0;
	v1 =	vmul.f32 v2, v26;
	v2 =	vsub.f32 v29, v47;
	v47 =	vld [tilespmem:$0x1FE60]  }
0x13b: {  	v29 =	vld [tilespmem:$0x1FE70];
	_ =	sdelay $0x1  }
0x13c: {  	[sflag:s1] =	ssyncset.done $0x0  }
0x13d: {  	[sflag:s1] =	ssyncadd.s32 $0xFFFFFF80  }
0x13e: {  	v3 =	vand.u32 $0x7FFFFFFF, v3;
	_ =	swait.ge [sflag:s1], $0x80  }
0x13f: {  	v0 =	vadd.f32 v1, v0;
	v1 =	vmul.f32 v3, v25;
	v3 =	vsub.f32 v29, v47;
	v47 =	vld [tilespmem:$0x1FE80]  }
0x140: {  	v29 =	vld [tilespmem:$0x1FE90];
	_ =	sdelay $0x1  }
0x141: {  	[sflag:s1] =	ssyncset.done $0x0;
	v2 =	vand.u32 $0x7FFFFFFF, v2  }
0x142: {  	v0 =	vadd.f32 v1, v0;
	v25 =	vld [tilespmem:$0x1FEB0];
	[sflag:s1] =	ssyncadd.s32 $0xFFFFFF80;
	v1 =	vmul.f32 v2, v24  }
0x143: {  	v24 =	vld [tilespmem:$0x1FEA0];
	_ =	swait.ge [sflag:s1], $0x80;
	v3 =	vand.u32 $0x7FFFFFFF, v3  }
0x144: {  	v0 =	vadd.f32 v1, v0;
	[sflag:s1] =	ssyncset.done $0x0;
	v2 =	vsub.f32 v29, v47;
	v47 =	vmul.f32 v3, v22  }
0x145: {  	[sflag:s1] =	ssyncadd.s32 $0xFFFFFF80;
	v29 =	vld [tilespmem:$0x1FEC0]  }
0x146: {  	v2 =	vand.u32 $0x7FFFFFFF, v2;
	v0 =	vadd.f32 v47, v0;
	v47 =	vld [tilespmem:$0x1FED0];
	_ =	swait.ge [sflag:s1], $0x80  }
0x147: {  	v26 =	vmul.f32 v2, v21;
	[sflag:s1] =	ssyncset.done $0x0  }
0x148: {  	v3 =	vsub.f32 v25, v24;
	v24 =	vsub.f32 v28, v63;
	v28 =	vld [tilespmem:$0x1FEF0];
	[sflag:s1] =	ssyncadd.s32 $0xFFFFFF80  }
0x149: {  	v0 =	vadd.f32 v26, v0;
	v26 =	vld [tilespmem:$0x1FEE0];
	_ =	swait.ge [sflag:s1], $0x80  }
0x14a: {  	[sflag:s1] =	ssyncset.done $0x0  }
0x14b: {  	v3 =	vand.u32 $0x7FFFFFFF, v3;
	v63 =	vld [tilespmem:$0x1FF10];
	[sflag:s1] =	ssyncadd.s32 $0xFFFFFF80  }
0x14c: {  	v22 =	vmul.f32 v3, v20;
	v2 =	vsub.f32 v47, v29;
	v47 =	vld [tilespmem:$0x1FF00];
	_ =	swait.ge [sflag:s1], $0x80  }
0x14d: {  	v21 =	vld [tilespmem:$0x1FF20]  }
0x14e: {  	v0 =	vadd.f32 v22, v0;
	v2 =	vand.u32 $0x7FFFFFFF, v2;
	v22 =	vld [tilespmem:$0x1FF30];
	[sflag:s1] =	ssyncset.done $0x0  }
0x14f: {  	v3 =	vand.u32 $0x7FFFFFFF, v24;
	v25 =	vmul.f32 v2, v19;
	v2 =	vsub.f32 v28, v26;
	[sflag:s1] =	ssyncadd.s32 $0xFFFFFF80;
	v26 =	vld [tilespmem:$0x1FF50]  }
0x150: {  	v29 =	vmul.f32 v3, v18;
	v18 =	vld [tilespmem:$0x18010]  }
0x151: {  	v0 =	vadd.f32 v25, v0;
	v25 =	vld [tilespmem:$0x1FF40]  }
0x152: {  	v3 =	vsub.f32 v63, v47;
	v2 =	vand.u32 $0x7FFFFFFF, v2;
	v47 =	vld [tilespmem:$0x1FF60]  }
0x153: {  	v20 =	vmul.f32 v2, v17;
	v17 =	vld [tilespmem:$0x18020]  }
0x154: {  	v0 =	vadd.f32 v29, v0;
	v2 =	vsub.f32 v22, v21;
	v3 =	vand.u32 $0x7FFFFFFF, v3;
	v21 =	vld [tilespmem:$0x1FF70]  }
0x155: {  	v24 =	vmul.f32 v3, v7;
	v7 =	vld [tilespmem:$0x18600]  }
0x156: {  	v0 =	vadd.f32 v20, v0;
	v2 =	vand.u32 $0x7FFFFFFF, v2;
	v20 =	vld [tilespmem:$0x18000]  }
0x157: {  	v28 =	vmul.f32 v2, v4;
	v4 =	vld [tilespmem:s14+$0xC400]  }
0x158: {  	v3 =	vsub.f32 v25, v26;
	v25 =	vld [tilespmem:$0x1FF80]  }
0x159: {  	v2 =	vld [tilespmem:$0x180C0]  }
0x15a: {  	v29 =	vand.u32 $0x7FFFFFFF, v3;
	v3 =	vsub.f32 v47, v30;
	v47 =	vld [tilespmem:$0x1FFB0]  }
0x15b: {  	v63 =	vmul.f32 v29, v10;
	v10 =	vld [tilespmem:s14+$0xC410]  }
0x15c: {  	v0 =	vadd.f32 v24, v0;
	v29 =	vld [tilespmem:$0x1FF90]  }
0x15d: {  	v19 =	vand.u32 $0x7FFFFFFF, v3;
	v3 =	vsub.f32 v21, v31;
	v21 =	vld [tilespmem:s14+$0xC430]  }
0x15e: {  	v0 =	vadd.f32 v28, v0;
	v22 =	vmul.f32 v19, v13;
	v13 =	vld [tilespmem:$0x18610]  }
0x15f: {  	v19 =	vld [tilespmem:$0x18620]  }
0x160: {  	v0 =	vadd.f32 v63, v0;
	v24 =	vand.u32 $0x7FFFFFFF, v3;
	v3 =	vsub.f32 v25, v32;
	v32 =	vld [tilespmem:$0x1FFA0]  }
0x161: {  	v25 =	vld [tilespmem:s14+$0xC450]  }
0x162: {  	v0 =	vadd.f32 v22, v0;
	v26 =	vmul.f32 v24, v16;
	v16 =	vld [tilespmem:s14+$0xC420]  }
0x163: {  	v22 =	vld [tilespmem:$0x18630];
	v28 =	vand.u32 $0x7FFFFFFF, v3;
	v3 =	vsub.f32 v29, v33  }
0x164: {  	v29 =	vld [tilespmem:$0x1FFC0];
	v0 =	vadd.f32 v26, v0;
	v30 =	vmul.f32 v28, v15  }
0x165: {  	v24 =	vld [tilespmem:$0x18640];
	v31 =	vand.u32 $0x7FFFFFFF, v3;
	v3 =	vsub.f32 v32, v34  }
0x166: {  	v0 =	vadd.f32 v30, v0;
	v33 =	vmul.f32 v31, v14;
	v32 =	vld [tilespmem:$0x1FFD0]  }
0x167: {  	v15 =	vld [tilespmem:$0x18030];
	v34 =	vand.u32 $0x7FFFFFFF, v3;
	v3 =	vsub.f32 v47, v35  }
0x168: {  	v26 =	vld [tilespmem:$0x18650];
	v0 =	vadd.f32 v33, v0;
	v63 =	vmul.f32 v34, v23  }
0x169: {  	v14 =	vld [tilespmem:$0x18040];
	v35 =	vsub.f32 v55, v43;
	v28 =	vand.u32 $0x7FFFFFFF, v3;
	v3 =	vsub.f32 v29, v36  }
0x16a: {  	v55 =	vsub.f32 v57, v45;
	v23 =	vld [tilespmem:s14+$0xC440];
	v0 =	vadd.f32 v63, v0;
	v30 =	vmul.f32 v28, v12  }
0x16b: {  	v43 =	vsub.f32 v56, v44;
	v29 =	vld [tilespmem:s14+$0xC470];
	v31 =	vand.u32 $0x7FFFFFFF, v3;
	v3 =	vsub.f32 v32, v37  }
0x16c: {  	v57 =	vand.u32 $0x7FFFFFFF, v55;
	v55 =	vld [tilespmem:$0x1FFF0];
	v0 =	vadd.f32 v30, v0;
	v33 =	vmul.f32 v31, v11  }
0x16d: {  	v12 =	vld [tilespmem:$0x18050];
	v34 =	vand.u32 $0x7FFFFFFF, v3  }
0x16e: {  	v47 =	vand.u32 $0x7FFFFFFF, v43;
	v28 =	vld [tilespmem:$0x18660];
	v0 =	vadd.f32 v33, v0;
	v36 =	vmul.f32 v34, v27  }
0x16f: {  	v45 =	vsub.f32 v62, v50;
	v56 =	vmul.f32 v47, v8;
	v8 =	vld [tilespmem:$0x18080];
	v37 =	vand.u32 $0x7FFFFFFF, v35  }
0x170: {  	v32 =	vld [tilespmem:$0x18680];
	v44 =	vmul.f32 v37, v9;
	v0 =	vadd.f32 v36, v0  }
0x171: {  	v47 =	vand.u32 $0x7FFFFFFF, v45;
	v35 =	vld [tilespmem:s14+$0xC4A0]  }
0x172: {  	v50 =	vmul.f32 v47, v61;
	v61 =	vld [tilespmem:$0x186B0];
	v0 =	vadd.f32 v44, v0  }
0x173: {  	v63 =	vsub.f32 v58, v46;
	v11 =	vld [tilespmem:$0x18060]  }
0x174: {  	v6 =	vmul.f32 v57, v6;
	v37 =	vsub.f32 v60, v49;
	v49 =	vld [tilespmem:$0x1FFE0];
	v0 =	vadd.f32 v56, v0  }
0x175: {  	v9 =	vld [tilespmem:$0x18070];
	v36 =	vand.u32 $0x7FFFFFFF, v63  }
0x176: {  	v30 =	vld [tilespmem:$0x18670];
	v43 =	vmul.f32 v36, v5;
	v0 =	vadd.f32 v6, v0  }
0x177: {  	v31 =	vld [tilespmem:s14+$0xC480];
	v44 =	vand.u32 $0x7FFFFFFF, v37  }
0x178: {  	v47 =	vsub.f32 v24, v23;
	v23 =	vld [tilespmem:s14+$0xC4F0];
	v46 =	vmul.f32 v44, v59;
	v0 =	vadd.f32 v43, v0  }
0x179: {  	v24 =	vld [tilespmem:$0x186F0];
	v3 =	vsub.f32 v49, v51  }
0x17a: {  	v39 =	vsub.f32 v39, v54;
	v27 =	vld [tilespmem:s14+$0xC460];
	v0 =	vadd.f32 v46, v0  }
0x17b: {  	v33 =	vld [tilespmem:s14+$0xC490];
	v51 =	vand.u32 $0x7FFFFFFF, v3;
	v56 =	vsub.f32 v55, v52  }
0x17c: {  	v39 =	vand.u32 $0x7FFFFFFF, v39;
	v34 =	vld [tilespmem:$0x18690];
	v57 =	vmul.f32 v51, v38;
	v0 =	vadd.f32 v50, v0  }
0x17d: {  	v63 =	vmul.f32 v39, v42;
	v39 =	vld [tilespmem:s14+$0xC4D0];
	v59 =	vsub.f32 v48, v53;
	v58 =	vand.u32 $0x7FFFFFFF, v56  }
0x17e: {  	v42 =	vld [tilespmem:$0x186D0];
	v60 =	vmul.f32 v58, v40;
	v0 =	vadd.f32 v57, v0  }
0x17f: {  	v5 =	vld [tilespmem:$0x180A0];
	v36 =	vand.u32 $0x7FFFFFFF, v59  }
0x180: {  	v37 =	vld [tilespmem:$0x186A0];
	v62 =	vmul.f32 v36, v41;
	v0 =	vadd.f32 v60, v0  }
0x181: {  	v4 =	vsub.f32 v7, v4;
	v24 =	vsub.f32 v24, v23;
	v23 =	vld [tilespmem:$0x18170]  }
0x182: {  	v3 =	vld [tilespmem:$0x180B0];
	v1 =	vadd.f32 v62, v0  }
0x183: {  	v4 =	vand.u32 $0x7FFFFFFF, v4;
	v10 =	vsub.f32 v13, v10;
	v48 =	vsub.f32 v26, v25;
	v25 =	vld [tilespmem:s14+$0xC500]  }
0x184: {  	v4 =	vmul.f32 v4, v20;
	v26 =	vld [tilespmem:$0x18700];
	v7 =	vadd.f32 v63, v1  }
0x185: {  	v10 =	vand.u32 $0x7FFFFFFF, v10;
	v16 =	vsub.f32 v19, v16;
	v44 =	vld [tilespmem:s14+$0xC550]  }
0x186: {  	v19 =	vmul.f32 v10, v18;
	v38 =	vld [tilespmem:s14+$0xC4B0];
	v4 =	vadd.f32 v4, v7  }
0x187: {  	v45 =	vand.u32 $0x7FFFFFFF, v16;
	v51 =	vsub.f32 v28, v27;
	v27 =	vld [tilespmem:s14+$0xC510];
	v46 =	vsub.f32 v22, v21  }
0x188: {  	v10 =	vmul.f32 v45, v17;
	v28 =	vld [tilespmem:$0x18710];
	v7 =	vadd.f32 v19, v4  }
0x189: {  	v52 =	vsub.f32 v30, v29;
	v30 =	vld [tilespmem:s14+$0xC520];
	v13 =	vand.u32 $0x7FFFFFFF, v46  }
0x18a: {  	v59 =	vld [tilespmem:$0x18730];
	v13 =	vmul.f32 v13, v15;
	v10 =	vadd.f32 v10, v7  }
0x18b: {  	v16 =	vand.u32 $0x7FFFFFFF, v47;
	v6 =	vld [tilespmem:$0x18090]  }
0x18c: {  	v49 =	vmul.f32 v16, v14;
	v36 =	vld [tilespmem:s14+$0xC4C0];
	v10 =	vadd.f32 v13, v10  }
0x18d: {  	v41 =	vld [tilespmem:$0x186C0];
	v50 =	vand.u32 $0x7FFFFFFF, v48  }
0x18e: {  	v56 =	vsub.f32 v34, v33;
	v33 =	vld [tilespmem:s14+$0xC530];
	v16 =	vmul.f32 v50, v12;
	v13 =	vadd.f32 v49, v10  }
0x18f: {  	v58 =	vsub.f32 v37, v35;
	v43 =	vld [tilespmem:s14+$0xC4E0];
	v19 =	vand.u32 $0x7FFFFFFF, v51  }
0x190: {  	v29 =	vand.u32 $0x7FFFFFFF, v56;
	v56 =	vld [tilespmem:s14+$0xC580];
	v19 =	vmul.f32 v19, v11;
	v16 =	vadd.f32 v16, v13  }
0x191: {  	v53 =	vsub.f32 v32, v31;
	v32 =	vand.u32 $0x7FFFFFFF, v58;
	v58 =	vld [tilespmem:$0x18780];
	v21 =	vand.u32 $0x7FFFFFFF, v52  }
0x192: {  	v22 =	vld [tilespmem:$0x186E0];
	v54 =	vmul.f32 v21, v9;
	v16 =	vadd.f32 v19, v16  }
0x193: {  	v55 =	vand.u32 $0x7FFFFFFF, v53;
	v52 =	vld [tilespmem:s14+$0xC570]  }
0x194: {  	v21 =	vmul.f32 v55, v8;
	v55 =	vld [tilespmem:$0x18770];
	v19 =	vadd.f32 v54, v16  }
0x195: {  	v59 =	vsub.f32 v59, v33;
	v46 =	vld [tilespmem:$0x18750]  }
0x196: {  	v29 =	vmul.f32 v29, v6;
	v50 =	vld [tilespmem:$0x18760];
	v21 =	vadd.f32 v21, v19  }
0x197: {  	v31 =	vand.u32 $0x7FFFFFFF, v59;
	v59 =	vld [tilespmem:$0x187F0];
	v60 =	vsub.f32 v61, v38  }
0x198: {  	v57 =	vld [tilespmem:$0x18720];
	v61 =	vmul.f32 v32, v5;
	v21 =	vadd.f32 v29, v21  }
0x199: {  	v36 =	vsub.f32 v41, v36;
	v0 =	vld [tilespmem:$0x180D0];
	v35 =	vand.u32 $0x7FFFFFFF, v60  }
0x19a: {  	v47 =	vsub.f32 v22, v43;
	v22 =	vld [tilespmem:$0x18160];
	v35 =	vmul.f32 v35, v3;
	v29 =	vadd.f32 v61, v21  }
0x19b: {  	v42 =	vsub.f32 v42, v39;
	v36 =	vand.u32 $0x7FFFFFFF, v36;
	v1 =	vld [tilespmem:$0x180E0]  }
0x19c: {  	v45 =	vmul.f32 v36, v2;
	v36 =	vsub.f32 v46, v44;
	v44 =	vld [tilespmem:$0x187A0];
	v29 =	vadd.f32 v35, v29  }
0x19d: {  	v38 =	vand.u32 $0x7FFFFFFF, v42;
	v4 =	vld [tilespmem:$0x180F0]  }
0x19e: {  	v46 =	vld [tilespmem:$0x187B0];
	v48 =	vmul.f32 v38, v0;
	v29 =	vadd.f32 v45, v29  }
0x19f: {  	v40 =	vand.u32 $0x7FFFFFFF, v47;
	v7 =	vld [tilespmem:$0x18100]  }
0x1a0: {  	v62 =	vld [tilespmem:s14+$0xC540];
	v51 =	vmul.f32 v40, v1;
	v29 =	vadd.f32 v48, v29  }
0x1a1: {  	v24 =	vand.u32 $0x7FFFFFFF, v24;
	v25 =	vsub.f32 v26, v25;
	v10 =	vld [tilespmem:$0x18110]  }
0x1a2: {  	v60 =	vld [tilespmem:s14+$0xC590];
	v54 =	vmul.f32 v24, v4;
	v53 =	vadd.f32 v51, v29  }
0x1a3: {  	v27 =	vsub.f32 v28, v27;
	v25 =	vand.u32 $0x7FFFFFFF, v25;
	v13 =	vld [tilespmem:$0x18120]  }
0x1a4: {  	v63 =	vld [tilespmem:$0x18740];
	v25 =	vmul.f32 v25, v7;
	v26 =	vadd.f32 v54, v53  }
0x1a5: {  	v27 =	vand.u32 $0x7FFFFFFF, v27;
	v57 =	vsub.f32 v57, v30;
	v16 =	vld [tilespmem:$0x18130]  }
0x1a6: {  	v49 =	vld [tilespmem:s14+$0xC560];
	v27 =	vmul.f32 v27, v10;
	v26 =	vadd.f32 v25, v26  }
0x1a7: {  	v28 =	vand.u32 $0x7FFFFFFF, v57;
	v19 =	vld [tilespmem:$0x18140]  }
0x1a8: {  	v57 =	vld [tilespmem:s14+$0xC5F0];
	v28 =	vmul.f32 v28, v13;
	v27 =	vadd.f32 v27, v26  }
0x1a9: {  	v32 =	vsub.f32 v63, v62;
	v21 =	vld [tilespmem:$0x18150]  }
0x1aa: {  	v63 =	vld [tilespmem:s14+$0xC5A0];
	v62 =	vmul.f32 v31, v16;
	v27 =	vadd.f32 v28, v27  }
0x1ab: {  	v32 =	vand.u32 $0x7FFFFFFF, v32;
	v38 =	vsub.f32 v50, v49;
	v49 =	vld [tilespmem:$0x187C0]  }
0x1ac: {  	v50 =	vld [tilespmem:s14+$0xC5D0];
	v32 =	vmul.f32 v32, v19;
	v28 =	vadd.f32 v62, v27  }
0x1ad: {  	v36 =	vand.u32 $0x7FFFFFFF, v36;
	v24 =	vld [tilespmem:$0x18180]  }
0x1ae: {  	v61 =	vld [tilespmem:$0x18790];
	v36 =	vmul.f32 v36, v21;
	v32 =	vadd.f32 v32, v28  }
0x1af: {  	v38 =	vand.u32 $0x7FFFFFFF, v38;
	v31 =	vsub.f32 v44, v63;
	v63 =	vld [tilespmem:s14+$0xC610];
	v35 =	vsub.f32 v55, v52  }
0x1b0: {  	v47 =	vmul.f32 v38, v22;
	v52 =	vld [tilespmem:$0x187D0];
	v32 =	vadd.f32 v36, v32  }
0x1b1: {  	v30 =	vsub.f32 v58, v56;
	v35 =	vand.u32 $0x7FFFFFFF, v35;
	v25 =	vld [tilespmem:$0x18190]  }
0x1b2: {  	v45 =	vld [tilespmem:s14+$0xC5B0];
	v35 =	vmul.f32 v35, v23;
	v32 =	vadd.f32 v47, v32  }
0x1b3: {  	v30 =	vand.u32 $0x7FFFFFFF, v30;
	v33 =	vsub.f32 v61, v60;
	v26 =	vld [tilespmem:$0x181A0]  }
0x1b4: {  	v48 =	vld [tilespmem:s14+$0xC5C0];
	v51 =	vmul.f32 v30, v24;
	v32 =	vadd.f32 v35, v32  }
0x1b5: {  	v33 =	vand.u32 $0x7FFFFFFF, v33;
	v27 =	vld [tilespmem:$0x181B0]  }
0x1b6: {  	v55 =	vld [tilespmem:$0x187E0];
	v33 =	vmul.f32 v33, v25;
	v32 =	vadd.f32 v51, v32  }
0x1b7: {  	v31 =	vand.u32 $0x7FFFFFFF, v31;
	v54 =	vsub.f32 v46, v45;
	v28 =	vld [tilespmem:$0x181C0]  }
0x1b8: {  	v53 =	vld [tilespmem:s14+$0xC5E0];
	v56 =	vmul.f32 v31, v26;
	v32 =	vadd.f32 v33, v32  }
0x1b9: {  	v29 =	vld [tilespmem:$0x181D0];
	v38 =	vsub.f32 v49, v48;
	v37 =	vand.u32 $0x7FFFFFFF, v54  }
0x1ba: {  	v60 =	vld [tilespmem:s14+$0xC600];
	v58 =	vmul.f32 v37, v27;
	v32 =	vadd.f32 v56, v32  }
0x1bb: {  	v34 =	vsub.f32 v52, v50;
	v30 =	vld [tilespmem:$0x181E0];
	v38 =	vand.u32 $0x7FFFFFFF, v38  }
0x1bc: {  	v62 =	vld [tilespmem:$0x18800];
	v61 =	vmul.f32 v38, v28;
	v32 =	vadd.f32 v58, v32  }
0x1bd: {  	v34 =	vand.u32 $0x7FFFFFFF, v34;
	v31 =	vld [tilespmem:$0x181F0];
	v35 =	vsub.f32 v55, v53  }
0x1be: {  	v45 =	vld [tilespmem:$0x18810];
	v44 =	vmul.f32 v34, v29;
	v32 =	vadd.f32 v61, v32  }
0x1bf: {  	v46 =	vld [tilespmem:s14+$0xC620];
	v37 =	vsub.f32 v59, v57;
	v35 =	vand.u32 $0x7FFFFFFF, v35  }
0x1c0: {  	v48 =	vld [tilespmem:$0x18820];
	v47 =	vmul.f32 v35, v30;
	v32 =	vadd.f32 v44, v32  }
0x1c1: {  	v49 =	vld [tilespmem:s14+$0xC630];
	v36 =	vsub.f32 v62, v60;
	v37 =	vand.u32 $0x7FFFFFFF, v37  }
0x1c2: {  	v50 =	vmul.f32 v37, v31;
	v51 =	vld [tilespmem:$0x18830];
	v32 =	vadd.f32 v47, v32  }
0x1c3: {  	v52 =	vld [tilespmem:s14+$0xC640];
	v34 =	vsub.f32 v45, v63;
	v36 =	vand.u32 $0x7FFFFFFF, v36  }
0x1c4: {  	v20 =	vmul.f32 v36, v20;
	v53 =	vld [tilespmem:$0x18840];
	v32 =	vadd.f32 v50, v32  }
0x1c5: {  	v54 =	vld [tilespmem:s14+$0xC650];
	v34 =	vand.u32 $0x7FFFFFFF, v34;
	v35 =	vsub.f32 v48, v46  }
0x1c6: {  	v18 =	vmul.f32 v34, v18;
	v55 =	vld [tilespmem:$0x18850];
	v20 =	vadd.f32 v20, v32  }
0x1c7: {  	v59 =	vld [tilespmem:$0x18860];
	v56 =	vand.u32 $0x7FFFFFFF, v35;
	v57 =	vsub.f32 v51, v49  }
0x1c8: {  	v17 =	vmul.f32 v56, v17;
	v58 =	vld [tilespmem:s14+$0xC660];
	v18 =	vadd.f32 v18, v20  }
0x1c9: {  	v62 =	vld [tilespmem:$0x18870];
	v33 =	vsub.f32 v53, v52;
	v60 =	vand.u32 $0x7FFFFFFF, v57  }
0x1ca: {  	v61 =	vld [tilespmem:s14+$0xC670];
	v15 =	vmul.f32 v60, v15;
	v17 =	vadd.f32 v17, v18  }
0x1cb: {  	v63 =	vld [tilespmem:s14+$0xC680];
	v33 =	vand.u32 $0x7FFFFFFF, v33;
	v32 =	vsub.f32 v55, v54  }
0x1cc: {  	v36 =	vld [tilespmem:$0x18880];
	v14 =	vmul.f32 v33, v14;
	v15 =	vadd.f32 v15, v17  }
0x1cd: {  	v38 =	vld [tilespmem:$0x18890];
	v32 =	vand.u32 $0x7FFFFFFF, v32;
	v20 =	vsub.f32 v59, v58  }
0x1ce: {  	v37 =	vld [tilespmem:s14+$0xC690];
	v12 =	vmul.f32 v32, v12;
	v14 =	vadd.f32 v14, v15  }
0x1cf: {  	v39 =	vld [tilespmem:s14+$0xC6A0];
	v20 =	vand.u32 $0x7FFFFFFF, v20;
	v18 =	vsub.f32 v62, v61  }
0x1d0: {  	v40 =	vld [tilespmem:$0x188A0];
	v11 =	vmul.f32 v20, v11;
	v12 =	vadd.f32 v12, v14  }
0x1d1: {  	v41 =	vld [tilespmem:s14+$0xC6B0];
	v18 =	vand.u32 $0x7FFFFFFF, v18;
	v17 =	vsub.f32 v36, v63  }
0x1d2: {  	v42 =	vld [tilespmem:$0x188B0];
	v9 =	vmul.f32 v18, v9;
	v11 =	vadd.f32 v11, v12  }
0x1d3: {  	v43 =	vld [tilespmem:s14+$0xC6C0];
	v17 =	vand.u32 $0x7FFFFFFF, v17;
	v15 =	vsub.f32 v38, v37  }
0x1d4: {  	v44 =	vld [tilespmem:$0x188C0];
	v8 =	vmul.f32 v17, v8;
	v9 =	vadd.f32 v9, v11  }
0x1d5: {  	v45 =	vld [tilespmem:s14+$0xC6D0];
	v15 =	vand.u32 $0x7FFFFFFF, v15;
	v14 =	vsub.f32 v40, v39  }
0x1d6: {  	v46 =	vld [tilespmem:$0x188D0];
	v6 =	vmul.f32 v15, v6;
	v8 =	vadd.f32 v8, v9  }
0x1d7: {  	v48 =	vld [tilespmem:$0x188E0];
	v14 =	vand.u32 $0x7FFFFFFF, v14;
	v12 =	vsub.f32 v42, v41  }
0x1d8: {  	v47 =	vld [tilespmem:s14+$0xC6E0];
	v5 =	vmul.f32 v14, v5;
	v6 =	vadd.f32 v6, v8  }
0x1d9: {  	v49 =	vld [tilespmem:s14+$0xC6F0];
	v12 =	vand.u32 $0x7FFFFFFF, v12;
	v11 =	vsub.f32 v44, v43  }
0x1da: {  	v50 =	vld [tilespmem:$0x188F0];
	v3 =	vmul.f32 v12, v3;
	v5 =	vadd.f32 v5, v6  }
0x1db: {  	v52 =	vld [tilespmem:$0x18900];
	v11 =	vand.u32 $0x7FFFFFFF, v11;
	v9 =	vsub.f32 v46, v45  }
0x1dc: {  	v51 =	vld [tilespmem:s14+$0xC700];
	v2 =	vmul.f32 v11, v2;
	v3 =	vadd.f32 v3, v5  }
0x1dd: {  	v53 =	vld [tilespmem:s14+$0xC710];
	v9 =	vand.u32 $0x7FFFFFFF, v9;
	v8 =	vsub.f32 v48, v47  }
0x1de: {  	v54 =	vld [tilespmem:$0x18910];
	v0 =	vmul.f32 v9, v0;
	v2 =	vadd.f32 v2, v3  }
0x1df: {  	v56 =	vld [tilespmem:$0x18920];
	v8 =	vand.u32 $0x7FFFFFFF, v8;
	v6 =	vsub.f32 v50, v49  }
0x1e0: {  	v55 =	vld [tilespmem:s14+$0xC720];
	v1 =	vmul.f32 v8, v1;
	v0 =	vadd.f32 v0, v2  }
0x1e1: {  	v57 =	vld [tilespmem:s14+$0xC730];
	v6 =	vand.u32 $0x7FFFFFFF, v6;
	v5 =	vsub.f32 v52, v51  }
0x1e2: {  	v59 =	vld [tilespmem:$0x18930];
	v58 =	vmul.f32 v6, v4;
	v0 =	vadd.f32 v1, v0  }
0x1e3: {  	v60 =	vld [tilespmem:s14+$0xC740];
	v5 =	vand.u32 $0x7FFFFFFF, v5;
	v3 =	vsub.f32 v54, v53  }
0x1e4: {  	v62 =	vld [tilespmem:$0x18940];
	v61 =	vmul.f32 v5, v7;
	v0 =	vadd.f32 v58, v0  }
0x1e5: {  	v63 =	vld [tilespmem:s14+$0xC750];
	v3 =	vand.u32 $0x7FFFFFFF, v3;
	v2 =	vsub.f32 v56, v55  }
0x1e6: {  	v14 =	vld [tilespmem:$0x18950];
	v12 =	vmul.f32 v3, v10;
	v0 =	vadd.f32 v61, v0  }
0x1e7: {  	v18 =	vld [tilespmem:$0x18960];
	v4 =	vsub.f32 v59, v57;
	v2 =	vand.u32 $0x7FFFFFFF, v2  }
0x1e8: {  	v15 =	vld [tilespmem:s14+$0xC760];
	v17 =	vmul.f32 v2, v13;
	v0 =	vadd.f32 v12, v0  }
0x1e9: {  	v33 =	vld [tilespmem:$0x18970];
	v4 =	vand.u32 $0x7FFFFFFF, v4;
	v5 =	vsub.f32 v62, v60  }
0x1ea: {  	v20 =	vld [tilespmem:s14+$0xC770];
	v32 =	vmul.f32 v4, v16;
	v0 =	vadd.f32 v17, v0  }
0x1eb: {  	v34 =	vld [tilespmem:s14+$0xC780];
	v5 =	vand.u32 $0x7FFFFFFF, v5;
	v3 =	vsub.f32 v14, v63  }
0x1ec: {  	v36 =	vld [tilespmem:$0x18980];
	v35 =	vmul.f32 v5, v19;
	v0 =	vadd.f32 v32, v0  }
0x1ed: {  	v37 =	vld [tilespmem:s14+$0xC790];
	v3 =	vand.u32 $0x7FFFFFFF, v3;
	v2 =	vsub.f32 v18, v15  }
0x1ee: {  	v39 =	vld [tilespmem:$0x18990];
	v38 =	vmul.f32 v3, v21;
	v0 =	vadd.f32 v35, v0  }
0x1ef: {  	v40 =	vld [tilespmem:s14+$0xC7A0];
	v4 =	vsub.f32 v33, v20;
	v2 =	vand.u32 $0x7FFFFFFF, v2  }
0x1f0: {  	v42 =	vld [tilespmem:$0x189A0];
	v41 =	vmul.f32 v2, v22;
	v0 =	vadd.f32 v38, v0  }
0x1f1: {  	v43 =	vld [tilespmem:s14+$0xC7B0];
	v4 =	vand.u32 $0x7FFFFFFF, v4;
	v5 =	vsub.f32 v36, v34  }
0x1f2: {  	v45 =	vld [tilespmem:$0x189B0];
	v44 =	vmul.f32 v4, v23;
	v0 =	vadd.f32 v41, v0  }
0x1f3: {  	v46 =	vld [tilespmem:s14+$0xC7C0];
	v5 =	vand.u32 $0x7FFFFFFF, v5;
	v3 =	vsub.f32 v39, v37  }
0x1f4: {  	v48 =	vld [tilespmem:$0x189C0];
	v47 =	vmul.f32 v5, v24;
	v0 =	vadd.f32 v44, v0  }
0x1f5: {  	v49 =	vld [tilespmem:s14+$0xC7D0];
	v3 =	vand.u32 $0x7FFFFFFF, v3;
	v2 =	vsub.f32 v42, v40  }
0x1f6: {  	v51 =	vld [tilespmem:$0x189D0];
	v50 =	vmul.f32 v3, v25;
	v0 =	vadd.f32 v47, v0  }
0x1f7: {  	v52 =	vld [tilespmem:s14+$0xC7E0];
	v4 =	vsub.f32 v45, v43;
	v2 =	vand.u32 $0x7FFFFFFF, v2  }
0x1f8: {  	v54 =	vld [tilespmem:$0x189E0];
	v53 =	vmul.f32 v2, v26;
	v0 =	vadd.f32 v50, v0  }
0x1f9: {  	v57 =	vld [tilespmem:$0x189F0];
	v4 =	vand.u32 $0x7FFFFFFF, v4;
	v5 =	vsub.f32 v48, v46  }
0x1fa: {  	v55 =	vld [tilespmem:s14+$0xC7F0];
	v56 =	vmul.f32 v4, v27;
	v0 =	vadd.f32 v53, v0  }
0x1fb: {  	v5 =	vand.u32 $0x7FFFFFFF, v5;
	v3 =	vsub.f32 v51, v49  }
0x1fc: {  	v58 =	vmul.f32 v5, v28;
	v0 =	vadd.f32 v56, v0  }
0x1fd: {  	v3 =	vand.u32 $0x7FFFFFFF, v3;
	v2 =	vsub.f32 v54, v52  }
0x1fe: {  	s13 =	sadd.s32 $0x2000, s13;
	v59 =	vmul.f32 v3, v29;
	v0 =	vadd.f32 v58, v0  }
0x1ff: {  	p0 =	sne.s32 s13, $0x30000;
	v60 =	vsub.f32 v57, v55;
	v2 =	vand.u32 $0x7FFFFFFF, v2  }
.Ltmp0:
0x200: {  	v61 =	vmul.f32 v2, v30;
	v0 =	vadd.f32 v59, v0;
	(pc) =	sbr.rel @p0 .LBB2_2-.Ltmp0, $3  }
0x201: {  	v62 =	vand.u32 $0x7FFFFFFF, v60  }
0x202: {  	v63 =	vmul.f32 v62, v31;
	v0 =	vadd.f32 v61, v0;
	_ =	sdelay $0x1  }
0x203: {  	v63 =	vadd.f32 v63, v0  }
0x204: {  	s12 =	sadd.s32 $0x1, s12  }
0x205: {  	p0 =	sne.s32 s12, s8  }
.Ltmp1:
0x206: {  	[tilespmem:$0x18A00] =	vst v63;
	(pc) =	sbr.rel @p0 .LBB2_1-.Ltmp1, $4  }
0x207: {  	[hbm4b:s7+s3] =	stream.linear.scatter [tilespmem:s0], [sflag:$0x3], $0x80, $0x38;
	[tilespmem:$0x18A80] =	vst v63  }
0x208: {  	_ =	swait.ge [sflag:s9], $0x80  }
0x209: {  	[sflag:s9] =	ssyncset.done $0x0  }
0x20a: {  	[sflag:s9] =	ssyncadd.s32 $0xFFFFFF80  }
0x20b: {  	_ =	sfence.sel $0x180000  }
0x20c: {  	[bflag:$0x0] =	sbarrier.arrive $0xFFFF  }
0x20d: {  	_ =	strace $0x90000047  }
0x20e: {  	s0 =	stileid.u32;
	[bflag:$0x2] =	sbarrier.arrive $0xFFFF  }
0x20f: {  	p0 =	sne.s32 s0, $0x0;
	s0 =	rddreg [dreg:$0x2]  }
0x210: {  	s0 =	sadd.s32 @!p0 $0x100000, s0  }
0x211: {  	[sflag:s0] =	ssyncadd.tile.s32 @!p0 $0x1;
	_ =	shalt  }
.Lfunc_end2:
_tile_overlayer_lowered:
.L_overlay_start_2:
0x212: {  	(tag) =	ssettag $0x2  }
0x213: {  	s0 =	rddreg [dreg:$0x0];
	s2 =	stileid.u32  }
0x214: {  	s1 =	rddreg [dreg:$0x1];
	p0 =	sne.s32 s2, $0x0  }
0x215: {  	s3 =	rddreg [dreg:$0x2];
	[bflag:$0x3] =	sbarrier.arrive $0xFFFF;
	s2 =	simm.s32 @!p0 $0x1C03  }
0x216: {  	[timem:s3], [sflag:s2] =	dma.local @!p0 [hbm:s0], s1  }
0x217: {  	s0 =	simm.s32 @!p0 $0x3  }
0x218: {  	_ =	swait.ge @!p0 [sflag:s0], s1  }
0x219: {  	s1 =	ssub.s32 @!p0 $0x0, s1;
	[sflag:s0] =	ssyncset.done @!p0 $0x0  }
0x21a: {  	[sflag:s0] =	ssyncadd.s32 @!p0 s1  }
0x21b: {  	[bflag:$0x3] =	sbarrier.arrive $0xFFFF  }
0x21c: {  	_ =	shalt  }

</sc_bundles>
